<compile_context>
chip_gen: v7x
topology: tpu7x:2x2x1
jax: 0.10.2.dev20260603
libtpu: 0.0.44.dev20260713+nightly
codegen_flags: <defaults>
</compile_context>

<pallas_src>
import functools

import jax
import jax.numpy as jnp
from jax import lax
from jax.experimental import pallas as pl
from jax.experimental.pallas import tpu as pltpu
from jax.experimental.pallas import tpu_sc as plsc

N = 50000
E = 800000
D_FEAT = 32
D = 64
EPS = 1e-3

NC = 2
NS = 16
HALF = D // 2

EPT = E // NS
CH = 400
NCHUNK = EPT // CH
NSLOT = 2
RPT = N // NS

DCH = 10000
DNCH = EPT // DCH
ZCH = 3200

_mesh = plsc.VectorSubcoreMesh(core_axis_name="c", subcore_axis_name="s")


def _zero_rows(ref, nrows, ncols):
    zv = jnp.zeros((16,), jnp.float32)
    per_row = ncols // 16

    def z(i, _):
        r = i // per_row
        col = (i % per_row) * 16
        ref[r, pl.ds(col, 16)] = zv
        return 0

    lax.fori_loop(0, nrows * per_row, z, 0, unroll=4)


def _fill_1d(ref, n, val):
    v = jnp.full((16,), val, jnp.float32)

    def z(i, _):
        ref[pl.ds(i * 16, 16)] = v
        return 0

    lax.fori_loop(0, n // 16, z, 0, unroll=4)


NP = NS * ZCH


@functools.partial(
    pl.kernel,
    out_type=jax.ShapeDtypeStruct((2 * NP,), jnp.float32),
    mesh=_mesh,
    compiler_params=pltpu.CompilerParams(use_tc_tiling_on_sc=False),
    scratch_types=[
        pltpu.VMEM_SHARED((NS * ZCH,), jnp.float32),
        pltpu.VMEM((DCH,), jnp.int32),
        pltpu.VMEM((DCH,), jnp.float32),
        pltpu.VMEM((ZCH,), jnp.float32),
        pltpu.SemaphoreType.DMA,
    ],
)
def _deg_kernel(ei, deg_out, acc, idx, ones, zeros, sem):
    c = lax.axis_index("c")
    s = lax.axis_index("s")
    _fill_1d(ones, DCH, 1.0)
    _fill_1d(zeros, ZCH, 0.0)
    pltpu.sync_copy(zeros, acc.at[pl.ds(s * ZCH, ZCH)])
    plsc.subcore_barrier()

    ebase = s * EPT

    def step(i, _):
        off = ebase + i * DCH

        @pl.when(c == 0)
        def _():
            pltpu.sync_copy(ei.at[0, pl.ds(off, DCH)], idx)

        @pl.when(c == 1)
        def _():
            pltpu.sync_copy(ei.at[1, pl.ds(off, DCH)], idx)

        pltpu.sync_copy(ones, acc.at[idx], add=True)
        return 0

    lax.fori_loop(0, DNCH, step, 0)
    plsc.subcore_barrier()

    wbase = s * ZCH
    pltpu.sync_copy(acc.at[pl.ds(wbase, ZCH)], deg_out.at[pl.ds(c * NP + wbase, ZCH)])


@functools.partial(
    pl.kernel,
    out_type=(
        jax.ShapeDtypeStruct((N, HALF), jnp.float32),
        jax.ShapeDtypeStruct((N, HALF), jnp.float32),
    ),
    mesh=_mesh,
    compiler_params=pltpu.CompilerParams(use_tc_tiling_on_sc=False),
    scratch_types=[
        pltpu.VMEM_SHARED((N, HALF), jnp.float32),
        pltpu.VMEM((4, 2, CH), jnp.int32),
        pltpu.VMEM((NSLOT, CH, HALF), jnp.float32),
        pltpu.SemaphoreType.DMA,
        pltpu.SemaphoreType.DMA,
        pltpu.SemaphoreType.DMA,
        pltpu.SemaphoreType.DMA,
        pltpu.SemaphoreType.DMA,
        pltpu.SemaphoreType.DMA,
        pltpu.SemaphoreType.DMA,
        pltpu.SemaphoreType.DMA,
    ],
)
def _agg_kernel(fa, fb, ei, out_a, out_b, acc, idxs, rows,
                sg0, sg1, ss0, ss1, si0, si1, si2, si3):
    c = lax.axis_index("c")
    s = lax.axis_index("s")
    sem_g = (sg0, sg1)
    sem_s = (ss0, ss1)
    sem_i = (si0, si1, si2, si3)

    _zero_rows(rows.at[0], CH, HALF)
    rbase = s * ZCH
    zsrc = rows.at[0]

    @pl.when(s < NS - 1)
    def _():
        for k in range(ZCH // CH):
            pltpu.sync_copy(zsrc, acc.at[pl.ds(rbase + k * CH, CH)])

    @pl.when(s == NS - 1)
    def _():
        for k in range((N - (NS - 1) * ZCH) // CH):
            pltpu.sync_copy(zsrc, acc.at[pl.ds(rbase + k * CH, CH)])

    plsc.subcore_barrier()

    ebase = s * EPT

    def issue_idx(j, jb):
        off = ebase + j * CH
        pltpu.async_copy(ei.at[0, pl.ds(off, CH)], idxs.at[jb, 0], sem_i[jb])
        pltpu.async_copy(ei.at[1, pl.ds(off, CH)], idxs.at[jb, 1], sem_i[jb])

    def wait_idx(j, jb):
        off = ebase + j * CH
        pltpu.make_async_copy(ei.at[0, pl.ds(off, CH)], idxs.at[jb, 0],
                              sem_i[jb]).wait()
        pltpu.make_async_copy(ei.at[1, pl.ds(off, CH)], idxs.at[jb, 1],
                              sem_i[jb]).wait()

    def start_gather(b, jb):
        @pl.when(c == 0)
        def _():
            pltpu.async_copy(fa.at[idxs.at[jb, 0]], rows.at[b], sem_g[b])

        @pl.when(c == 1)
        def _():
            pltpu.async_copy(fb.at[idxs.at[jb, 0]], rows.at[b], sem_g[b])

    def wait_gather(b, jb):
        @pl.when(c == 0)
        def _():
            pltpu.make_async_copy(fa.at[idxs.at[jb, 0]], rows.at[b], sem_g[b]).wait()

        @pl.when(c == 1)
        def _():
            pltpu.make_async_copy(fb.at[idxs.at[jb, 0]], rows.at[b], sem_g[b]).wait()

    def start_scatter(b, jb):
        pltpu.async_copy(rows.at[b], acc.at[idxs.at[jb, 1]], sem_s[b], add=True)

    def wait_scatter(b, jb):
        pltpu.make_async_copy(rows.at[b], acc.at[idxs.at[jb, 1]], sem_s[b]).wait()

    for j in range(3):
        issue_idx(j, j)
    wait_idx(0, 0)
    start_gather(0, 0)

    def do_step(k, i, t):
        rb = t % 2
        grb = (t + 1) % 2
        ib = t % 4
        nib = (t + 1) % 4
        fib = (t + 3) % 4

        def wait_prev_scatter():
            wait_scatter(grb, (t + 3) % 4)

        if t == 0:
            @pl.when(i > 0)
            def _():
                wait_prev_scatter()
        else:
            wait_prev_scatter()

        @pl.when(k + 3 < NCHUNK)
        def _():
            issue_idx(k + 3, fib)

        wait_idx(k + 1, nib)
        start_gather(grb, nib)
        wait_gather(rb, ib)
        start_scatter(rb, ib)

    def quad(i, _):
        for t in range(4):
            do_step(4 * i + t, i, t)
        return 0

    lax.fori_loop(0, NCHUNK // 4, quad, 0)
    wait_scatter(1, 3)
    wait_gather(0, 0)
    start_scatter(0, 0)
    wait_scatter(0, 0)
    plsc.subcore_barrier()

    @pl.when(s < NS - 1)
    def _():
        @pl.when(c == 0)
        def _():
            pltpu.sync_copy(acc.at[pl.ds(rbase, ZCH)], out_a.at[pl.ds(rbase, ZCH)])

        @pl.when(c == 1)
        def _():
            pltpu.sync_copy(acc.at[pl.ds(rbase, ZCH)], out_b.at[pl.ds(rbase, ZCH)])

    @pl.when(s == NS - 1)
    def _():
        last = N - (NS - 1) * ZCH

        @pl.when(c == 0)
        def _():
            pltpu.sync_copy(acc.at[pl.ds(rbase, last)], out_a.at[pl.ds(rbase, last)])

        @pl.when(c == 1)
        def _():
            pltpu.sync_copy(acc.at[pl.ds(rbase, last)], out_b.at[pl.ds(rbase, last)])


BN = 1000
GRID = N // BN


def _norm(deg_row):
    return lax.rsqrt(jnp.maximum(deg_row, 1.0))


def _scale_body(x_ref, wn_ref, ds_ref, fa_ref, fb_ref):
    ns = _norm(ds_ref[0, 0, :])[:, None]
    fa_ref[...] = x_ref[...] * ns
    fb_ref[...] = jnp.broadcast_to(wn_ref[...], (BN, D_FEAT)) * ns


def _layer_math(agg, nd, h, w, b, beta):
    rst = jnp.dot(agg * nd, w, preferred_element_type=jnp.float32)
    rst = jnp.maximum(rst + b, 0.0)
    out = h + rst
    mean = jnp.mean(out, axis=1, keepdims=True)
    cent = out - mean
    var = jnp.mean(cent * cent, axis=1, keepdims=True)
    return cent * lax.rsqrt(var + EPS) + beta


def _dense1_body(aa_ref, ab_ref, ds_ref, dd_ref, x_ref, wn_ref, w_ref, b_ref,
                 beta_ref, ho_ref, fa_ref, fb_ref):
    agg = jnp.concatenate([aa_ref[...], ab_ref[...]], axis=1)
    nd = _norm(dd_ref[0, 0, :])[:, None]
    h0 = jnp.concatenate(
        [x_ref[...], jnp.broadcast_to(wn_ref[...], (BN, D_FEAT))], axis=1)
    y = _layer_math(agg, nd, h0, w_ref[...], b_ref[...], beta_ref[...])
    ho_ref[...] = y
    ns = _norm(ds_ref[0, 0, :])[:, None]
    fa_ref[...] = y[:, :HALF] * ns
    fb_ref[...] = y[:, HALF:] * ns


def _dense2_body(aa_ref, ab_ref, dd_ref, h_ref, w_ref, b_ref, beta_ref, ho_ref):
    agg = jnp.concatenate([aa_ref[...], ab_ref[...]], axis=1)
    nd = _norm(dd_ref[0, 0, :])[:, None]
    ho_ref[...] = _layer_math(agg, nd, h_ref[...], w_ref[...], b_ref[...],
                              beta_ref[...])


def _row_spec(cols):
    return pl.BlockSpec((BN, cols), lambda i: (i, 0))


def _full_spec(shape):
    ndims = len(shape)
    return pl.BlockSpec(shape, lambda i: (0,) * ndims)


_DEG_SRC_SPEC = pl.BlockSpec((1, 1, BN), lambda i: (i, 0, 0))
_DEG_DST_SPEC = pl.BlockSpec((1, 1, BN), lambda i: (GRID + i, 0, 0))


def _scale_call(x, w_node, deg3):
    return pl.pallas_call(
        _scale_body,
        grid=(GRID,),
        in_specs=[_row_spec(D_FEAT), _full_spec((1, D_FEAT)), _DEG_SRC_SPEC],
        out_specs=(_row_spec(HALF), _row_spec(HALF)),
        out_shape=(
            jax.ShapeDtypeStruct((N, HALF), jnp.float32),
            jax.ShapeDtypeStruct((N, HALF), jnp.float32),
        ),
    )(x, w_node, deg3)


def _dense1_call(aa, ab, deg3, x, w_node, w, b, beta):
    return pl.pallas_call(
        _dense1_body,
        grid=(GRID,),
        in_specs=[
            _row_spec(HALF), _row_spec(HALF), _DEG_SRC_SPEC, _DEG_DST_SPEC,
            _row_spec(D_FEAT), _full_spec((1, D_FEAT)), _full_spec((D, D)),
            _full_spec((1, D)), _full_spec((1, D)),
        ],
        out_specs=(_row_spec(D), _row_spec(HALF), _row_spec(HALF)),
        out_shape=(
            jax.ShapeDtypeStruct((N, D), jnp.float32),
            jax.ShapeDtypeStruct((N, HALF), jnp.float32),
            jax.ShapeDtypeStruct((N, HALF), jnp.float32),
        ),
    )(aa, ab, deg3, deg3, x, w_node, w, b, beta)


def _dense2_call(aa, ab, deg3, h, w, b, beta):
    return pl.pallas_call(
        _dense2_body,
        grid=(GRID,),
        in_specs=[
            _row_spec(HALF), _row_spec(HALF), _DEG_DST_SPEC,
            _row_spec(D), _full_spec((D, D)), _full_spec((1, D)),
            _full_spec((1, D)),
        ],
        out_specs=_row_spec(D),
        out_shape=jax.ShapeDtypeStruct((N, D), jnp.float32),
    )(aa, ab, deg3, h, w, b, beta)


def kernel(x, edge_index, w_node, W1, b1, beta1, W2, b2, beta2):
    b1r = b1.reshape(1, D)
    beta1r = beta1.reshape(1, D)
    b2r = b2.reshape(1, D)
    beta2r = beta2.reshape(1, D)

    deg_pad = _deg_kernel(edge_index)
    deg3 = deg_pad.reshape(2, NP)[:, :N].reshape(2 * GRID, 1, BN)
    fa1, fb1 = _scale_call(x, w_node, deg3)
    agg1a, agg1b = _agg_kernel(fa1, fb1, edge_index)
    h1, fa2, fb2 = _dense1_call(agg1a, agg1b, deg3, x, w_node, W1, b1r, beta1r)
    agg2a, agg2b = _agg_kernel(fa2, fb2, edge_index)
    h2 = _dense2_call(agg2a, agg2b, deg3, h1, W2, b2r, beta2r)
    return h2

# --- scband reference (transcript-rebuilt; emitter-appended) ---
"""Pipeline reference for scband-gcn-10771777978500 (READ-ONLY COPY).

The authoritative reference and input builder live on the scoring server;
editing this copy changes nothing except your own understanding.
"""

import jax, jax.numpy as jnp
import numpy as np

N = 50000
E = 800000
D_FEAT = 32
D = 64
EPS = 1e-3


def setup_inputs(seed: int = 0) -> dict:
    key = jax.random.key(seed)
    ks = jax.random.split(key, 10)
    x = jax.random.normal(ks[0], (N, D_FEAT), dtype=jnp.float32)
    edge_index = jax.random.randint(ks[1], (2, E), 0, N, dtype=jnp.int32)
    # learned params: ntype weight (fills embedding to size 64), 2 GraphConv layers, 2 layernorm betas
    w_node = jax.random.normal(ks[2], (1, D - D_FEAT), dtype=jnp.float32) * 0.05
    W1 = jax.random.normal(ks[3], (D, D), dtype=jnp.float32) * (1.0 / np.sqrt(D))
    b1 = jnp.zeros((D,), dtype=jnp.float32)
    beta1 = jnp.zeros((D,), dtype=jnp.float32)
    W2 = jax.random.normal(ks[4], (D, D), dtype=jnp.float32) * (1.0 / np.sqrt(D))
    b2 = jnp.zeros((D,), dtype=jnp.float32)
    beta2 = jnp.zeros((D,), dtype=jnp.float32)
    return {"x": x, "edge_index": edge_index, "w_node": w_node,
            "W1": W1, "b1": b1, "beta1": beta1,
            "W2": W2, "b2": b2, "beta2": beta2}


def _gcn_layer(h, src, dst, norm_src, norm_dst, W, b, beta):
    # DGL GraphConv, norm='both': scale by src out-deg^-1/2, sum-aggregate,
    # scale by dst in-deg^-1/2, linear, relu (activation)
    feat = h * norm_src[:, None]
    m = jnp.take(feat, src, axis=0)
    agg = jax.ops.segment_sum(m, dst, num_segments=N)
    rst = agg * norm_dst[:, None]
    rst = jax.nn.relu(rst @ W + b)
    # HeteroGraphConv: concat-aggregate over the single etype (identity), residual add
    out = h + rst
    # keras LayerNormalization(scale=False): center only, eps=1e-3
    mean = jnp.mean(out, axis=-1, keepdims=True)
    var = jnp.var(out, axis=-1, keepdims=True)
    return (out - mean) / jnp.sqrt(var + EPS) + beta


def reference(x, edge_index, w_node, W1, b1, beta1, W2, b2, beta2):
    src = edge_index[0]
    dst = edge_index[1]
    out_deg = jnp.clip(jnp.zeros((N,), dtype=jnp.float32).at[src].add(1.0), 1.0, None)
    in_deg = jnp.clip(jnp.zeros((N,), dtype=jnp.float32).at[dst].add(1.0), 1.0, None)
    norm_src = out_deg ** -0.5
    norm_dst = in_deg ** -0.5
    # initial_h: concat(node feat, tiled ntype weight) -> [N, 64]
    h = jnp.concatenate([x, jnp.tile(w_node, (N, 1))], axis=1)
    h = _gcn_layer(h, src, dst, norm_src, norm_dst, W1, b1, beta1)
    h = _gcn_layer(h, src, dst, norm_src, norm_dst, W2, b2, beta2)
    return h

if __name__ == "__main__":
    import jax
    _d = setup_inputs()
    print(jax.jit(kernel)(*tuple(_d.values())))

</pallas_src>

<mosaic_0001>
#map = affine_map<(d0, d1) -> (0, 0)>
module attributes {stable_mosaic.version = 14 : i64} {
  func.func @_agg_kernel(%arg0: i32, %arg1: i32, %arg2: memref<50000x32xf32, #tpu.memory_space<hbm>>, %arg3: memref<50000x32xf32, #tpu.memory_space<hbm>>, %arg4: memref<2x800000xi32, #tpu.memory_space<hbm>>, %arg5: memref<50000x32xf32, #tpu.memory_space<hbm>>, %arg6: memref<50000x32xf32, #tpu.memory_space<hbm>>, %arg7: memref<50000x32xf32, #tpu.memory_space<vmem_shared>>, %arg8: memref<4x2x400xi32, #tpu.memory_space<vmem>>, %arg9: memref<2x400x32xf32, #tpu.memory_space<vmem>>, %arg10: memref<!tpu.dma_semaphore, #tpu.memory_space<semaphore_mem>>, %arg11: memref<!tpu.dma_semaphore, #tpu.memory_space<semaphore_mem>>, %arg12: memref<!tpu.dma_semaphore, #tpu.memory_space<semaphore_mem>>, %arg13: memref<!tpu.dma_semaphore, #tpu.memory_space<semaphore_mem>>, %arg14: memref<!tpu.dma_semaphore, #tpu.memory_space<semaphore_mem>>, %arg15: memref<!tpu.dma_semaphore, #tpu.memory_space<semaphore_mem>>, %arg16: memref<!tpu.dma_semaphore, #tpu.memory_space<semaphore_mem>>, %arg17: memref<!tpu.dma_semaphore, #tpu.memory_space<semaphore_mem>>) attributes {dimension_semantics = [#tpu.dimension_semantics<core_parallel>, #tpu.dimension_semantics<subcore_parallel>], iteration_bounds = array<i64: 2, 16>, scalar_prefetch = 0 : i64, scratch_operands = 11 : i64, tpu.core_type = #tpu.core_type<sc_vector_subcore>, window_params = [{transform_indices = #map}, {transform_indices = #map}, {transform_indices = #map}, {transform_indices = #map}, {transform_indices = #map}]} {
    %broadcast_in_dim3A = arith.constant 0.000000e+00 : f32
    %broadcast_in_dim3A_0 = vector.broadcast %broadcast_in_dim3A : f32 to vector<16xf32>
    %scan3A = arith.constant 0 : i32
    %scan3A_1 = arith.constant 0 : i32
    %scan3A_2 = arith.constant 0 : i32
    %scan3A_3 = arith.constant 800 : i32
    %scan3A_4 = arith.addi %scan3A_2, %scan3A_3 : i32
    %scan3A_5 = arith.constant 4 : i32
    %scan3A_6 = scf.for %scan3A_205 = %scan3A_2 to %scan3A_4 step %scan3A_5 iter_args(%scan3A_206 = %scan3A_1) -> (i32)  : i32 {
      %jit3A = arith.constant 2 : i32
      %div3A = arith.divsi %scan3A_205, %jit3A : i32
      %sign3A = arith.constant 0 : i32
      %sign3A_207 = arith.cmpi sgt, %scan3A_205, %sign3A : i32
      %sign3A_208 = arith.extui %sign3A_207 : i1 to i32
      %sign3A_209 = arith.constant 0 : i32
      %sign3A_210 = arith.cmpi slt, %scan3A_205, %sign3A_209 : i32
      %sign3A_211 = arith.extui %sign3A_210 : i1 to i32
      %sign3A_212 = arith.subi %sign3A_208, %sign3A_211 : i32
      %sign3A_213 = arith.constant 0 : i32
      %sign3A_214 = arith.cmpi sgt, %jit3A, %sign3A_213 : i32
      %sign3A_215 = arith.extui %sign3A_214 : i1 to i32
      %sign3A_216 = arith.constant 0 : i32
      %sign3A_217 = arith.cmpi slt, %jit3A, %sign3A_216 : i32
      %sign3A_218 = arith.extui %sign3A_217 : i1 to i32
      %sign3A_219 = arith.subi %sign3A_215, %sign3A_218 : i32
      %ne3A = arith.cmpi ne, %sign3A_212, %sign3A_219 : i32
      %rem3A = arith.remsi %scan3A_205, %jit3A : i32
      %ne3A_220 = arith.constant 0 : i32
      %ne3A_221 = arith.cmpi ne, %rem3A, %ne3A_220 : i32
      %and3A = arith.andi %ne3A, %ne3A_221 : i1
      %sub3A = arith.constant 1 : i32
      %sub3A_222 = arith.subi %div3A, %sub3A : i32
      %select_n3A = arith.select %and3A, %sub3A_222, %div3A : i32
      %jit3A_223 = arith.constant 2 : i32
      %eq3A_224 = arith.constant 0 : i32
      %eq3A_225 = arith.cmpi eq, %jit3A_223, %eq3A_224 : i32
      %jit3A_226 = arith.constant 1 : i32
      %select_n3A_227 = arith.select %eq3A_225, %jit3A_226, %jit3A_223 : i32
      %rem3A_228 = arith.remsi %scan3A_205, %select_n3A_227 : i32
      %ne3A_229 = arith.constant 0 : i32
      %ne3A_230 = arith.cmpi ne, %rem3A_228, %ne3A_229 : i32
      %lt3A_231 = arith.constant 0 : i32
      %lt3A_232 = arith.cmpi slt, %rem3A_228, %lt3A_231 : i32
      %lt3A_233 = arith.constant 0 : i32
      %lt3A_234 = arith.cmpi slt, %select_n3A_227, %lt3A_233 : i32
      %ne3A_235 = arith.xori %lt3A_232, %lt3A_234 : i1
      %and3A_236 = arith.andi %ne3A_235, %ne3A_230 : i1
      %add3A_237 = arith.addi %rem3A_228, %select_n3A_227 : i32
      %select_n3A_238 = arith.select %and3A_236, %add3A_237, %rem3A_228 : i32
      %mul3A_239 = arith.constant 16 : i32
      %mul3A_240 = arith.muli %select_n3A_238, %mul3A_239 : i32
      %swap3A = arith.constant 0 : i32
      %swap3A_241 = arith.constant 0 : i32
      %swap3A_242 = tpu.memref_slice %arg9[%scan3A, %swap3A, %swap3A_241] : memref<2x400x32xf32, #tpu.memory_space<vmem>> -> memref<1x400x32xf32, #tpu.memory_space<vmem>>
      %swap3A_243 = tpu.memref_squeeze %swap3A_242 : memref<1x400x32xf32, #tpu.memory_space<vmem>> -> memref<400x32xf32, #tpu.memory_space<vmem>>
      %swap3A_244 = arith.index_cast %select_n3A : i32 to index
      %swap3A_245 = arith.index_cast %mul3A_240 : i32 to index
      %swap3A_246 = tpu.vector_load %swap3A_243[%swap3A_244, %swap3A_245] {strides = array<i32>} : memref<400x32xf32, #tpu.memory_space<vmem>>, vector<1x16xf32>,
      %swap3A_247 = vector.shape_cast %swap3A_246 : vector<1x16xf32> to vector<16xf32>
      %swap3A_248 = vector.shape_cast %broadcast_in_dim3A_0 : vector<16xf32> to vector<1x16xf32>
      tpu.vector_store %swap3A_243[%swap3A_244, %swap3A_245], %swap3A_248 {strides = array<i32>} : memref<400x32xf32, #tpu.memory_space<vmem>>, vector<1x16xf32>,
      %scan3A_249 = arith.constant 0 : i32
      %scan3A_250 = arith.constant 1 : i32
      %scan3A_251 = arith.addi %scan3A_205, %scan3A_250 : i32
      %jit3A_252 = arith.constant 2 : i32
      %div3A_253 = arith.divsi %scan3A_251, %jit3A_252 : i32
      %sign3A_254 = arith.constant 0 : i32
      %sign3A_255 = arith.cmpi sgt, %scan3A_251, %sign3A_254 : i32
      %sign3A_256 = arith.extui %sign3A_255 : i1 to i32
      %sign3A_257 = arith.constant 0 : i32
      %sign3A_258 = arith.cmpi slt, %scan3A_251, %sign3A_257 : i32
      %sign3A_259 = arith.extui %sign3A_258 : i1 to i32
      %sign3A_260 = arith.subi %sign3A_256, %sign3A_259 : i32
      %sign3A_261 = arith.constant 0 : i32
      %sign3A_262 = arith.cmpi sgt, %jit3A_252, %sign3A_261 : i32
      %sign3A_263 = arith.extui %sign3A_262 : i1 to i32
      %sign3A_264 = arith.constant 0 : i32
      %sign3A_265 = arith.cmpi slt, %jit3A_252, %sign3A_264 : i32
      %sign3A_266 = arith.extui %sign3A_265 : i1 to i32
      %sign3A_267 = arith.subi %sign3A_263, %sign3A_266 : i32
      %ne3A_268 = arith.cmpi ne, %sign3A_260, %sign3A_267 : i32
      %rem3A_269 = arith.remsi %scan3A_251, %jit3A_252 : i32
      %ne3A_270 = arith.constant 0 : i32
      %ne3A_271 = arith.cmpi ne, %rem3A_269, %ne3A_270 : i32
      %and3A_272 = arith.andi %ne3A_268, %ne3A_271 : i1
      %sub3A_273 = arith.constant 1 : i32
      %sub3A_274 = arith.subi %div3A_253, %sub3A_273 : i32
      %select_n3A_275 = arith.select %and3A_272, %sub3A_274, %div3A_253 : i32
      %jit3A_276 = arith.constant 2 : i32
      %eq3A_277 = arith.constant 0 : i32
      %eq3A_278 = arith.cmpi eq, %jit3A_276, %eq3A_277 : i32
      %jit3A_279 = arith.constant 1 : i32
      %select_n3A_280 = arith.select %eq3A_278, %jit3A_279, %jit3A_276 : i32
      %rem3A_281 = arith.remsi %scan3A_251, %select_n3A_280 : i32
      %ne3A_282 = arith.constant 0 : i32
      %ne3A_283 = arith.cmpi ne, %rem3A_281, %ne3A_282 : i32
      %lt3A_284 = arith.constant 0 : i32
      %lt3A_285 = arith.cmpi slt, %rem3A_281, %lt3A_284 : i32
      %lt3A_286 = arith.constant 0 : i32
      %lt3A_287 = arith.cmpi slt, %select_n3A_280, %lt3A_286 : i32
      %ne3A_288 = arith.xori %lt3A_285, %lt3A_287 : i1
      %and3A_289 = arith.andi %ne3A_288, %ne3A_283 : i1
      %add3A_290 = arith.addi %rem3A_281, %select_n3A_280 : i32
      %select_n3A_291 = arith.select %and3A_289, %add3A_290, %rem3A_281 : i32
      %mul3A_292 = arith.constant 16 : i32
      %mul3A_293 = arith.muli %select_n3A_291, %mul3A_292 : i32
      %swap3A_294 = arith.constant 0 : i32
      %swap3A_295 = arith.constant 0 : i32
      %swap3A_296 = tpu.memref_slice %arg9[%scan3A, %swap3A_294, %swap3A_295] : memref<2x400x32xf32, #tpu.memory_space<vmem>> -> memref<1x400x32xf32, #tpu.memory_space<vmem>>
      %swap3A_297 = tpu.memref_squeeze %swap3A_296 : memref<1x400x32xf32, #tpu.memory_space<vmem>> -> memref<400x32xf32, #tpu.memory_space<vmem>>
      %swap3A_298 = arith.index_cast %select_n3A_275 : i32 to index
      %swap3A_299 = arith.index_cast %mul3A_293 : i32 to index
      %swap3A_300 = tpu.vector_load %swap3A_297[%swap3A_298, %swap3A_299] {strides = array<i32>} : memref<400x32xf32, #tpu.memory_space<vmem>>, vector<1x16xf32>,
      %swap3A_301 = vector.shape_cast %swap3A_300 : vector<1x16xf32> to vector<16xf32>
      %swap3A_302 = vector.shape_cast %broadcast_in_dim3A_0 : vector<16xf32> to vector<1x16xf32>
      tpu.vector_store %swap3A_297[%swap3A_298, %swap3A_299], %swap3A_302 {strides = array<i32>} : memref<400x32xf32, #tpu.memory_space<vmem>>, vector<1x16xf32>,
      %scan3A_303 = arith.constant 0 : i32
      %scan3A_304 = arith.constant 2 : i32
      %scan3A_305 = arith.addi %scan3A_205, %scan3A_304 : i32
      %jit3A_306 = arith.constant 2 : i32
      %div3A_307 = arith.divsi %scan3A_305, %jit3A_306 : i32
      %sign3A_308 = arith.constant 0 : i32
      %sign3A_309 = arith.cmpi sgt, %scan3A_305, %sign3A_308 : i32
      %sign3A_310 = arith.extui %sign3A_309 : i1 to i32
      %sign3A_311 = arith.constant 0 : i32
      %sign3A_312 = arith.cmpi slt, %scan3A_305, %sign3A_311 : i32
      %sign3A_313 = arith.extui %sign3A_312 : i1 to i32
      %sign3A_314 = arith.subi %sign3A_310, %sign3A_313 : i32
      %sign3A_315 = arith.constant 0 : i32
      %sign3A_316 = arith.cmpi sgt, %jit3A_306, %sign3A_315 : i32
      %sign3A_317 = arith.extui %sign3A_316 : i1 to i32
      %sign3A_318 = arith.constant 0 : i32
      %sign3A_319 = arith.cmpi slt, %jit3A_306, %sign3A_318 : i32
      %sign3A_320 = arith.extui %sign3A_319 : i1 to i32
      %sign3A_321 = arith.subi %sign3A_317, %sign3A_320 : i32
      %ne3A_322 = arith.cmpi ne, %sign3A_314, %sign3A_321 : i32
      %rem3A_323 = arith.remsi %scan3A_305, %jit3A_306 : i32
      %ne3A_324 = arith.constant 0 : i32
      %ne3A_325 = arith.cmpi ne, %rem3A_323, %ne3A_324 : i32
      %and3A_326 = arith.andi %ne3A_322, %ne3A_325 : i1
      %sub3A_327 = arith.constant 1 : i32
      %sub3A_328 = arith.subi %div3A_307, %sub3A_327 : i32
      %select_n3A_329 = arith.select %and3A_326, %sub3A_328, %div3A_307 : i32
      %jit3A_330 = arith.constant 2 : i32
      %eq3A_331 = arith.constant 0 : i32
      %eq3A_332 = arith.cmpi eq, %jit3A_330, %eq3A_331 : i32
      %jit3A_333 = arith.constant 1 : i32
      %select_n3A_334 = arith.select %eq3A_332, %jit3A_333, %jit3A_330 : i32
      %rem3A_335 = arith.remsi %scan3A_305, %select_n3A_334 : i32
      %ne3A_336 = arith.constant 0 : i32
      %ne3A_337 = arith.cmpi ne, %rem3A_335, %ne3A_336 : i32
      %lt3A_338 = arith.constant 0 : i32
      %lt3A_339 = arith.cmpi slt, %rem3A_335, %lt3A_338 : i32
      %lt3A_340 = arith.constant 0 : i32
      %lt3A_341 = arith.cmpi slt, %select_n3A_334, %lt3A_340 : i32
      %ne3A_342 = arith.xori %lt3A_339, %lt3A_341 : i1
      %and3A_343 = arith.andi %ne3A_342, %ne3A_337 : i1
      %add3A_344 = arith.addi %rem3A_335, %select_n3A_334 : i32
      %select_n3A_345 = arith.select %and3A_343, %add3A_344, %rem3A_335 : i32
      %mul3A_346 = arith.constant 16 : i32
      %mul3A_347 = arith.muli %select_n3A_345, %mul3A_346 : i32
      %swap3A_348 = arith.constant 0 : i32
      %swap3A_349 = arith.constant 0 : i32
      %swap3A_350 = tpu.memref_slice %arg9[%scan3A, %swap3A_348, %swap3A_349] : memref<2x400x32xf32, #tpu.memory_space<vmem>> -> memref<1x400x32xf32, #tpu.memory_space<vmem>>
      %swap3A_351 = tpu.memref_squeeze %swap3A_350 : memref<1x400x32xf32, #tpu.memory_space<vmem>> -> memref<400x32xf32, #tpu.memory_space<vmem>>
      %swap3A_352 = arith.index_cast %select_n3A_329 : i32 to index
      %swap3A_353 = arith.index_cast %mul3A_347 : i32 to index
      %swap3A_354 = tpu.vector_load %swap3A_351[%swap3A_352, %swap3A_353] {strides = array<i32>} : memref<400x32xf32, #tpu.memory_space<vmem>>, vector<1x16xf32>,
      %swap3A_355 = vector.shape_cast %swap3A_354 : vector<1x16xf32> to vector<16xf32>
      %swap3A_356 = vector.shape_cast %broadcast_in_dim3A_0 : vector<16xf32> to vector<1x16xf32>
      tpu.vector_store %swap3A_351[%swap3A_352, %swap3A_353], %swap3A_356 {strides = array<i32>} : memref<400x32xf32, #tpu.memory_space<vmem>>, vector<1x16xf32>,
      %scan3A_357 = arith.constant 0 : i32
      %scan3A_358 = arith.constant 3 : i32
      %scan3A_359 = arith.addi %scan3A_205, %scan3A_358 : i32
      %jit3A_360 = arith.constant 2 : i32
      %div3A_361 = arith.divsi %scan3A_359, %jit3A_360 : i32
      %sign3A_362 = arith.constant 0 : i32
      %sign3A_363 = arith.cmpi sgt, %scan3A_359, %sign3A_362 : i32
      %sign3A_364 = arith.extui %sign3A_363 : i1 to i32
      %sign3A_365 = arith.constant 0 : i32
      %sign3A_366 = arith.cmpi slt, %scan3A_359, %sign3A_365 : i32
      %sign3A_367 = arith.extui %sign3A_366 : i1 to i32
      %sign3A_368 = arith.subi %sign3A_364, %sign3A_367 : i32
      %sign3A_369 = arith.constant 0 : i32
      %sign3A_370 = arith.cmpi sgt, %jit3A_360, %sign3A_369 : i32
      %sign3A_371 = arith.extui %sign3A_370 : i1 to i32
      %sign3A_372 = arith.constant 0 : i32
      %sign3A_373 = arith.cmpi slt, %jit3A_360, %sign3A_372 : i32
      %sign3A_374 = arith.extui %sign3A_373 : i1 to i32
      %sign3A_375 = arith.subi %sign3A_371, %sign3A_374 : i32
      %ne3A_376 = arith.cmpi ne, %sign3A_368, %sign3A_375 : i32
      %rem3A_377 = arith.remsi %scan3A_359, %jit3A_360 : i32
      %ne3A_378 = arith.constant 0 : i32
      %ne3A_379 = arith.cmpi ne, %rem3A_377, %ne3A_378 : i32
      %and3A_380 = arith.andi %ne3A_376, %ne3A_379 : i1
      %sub3A_381 = arith.constant 1 : i32
      %sub3A_382 = arith.subi %div3A_361, %sub3A_381 : i32
      %select_n3A_383 = arith.select %and3A_380, %sub3A_382, %div3A_361 : i32
      %jit3A_384 = arith.constant 2 : i32
      %eq3A_385 = arith.constant 0 : i32
      %eq3A_386 = arith.cmpi eq, %jit3A_384, %eq3A_385 : i32
      %jit3A_387 = arith.constant 1 : i32
      %select_n3A_388 = arith.select %eq3A_386, %jit3A_387, %jit3A_384 : i32
      %rem3A_389 = arith.remsi %scan3A_359, %select_n3A_388 : i32
      %ne3A_390 = arith.constant 0 : i32
      %ne3A_391 = arith.cmpi ne, %rem3A_389, %ne3A_390 : i32
      %lt3A_392 = arith.constant 0 : i32
      %lt3A_393 = arith.cmpi slt, %rem3A_389, %lt3A_392 : i32
      %lt3A_394 = arith.constant 0 : i32
      %lt3A_395 = arith.cmpi slt, %select_n3A_388, %lt3A_394 : i32
      %ne3A_396 = arith.xori %lt3A_393, %lt3A_395 : i1
      %and3A_397 = arith.andi %ne3A_396, %ne3A_391 : i1
      %add3A_398 = arith.addi %rem3A_389, %select_n3A_388 : i32
      %select_n3A_399 = arith.select %and3A_397, %add3A_398, %rem3A_389 : i32
      %mul3A_400 = arith.constant 16 : i32
      %mul3A_401 = arith.muli %select_n3A_399, %mul3A_400 : i32
      %swap3A_402 = arith.constant 0 : i32
      %swap3A_403 = arith.constant 0 : i32
      %swap3A_404 = tpu.memref_slice %arg9[%scan3A, %swap3A_402, %swap3A_403] : memref<2x400x32xf32, #tpu.memory_space<vmem>> -> memref<1x400x32xf32, #tpu.memory_space<vmem>>
      %swap3A_405 = tpu.memref_squeeze %swap3A_404 : memref<1x400x32xf32, #tpu.memory_space<vmem>> -> memref<400x32xf32, #tpu.memory_space<vmem>>
      %swap3A_406 = arith.index_cast %select_n3A_383 : i32 to index
      %swap3A_407 = arith.index_cast %mul3A_401 : i32 to index
      %swap3A_408 = tpu.vector_load %swap3A_405[%swap3A_406, %swap3A_407] {strides = array<i32>} : memref<400x32xf32, #tpu.memory_space<vmem>>, vector<1x16xf32>,
      %swap3A_409 = vector.shape_cast %swap3A_408 : vector<1x16xf32> to vector<16xf32>
      %swap3A_410 = vector.shape_cast %broadcast_in_dim3A_0 : vector<16xf32> to vector<1x16xf32>
      tpu.vector_store %swap3A_405[%swap3A_406, %swap3A_407], %swap3A_410 {strides = array<i32>} : memref<400x32xf32, #tpu.memory_space<vmem>>, vector<1x16xf32>,
      %scan3A_411 = arith.constant 0 : i32
      scf.yield %scan3A_411 : i32
    }
    %scan3A_7 = arith.constant 800 : i32
    %mul3A = arith.constant 3200 : i32
    %mul3A_8 = arith.muli %arg1, %mul3A : i32
    %lt3A = arith.constant 15 : i32
    %lt3A_9 = arith.cmpi slt, %arg1, %lt3A : i32
    %convert_element_type3A = arith.extui %lt3A_9 : i1 to i32
    %cond3A = arith.constant 0 : i32
    %cond3A_10 = arith.constant 0 : i32
    %cond3A_11 = arith.cmpi ne, %convert_element_type3A, %cond3A_10 : i32
    scf.if %cond3A_11 {
      %add3A_205 = arith.constant 0 : i32
      %add3A_206 = arith.addi %mul3A_8, %add3A_205 : i32
      "tpu.region"() ({
        %run_scoped3A = tpu.sem_alloc : memref<!tpu.dma_semaphore, #tpu.memory_space<semaphore_mem>>
        %dma_start3A_221 = arith.constant 0 : i32
        %dma_start3A_222 = arith.constant 0 : i32
        %dma_start3A_223 = tpu.memref_slice %arg9[%cond3A, %dma_start3A_221, %dma_start3A_222] : memref<2x400x32xf32, #tpu.memory_space<vmem>> -> memref<1x400x32xf32, #tpu.memory_space<vmem>>
        %dma_start3A_224 = tpu.memref_squeeze %dma_start3A_223 : memref<1x400x32xf32, #tpu.memory_space<vmem>> -> memref<400x32xf32, #tpu.memory_space<vmem>>
        %dma_start3A_225 = arith.constant 0 : i32
        %dma_start3A_226 = tpu.memref_slice %arg7[%add3A_206, %dma_start3A_225] : memref<50000x32xf32, #tpu.memory_space<vmem_shared>> -> memref<400x32xf32, #tpu.memory_space<vmem_shared>>
        %dma_start3A_227 = arith.constant 0 : i32
        %dma_start3A_228 = tpu.memref_slice %arg7[%add3A_206, %dma_start3A_227] : memref<50000x32xf32, #tpu.memory_space<vmem_shared>> -> memref<400x32xf32, #tpu.memory_space<vmem_shared>>
        %dma_start3A_229 = arith.constant 0 : i32
        %dma_start3A_230 = arith.constant 0 : i32
        %dma_start3A_231 = tpu.memref_slice %arg9[%cond3A, %dma_start3A_229, %dma_start3A_230] : memref<2x400x32xf32, #tpu.memory_space<vmem>> -> memref<1x400x32xf32, #tpu.memory_space<vmem>>
        %dma_start3A_232 = tpu.memref_squeeze %dma_start3A_231 : memref<1x400x32xf32, #tpu.memory_space<vmem>> -> memref<400x32xf32, #tpu.memory_space<vmem>>
        tpu.enqueue_dma source(%dma_start3A_232 : memref<400x32xf32, #tpu.memory_space<vmem>>) target(%dma_start3A_228 : memref<400x32xf32, #tpu.memory_space<vmem_shared>>) target_semaphore(%run_scoped3A : memref<!tpu.dma_semaphore, #tpu.memory_space<semaphore_mem>>)
        %dma_wait3A_233 = arith.constant 0 : i32
        %dma_wait3A_234 = arith.constant 0 : i32
        %dma_wait3A_235 = tpu.memref_slice %arg9[%cond3A, %dma_wait3A_233, %dma_wait3A_234] : memref<2x400x32xf32, #tpu.memory_space<vmem>> -> memref<1x400x32xf32, #tpu.memory_space<vmem>>
        %dma_wait3A_236 = tpu.memref_squeeze %dma_wait3A_235 : memref<1x400x32xf32, #tpu.memory_space<vmem>> -> memref<400x32xf32, #tpu.memory_space<vmem>>
        %dma_wait3A_237 = arith.constant 0 : i32
        %dma_wait3A_238 = tpu.memref_slice %arg7[%add3A_206, %dma_wait3A_237] : memref<50000x32xf32, #tpu.memory_space<vmem_shared>> -> memref<400x32xf32, #tpu.memory_space<vmem_shared>>
        %dma_wait3A_239 = arith.constant 0 : i32
        %dma_wait3A_240 = tpu.memref_slice %arg7[%add3A_206, %dma_wait3A_239] : memref<50000x32xf32, #tpu.memory_space<vmem_shared>> -> memref<400x32xf32, #tpu.memory_space<vmem_shared>>
        %dma_wait3A_241 = arith.constant 0 : i32
        %dma_wait3A_242 = arith.constant 0 : i32
        %dma_wait3A_243 = tpu.memref_slice %arg9[%cond3A, %dma_wait3A_241, %dma_wait3A_242] : memref<2x400x32xf32, #tpu.memory_space<vmem>> -> memref<1x400x32xf32, #tpu.memory_space<vmem>>
        %dma_wait3A_244 = tpu.memref_squeeze %dma_wait3A_243 : memref<1x400x32xf32, #tpu.memory_space<vmem>> -> memref<400x32xf32, #tpu.memory_space<vmem>>
        tpu.wait_dma2 semaphore(%run_scoped3A : memref<!tpu.dma_semaphore, #tpu.memory_space<semaphore_mem>>) src(%dma_wait3A_244 : memref<400x32xf32, #tpu.memory_space<vmem>>) dst(%dma_wait3A_240 : memref<400x32xf32, #tpu.memory_space<vmem_shared>>)
        tpu.yield
      }) : () -> ()
      %add3A_207 = arith.constant 400 : i32
      %add3A_208 = arith.addi %mul3A_8, %add3A_207 : i32
      "tpu.region"() ({
        %run_scoped3A = tpu.sem_alloc : memref<!tpu.dma_semaphore, #tpu.memory_space<semaphore_mem>>
        %dma_start3A_221 = arith.constant 0 : i32
        %dma_start3A_222 = arith.constant 0 : i32
        %dma_start3A_223 = tpu.memref_slice %arg9[%cond3A, %dma_start3A_221, %dma_start3A_222] : memref<2x400x32xf32, #tpu.memory_space<vmem>> -> memref<1x400x32xf32, #tpu.memory_space<vmem>>
        %dma_start3A_224 = tpu.memref_squeeze %dma_start3A_223 : memref<1x400x32xf32, #tpu.memory_space<vmem>> -> memref<400x32xf32, #tpu.memory_space<vmem>>
        %dma_start3A_225 = arith.constant 0 : i32
        %dma_start3A_226 = tpu.memref_slice %arg7[%add3A_208, %dma_start3A_225] : memref<50000x32xf32, #tpu.memory_space<vmem_shared>> -> memref<400x32xf32, #tpu.memory_space<vmem_shared>>
        %dma_start3A_227 = arith.constant 0 : i32
        %dma_start3A_228 = tpu.memref_slice %arg7[%add3A_208, %dma_start3A_227] : memref<50000x32xf32, #tpu.memory_space<vmem_shared>> -> memref<400x32xf32, #tpu.memory_space<vmem_shared>>
        %dma_start3A_229 = arith.constant 0 : i32
        %dma_start3A_230 = arith.constant 0 : i32
        %dma_start3A_231 = tpu.memref_slice %arg9[%cond3A, %dma_start3A_229, %dma_start3A_230] : memref<2x400x32xf32, #tpu.memory_space<vmem>> -> memref<1x400x32xf32, #tpu.memory_space<vmem>>
        %dma_start3A_232 = tpu.memref_squeeze %dma_start3A_231 : memref<1x400x32xf32, #tpu.memory_space<vmem>> -> memref<400x32xf32, #tpu.memory_space<vmem>>
        tpu.enqueue_dma source(%dma_start3A_232 : memref<400x32xf32, #tpu.memory_space<vmem>>) target(%dma_start3A_228 : memref<400x32xf32, #tpu.memory_space<vmem_shared>>) target_semaphore(%run_scoped3A : memref<!tpu.dma_semaphore, #tpu.memory_space<semaphore_mem>>)
        %dma_wait3A_233 = arith.constant 0 : i32
        %dma_wait3A_234 = arith.constant 0 : i32
        %dma_wait3A_235 = tpu.memref_slice %arg9[%cond3A, %dma_wait3A_233, %dma_wait3A_234] : memref<2x400x32xf32, #tpu.memory_space<vmem>> -> memref<1x400x32xf32, #tpu.memory_space<vmem>>
        %dma_wait3A_236 = tpu.memref_squeeze %dma_wait3A_235 : memref<1x400x32xf32, #tpu.memory_space<vmem>> -> memref<400x32xf32, #tpu.memory_space<vmem>>
        %dma_wait3A_237 = arith.constant 0 : i32
        %dma_wait3A_238 = tpu.memref_slice %arg7[%add3A_208, %dma_wait3A_237] : memref<50000x32xf32, #tpu.memory_space<vmem_shared>> -> memref<400x32xf32, #tpu.memory_space<vmem_shared>>
        %dma_wait3A_239 = arith.constant 0 : i32
        %dma_wait3A_240 = tpu.memref_slice %arg7[%add3A_208, %dma_wait3A_239] : memref<50000x32xf32, #tpu.memory_space<vmem_shared>> -> memref<400x32xf32, #tpu.memory_space<vmem_shared>>
        %dma_wait3A_241 = arith.constant 0 : i32
        %dma_wait3A_242 = arith.constant 0 : i32
        %dma_wait3A_243 = tpu.memref_slice %arg9[%cond3A, %dma_wait3A_241, %dma_wait3A_242] : memref<2x400x32xf32, #tpu.memory_space<vmem>> -> memref<1x400x32xf32, #tpu.memory_space<vmem>>
        %dma_wait3A_244 = tpu.memref_squeeze %dma_wait3A_243 : memref<1x400x32xf32, #tpu.memory_space<vmem>> -> memref<400x32xf32, #tpu.memory_space<vmem>>
        tpu.wait_dma2 semaphore(%run_scoped3A : memref<!tpu.dma_semaphore, #tpu.memory_space<semaphore_mem>>) src(%dma_wait3A_244 : memref<400x32xf32, #tpu.memory_space<vmem>>) dst(%dma_wait3A_240 : memref<400x32xf32, #tpu.memory_space<vmem_shared>>)
        tpu.yield
      }) : () -> ()
      %add3A_209 = arith.constant 800 : i32
      %add3A_210 = arith.addi %mul3A_8, %add3A_209 : i32
      "tpu.region"() ({
        %run_scoped3A = tpu.sem_alloc : memref<!tpu.dma_semaphore, #tpu.memory_space<semaphore_mem>>
        %dma_start3A_221 = arith.constant 0 : i32
        %dma_start3A_222 = arith.constant 0 : i32
        %dma_start3A_223 = tpu.memref_slice %arg9[%cond3A, %dma_start3A_221, %dma_start3A_222] : memref<2x400x32xf32, #tpu.memory_space<vmem>> -> memref<1x400x32xf32, #tpu.memory_space<vmem>>
        %dma_start3A_224 = tpu.memref_squeeze %dma_start3A_223 : memref<1x400x32xf32, #tpu.memory_space<vmem>> -> memref<400x32xf32, #tpu.memory_space<vmem>>
        %dma_start3A_225 = arith.constant 0 : i32
        %dma_start3A_226 = tpu.memref_slice %arg7[%add3A_210, %dma_start3A_225] : memref<50000x32xf32, #tpu.memory_space<vmem_shared>> -> memref<400x32xf32, #tpu.memory_space<vmem_shared>>
        %dma_start3A_227 = arith.constant 0 : i32
        %dma_start3A_228 = tpu.memref_slice %arg7[%add3A_210, %dma_start3A_227] : memref<50000x32xf32, #tpu.memory_space<vmem_shared>> -> memref<400x32xf32, #tpu.memory_space<vmem_shared>>
        %dma_start3A_229 = arith.constant 0 : i32
        %dma_start3A_230 = arith.constant 0 : i32
        %dma_start3A_231 = tpu.memref_slice %arg9[%cond3A, %dma_start3A_229, %dma_start3A_230] : memref<2x400x32xf32, #tpu.memory_space<vmem>> -> memref<1x400x32xf32, #tpu.memory_space<vmem>>
        %dma_start3A_232 = tpu.memref_squeeze %dma_start3A_231 : memref<1x400x32xf32, #tpu.memory_space<vmem>> -> memref<400x32xf32, #tpu.memory_space<vmem>>
        tpu.enqueue_dma source(%dma_start3A_232 : memref<400x32xf32, #tpu.memory_space<vmem>>) target(%dma_start3A_228 : memref<400x32xf32, #tpu.memory_space<vmem_shared>>) target_semaphore(%run_scoped3A : memref<!tpu.dma_semaphore, #tpu.memory_space<semaphore_mem>>)
        %dma_wait3A_233 = arith.constant 0 : i32
        %dma_wait3A_234 = arith.constant 0 : i32
        %dma_wait3A_235 = tpu.memref_slice %arg9[%cond3A, %dma_wait3A_233, %dma_wait3A_234] : memref<2x400x32xf32, #tpu.memory_space<vmem>> -> memref<1x400x32xf32, #tpu.memory_space<vmem>>
        %dma_wait3A_236 = tpu.memref_squeeze %dma_wait3A_235 : memref<1x400x32xf32, #tpu.memory_space<vmem>> -> memref<400x32xf32, #tpu.memory_space<vmem>>
        %dma_wait3A_237 = arith.constant 0 : i32
        %dma_wait3A_238 = tpu.memref_slice %arg7[%add3A_210, %dma_wait3A_237] : memref<50000x32xf32, #tpu.memory_space<vmem_shared>> -> memref<400x32xf32, #tpu.memory_space<vmem_shared>>
        %dma_wait3A_239 = arith.constant 0 : i32
        %dma_wait3A_240 = tpu.memref_slice %arg7[%add3A_210, %dma_wait3A_239] : memref<50000x32xf32, #tpu.memory_space<vmem_shared>> -> memref<400x32xf32, #tpu.memory_space<vmem_shared>>
        %dma_wait3A_241 = arith.constant 0 : i32
        %dma_wait3A_242 = arith.constant 0 : i32
        %dma_wait3A_243 = tpu.memref_slice %arg9[%cond3A, %dma_wait3A_241, %dma_wait3A_242] : memref<2x400x32xf32, #tpu.memory_space<vmem>> -> memref<1x400x32xf32, #tpu.memory_space<vmem>>
        %dma_wait3A_244 = tpu.memref_squeeze %dma_wait3A_243 : memref<1x400x32xf32, #tpu.memory_space<vmem>> -> memref<400x32xf32, #tpu.memory_space<vmem>>
        tpu.wait_dma2 semaphore(%run_scoped3A : memref<!tpu.dma_semaphore, #tpu.memory_space<semaphore_mem>>) src(%dma_wait3A_244 : memref<400x32xf32, #tpu.memory_space<vmem>>) dst(%dma_wait3A_240 : memref<400x32xf32, #tpu.memory_space<vmem_shared>>)
        tpu.yield
      }) : () -> ()
      %add3A_211 = arith.constant 1200 : i32
      %add3A_212 = arith.addi %mul3A_8, %add3A_211 : i32
      "tpu.region"() ({
        %run_scoped3A = tpu.sem_alloc : memref<!tpu.dma_semaphore, #tpu.memory_space<semaphore_mem>>
        %dma_start3A_221 = arith.constant 0 : i32
        %dma_start3A_222 = arith.constant 0 : i32
        %dma_start3A_223 = tpu.memref_slice %arg9[%cond3A, %dma_start3A_221, %dma_start3A_222] : memref<2x400x32xf32, #tpu.memory_space<vmem>> -> memref<1x400x32xf32, #tpu.memory_space<vmem>>
        %dma_start3A_224 = tpu.memref_squeeze %dma_start3A_223 : memref<1x400x32xf32, #tpu.memory_space<vmem>> -> memref<400x32xf32, #tpu.memory_space<vmem>>
        %dma_start3A_225 = arith.constant 0 : i32
        %dma_start3A_226 = tpu.memref_slice %arg7[%add3A_212, %dma_start3A_225] : memref<50000x32xf32, #tpu.memory_space<vmem_shared>> -> memref<400x32xf32, #tpu.memory_space<vmem_shared>>
        %dma_start3A_227 = arith.constant 0 : i32
        %dma_start3A_228 = tpu.memref_slice %arg7[%add3A_212, %dma_start3A_227] : memref<50000x32xf32, #tpu.memory_space<vmem_shared>> -> memref<400x32xf32, #tpu.memory_space<vmem_shared>>
        %dma_start3A_229 = arith.constant 0 : i32
        %dma_start3A_230 = arith.constant 0 : i32
        %dma_start3A_231 = tpu.memref_slice %arg9[%cond3A, %dma_start3A_229, %dma_start3A_230] : memref<2x400x32xf32, #tpu.memory_space<vmem>> -> memref<1x400x32xf32, #tpu.memory_space<vmem>>
        %dma_start3A_232 = tpu.memref_squeeze %dma_start3A_231 : memref<1x400x32xf32, #tpu.memory_space<vmem>> -> memref<400x32xf32, #tpu.memory_space<vmem>>
        tpu.enqueue_dma source(%dma_start3A_232 : memref<400x32xf32, #tpu.memory_space<vmem>>) target(%dma_start3A_228 : memref<400x32xf32, #tpu.memory_space<vmem_shared>>) target_semaphore(%run_scoped3A : memref<!tpu.dma_semaphore, #tpu.memory_space<semaphore_mem>>)
        %dma_wait3A_233 = arith.constant 0 : i32
        %dma_wait3A_234 = arith.constant 0 : i32
        %dma_wait3A_235 = tpu.memref_slice %arg9[%cond3A, %dma_wait3A_233, %dma_wait3A_234] : memref<2x400x32xf32, #tpu.memory_space<vmem>> -> memref<1x400x32xf32, #tpu.memory_space<vmem>>
        %dma_wait3A_236 = tpu.memref_squeeze %dma_wait3A_235 : memref<1x400x32xf32, #tpu.memory_space<vmem>> -> memref<400x32xf32, #tpu.memory_space<vmem>>
        %dma_wait3A_237 = arith.constant 0 : i32
        %dma_wait3A_238 = tpu.memref_slice %arg7[%add3A_212, %dma_wait3A_237] : memref<50000x32xf32, #tpu.memory_space<vmem_shared>> -> memref<400x32xf32, #tpu.memory_space<vmem_shared>>
        %dma_wait3A_239 = arith.constant 0 : i32
        %dma_wait3A_240 = tpu.memref_slice %arg7[%add3A_212, %dma_wait3A_239] : memref<50000x32xf32, #tpu.memory_space<vmem_shared>> -> memref<400x32xf32, #tpu.memory_space<vmem_shared>>
        %dma_wait3A_241 = arith.constant 0 : i32
        %dma_wait3A_242 = arith.constant 0 : i32
        %dma_wait3A_243 = tpu.memref_slice %arg9[%cond3A, %dma_wait3A_241, %dma_wait3A_242] : memref<2x400x32xf32, #tpu.memory_space<vmem>> -> memref<1x400x32xf32, #tpu.memory_space<vmem>>
        %dma_wait3A_244 = tpu.memref_squeeze %dma_wait3A_243 : memref<1x400x32xf32, #tpu.memory_space<vmem>> -> memref<400x32xf32, #tpu.memory_space<vmem>>
        tpu.wait_dma2 semaphore(%run_scoped3A : memref<!tpu.dma_semaphore, #tpu.memory_space<semaphore_mem>>) src(%dma_wait3A_244 : memref<400x32xf32, #tpu.memory_space<vmem>>) dst(%dma_wait3A_240 : memref<400x32xf32, #tpu.memory_space<vmem_shared>>)
        tpu.yield
      }) : () -> ()
      %add3A_213 = arith.constant 1600 : i32
      %add3A_214 = arith.addi %mul3A_8, %add3A_213 : i32
      "tpu.region"() ({
        %run_scoped3A = tpu.sem_alloc : memref<!tpu.dma_semaphore, #tpu.memory_space<semaphore_mem>>
        %dma_start3A_221 = arith.constant 0 : i32
        %dma_start3A_222 = arith.constant 0 : i32
        %dma_start3A_223 = tpu.memref_slice %arg9[%cond3A, %dma_start3A_221, %dma_start3A_222] : memref<2x400x32xf32, #tpu.memory_space<vmem>> -> memref<1x400x32xf32, #tpu.memory_space<vmem>>
        %dma_start3A_224 = tpu.memref_squeeze %dma_start3A_223 : memref<1x400x32xf32, #tpu.memory_space<vmem>> -> memref<400x32xf32, #tpu.memory_space<vmem>>
        %dma_start3A_225 = arith.constant 0 : i32
        %dma_start3A_226 = tpu.memref_slice %arg7[%add3A_214, %dma_start3A_225] : memref<50000x32xf32, #tpu.memory_space<vmem_shared>> -> memref<400x32xf32, #tpu.memory_space<vmem_shared>>
        %dma_start3A_227 = arith.constant 0 : i32
        %dma_start3A_228 = tpu.memref_slice %arg7[%add3A_214, %dma_start3A_227] : memref<50000x32xf32, #tpu.memory_space<vmem_shared>> -> memref<400x32xf32, #tpu.memory_space<vmem_shared>>
        %dma_start3A_229 = arith.constant 0 : i32
        %dma_start3A_230 = arith.constant 0 : i32
        %dma_start3A_231 = tpu.memref_slice %arg9[%cond3A, %dma_start3A_229, %dma_start3A_230] : memref<2x400x32xf32, #tpu.memory_space<vmem>> -> memref<1x400x32xf32, #tpu.memory_space<vmem>>
        %dma_start3A_232 = tpu.memref_squeeze %dma_start3A_231 : memref<1x400x32xf32, #tpu.memory_space<vmem>> -> memref<400x32xf32, #tpu.memory_space<vmem>>
        tpu.enqueue_dma source(%dma_start3A_232 : memref<400x32xf32, #tpu.memory_space<vmem>>) target(%dma_start3A_228 : memref<400x32xf32, #tpu.memory_space<vmem_shared>>) target_semaphore(%run_scoped3A : memref<!tpu.dma_semaphore, #tpu.memory_space<semaphore_mem>>)
        %dma_wait3A_233 = arith.constant 0 : i32
        %dma_wait3A_234 = arith.constant 0 : i32
        %dma_wait3A_235 = tpu.memref_slice %arg9[%cond3A, %dma_wait3A_233, %dma_wait3A_234] : memref<2x400x32xf32, #tpu.memory_space<vmem>> -> memref<1x400x32xf32, #tpu.memory_space<vmem>>
        %dma_wait3A_236 = tpu.memref_squeeze %dma_wait3A_235 : memref<1x400x32xf32, #tpu.memory_space<vmem>> -> memref<400x32xf32, #tpu.memory_space<vmem>>
        %dma_wait3A_237 = arith.constant 0 : i32
        %dma_wait3A_238 = tpu.memref_slice %arg7[%add3A_214, %dma_wait3A_237] : memref<50000x32xf32, #tpu.memory_space<vmem_shared>> -> memref<400x32xf32, #tpu.memory_space<vmem_shared>>
        %dma_wait3A_239 = arith.constant 0 : i32
        %dma_wait3A_240 = tpu.memref_slice %arg7[%add3A_214, %dma_wait3A_239] : memref<50000x32xf32, #tpu.memory_space<vmem_shared>> -> memref<400x32xf32, #tpu.memory_space<vmem_shared>>
        %dma_wait3A_241 = arith.constant 0 : i32
        %dma_wait3A_242 = arith.constant 0 : i32
        %dma_wait3A_243 = tpu.memref_slice %arg9[%cond3A, %dma_wait3A_241, %dma_wait3A_242] : memref<2x400x32xf32, #tpu.memory_space<vmem>> -> memref<1x400x32xf32, #tpu.memory_space<vmem>>
        %dma_wait3A_244 = tpu.memref_squeeze %dma_wait3A_243 : memref<1x400x32xf32, #tpu.memory_space<vmem>> -> memref<400x32xf32, #tpu.memory_space<vmem>>
        tpu.wait_dma2 semaphore(%run_scoped3A : memref<!tpu.dma_semaphore, #tpu.memory_space<semaphore_mem>>) src(%dma_wait3A_244 : memref<400x32xf32, #tpu.memory_space<vmem>>) dst(%dma_wait3A_240 : memref<400x32xf32, #tpu.memory_space<vmem_shared>>)
        tpu.yield
      }) : () -> ()
      %add3A_215 = arith.constant 2000 : i32
      %add3A_216 = arith.addi %mul3A_8, %add3A_215 : i32
      "tpu.region"() ({
        %run_scoped3A = tpu.sem_alloc : memref<!tpu.dma_semaphore, #tpu.memory_space<semaphore_mem>>
        %dma_start3A_221 = arith.constant 0 : i32
        %dma_start3A_222 = arith.constant 0 : i32
        %dma_start3A_223 = tpu.memref_slice %arg9[%cond3A, %dma_start3A_221, %dma_start3A_222] : memref<2x400x32xf32, #tpu.memory_space<vmem>> -> memref<1x400x32xf32, #tpu.memory_space<vmem>>
        %dma_start3A_224 = tpu.memref_squeeze %dma_start3A_223 : memref<1x400x32xf32, #tpu.memory_space<vmem>> -> memref<400x32xf32, #tpu.memory_space<vmem>>
        %dma_start3A_225 = arith.constant 0 : i32
        %dma_start3A_226 = tpu.memref_slice %arg7[%add3A_216, %dma_start3A_225] : memref<50000x32xf32, #tpu.memory_space<vmem_shared>> -> memref<400x32xf32, #tpu.memory_space<vmem_shared>>
        %dma_start3A_227 = arith.constant 0 : i32
        %dma_start3A_228 = tpu.memref_slice %arg7[%add3A_216, %dma_start3A_227] : memref<50000x32xf32, #tpu.memory_space<vmem_shared>> -> memref<400x32xf32, #tpu.memory_space<vmem_shared>>
        %dma_start3A_229 = arith.constant 0 : i32
        %dma_start3A_230 = arith.constant 0 : i32
        %dma_start3A_231 = tpu.memref_slice %arg9[%cond3A, %dma_start3A_229, %dma_start3A_230] : memref<2x400x32xf32, #tpu.memory_space<vmem>> -> memref<1x400x32xf32, #tpu.memory_space<vmem>>
        %dma_start3A_232 = tpu.memref_squeeze %dma_start3A_231 : memref<1x400x32xf32, #tpu.memory_space<vmem>> -> memref<400x32xf32, #tpu.memory_space<vmem>>
        tpu.enqueue_dma source(%dma_start3A_232 : memref<400x32xf32, #tpu.memory_space<vmem>>) target(%dma_start3A_228 : memref<400x32xf32, #tpu.memory_space<vmem_shared>>) target_semaphore(%run_scoped3A : memref<!tpu.dma_semaphore, #tpu.memory_space<semaphore_mem>>)
        %dma_wait3A_233 = arith.constant 0 : i32
        %dma_wait3A_234 = arith.constant 0 : i32
        %dma_wait3A_235 = tpu.memref_slice %arg9[%cond3A, %dma_wait3A_233, %dma_wait3A_234] : memref<2x400x32xf32, #tpu.memory_space<vmem>> -> memref<1x400x32xf32, #tpu.memory_space<vmem>>
        %dma_wait3A_236 = tpu.memref_squeeze %dma_wait3A_235 : memref<1x400x32xf32, #tpu.memory_space<vmem>> -> memref<400x32xf32, #tpu.memory_space<vmem>>
        %dma_wait3A_237 = arith.constant 0 : i32
        %dma_wait3A_238 = tpu.memref_slice %arg7[%add3A_216, %dma_wait3A_237] : memref<50000x32xf32, #tpu.memory_space<vmem_shared>> -> memref<400x32xf32, #tpu.memory_space<vmem_shared>>
        %dma_wait3A_239 = arith.constant 0 : i32
        %dma_wait3A_240 = tpu.memref_slice %arg7[%add3A_216, %dma_wait3A_239] : memref<50000x32xf32, #tpu.memory_space<vmem_shared>> -> memref<400x32xf32, #tpu.memory_space<vmem_shared>>
        %dma_wait3A_241 = arith.constant 0 : i32
        %dma_wait3A_242 = arith.constant 0 : i32
        %dma_wait3A_243 = tpu.memref_slice %arg9[%cond3A, %dma_wait3A_241, %dma_wait3A_242] : memref<2x400x32xf32, #tpu.memory_space<vmem>> -> memref<1x400x32xf32, #tpu.memory_space<vmem>>
        %dma_wait3A_244 = tpu.memref_squeeze %dma_wait3A_243 : memref<1x400x32xf32, #tpu.memory_space<vmem>> -> memref<400x32xf32, #tpu.memory_space<vmem>>
        tpu.wait_dma2 semaphore(%run_scoped3A : memref<!tpu.dma_semaphore, #tpu.memory_space<semaphore_mem>>) src(%dma_wait3A_244 : memref<400x32xf32, #tpu.memory_space<vmem>>) dst(%dma_wait3A_240 : memref<400x32xf32, #tpu.memory_space<vmem_shared>>)
        tpu.yield
      }) : () -> ()
      %add3A_217 = arith.constant 2400 : i32
      %add3A_218 = arith.addi %mul3A_8, %add3A_217 : i32
      "tpu.region"() ({
        %run_scoped3A = tpu.sem_alloc : memref<!tpu.dma_semaphore, #tpu.memory_space<semaphore_mem>>
        %dma_start3A_221 = arith.constant 0 : i32
        %dma_start3A_222 = arith.constant 0 : i32
        %dma_start3A_223 = tpu.memref_slice %arg9[%cond3A, %dma_start3A_221, %dma_start3A_222] : memref<2x400x32xf32, #tpu.memory_space<vmem>> -> memref<1x400x32xf32, #tpu.memory_space<vmem>>
        %dma_start3A_224 = tpu.memref_squeeze %dma_start3A_223 : memref<1x400x32xf32, #tpu.memory_space<vmem>> -> memref<400x32xf32, #tpu.memory_space<vmem>>
        %dma_start3A_225 = arith.constant 0 : i32
        %dma_start3A_226 = tpu.memref_slice %arg7[%add3A_218, %dma_start3A_225] : memref<50000x32xf32, #tpu.memory_space<vmem_shared>> -> memref<400x32xf32, #tpu.memory_space<vmem_shared>>
        %dma_start3A_227 = arith.constant 0 : i32
        %dma_start3A_228 = tpu.memref_slice %arg7[%add3A_218, %dma_start3A_227] : memref<50000x32xf32, #tpu.memory_space<vmem_shared>> -> memref<400x32xf32, #tpu.memory_space<vmem_shared>>
        %dma_start3A_229 = arith.constant 0 : i32
        %dma_start3A_230 = arith.constant 0 : i32
        %dma_start3A_231 = tpu.memref_slice %arg9[%cond3A, %dma_start3A_229, %dma_start3A_230] : memref<2x400x32xf32, #tpu.memory_space<vmem>> -> memref<1x400x32xf32, #tpu.memory_space<vmem>>
        %dma_start3A_232 = tpu.memref_squeeze %dma_start3A_231 : memref<1x400x32xf32, #tpu.memory_space<vmem>> -> memref<400x32xf32, #tpu.memory_space<vmem>>
        tpu.enqueue_dma source(%dma_start3A_232 : memref<400x32xf32, #tpu.memory_space<vmem>>) target(%dma_start3A_228 : memref<400x32xf32, #tpu.memory_space<vmem_shared>>) target_semaphore(%run_scoped3A : memref<!tpu.dma_semaphore, #tpu.memory_space<semaphore_mem>>)
        %dma_wait3A_233 = arith.constant 0 : i32
        %dma_wait3A_234 = arith.constant 0 : i32
        %dma_wait3A_235 = tpu.memref_slice %arg9[%cond3A, %dma_wait3A_233, %dma_wait3A_234] : memref<2x400x32xf32, #tpu.memory_space<vmem>> -> memref<1x400x32xf32, #tpu.memory_space<vmem>>
        %dma_wait3A_236 = tpu.memref_squeeze %dma_wait3A_235 : memref<1x400x32xf32, #tpu.memory_space<vmem>> -> memref<400x32xf32, #tpu.memory_space<vmem>>
        %dma_wait3A_237 = arith.constant 0 : i32
        %dma_wait3A_238 = tpu.memref_slice %arg7[%add3A_218, %dma_wait3A_237] : memref<50000x32xf32, #tpu.memory_space<vmem_shared>> -> memref<400x32xf32, #tpu.memory_space<vmem_shared>>
        %dma_wait3A_239 = arith.constant 0 : i32
        %dma_wait3A_240 = tpu.memref_slice %arg7[%add3A_218, %dma_wait3A_239] : memref<50000x32xf32, #tpu.memory_space<vmem_shared>> -> memref<400x32xf32, #tpu.memory_space<vmem_shared>>
        %dma_wait3A_241 = arith.constant 0 : i32
        %dma_wait3A_242 = arith.constant 0 : i32
        %dma_wait3A_243 = tpu.memref_slice %arg9[%cond3A, %dma_wait3A_241, %dma_wait3A_242] : memref<2x400x32xf32, #tpu.memory_space<vmem>> -> memref<1x400x32xf32, #tpu.memory_space<vmem>>
        %dma_wait3A_244 = tpu.memref_squeeze %dma_wait3A_243 : memref<1x400x32xf32, #tpu.memory_space<vmem>> -> memref<400x32xf32, #tpu.memory_space<vmem>>
        tpu.wait_dma2 semaphore(%run_scoped3A : memref<!tpu.dma_semaphore, #tpu.memory_space<semaphore_mem>>) src(%dma_wait3A_244 : memref<400x32xf32, #tpu.memory_space<vmem>>) dst(%dma_wait3A_240 : memref<400x32xf32, #tpu.memory_space<vmem_shared>>)
        tpu.yield
      }) : () -> ()
      %add3A_219 = arith.constant 2800 : i32
      %add3A_220 = arith.addi %mul3A_8, %add3A_219 : i32
      "tpu.region"() ({
        %run_scoped3A = tpu.sem_alloc : memref<!tpu.dma_semaphore, #tpu.memory_space<semaphore_mem>>
        %dma_start3A_221 = arith.constant 0 : i32
        %dma_start3A_222 = arith.constant 0 : i32
        %dma_start3A_223 = tpu.memref_slice %arg9[%cond3A, %dma_start3A_221, %dma_start3A_222] : memref<2x400x32xf32, #tpu.memory_space<vmem>> -> memref<1x400x32xf32, #tpu.memory_space<vmem>>
        %dma_start3A_224 = tpu.memref_squeeze %dma_start3A_223 : memref<1x400x32xf32, #tpu.memory_space<vmem>> -> memref<400x32xf32, #tpu.memory_space<vmem>>
        %dma_start3A_225 = arith.constant 0 : i32
        %dma_start3A_226 = tpu.memref_slice %arg7[%add3A_220, %dma_start3A_225] : memref<50000x32xf32, #tpu.memory_space<vmem_shared>> -> memref<400x32xf32, #tpu.memory_space<vmem_shared>>
        %dma_start3A_227 = arith.constant 0 : i32
        %dma_start3A_228 = tpu.memref_slice %arg7[%add3A_220, %dma_start3A_227] : memref<50000x32xf32, #tpu.memory_space<vmem_shared>> -> memref<400x32xf32, #tpu.memory_space<vmem_shared>>
        %dma_start3A_229 = arith.constant 0 : i32
        %dma_start3A_230 = arith.constant 0 : i32
        %dma_start3A_231 = tpu.memref_slice %arg9[%cond3A, %dma_start3A_229, %dma_start3A_230] : memref<2x400x32xf32, #tpu.memory_space<vmem>> -> memref<1x400x32xf32, #tpu.memory_space<vmem>>
        %dma_start3A_232 = tpu.memref_squeeze %dma_start3A_231 : memref<1x400x32xf32, #tpu.memory_space<vmem>> -> memref<400x32xf32, #tpu.memory_space<vmem>>
        tpu.enqueue_dma source(%dma_start3A_232 : memref<400x32xf32, #tpu.memory_space<vmem>>) target(%dma_start3A_228 : memref<400x32xf32, #tpu.memory_space<vmem_shared>>) target_semaphore(%run_scoped3A : memref<!tpu.dma_semaphore, #tpu.memory_space<semaphore_mem>>)
        %dma_wait3A_233 = arith.constant 0 : i32
        %dma_wait3A_234 = arith.constant 0 : i32
        %dma_wait3A_235 = tpu.memref_slice %arg9[%cond3A, %dma_wait3A_233, %dma_wait3A_234] : memref<2x400x32xf32, #tpu.memory_space<vmem>> -> memref<1x400x32xf32, #tpu.memory_space<vmem>>
        %dma_wait3A_236 = tpu.memref_squeeze %dma_wait3A_235 : memref<1x400x32xf32, #tpu.memory_space<vmem>> -> memref<400x32xf32, #tpu.memory_space<vmem>>
        %dma_wait3A_237 = arith.constant 0 : i32
        %dma_wait3A_238 = tpu.memref_slice %arg7[%add3A_220, %dma_wait3A_237] : memref<50000x32xf32, #tpu.memory_space<vmem_shared>> -> memref<400x32xf32, #tpu.memory_space<vmem_shared>>
        %dma_wait3A_239 = arith.constant 0 : i32
        %dma_wait3A_240 = tpu.memref_slice %arg7[%add3A_220, %dma_wait3A_239] : memref<50000x32xf32, #tpu.memory_space<vmem_shared>> -> memref<400x32xf32, #tpu.memory_space<vmem_shared>>
        %dma_wait3A_241 = arith.constant 0 : i32
        %dma_wait3A_242 = arith.constant 0 : i32
        %dma_wait3A_243 = tpu.memref_slice %arg9[%cond3A, %dma_wait3A_241, %dma_wait3A_242] : memref<2x400x32xf32, #tpu.memory_space<vmem>> -> memref<1x400x32xf32, #tpu.memory_space<vmem>>
        %dma_wait3A_244 = tpu.memref_squeeze %dma_wait3A_243 : memref<1x400x32xf32, #tpu.memory_space<vmem>> -> memref<400x32xf32, #tpu.memory_space<vmem>>
        tpu.wait_dma2 semaphore(%run_scoped3A : memref<!tpu.dma_semaphore, #tpu.memory_space<semaphore_mem>>) src(%dma_wait3A_244 : memref<400x32xf32, #tpu.memory_space<vmem>>) dst(%dma_wait3A_240 : memref<400x32xf32, #tpu.memory_space<vmem_shared>>)
        tpu.yield
      }) : () -> ()
    } else {
    }
    %eq3A = arith.constant 15 : i32
    %eq3A_12 = arith.cmpi eq, %arg1, %eq3A : i32
    %convert_element_type3A_13 = arith.extui %eq3A_12 : i1 to i32
    %cond3A_14 = arith.constant 0 : i32
    %cond3A_15 = arith.constant 0 : i32
    %cond3A_16 = arith.cmpi ne, %convert_element_type3A_13, %cond3A_15 : i32
    scf.if %cond3A_16 {
      %add3A_205 = arith.constant 0 : i32
      %add3A_206 = arith.addi %mul3A_8, %add3A_205 : i32
      "tpu.region"() ({
        %run_scoped3A = tpu.sem_alloc : memref<!tpu.dma_semaphore, #tpu.memory_space<semaphore_mem>>
        %dma_start3A_215 = arith.constant 0 : i32
        %dma_start3A_216 = arith.constant 0 : i32
        %dma_start3A_217 = tpu.memref_slice %arg9[%cond3A_14, %dma_start3A_215, %dma_start3A_216] : memref<2x400x32xf32, #tpu.memory_space<vmem>> -> memref<1x400x32xf32, #tpu.memory_space<vmem>>
        %dma_start3A_218 = tpu.memref_squeeze %dma_start3A_217 : memref<1x400x32xf32, #tpu.memory_space<vmem>> -> memref<400x32xf32, #tpu.memory_space<vmem>>
        %dma_start3A_219 = arith.constant 0 : i32
        %dma_start3A_220 = tpu.memref_slice %arg7[%add3A_206, %dma_start3A_219] : memref<50000x32xf32, #tpu.memory_space<vmem_shared>> -> memref<400x32xf32, #tpu.memory_space<vmem_shared>>
        %dma_start3A_221 = arith.constant 0 : i32
        %dma_start3A_222 = tpu.memref_slice %arg7[%add3A_206, %dma_start3A_221] : memref<50000x32xf32, #tpu.memory_space<vmem_shared>> -> memref<400x32xf32, #tpu.memory_space<vmem_shared>>
        %dma_start3A_223 = arith.constant 0 : i32
        %dma_start3A_224 = arith.constant 0 : i32
        %dma_start3A_225 = tpu.memref_slice %arg9[%cond3A_14, %dma_start3A_223, %dma_start3A_224] : memref<2x400x32xf32, #tpu.memory_space<vmem>> -> memref<1x400x32xf32, #tpu.memory_space<vmem>>
        %dma_start3A_226 = tpu.memref_squeeze %dma_start3A_225 : memref<1x400x32xf32, #tpu.memory_space<vmem>> -> memref<400x32xf32, #tpu.memory_space<vmem>>
        tpu.enqueue_dma source(%dma_start3A_226 : memref<400x32xf32, #tpu.memory_space<vmem>>) target(%dma_start3A_222 : memref<400x32xf32, #tpu.memory_space<vmem_shared>>) target_semaphore(%run_scoped3A : memref<!tpu.dma_semaphore, #tpu.memory_space<semaphore_mem>>)
        %dma_wait3A_227 = arith.constant 0 : i32
        %dma_wait3A_228 = arith.constant 0 : i32
        %dma_wait3A_229 = tpu.memref_slice %arg9[%cond3A_14, %dma_wait3A_227, %dma_wait3A_228] : memref<2x400x32xf32, #tpu.memory_space<vmem>> -> memref<1x400x32xf32, #tpu.memory_space<vmem>>
        %dma_wait3A_230 = tpu.memref_squeeze %dma_wait3A_229 : memref<1x400x32xf32, #tpu.memory_space<vmem>> -> memref<400x32xf32, #tpu.memory_space<vmem>>
        %dma_wait3A_231 = arith.constant 0 : i32
        %dma_wait3A_232 = tpu.memref_slice %arg7[%add3A_206, %dma_wait3A_231] : memref<50000x32xf32, #tpu.memory_space<vmem_shared>> -> memref<400x32xf32, #tpu.memory_space<vmem_shared>>
        %dma_wait3A_233 = arith.constant 0 : i32
        %dma_wait3A_234 = tpu.memref_slice %arg7[%add3A_206, %dma_wait3A_233] : memref<50000x32xf32, #tpu.memory_space<vmem_shared>> -> memref<400x32xf32, #tpu.memory_space<vmem_shared>>
        %dma_wait3A_235 = arith.constant 0 : i32
        %dma_wait3A_236 = arith.constant 0 : i32
        %dma_wait3A_237 = tpu.memref_slice %arg9[%cond3A_14, %dma_wait3A_235, %dma_wait3A_236] : memref<2x400x32xf32, #tpu.memory_space<vmem>> -> memref<1x400x32xf32, #tpu.memory_space<vmem>>
        %dma_wait3A_238 = tpu.memref_squeeze %dma_wait3A_237 : memref<1x400x32xf32, #tpu.memory_space<vmem>> -> memref<400x32xf32, #tpu.memory_space<vmem>>
        tpu.wait_dma2 semaphore(%run_scoped3A : memref<!tpu.dma_semaphore, #tpu.memory_space<semaphore_mem>>) src(%dma_wait3A_238 : memref<400x32xf32, #tpu.memory_space<vmem>>) dst(%dma_wait3A_234 : memref<400x32xf32, #tpu.memory_space<vmem_shared>>)
        tpu.yield
      }) : () -> ()
      %add3A_207 = arith.constant 400 : i32
      %add3A_208 = arith.addi %mul3A_8, %add3A_207 : i32
      "tpu.region"() ({
        %run_scoped3A = tpu.sem_alloc : memref<!tpu.dma_semaphore, #tpu.memory_space<semaphore_mem>>
        %dma_start3A_215 = arith.constant 0 : i32
        %dma_start3A_216 = arith.constant 0 : i32
        %dma_start3A_217 = tpu.memref_slice %arg9[%cond3A_14, %dma_start3A_215, %dma_start3A_216] : memref<2x400x32xf32, #tpu.memory_space<vmem>> -> memref<1x400x32xf32, #tpu.memory_space<vmem>>
        %dma_start3A_218 = tpu.memref_squeeze %dma_start3A_217 : memref<1x400x32xf32, #tpu.memory_space<vmem>> -> memref<400x32xf32, #tpu.memory_space<vmem>>
        %dma_start3A_219 = arith.constant 0 : i32
        %dma_start3A_220 = tpu.memref_slice %arg7[%add3A_208, %dma_start3A_219] : memref<50000x32xf32, #tpu.memory_space<vmem_shared>> -> memref<400x32xf32, #tpu.memory_space<vmem_shared>>
        %dma_start3A_221 = arith.constant 0 : i32
        %dma_start3A_222 = tpu.memref_slice %arg7[%add3A_208, %dma_start3A_221] : memref<50000x32xf32, #tpu.memory_space<vmem_shared>> -> memref<400x32xf32, #tpu.memory_space<vmem_shared>>
        %dma_start3A_223 = arith.constant 0 : i32
        %dma_start3A_224 = arith.constant 0 : i32
        %dma_start3A_225 = tpu.memref_slice %arg9[%cond3A_14, %dma_start3A_223, %dma_start3A_224] : memref<2x400x32xf32, #tpu.memory_space<vmem>> -> memref<1x400x32xf32, #tpu.memory_space<vmem>>
        %dma_start3A_226 = tpu.memref_squeeze %dma_start3A_225 : memref<1x400x32xf32, #tpu.memory_space<vmem>> -> memref<400x32xf32, #tpu.memory_space<vmem>>
        tpu.enqueue_dma source(%dma_start3A_226 : memref<400x32xf32, #tpu.memory_space<vmem>>) target(%dma_start3A_222 : memref<400x32xf32, #tpu.memory_space<vmem_shared>>) target_semaphore(%run_scoped3A : memref<!tpu.dma_semaphore, #tpu.memory_space<semaphore_mem>>)
        %dma_wait3A_227 = arith.constant 0 : i32
        %dma_wait3A_228 = arith.constant 0 : i32
        %dma_wait3A_229 = tpu.memref_slice %arg9[%cond3A_14, %dma_wait3A_227, %dma_wait3A_228] : memref<2x400x32xf32, #tpu.memory_space<vmem>> -> memref<1x400x32xf32, #tpu.memory_space<vmem>>
        %dma_wait3A_230 = tpu.memref_squeeze %dma_wait3A_229 : memref<1x400x32xf32, #tpu.memory_space<vmem>> -> memref<400x32xf32, #tpu.memory_space<vmem>>
        %dma_wait3A_231 = arith.constant 0 : i32
        %dma_wait3A_232 = tpu.memref_slice %arg7[%add3A_208, %dma_wait3A_231] : memref<50000x32xf32, #tpu.memory_space<vmem_shared>> -> memref<400x32xf32, #tpu.memory_space<vmem_shared>>
        %dma_wait3A_233 = arith.constant 0 : i32
        %dma_wait3A_234 = tpu.memref_slice %arg7[%add3A_208, %dma_wait3A_233] : memref<50000x32xf32, #tpu.memory_space<vmem_shared>> -> memref<400x32xf32, #tpu.memory_space<vmem_shared>>
        %dma_wait3A_235 = arith.constant 0 : i32
        %dma_wait3A_236 = arith.constant 0 : i32
        %dma_wait3A_237 = tpu.memref_slice %arg9[%cond3A_14, %dma_wait3A_235, %dma_wait3A_236] : memref<2x400x32xf32, #tpu.memory_space<vmem>> -> memref<1x400x32xf32, #tpu.memory_space<vmem>>
        %dma_wait3A_238 = tpu.memref_squeeze %dma_wait3A_237 : memref<1x400x32xf32, #tpu.memory_space<vmem>> -> memref<400x32xf32, #tpu.memory_space<vmem>>
        tpu.wait_dma2 semaphore(%run_scoped3A : memref<!tpu.dma_semaphore, #tpu.memory_space<semaphore_mem>>) src(%dma_wait3A_238 : memref<400x32xf32, #tpu.memory_space<vmem>>) dst(%dma_wait3A_234 : memref<400x32xf32, #tpu.memory_space<vmem_shared>>)
        tpu.yield
      }) : () -> ()
      %add3A_209 = arith.constant 800 : i32
      %add3A_210 = arith.addi %mul3A_8, %add3A_209 : i32
      "tpu.region"() ({
        %run_scoped3A = tpu.sem_alloc : memref<!tpu.dma_semaphore, #tpu.memory_space<semaphore_mem>>
        %dma_start3A_215 = arith.constant 0 : i32
        %dma_start3A_216 = arith.constant 0 : i32
        %dma_start3A_217 = tpu.memref_slice %arg9[%cond3A_14, %dma_start3A_215, %dma_start3A_216] : memref<2x400x32xf32, #tpu.memory_space<vmem>> -> memref<1x400x32xf32, #tpu.memory_space<vmem>>
        %dma_start3A_218 = tpu.memref_squeeze %dma_start3A_217 : memref<1x400x32xf32, #tpu.memory_space<vmem>> -> memref<400x32xf32, #tpu.memory_space<vmem>>
        %dma_start3A_219 = arith.constant 0 : i32
        %dma_start3A_220 = tpu.memref_slice %arg7[%add3A_210, %dma_start3A_219] : memref<50000x32xf32, #tpu.memory_space<vmem_shared>> -> memref<400x32xf32, #tpu.memory_space<vmem_shared>>
        %dma_start3A_221 = arith.constant 0 : i32
        %dma_start3A_222 = tpu.memref_slice %arg7[%add3A_210, %dma_start3A_221] : memref<50000x32xf32, #tpu.memory_space<vmem_shared>> -> memref<400x32xf32, #tpu.memory_space<vmem_shared>>
        %dma_start3A_223 = arith.constant 0 : i32
        %dma_start3A_224 = arith.constant 0 : i32
        %dma_start3A_225 = tpu.memref_slice %arg9[%cond3A_14, %dma_start3A_223, %dma_start3A_224] : memref<2x400x32xf32, #tpu.memory_space<vmem>> -> memref<1x400x32xf32, #tpu.memory_space<vmem>>
        %dma_start3A_226 = tpu.memref_squeeze %dma_start3A_225 : memref<1x400x32xf32, #tpu.memory_space<vmem>> -> memref<400x32xf32, #tpu.memory_space<vmem>>
        tpu.enqueue_dma source(%dma_start3A_226 : memref<400x32xf32, #tpu.memory_space<vmem>>) target(%dma_start3A_222 : memref<400x32xf32, #tpu.memory_space<vmem_shared>>) target_semaphore(%run_scoped3A : memref<!tpu.dma_semaphore, #tpu.memory_space<semaphore_mem>>)
        %dma_wait3A_227 = arith.constant 0 : i32
        %dma_wait3A_228 = arith.constant 0 : i32
        %dma_wait3A_229 = tpu.memref_slice %arg9[%cond3A_14, %dma_wait3A_227, %dma_wait3A_228] : memref<2x400x32xf32, #tpu.memory_space<vmem>> -> memref<1x400x32xf32, #tpu.memory_space<vmem>>
        %dma_wait3A_230 = tpu.memref_squeeze %dma_wait3A_229 : memref<1x400x32xf32, #tpu.memory_space<vmem>> -> memref<400x32xf32, #tpu.memory_space<vmem>>
        %dma_wait3A_231 = arith.constant 0 : i32
        %dma_wait3A_232 = tpu.memref_slice %arg7[%add3A_210, %dma_wait3A_231] : memref<50000x32xf32, #tpu.memory_space<vmem_shared>> -> memref<400x32xf32, #tpu.memory_space<vmem_shared>>
        %dma_wait3A_233 = arith.constant 0 : i32
        %dma_wait3A_234 = tpu.memref_slice %arg7[%add3A_210, %dma_wait3A_233] : memref<50000x32xf32, #tpu.memory_space<vmem_shared>> -> memref<400x32xf32, #tpu.memory_space<vmem_shared>>
        %dma_wait3A_235 = arith.constant 0 : i32
        %dma_wait3A_236 = arith.constant 0 : i32
        %dma_wait3A_237 = tpu.memref_slice %arg9[%cond3A_14, %dma_wait3A_235, %dma_wait3A_236] : memref<2x400x32xf32, #tpu.memory_space<vmem>> -> memref<1x400x32xf32, #tpu.memory_space<vmem>>
        %dma_wait3A_238 = tpu.memref_squeeze %dma_wait3A_237 : memref<1x400x32xf32, #tpu.memory_space<vmem>> -> memref<400x32xf32, #tpu.memory_space<vmem>>
        tpu.wait_dma2 semaphore(%run_scoped3A : memref<!tpu.dma_semaphore, #tpu.memory_space<semaphore_mem>>) src(%dma_wait3A_238 : memref<400x32xf32, #tpu.memory_space<vmem>>) dst(%dma_wait3A_234 : memref<400x32xf32, #tpu.memory_space<vmem_shared>>)
        tpu.yield
      }) : () -> ()
      %add3A_211 = arith.constant 1200 : i32
      %add3A_212 = arith.addi %mul3A_8, %add3A_211 : i32
      "tpu.region"() ({
        %run_scoped3A = tpu.sem_alloc : memref<!tpu.dma_semaphore, #tpu.memory_space<semaphore_mem>>
        %dma_start3A_215 = arith.constant 0 : i32
        %dma_start3A_216 = arith.constant 0 : i32
        %dma_start3A_217 = tpu.memref_slice %arg9[%cond3A_14, %dma_start3A_215, %dma_start3A_216] : memref<2x400x32xf32, #tpu.memory_space<vmem>> -> memref<1x400x32xf32, #tpu.memory_space<vmem>>
        %dma_start3A_218 = tpu.memref_squeeze %dma_start3A_217 : memref<1x400x32xf32, #tpu.memory_space<vmem>> -> memref<400x32xf32, #tpu.memory_space<vmem>>
        %dma_start3A_219 = arith.constant 0 : i32
        %dma_start3A_220 = tpu.memref_slice %arg7[%add3A_212, %dma_start3A_219] : memref<50000x32xf32, #tpu.memory_space<vmem_shared>> -> memref<400x32xf32, #tpu.memory_space<vmem_shared>>
        %dma_start3A_221 = arith.constant 0 : i32
        %dma_start3A_222 = tpu.memref_slice %arg7[%add3A_212, %dma_start3A_221] : memref<50000x32xf32, #tpu.memory_space<vmem_shared>> -> memref<400x32xf32, #tpu.memory_space<vmem_shared>>
        %dma_start3A_223 = arith.constant 0 : i32
        %dma_start3A_224 = arith.constant 0 : i32
        %dma_start3A_225 = tpu.memref_slice %arg9[%cond3A_14, %dma_start3A_223, %dma_start3A_224] : memref<2x400x32xf32, #tpu.memory_space<vmem>> -> memref<1x400x32xf32, #tpu.memory_space<vmem>>
        %dma_start3A_226 = tpu.memref_squeeze %dma_start3A_225 : memref<1x400x32xf32, #tpu.memory_space<vmem>> -> memref<400x32xf32, #tpu.memory_space<vmem>>
        tpu.enqueue_dma source(%dma_start3A_226 : memref<400x32xf32, #tpu.memory_space<vmem>>) target(%dma_start3A_222 : memref<400x32xf32, #tpu.memory_space<vmem_shared>>) target_semaphore(%run_scoped3A : memref<!tpu.dma_semaphore, #tpu.memory_space<semaphore_mem>>)
        %dma_wait3A_227 = arith.constant 0 : i32
        %dma_wait3A_228 = arith.constant 0 : i32
        %dma_wait3A_229 = tpu.memref_slice %arg9[%cond3A_14, %dma_wait3A_227, %dma_wait3A_228] : memref<2x400x32xf32, #tpu.memory_space<vmem>> -> memref<1x400x32xf32, #tpu.memory_space<vmem>>
        %dma_wait3A_230 = tpu.memref_squeeze %dma_wait3A_229 : memref<1x400x32xf32, #tpu.memory_space<vmem>> -> memref<400x32xf32, #tpu.memory_space<vmem>>
        %dma_wait3A_231 = arith.constant 0 : i32
        %dma_wait3A_232 = tpu.memref_slice %arg7[%add3A_212, %dma_wait3A_231] : memref<50000x32xf32, #tpu.memory_space<vmem_shared>> -> memref<400x32xf32, #tpu.memory_space<vmem_shared>>
        %dma_wait3A_233 = arith.constant 0 : i32
        %dma_wait3A_234 = tpu.memref_slice %arg7[%add3A_212, %dma_wait3A_233] : memref<50000x32xf32, #tpu.memory_space<vmem_shared>> -> memref<400x32xf32, #tpu.memory_space<vmem_shared>>
        %dma_wait3A_235 = arith.constant 0 : i32
        %dma_wait3A_236 = arith.constant 0 : i32
        %dma_wait3A_237 = tpu.memref_slice %arg9[%cond3A_14, %dma_wait3A_235, %dma_wait3A_236] : memref<2x400x32xf32, #tpu.memory_space<vmem>> -> memref<1x400x32xf32, #tpu.memory_space<vmem>>
        %dma_wait3A_238 = tpu.memref_squeeze %dma_wait3A_237 : memref<1x400x32xf32, #tpu.memory_space<vmem>> -> memref<400x32xf32, #tpu.memory_space<vmem>>
        tpu.wait_dma2 semaphore(%run_scoped3A : memref<!tpu.dma_semaphore, #tpu.memory_space<semaphore_mem>>) src(%dma_wait3A_238 : memref<400x32xf32, #tpu.memory_space<vmem>>) dst(%dma_wait3A_234 : memref<400x32xf32, #tpu.memory_space<vmem_shared>>)
        tpu.yield
      }) : () -> ()
      %add3A_213 = arith.constant 1600 : i32
      %add3A_214 = arith.addi %mul3A_8, %add3A_213 : i32
      "tpu.region"() ({
        %run_scoped3A = tpu.sem_alloc : memref<!tpu.dma_semaphore, #tpu.memory_space<semaphore_mem>>
        %dma_start3A_215 = arith.constant 0 : i32
        %dma_start3A_216 = arith.constant 0 : i32
        %dma_start3A_217 = tpu.memref_slice %arg9[%cond3A_14, %dma_start3A_215, %dma_start3A_216] : memref<2x400x32xf32, #tpu.memory_space<vmem>> -> memref<1x400x32xf32, #tpu.memory_space<vmem>>
        %dma_start3A_218 = tpu.memref_squeeze %dma_start3A_217 : memref<1x400x32xf32, #tpu.memory_space<vmem>> -> memref<400x32xf32, #tpu.memory_space<vmem>>
        %dma_start3A_219 = arith.constant 0 : i32
        %dma_start3A_220 = tpu.memref_slice %arg7[%add3A_214, %dma_start3A_219] : memref<50000x32xf32, #tpu.memory_space<vmem_shared>> -> memref<400x32xf32, #tpu.memory_space<vmem_shared>>
        %dma_start3A_221 = arith.constant 0 : i32
        %dma_start3A_222 = tpu.memref_slice %arg7[%add3A_214, %dma_start3A_221] : memref<50000x32xf32, #tpu.memory_space<vmem_shared>> -> memref<400x32xf32, #tpu.memory_space<vmem_shared>>
        %dma_start3A_223 = arith.constant 0 : i32
        %dma_start3A_224 = arith.constant 0 : i32
        %dma_start3A_225 = tpu.memref_slice %arg9[%cond3A_14, %dma_start3A_223, %dma_start3A_224] : memref<2x400x32xf32, #tpu.memory_space<vmem>> -> memref<1x400x32xf32, #tpu.memory_space<vmem>>
        %dma_start3A_226 = tpu.memref_squeeze %dma_start3A_225 : memref<1x400x32xf32, #tpu.memory_space<vmem>> -> memref<400x32xf32, #tpu.memory_space<vmem>>
        tpu.enqueue_dma source(%dma_start3A_226 : memref<400x32xf32, #tpu.memory_space<vmem>>) target(%dma_start3A_222 : memref<400x32xf32, #tpu.memory_space<vmem_shared>>) target_semaphore(%run_scoped3A : memref<!tpu.dma_semaphore, #tpu.memory_space<semaphore_mem>>)
        %dma_wait3A_227 = arith.constant 0 : i32
        %dma_wait3A_228 = arith.constant 0 : i32
        %dma_wait3A_229 = tpu.memref_slice %arg9[%cond3A_14, %dma_wait3A_227, %dma_wait3A_228] : memref<2x400x32xf32, #tpu.memory_space<vmem>> -> memref<1x400x32xf32, #tpu.memory_space<vmem>>
        %dma_wait3A_230 = tpu.memref_squeeze %dma_wait3A_229 : memref<1x400x32xf32, #tpu.memory_space<vmem>> -> memref<400x32xf32, #tpu.memory_space<vmem>>
        %dma_wait3A_231 = arith.constant 0 : i32
        %dma_wait3A_232 = tpu.memref_slice %arg7[%add3A_214, %dma_wait3A_231] : memref<50000x32xf32, #tpu.memory_space<vmem_shared>> -> memref<400x32xf32, #tpu.memory_space<vmem_shared>>
        %dma_wait3A_233 = arith.constant 0 : i32
        %dma_wait3A_234 = tpu.memref_slice %arg7[%add3A_214, %dma_wait3A_233] : memref<50000x32xf32, #tpu.memory_space<vmem_shared>> -> memref<400x32xf32, #tpu.memory_space<vmem_shared>>
        %dma_wait3A_235 = arith.constant 0 : i32
        %dma_wait3A_236 = arith.constant 0 : i32
        %dma_wait3A_237 = tpu.memref_slice %arg9[%cond3A_14, %dma_wait3A_235, %dma_wait3A_236] : memref<2x400x32xf32, #tpu.memory_space<vmem>> -> memref<1x400x32xf32, #tpu.memory_space<vmem>>
        %dma_wait3A_238 = tpu.memref_squeeze %dma_wait3A_237 : memref<1x400x32xf32, #tpu.memory_space<vmem>> -> memref<400x32xf32, #tpu.memory_space<vmem>>
        tpu.wait_dma2 semaphore(%run_scoped3A : memref<!tpu.dma_semaphore, #tpu.memory_space<semaphore_mem>>) src(%dma_wait3A_238 : memref<400x32xf32, #tpu.memory_space<vmem>>) dst(%dma_wait3A_234 : memref<400x32xf32, #tpu.memory_space<vmem_shared>>)
        tpu.yield
      }) : () -> ()
    } else {
    }
    %barrier3A = arith.constant 0 : index
    tpu.barrier barrier_id(%barrier3A)
    %mul3A_17 = arith.constant 50000 : i32
    %mul3A_18 = arith.muli %arg1, %mul3A_17 : i32
    %add3A = arith.constant 0 : i32
    %add3A_19 = arith.addi %mul3A_18, %add3A : i32
    %dma_start3A = arith.constant 0 : i32
    %dma_start3A_20 = arith.constant 0 : i32
    %dma_start3A_21 = arith.constant 0 : i32
    %dma_start3A_22 = arith.constant 0 : i32
    %dma_start3A_23 = tpu.memref_slice %arg8[%dma_start3A_20, %dma_start3A_21, %dma_start3A_22] : memref<4x2x400xi32, #tpu.memory_space<vmem>> -> memref<1x1x400xi32, #tpu.memory_space<vmem>>
    %dma_start3A_24 = tpu.memref_squeeze %dma_start3A_23 : memref<1x1x400xi32, #tpu.memory_space<vmem>> -> memref<400xi32, #tpu.memory_space<vmem>>
    %dma_start3A_25 = tpu.memref_slice %arg4[%dma_start3A, %add3A_19] : memref<2x800000xi32, #tpu.memory_space<hbm>> -> memref<1x400xi32, #tpu.memory_space<hbm>>
    %dma_start3A_26 = tpu.memref_squeeze %dma_start3A_25 : memref<1x400xi32, #tpu.memory_space<hbm>> -> memref<400xi32, #tpu.memory_space<hbm>>
    %dma_start3A_27 = arith.constant 0 : i32
    %dma_start3A_28 = tpu.memref_slice %arg8[%dma_start3A_20, %dma_start3A_21, %dma_start3A_27] : memref<4x2x400xi32, #tpu.memory_space<vmem>> -> memref<1x1x400xi32, #tpu.memory_space<vmem>>
    %dma_start3A_29 = tpu.memref_squeeze %dma_start3A_28 : memref<1x1x400xi32, #tpu.memory_space<vmem>> -> memref<400xi32, #tpu.memory_space<vmem>>
    %dma_start3A_30 = tpu.memref_slice %arg4[%dma_start3A, %add3A_19] : memref<2x800000xi32, #tpu.memory_space<hbm>> -> memref<1x400xi32, #tpu.memory_space<hbm>>
    %dma_start3A_31 = tpu.memref_squeeze %dma_start3A_30 : memref<1x400xi32, #tpu.memory_space<hbm>> -> memref<400xi32, #tpu.memory_space<hbm>>
    tpu.enqueue_dma source(%dma_start3A_31 : memref<400xi32, #tpu.memory_space<hbm>>) target(%dma_start3A_29 : memref<400xi32, #tpu.memory_space<vmem>>) target_semaphore(%arg14 : memref<!tpu.dma_semaphore, #tpu.memory_space<semaphore_mem>>)
    %dma_start3A_32 = arith.constant 1 : i32
    %dma_start3A_33 = arith.constant 0 : i32
    %dma_start3A_34 = arith.constant 1 : i32
    %dma_start3A_35 = arith.constant 0 : i32
    %dma_start3A_36 = tpu.memref_slice %arg8[%dma_start3A_33, %dma_start3A_34, %dma_start3A_35] : memref<4x2x400xi32, #tpu.memory_space<vmem>> -> memref<1x1x400xi32, #tpu.memory_space<vmem>>
    %dma_start3A_37 = tpu.memref_squeeze %dma_start3A_36 : memref<1x1x400xi32, #tpu.memory_space<vmem>> -> memref<400xi32, #tpu.memory_space<vmem>>
    %dma_start3A_38 = tpu.memref_slice %arg4[%dma_start3A_32, %add3A_19] : memref<2x800000xi32, #tpu.memory_space<hbm>> -> memref<1x400xi32, #tpu.memory_space<hbm>>
    %dma_start3A_39 = tpu.memref_squeeze %dma_start3A_38 : memref<1x400xi32, #tpu.memory_space<hbm>> -> memref<400xi32, #tpu.memory_space<hbm>>
    %dma_start3A_40 = arith.constant 0 : i32
    %dma_start3A_41 = tpu.memref_slice %arg8[%dma_start3A_33, %dma_start3A_34, %dma_start3A_40] : memref<4x2x400xi32, #tpu.memory_space<vmem>> -> memref<1x1x400xi32, #tpu.memory_space<vmem>>
    %dma_start3A_42 = tpu.memref_squeeze %dma_start3A_41 : memref<1x1x400xi32, #tpu.memory_space<vmem>> -> memref<400xi32, #tpu.memory_space<vmem>>
    %dma_start3A_43 = tpu.memref_slice %arg4[%dma_start3A_32, %add3A_19] : memref<2x800000xi32, #tpu.memory_space<hbm>> -> memref<1x400xi32, #tpu.memory_space<hbm>>
    %dma_start3A_44 = tpu.memref_squeeze %dma_start3A_43 : memref<1x400xi32, #tpu.memory_space<hbm>> -> memref<400xi32, #tpu.memory_space<hbm>>
    tpu.enqueue_dma source(%dma_start3A_44 : memref<400xi32, #tpu.memory_space<hbm>>) target(%dma_start3A_42 : memref<400xi32, #tpu.memory_space<vmem>>) target_semaphore(%arg14 : memref<!tpu.dma_semaphore, #tpu.memory_space<semaphore_mem>>)
    %add3A_45 = arith.constant 400 : i32
    %add3A_46 = arith.addi %mul3A_18, %add3A_45 : i32
    %dma_start3A_47 = arith.constant 0 : i32
    %dma_start3A_48 = arith.constant 1 : i32
    %dma_start3A_49 = arith.constant 0 : i32
    %dma_start3A_50 = arith.constant 0 : i32
    %dma_start3A_51 = tpu.memref_slice %arg8[%dma_start3A_48, %dma_start3A_49, %dma_start3A_50] : memref<4x2x400xi32, #tpu.memory_space<vmem>> -> memref<1x1x400xi32, #tpu.memory_space<vmem>>
    %dma_start3A_52 = tpu.memref_squeeze %dma_start3A_51 : memref<1x1x400xi32, #tpu.memory_space<vmem>> -> memref<400xi32, #tpu.memory_space<vmem>>
    %dma_start3A_53 = tpu.memref_slice %arg4[%dma_start3A_47, %add3A_46] : memref<2x800000xi32, #tpu.memory_space<hbm>> -> memref<1x400xi32, #tpu.memory_space<hbm>>
    %dma_start3A_54 = tpu.memref_squeeze %dma_start3A_53 : memref<1x400xi32, #tpu.memory_space<hbm>> -> memref<400xi32, #tpu.memory_space<hbm>>
    %dma_start3A_55 = arith.constant 0 : i32
    %dma_start3A_56 = tpu.memref_slice %arg8[%dma_start3A_48, %dma_start3A_49, %dma_start3A_55] : memref<4x2x400xi32, #tpu.memory_space<vmem>> -> memref<1x1x400xi32, #tpu.memory_space<vmem>>
    %dma_start3A_57 = tpu.memref_squeeze %dma_start3A_56 : memref<1x1x400xi32, #tpu.memory_space<vmem>> -> memref<400xi32, #tpu.memory_space<vmem>>
    %dma_start3A_58 = tpu.memref_slice %arg4[%dma_start3A_47, %add3A_46] : memref<2x800000xi32, #tpu.memory_space<hbm>> -> memref<1x400xi32, #tpu.memory_space<hbm>>
    %dma_start3A_59 = tpu.memref_squeeze %dma_start3A_58 : memref<1x400xi32, #tpu.memory_space<hbm>> -> memref<400xi32, #tpu.memory_space<hbm>>
    tpu.enqueue_dma source(%dma_start3A_59 : memref<400xi32, #tpu.memory_space<hbm>>) target(%dma_start3A_57 : memref<400xi32, #tpu.memory_space<vmem>>) target_semaphore(%arg15 : memref<!tpu.dma_semaphore, #tpu.memory_space<semaphore_mem>>)
    %dma_start3A_60 = arith.constant 1 : i32
    %dma_start3A_61 = arith.constant 1 : i32
    %dma_start3A_62 = arith.constant 1 : i32
    %dma_start3A_63 = arith.constant 0 : i32
    %dma_start3A_64 = tpu.memref_slice %arg8[%dma_start3A_61, %dma_start3A_62, %dma_start3A_63] : memref<4x2x400xi32, #tpu.memory_space<vmem>> -> memref<1x1x400xi32, #tpu.memory_space<vmem>>
    %dma_start3A_65 = tpu.memref_squeeze %dma_start3A_64 : memref<1x1x400xi32, #tpu.memory_space<vmem>> -> memref<400xi32, #tpu.memory_space<vmem>>
    %dma_start3A_66 = tpu.memref_slice %arg4[%dma_start3A_60, %add3A_46] : memref<2x800000xi32, #tpu.memory_space<hbm>> -> memref<1x400xi32, #tpu.memory_space<hbm>>
    %dma_start3A_67 = tpu.memref_squeeze %dma_start3A_66 : memref<1x400xi32, #tpu.memory_space<hbm>> -> memref<400xi32, #tpu.memory_space<hbm>>
    %dma_start3A_68 = arith.constant 0 : i32
    %dma_start3A_69 = tpu.memref_slice %arg8[%dma_start3A_61, %dma_start3A_62, %dma_start3A_68] : memref<4x2x400xi32, #tpu.memory_space<vmem>> -> memref<1x1x400xi32, #tpu.memory_space<vmem>>
    %dma_start3A_70 = tpu.memref_squeeze %dma_start3A_69 : memref<1x1x400xi32, #tpu.memory_space<vmem>> -> memref<400xi32, #tpu.memory_space<vmem>>
    %dma_start3A_71 = tpu.memref_slice %arg4[%dma_start3A_60, %add3A_46] : memref<2x800000xi32, #tpu.memory_space<hbm>> -> memref<1x400xi32, #tpu.memory_space<hbm>>
    %dma_start3A_72 = tpu.memref_squeeze %dma_start3A_71 : memref<1x400xi32, #tpu.memory_space<hbm>> -> memref<400xi32, #tpu.memory_space<hbm>>
    tpu.enqueue_dma source(%dma_start3A_72 : memref<400xi32, #tpu.memory_space<hbm>>) target(%dma_start3A_70 : memref<400xi32, #tpu.memory_space<vmem>>) target_semaphore(%arg15 : memref<!tpu.dma_semaphore, #tpu.memory_space<semaphore_mem>>)
    %add3A_73 = arith.constant 800 : i32
    %add3A_74 = arith.addi %mul3A_18, %add3A_73 : i32
    %dma_start3A_75 = arith.constant 0 : i32
    %dma_start3A_76 = arith.constant 2 : i32
    %dma_start3A_77 = arith.constant 0 : i32
    %dma_start3A_78 = arith.constant 0 : i32
    %dma_start3A_79 = tpu.memref_slice %arg8[%dma_start3A_76, %dma_start3A_77, %dma_start3A_78] : memref<4x2x400xi32, #tpu.memory_space<vmem>> -> memref<1x1x400xi32, #tpu.memory_space<vmem>>
    %dma_start3A_80 = tpu.memref_squeeze %dma_start3A_79 : memref<1x1x400xi32, #tpu.memory_space<vmem>> -> memref<400xi32, #tpu.memory_space<vmem>>
    %dma_start3A_81 = tpu.memref_slice %arg4[%dma_start3A_75, %add3A_74] : memref<2x800000xi32, #tpu.memory_space<hbm>> -> memref<1x400xi32, #tpu.memory_space<hbm>>
    %dma_start3A_82 = tpu.memref_squeeze %dma_start3A_81 : memref<1x400xi32, #tpu.memory_space<hbm>> -> memref<400xi32, #tpu.memory_space<hbm>>
    %dma_start3A_83 = arith.constant 0 : i32
    %dma_start3A_84 = tpu.memref_slice %arg8[%dma_start3A_76, %dma_start3A_77, %dma_start3A_83] : memref<4x2x400xi32, #tpu.memory_space<vmem>> -> memref<1x1x400xi32, #tpu.memory_space<vmem>>
    %dma_start3A_85 = tpu.memref_squeeze %dma_start3A_84 : memref<1x1x400xi32, #tpu.memory_space<vmem>> -> memref<400xi32, #tpu.memory_space<vmem>>
    %dma_start3A_86 = tpu.memref_slice %arg4[%dma_start3A_75, %add3A_74] : memref<2x800000xi32, #tpu.memory_space<hbm>> -> memref<1x400xi32, #tpu.memory_space<hbm>>
    %dma_start3A_87 = tpu.memref_squeeze %dma_start3A_86 : memref<1x400xi32, #tpu.memory_space<hbm>> -> memref<400xi32, #tpu.memory_space<hbm>>
    tpu.enqueue_dma source(%dma_start3A_87 : memref<400xi32, #tpu.memory_space<hbm>>) target(%dma_start3A_85 : memref<400xi32, #tpu.memory_space<vmem>>) target_semaphore(%arg16 : memref<!tpu.dma_semaphore, #tpu.memory_space<semaphore_mem>>)
    %dma_start3A_88 = arith.constant 1 : i32
    %dma_start3A_89 = arith.constant 2 : i32
    %dma_start3A_90 = arith.constant 1 : i32
    %dma_start3A_91 = arith.constant 0 : i32
    %dma_start3A_92 = tpu.memref_slice %arg8[%dma_start3A_89, %dma_start3A_90, %dma_start3A_91] : memref<4x2x400xi32, #tpu.memory_space<vmem>> -> memref<1x1x400xi32, #tpu.memory_space<vmem>>
    %dma_start3A_93 = tpu.memref_squeeze %dma_start3A_92 : memref<1x1x400xi32, #tpu.memory_space<vmem>> -> memref<400xi32, #tpu.memory_space<vmem>>
    %dma_start3A_94 = tpu.memref_slice %arg4[%dma_start3A_88, %add3A_74] : memref<2x800000xi32, #tpu.memory_space<hbm>> -> memref<1x400xi32, #tpu.memory_space<hbm>>
    %dma_start3A_95 = tpu.memref_squeeze %dma_start3A_94 : memref<1x400xi32, #tpu.memory_space<hbm>> -> memref<400xi32, #tpu.memory_space<hbm>>
    %dma_start3A_96 = arith.constant 0 : i32
    %dma_start3A_97 = tpu.memref_slice %arg8[%dma_start3A_89, %dma_start3A_90, %dma_start3A_96] : memref<4x2x400xi32, #tpu.memory_space<vmem>> -> memref<1x1x400xi32, #tpu.memory_space<vmem>>
    %dma_start3A_98 = tpu.memref_squeeze %dma_start3A_97 : memref<1x1x400xi32, #tpu.memory_space<vmem>> -> memref<400xi32, #tpu.memory_space<vmem>>
    %dma_start3A_99 = tpu.memref_slice %arg4[%dma_start3A_88, %add3A_74] : memref<2x800000xi32, #tpu.memory_space<hbm>> -> memref<1x400xi32, #tpu.memory_space<hbm>>
    %dma_start3A_100 = tpu.memref_squeeze %dma_start3A_99 : memref<1x400xi32, #tpu.memory_space<hbm>> -> memref<400xi32, #tpu.memory_space<hbm>>
    tpu.enqueue_dma source(%dma_start3A_100 : memref<400xi32, #tpu.memory_space<hbm>>) target(%dma_start3A_98 : memref<400xi32, #tpu.memory_space<vmem>>) target_semaphore(%arg16 : memref<!tpu.dma_semaphore, #tpu.memory_space<semaphore_mem>>)
    %add3A_101 = arith.constant 0 : i32
    %add3A_102 = arith.addi %mul3A_18, %add3A_101 : i32
    %dma_wait3A = arith.constant 0 : i32
    %dma_wait3A_103 = arith.constant 0 : i32
    %dma_wait3A_104 = arith.constant 0 : i32
    %dma_wait3A_105 = arith.constant 0 : i32
    %dma_wait3A_106 = tpu.memref_slice %arg8[%dma_wait3A_103, %dma_wait3A_104, %dma_wait3A_105] : memref<4x2x400xi32, #tpu.memory_space<vmem>> -> memref<1x1x400xi32, #tpu.memory_space<vmem>>
    %dma_wait3A_107 = tpu.memref_squeeze %dma_wait3A_106 : memref<1x1x400xi32, #tpu.memory_space<vmem>> -> memref<400xi32, #tpu.memory_space<vmem>>
    %dma_wait3A_108 = tpu.memref_slice %arg4[%dma_wait3A, %add3A_102] : memref<2x800000xi32, #tpu.memory_space<hbm>> -> memref<1x400xi32, #tpu.memory_space<hbm>>
    %dma_wait3A_109 = tpu.memref_squeeze %dma_wait3A_108 : memref<1x400xi32, #tpu.memory_space<hbm>> -> memref<400xi32, #tpu.memory_space<hbm>>
    %dma_wait3A_110 = arith.constant 0 : i32
    %dma_wait3A_111 = tpu.memref_slice %arg8[%dma_wait3A_103, %dma_wait3A_104, %dma_wait3A_110] : memref<4x2x400xi32, #tpu.memory_space<vmem>> -> memref<1x1x400xi32, #tpu.memory_space<vmem>>
    %dma_wait3A_112 = tpu.memref_squeeze %dma_wait3A_111 : memref<1x1x400xi32, #tpu.memory_space<vmem>> -> memref<400xi32, #tpu.memory_space<vmem>>
    %dma_wait3A_113 = tpu.memref_slice %arg4[%dma_wait3A, %add3A_102] : memref<2x800000xi32, #tpu.memory_space<hbm>> -> memref<1x400xi32, #tpu.memory_space<hbm>>
    %dma_wait3A_114 = tpu.memref_squeeze %dma_wait3A_113 : memref<1x400xi32, #tpu.memory_space<hbm>> -> memref<400xi32, #tpu.memory_space<hbm>>
    tpu.wait_dma2 semaphore(%arg14 : memref<!tpu.dma_semaphore, #tpu.memory_space<semaphore_mem>>) src(%dma_wait3A_114 : memref<400xi32, #tpu.memory_space<hbm>>) dst(%dma_wait3A_112 : memref<400xi32, #tpu.memory_space<vmem>>)
    %dma_wait3A_115 = arith.constant 1 : i32
    %dma_wait3A_116 = arith.constant 0 : i32
    %dma_wait3A_117 = arith.constant 1 : i32
    %dma_wait3A_118 = arith.constant 0 : i32
    %dma_wait3A_119 = tpu.memref_slice %arg8[%dma_wait3A_116, %dma_wait3A_117, %dma_wait3A_118] : memref<4x2x400xi32, #tpu.memory_space<vmem>> -> memref<1x1x400xi32, #tpu.memory_space<vmem>>
    %dma_wait3A_120 = tpu.memref_squeeze %dma_wait3A_119 : memref<1x1x400xi32, #tpu.memory_space<vmem>> -> memref<400xi32, #tpu.memory_space<vmem>>
    %dma_wait3A_121 = tpu.memref_slice %arg4[%dma_wait3A_115, %add3A_102] : memref<2x800000xi32, #tpu.memory_space<hbm>> -> memref<1x400xi32, #tpu.memory_space<hbm>>
    %dma_wait3A_122 = tpu.memref_squeeze %dma_wait3A_121 : memref<1x400xi32, #tpu.memory_space<hbm>> -> memref<400xi32, #tpu.memory_space<hbm>>
    %dma_wait3A_123 = arith.constant 0 : i32
    %dma_wait3A_124 = tpu.memref_slice %arg8[%dma_wait3A_116, %dma_wait3A_117, %dma_wait3A_123] : memref<4x2x400xi32, #tpu.memory_space<vmem>> -> memref<1x1x400xi32, #tpu.memory_space<vmem>>
    %dma_wait3A_125 = tpu.memref_squeeze %dma_wait3A_124 : memref<1x1x400xi32, #tpu.memory_space<vmem>> -> memref<400xi32, #tpu.memory_space<vmem>>
    %dma_wait3A_126 = tpu.memref_slice %arg4[%dma_wait3A_115, %add3A_102] : memref<2x800000xi32, #tpu.memory_space<hbm>> -> memref<1x400xi32, #tpu.memory_space<hbm>>
    %dma_wait3A_127 = tpu.memref_squeeze %dma_wait3A_126 : memref<1x400xi32, #tpu.memory_space<hbm>> -> memref<400xi32, #tpu.memory_space<hbm>>
    tpu.wait_dma2 semaphore(%arg14 : memref<!tpu.dma_semaphore, #tpu.memory_space<semaphore_mem>>) src(%dma_wait3A_127 : memref<400xi32, #tpu.memory_space<hbm>>) dst(%dma_wait3A_125 : memref<400xi32, #tpu.memory_space<vmem>>)
    %eq3A_128 = arith.constant 0 : i32
    %eq3A_129 = arith.cmpi eq, %arg0, %eq3A_128 : i32
    %convert_element_type3A_130 = arith.extui %eq3A_129 : i1 to i32
    %cond3A_131 = arith.constant 0 : i32
    %cond3A_132 = arith.cmpi ne, %convert_element_type3A_130, %cond3A_131 : i32
    scf.if %cond3A_132 {
      %dma_start3A_205 = arith.constant 0 : i32
      %dma_start3A_206 = arith.constant 0 : i32
      %dma_start3A_207 = arith.constant 0 : i32
      %dma_start3A_208 = arith.constant 0 : i32
      %dma_start3A_209 = arith.constant 0 : i32
      %dma_start3A_210 = tpu.memref_slice %arg9[%dma_start3A_207, %dma_start3A_208, %dma_start3A_209] : memref<2x400x32xf32, #tpu.memory_space<vmem>> -> memref<1x400x32xf32, #tpu.memory_space<vmem>>
      %dma_start3A_211 = tpu.memref_squeeze %dma_start3A_210 : memref<1x400x32xf32, #tpu.memory_space<vmem>> -> memref<400x32xf32, #tpu.memory_space<vmem>>
      %dma_start3A_212 = arith.constant 0 : i32
      %dma_start3A_213 = tpu.memref_slice %arg8[%dma_start3A_205, %dma_start3A_206, %dma_start3A_212] : memref<4x2x400xi32, #tpu.memory_space<vmem>> -> memref<1x1x400xi32, #tpu.memory_space<vmem>>
      %dma_start3A_214 = tpu.memref_squeeze %dma_start3A_213 : memref<1x1x400xi32, #tpu.memory_space<vmem>> -> memref<400xi32, #tpu.memory_space<vmem>>
      %dma_start3A_215 = arith.constant 0 : i32
      %dma_start3A_216 = arith.constant 0 : i32
      %dma_start3A_217 = tpu.memref_slice %arg2[%dma_start3A_215, %dma_start3A_216] : memref<50000x32xf32, #tpu.memory_space<hbm>> -> memref<50000x32xf32, #tpu.memory_space<hbm>>
      tpu.enqueue_indirect_dma source(%dma_start3A_217 : memref<50000x32xf32, #tpu.memory_space<hbm>>) target(%dma_start3A_211 : memref<400x32xf32, #tpu.memory_space<vmem>>) offsets(%dma_start3A_214 : memref<400xi32, #tpu.memory_space<vmem>>) semaphore(%arg10 : memref<!tpu.dma_semaphore, #tpu.memory_space<semaphore_mem>>)
    } else {
    }
    %eq3A_133 = arith.constant 1 : i32
    %eq3A_134 = arith.cmpi eq, %arg0, %eq3A_133 : i32
    %convert_element_type3A_135 = arith.extui %eq3A_134 : i1 to i32
    %cond3A_136 = arith.constant 0 : i32
    %cond3A_137 = arith.cmpi ne, %convert_element_type3A_135, %cond3A_136 : i32
    scf.if %cond3A_137 {
      %dma_start3A_205 = arith.constant 0 : i32
      %dma_start3A_206 = arith.constant 0 : i32
      %dma_start3A_207 = arith.constant 0 : i32
      %dma_start3A_208 = arith.constant 0 : i32
      %dma_start3A_209 = arith.constant 0 : i32
      %dma_start3A_210 = tpu.memref_slice %arg9[%dma_start3A_207, %dma_start3A_208, %dma_start3A_209] : memref<2x400x32xf32, #tpu.memory_space<vmem>> -> memref<1x400x32xf32, #tpu.memory_space<vmem>>
      %dma_start3A_211 = tpu.memref_squeeze %dma_start3A_210 : memref<1x400x32xf32, #tpu.memory_space<vmem>> -> memref<400x32xf32, #tpu.memory_space<vmem>>
      %dma_start3A_212 = arith.constant 0 : i32
      %dma_start3A_213 = tpu.memref_slice %arg8[%dma_start3A_205, %dma_start3A_206, %dma_start3A_212] : memref<4x2x400xi32, #tpu.memory_space<vmem>> -> memref<1x1x400xi32, #tpu.memory_space<vmem>>
      %dma_start3A_214 = tpu.memref_squeeze %dma_start3A_213 : memref<1x1x400xi32, #tpu.memory_space<vmem>> -> memref<400xi32, #tpu.memory_space<vmem>>
      %dma_start3A_215 = arith.constant 0 : i32
      %dma_start3A_216 = arith.constant 0 : i32
      %dma_start3A_217 = tpu.memref_slice %arg3[%dma_start3A_215, %dma_start3A_216] : memref<50000x32xf32, #tpu.memory_space<hbm>> -> memref<50000x32xf32, #tpu.memory_space<hbm>>
      tpu.enqueue_indirect_dma source(%dma_start3A_217 : memref<50000x32xf32, #tpu.memory_space<hbm>>) target(%dma_start3A_211 : memref<400x32xf32, #tpu.memory_space<vmem>>) offsets(%dma_start3A_214 : memref<400xi32, #tpu.memory_space<vmem>>) semaphore(%arg10 : memref<!tpu.dma_semaphore, #tpu.memory_space<semaphore_mem>>)
    } else {
    }
    %scan3A_138 = arith.constant 0 : i32
    %scan3A_139 = arith.constant 0 : i32
    %scan3A_140 = arith.constant 31 : i32
    %scan3A_141 = arith.addi %scan3A_139, %scan3A_140 : i32
    %scan3A_142 = arith.constant 1 : i32
    %scan3A_143 = scf.for %scan3A_205 = %scan3A_139 to %scan3A_141 step %scan3A_142 iter_args(%scan3A_206 = %scan3A_138) -> (i32)  : i32 {
      %mul3A_207 = arith.constant 4 : i32
      %mul3A_208 = arith.muli %mul3A_207, %scan3A_205 : i32
      %add3A_209 = arith.constant 0 : i32
      %add3A_210 = arith.addi %mul3A_208, %add3A_209 : i32
      %gt3A = arith.constant 0 : i32
      %gt3A_211 = arith.cmpi sgt, %scan3A_205, %gt3A : i32
      %convert_element_type3A_212 = arith.extui %gt3A_211 : i1 to i32
      %cond3A_213 = arith.constant 0 : i32
      %cond3A_214 = arith.cmpi ne, %convert_element_type3A_212, %cond3A_213 : i32
      scf.if %cond3A_214 {
        %dma_wait3A_551 = arith.constant 1 : i32
        %dma_wait3A_552 = arith.constant 3 : i32
        %dma_wait3A_553 = arith.constant 1 : i32
        %dma_wait3A_554 = arith.constant 0 : i32
        %dma_wait3A_555 = arith.constant 0 : i32
        %dma_wait3A_556 = tpu.memref_slice %arg9[%dma_wait3A_551, %dma_wait3A_554, %dma_wait3A_555] : memref<2x400x32xf32, #tpu.memory_space<vmem>> -> memref<1x400x32xf32, #tpu.memory_space<vmem>>
        %dma_wait3A_557 = tpu.memref_squeeze %dma_wait3A_556 : memref<1x400x32xf32, #tpu.memory_space<vmem>> -> memref<400x32xf32, #tpu.memory_space<vmem>>
        %dma_wait3A_558 = arith.constant 0 : i32
        %dma_wait3A_559 = tpu.memref_slice %arg8[%dma_wait3A_552, %dma_wait3A_553, %dma_wait3A_558] : memref<4x2x400xi32, #tpu.memory_space<vmem>> -> memref<1x1x400xi32, #tpu.memory_space<vmem>>
        %dma_wait3A_560 = tpu.memref_squeeze %dma_wait3A_559 : memref<1x1x400xi32, #tpu.memory_space<vmem>> -> memref<400xi32, #tpu.memory_space<vmem>>
        %dma_wait3A_561 = arith.constant 0 : i32
        %dma_wait3A_562 = arith.constant 0 : i32
        %dma_wait3A_563 = tpu.memref_slice %arg7[%dma_wait3A_561, %dma_wait3A_562] : memref<50000x32xf32, #tpu.memory_space<vmem_shared>> -> memref<50000x32xf32, #tpu.memory_space<vmem_shared>>
        tpu.wait_indirect_dma semaphore(%arg13 : memref<!tpu.dma_semaphore, #tpu.memory_space<semaphore_mem>>) src(%dma_wait3A_557 : memref<400x32xf32, #tpu.memory_space<vmem>>) dst(%dma_wait3A_563 : memref<50000x32xf32, #tpu.memory_space<vmem_shared>>)
      } else {
      }
      %add3A_215 = arith.constant 3 : i32
      %add3A_216 = arith.addi %add3A_210, %add3A_215 : i32
      %lt3A_217 = arith.constant 125 : i32
      %lt3A_218 = arith.cmpi slt, %add3A_216, %lt3A_217 : i32
      %convert_element_type3A_219 = arith.extui %lt3A_218 : i1 to i32
      %cond3A_220 = arith.constant 0 : i32
      %cond3A_221 = arith.cmpi ne, %convert_element_type3A_219, %cond3A_220 : i32
      scf.if %cond3A_221 {
        %add3A_551 = arith.constant 3 : i32
        %add3A_552 = arith.addi %add3A_210, %add3A_551 : i32
        %mul3A_553 = arith.constant 400 : i32
        %mul3A_554 = arith.muli %add3A_552, %mul3A_553 : i32
        %add3A_555 = arith.addi %mul3A_18, %mul3A_554 : i32
        %dma_start3A_556 = arith.constant 0 : i32
        %dma_start3A_557 = arith.constant 3 : i32
        %dma_start3A_558 = arith.constant 0 : i32
        %dma_start3A_559 = arith.constant 0 : i32
        %dma_start3A_560 = tpu.memref_slice %arg8[%dma_start3A_557, %dma_start3A_558, %dma_start3A_559] : memref<4x2x400xi32, #tpu.memory_space<vmem>> -> memref<1x1x400xi32, #tpu.memory_space<vmem>>
        %dma_start3A_561 = tpu.memref_squeeze %dma_start3A_560 : memref<1x1x400xi32, #tpu.memory_space<vmem>> -> memref<400xi32, #tpu.memory_space<vmem>>
        %dma_start3A_562 = tpu.memref_slice %arg4[%dma_start3A_556, %add3A_555] : memref<2x800000xi32, #tpu.memory_space<hbm>> -> memref<1x400xi32, #tpu.memory_space<hbm>>
        %dma_start3A_563 = tpu.memref_squeeze %dma_start3A_562 : memref<1x400xi32, #tpu.memory_space<hbm>> -> memref<400xi32, #tpu.memory_space<hbm>>
        %dma_start3A_564 = arith.constant 0 : i32
        %dma_start3A_565 = tpu.memref_slice %arg8[%dma_start3A_557, %dma_start3A_558, %dma_start3A_564] : memref<4x2x400xi32, #tpu.memory_space<vmem>> -> memref<1x1x400xi32, #tpu.memory_space<vmem>>
        %dma_start3A_566 = tpu.memref_squeeze %dma_start3A_565 : memref<1x1x400xi32, #tpu.memory_space<vmem>> -> memref<400xi32, #tpu.memory_space<vmem>>
        %dma_start3A_567 = tpu.memref_slice %arg4[%dma_start3A_556, %add3A_555] : memref<2x800000xi32, #tpu.memory_space<hbm>> -> memref<1x400xi32, #tpu.memory_space<hbm>>
        %dma_start3A_568 = tpu.memref_squeeze %dma_start3A_567 : memref<1x400xi32, #tpu.memory_space<hbm>> -> memref<400xi32, #tpu.memory_space<hbm>>
        tpu.enqueue_dma source(%dma_start3A_568 : memref<400xi32, #tpu.memory_space<hbm>>) target(%dma_start3A_566 : memref<400xi32, #tpu.memory_space<vmem>>) target_semaphore(%arg17 : memref<!tpu.dma_semaphore, #tpu.memory_space<semaphore_mem>>)
        %dma_start3A_569 = arith.constant 1 : i32
        %dma_start3A_570 = arith.constant 3 : i32
        %dma_start3A_571 = arith.constant 1 : i32
        %dma_start3A_572 = arith.constant 0 : i32
        %dma_start3A_573 = tpu.memref_slice %arg8[%dma_start3A_570, %dma_start3A_571, %dma_start3A_572] : memref<4x2x400xi32, #tpu.memory_space<vmem>> -> memref<1x1x400xi32, #tpu.memory_space<vmem>>
        %dma_start3A_574 = tpu.memref_squeeze %dma_start3A_573 : memref<1x1x400xi32, #tpu.memory_space<vmem>> -> memref<400xi32, #tpu.memory_space<vmem>>
        %dma_start3A_575 = tpu.memref_slice %arg4[%dma_start3A_569, %add3A_555] : memref<2x800000xi32, #tpu.memory_space<hbm>> -> memref<1x400xi32, #tpu.memory_space<hbm>>
        %dma_start3A_576 = tpu.memref_squeeze %dma_start3A_575 : memref<1x400xi32, #tpu.memory_space<hbm>> -> memref<400xi32, #tpu.memory_space<hbm>>
        %dma_start3A_577 = arith.constant 0 : i32
        %dma_start3A_578 = tpu.memref_slice %arg8[%dma_start3A_570, %dma_start3A_571, %dma_start3A_577] : memref<4x2x400xi32, #tpu.memory_space<vmem>> -> memref<1x1x400xi32, #tpu.memory_space<vmem>>
        %dma_start3A_579 = tpu.memref_squeeze %dma_start3A_578 : memref<1x1x400xi32, #tpu.memory_space<vmem>> -> memref<400xi32, #tpu.memory_space<vmem>>
        %dma_start3A_580 = tpu.memref_slice %arg4[%dma_start3A_569, %add3A_555] : memref<2x800000xi32, #tpu.memory_space<hbm>> -> memref<1x400xi32, #tpu.memory_space<hbm>>
        %dma_start3A_581 = tpu.memref_squeeze %dma_start3A_580 : memref<1x400xi32, #tpu.memory_space<hbm>> -> memref<400xi32, #tpu.memory_space<hbm>>
        tpu.enqueue_dma source(%dma_start3A_581 : memref<400xi32, #tpu.memory_space<hbm>>) target(%dma_start3A_579 : memref<400xi32, #tpu.memory_space<vmem>>) target_semaphore(%arg17 : memref<!tpu.dma_semaphore, #tpu.memory_space<semaphore_mem>>)
      } else {
      }
      %add3A_222 = arith.constant 1 : i32
      %add3A_223 = arith.addi %add3A_210, %add3A_222 : i32
      %mul3A_224 = arith.constant 400 : i32
      %mul3A_225 = arith.muli %add3A_223, %mul3A_224 : i32
      %add3A_226 = arith.addi %mul3A_18, %mul3A_225 : i32
      %dma_wait3A_227 = arith.constant 0 : i32
      %dma_wait3A_228 = arith.constant 1 : i32
      %dma_wait3A_229 = arith.constant 0 : i32
      %dma_wait3A_230 = arith.constant 0 : i32
      %dma_wait3A_231 = tpu.memref_slice %arg8[%dma_wait3A_228, %dma_wait3A_229, %dma_wait3A_230] : memref<4x2x400xi32, #tpu.memory_space<vmem>> -> memref<1x1x400xi32, #tpu.memory_space<vmem>>
      %dma_wait3A_232 = tpu.memref_squeeze %dma_wait3A_231 : memref<1x1x400xi32, #tpu.memory_space<vmem>> -> memref<400xi32, #tpu.memory_space<vmem>>
      %dma_wait3A_233 = tpu.memref_slice %arg4[%dma_wait3A_227, %add3A_226] : memref<2x800000xi32, #tpu.memory_space<hbm>> -> memref<1x400xi32, #tpu.memory_space<hbm>>
      %dma_wait3A_234 = tpu.memref_squeeze %dma_wait3A_233 : memref<1x400xi32, #tpu.memory_space<hbm>> -> memref<400xi32, #tpu.memory_space<hbm>>
      %dma_wait3A_235 = arith.constant 0 : i32
      %dma_wait3A_236 = tpu.memref_slice %arg8[%dma_wait3A_228, %dma_wait3A_229, %dma_wait3A_235] : memref<4x2x400xi32, #tpu.memory_space<vmem>> -> memref<1x1x400xi32, #tpu.memory_space<vmem>>
      %dma_wait3A_237 = tpu.memref_squeeze %dma_wait3A_236 : memref<1x1x400xi32, #tpu.memory_space<vmem>> -> memref<400xi32, #tpu.memory_space<vmem>>
      %dma_wait3A_238 = tpu.memref_slice %arg4[%dma_wait3A_227, %add3A_226] : memref<2x800000xi32, #tpu.memory_space<hbm>> -> memref<1x400xi32, #tpu.memory_space<hbm>>
      %dma_wait3A_239 = tpu.memref_squeeze %dma_wait3A_238 : memref<1x400xi32, #tpu.memory_space<hbm>> -> memref<400xi32, #tpu.memory_space<hbm>>
      tpu.wait_dma2 semaphore(%arg15 : memref<!tpu.dma_semaphore, #tpu.memory_space<semaphore_mem>>) src(%dma_wait3A_239 : memref<400xi32, #tpu.memory_space<hbm>>) dst(%dma_wait3A_237 : memref<400xi32, #tpu.memory_space<vmem>>)
      %dma_wait3A_240 = arith.constant 1 : i32
      %dma_wait3A_241 = arith.constant 1 : i32
      %dma_wait3A_242 = arith.constant 1 : i32
      %dma_wait3A_243 = arith.constant 0 : i32
      %dma_wait3A_244 = tpu.memref_slice %arg8[%dma_wait3A_241, %dma_wait3A_242, %dma_wait3A_243] : memref<4x2x400xi32, #tpu.memory_space<vmem>> -> memref<1x1x400xi32, #tpu.memory_space<vmem>>
      %dma_wait3A_245 = tpu.memref_squeeze %dma_wait3A_244 : memref<1x1x400xi32, #tpu.memory_space<vmem>> -> memref<400xi32, #tpu.memory_space<vmem>>
      %dma_wait3A_246 = tpu.memref_slice %arg4[%dma_wait3A_240, %add3A_226] : memref<2x800000xi32, #tpu.memory_space<hbm>> -> memref<1x400xi32, #tpu.memory_space<hbm>>
      %dma_wait3A_247 = tpu.memref_squeeze %dma_wait3A_246 : memref<1x400xi32, #tpu.memory_space<hbm>> -> memref<400xi32, #tpu.memory_space<hbm>>
      %dma_wait3A_248 = arith.constant 0 : i32
      %dma_wait3A_249 = tpu.memref_slice %arg8[%dma_wait3A_241, %dma_wait3A_242, %dma_wait3A_248] : memref<4x2x400xi32, #tpu.memory_space<vmem>> -> memref<1x1x400xi32, #tpu.memory_space<vmem>>
      %dma_wait3A_250 = tpu.memref_squeeze %dma_wait3A_249 : memref<1x1x400xi32, #tpu.memory_space<vmem>> -> memref<400xi32, #tpu.memory_space<vmem>>
      %dma_wait3A_251 = tpu.memref_slice %arg4[%dma_wait3A_240, %add3A_226] : memref<2x800000xi32, #tpu.memory_space<hbm>> -> memref<1x400xi32, #tpu.memory_space<hbm>>
      %dma_wait3A_252 = tpu.memref_squeeze %dma_wait3A_251 : memref<1x400xi32, #tpu.memory_space<hbm>> -> memref<400xi32, #tpu.memory_space<hbm>>
      tpu.wait_dma2 semaphore(%arg15 : memref<!tpu.dma_semaphore, #tpu.memory_space<semaphore_mem>>) src(%dma_wait3A_252 : memref<400xi32, #tpu.memory_space<hbm>>) dst(%dma_wait3A_250 : memref<400xi32, #tpu.memory_space<vmem>>)
      %eq3A_253 = arith.constant 0 : i32
      %eq3A_254 = arith.cmpi eq, %arg0, %eq3A_253 : i32
      %convert_element_type3A_255 = arith.extui %eq3A_254 : i1 to i32
      %cond3A_256 = arith.constant 0 : i32
      %cond3A_257 = arith.cmpi ne, %convert_element_type3A_255, %cond3A_256 : i32
      scf.if %cond3A_257 {
        %dma_start3A_551 = arith.constant 1 : i32
        %dma_start3A_552 = arith.constant 0 : i32
        %dma_start3A_553 = arith.constant 1 : i32
        %dma_start3A_554 = arith.constant 0 : i32
        %dma_start3A_555 = arith.constant 0 : i32
        %dma_start3A_556 = tpu.memref_slice %arg9[%dma_start3A_553, %dma_start3A_554, %dma_start3A_555] : memref<2x400x32xf32, #tpu.memory_space<vmem>> -> memref<1x400x32xf32, #tpu.memory_space<vmem>>
        %dma_start3A_557 = tpu.memref_squeeze %dma_start3A_556 : memref<1x400x32xf32, #tpu.memory_space<vmem>> -> memref<400x32xf32, #tpu.memory_space<vmem>>
        %dma_start3A_558 = arith.constant 0 : i32
        %dma_start3A_559 = tpu.memref_slice %arg8[%dma_start3A_551, %dma_start3A_552, %dma_start3A_558] : memref<4x2x400xi32, #tpu.memory_space<vmem>> -> memref<1x1x400xi32, #tpu.memory_space<vmem>>
        %dma_start3A_560 = tpu.memref_squeeze %dma_start3A_559 : memref<1x1x400xi32, #tpu.memory_space<vmem>> -> memref<400xi32, #tpu.memory_space<vmem>>
        %dma_start3A_561 = arith.constant 0 : i32
        %dma_start3A_562 = arith.constant 0 : i32
        %dma_start3A_563 = tpu.memref_slice %arg2[%dma_start3A_561, %dma_start3A_562] : memref<50000x32xf32, #tpu.memory_space<hbm>> -> memref<50000x32xf32, #tpu.memory_space<hbm>>
        tpu.enqueue_indirect_dma source(%dma_start3A_563 : memref<50000x32xf32, #tpu.memory_space<hbm>>) target(%dma_start3A_557 : memref<400x32xf32, #tpu.memory_space<vmem>>) offsets(%dma_start3A_560 : memref<400xi32, #tpu.memory_space<vmem>>) semaphore(%arg11 : memref<!tpu.dma_semaphore, #tpu.memory_space<semaphore_mem>>)
      } else {
      }
      %eq3A_258 = arith.constant 1 : i32
      %eq3A_259 = arith.cmpi eq, %arg0, %eq3A_258 : i32
      %convert_element_type3A_260 = arith.extui %eq3A_259 : i1 to i32
      %cond3A_261 = arith.constant 0 : i32
      %cond3A_262 = arith.cmpi ne, %convert_element_type3A_260, %cond3A_261 : i32
      scf.if %cond3A_262 {
        %dma_start3A_551 = arith.constant 1 : i32
        %dma_start3A_552 = arith.constant 0 : i32
        %dma_start3A_553 = arith.constant 1 : i32
        %dma_start3A_554 = arith.constant 0 : i32
        %dma_start3A_555 = arith.constant 0 : i32
        %dma_start3A_556 = tpu.memref_slice %arg9[%dma_start3A_553, %dma_start3A_554, %dma_start3A_555] : memref<2x400x32xf32, #tpu.memory_space<vmem>> -> memref<1x400x32xf32, #tpu.memory_space<vmem>>
        %dma_start3A_557 = tpu.memref_squeeze %dma_start3A_556 : memref<1x400x32xf32, #tpu.memory_space<vmem>> -> memref<400x32xf32, #tpu.memory_space<vmem>>
        %dma_start3A_558 = arith.constant 0 : i32
        %dma_start3A_559 = tpu.memref_slice %arg8[%dma_start3A_551, %dma_start3A_552, %dma_start3A_558] : memref<4x2x400xi32, #tpu.memory_space<vmem>> -> memref<1x1x400xi32, #tpu.memory_space<vmem>>
        %dma_start3A_560 = tpu.memref_squeeze %dma_start3A_559 : memref<1x1x400xi32, #tpu.memory_space<vmem>> -> memref<400xi32, #tpu.memory_space<vmem>>
        %dma_start3A_561 = arith.constant 0 : i32
        %dma_start3A_562 = arith.constant 0 : i32
        %dma_start3A_563 = tpu.memref_slice %arg3[%dma_start3A_561, %dma_start3A_562] : memref<50000x32xf32, #tpu.memory_space<hbm>> -> memref<50000x32xf32, #tpu.memory_space<hbm>>
        tpu.enqueue_indirect_dma source(%dma_start3A_563 : memref<50000x32xf32, #tpu.memory_space<hbm>>) target(%dma_start3A_557 : memref<400x32xf32, #tpu.memory_space<vmem>>) offsets(%dma_start3A_560 : memref<400xi32, #tpu.memory_space<vmem>>) semaphore(%arg11 : memref<!tpu.dma_semaphore, #tpu.memory_space<semaphore_mem>>)
      } else {
      }
      %eq3A_263 = arith.constant 0 : i32
      %eq3A_264 = arith.cmpi eq, %arg0, %eq3A_263 : i32
      %convert_element_type3A_265 = arith.extui %eq3A_264 : i1 to i32
      %cond3A_266 = arith.constant 0 : i32
      %cond3A_267 = arith.cmpi ne, %convert_element_type3A_265, %cond3A_266 : i32
      scf.if %cond3A_267 {
        %dma_wait3A_551 = arith.constant 0 : i32
        %dma_wait3A_552 = arith.constant 0 : i32
        %dma_wait3A_553 = arith.constant 0 : i32
        %dma_wait3A_554 = arith.constant 0 : i32
        %dma_wait3A_555 = arith.constant 0 : i32
        %dma_wait3A_556 = tpu.memref_slice %arg9[%dma_wait3A_553, %dma_wait3A_554, %dma_wait3A_555] : memref<2x400x32xf32, #tpu.memory_space<vmem>> -> memref<1x400x32xf32, #tpu.memory_space<vmem>>
        %dma_wait3A_557 = tpu.memref_squeeze %dma_wait3A_556 : memref<1x400x32xf32, #tpu.memory_space<vmem>> -> memref<400x32xf32, #tpu.memory_space<vmem>>
        %dma_wait3A_558 = arith.constant 0 : i32
        %dma_wait3A_559 = tpu.memref_slice %arg8[%dma_wait3A_551, %dma_wait3A_552, %dma_wait3A_558] : memref<4x2x400xi32, #tpu.memory_space<vmem>> -> memref<1x1x400xi32, #tpu.memory_space<vmem>>
        %dma_wait3A_560 = tpu.memref_squeeze %dma_wait3A_559 : memref<1x1x400xi32, #tpu.memory_space<vmem>> -> memref<400xi32, #tpu.memory_space<vmem>>
        %dma_wait3A_561 = arith.constant 0 : i32
        %dma_wait3A_562 = arith.constant 0 : i32
        %dma_wait3A_563 = tpu.memref_slice %arg2[%dma_wait3A_561, %dma_wait3A_562] : memref<50000x32xf32, #tpu.memory_space<hbm>> -> memref<50000x32xf32, #tpu.memory_space<hbm>>
        tpu.wait_indirect_dma semaphore(%arg10 : memref<!tpu.dma_semaphore, #tpu.memory_space<semaphore_mem>>) src(%dma_wait3A_563 : memref<50000x32xf32, #tpu.memory_space<hbm>>) dst(%dma_wait3A_557 : memref<400x32xf32, #tpu.memory_space<vmem>>)
      } else {
      }
      %eq3A_268 = arith.constant 1 : i32
      %eq3A_269 = arith.cmpi eq, %arg0, %eq3A_268 : i32
      %convert_element_type3A_270 = arith.extui %eq3A_269 : i1 to i32
      %cond3A_271 = arith.constant 0 : i32
      %cond3A_272 = arith.cmpi ne, %convert_element_type3A_270, %cond3A_271 : i32
      scf.if %cond3A_272 {
        %dma_wait3A_551 = arith.constant 0 : i32
        %dma_wait3A_552 = arith.constant 0 : i32
        %dma_wait3A_553 = arith.constant 0 : i32
        %dma_wait3A_554 = arith.constant 0 : i32
        %dma_wait3A_555 = arith.constant 0 : i32
        %dma_wait3A_556 = tpu.memref_slice %arg9[%dma_wait3A_553, %dma_wait3A_554, %dma_wait3A_555] : memref<2x400x32xf32, #tpu.memory_space<vmem>> -> memref<1x400x32xf32, #tpu.memory_space<vmem>>
        %dma_wait3A_557 = tpu.memref_squeeze %dma_wait3A_556 : memref<1x400x32xf32, #tpu.memory_space<vmem>> -> memref<400x32xf32, #tpu.memory_space<vmem>>
        %dma_wait3A_558 = arith.constant 0 : i32
        %dma_wait3A_559 = tpu.memref_slice %arg8[%dma_wait3A_551, %dma_wait3A_552, %dma_wait3A_558] : memref<4x2x400xi32, #tpu.memory_space<vmem>> -> memref<1x1x400xi32, #tpu.memory_space<vmem>>
        %dma_wait3A_560 = tpu.memref_squeeze %dma_wait3A_559 : memref<1x1x400xi32, #tpu.memory_space<vmem>> -> memref<400xi32, #tpu.memory_space<vmem>>
        %dma_wait3A_561 = arith.constant 0 : i32
        %dma_wait3A_562 = arith.constant 0 : i32
        %dma_wait3A_563 = tpu.memref_slice %arg3[%dma_wait3A_561, %dma_wait3A_562] : memref<50000x32xf32, #tpu.memory_space<hbm>> -> memref<50000x32xf32, #tpu.memory_space<hbm>>
        tpu.wait_indirect_dma semaphore(%arg10 : memref<!tpu.dma_semaphore, #tpu.memory_space<semaphore_mem>>) src(%dma_wait3A_563 : memref<50000x32xf32, #tpu.memory_space<hbm>>) dst(%dma_wait3A_557 : memref<400x32xf32, #tpu.memory_space<vmem>>)
      } else {
      }
      %dma_start3A_273 = arith.constant 0 : i32
      %dma_start3A_274 = arith.constant 0 : i32
      %dma_start3A_275 = arith.constant 1 : i32
      %dma_start3A_276 = arith.constant 0 : i32
      %dma_start3A_277 = arith.constant 0 : i32
      %dma_start3A_278 = tpu.memref_slice %arg9[%dma_start3A_273, %dma_start3A_276, %dma_start3A_277] : memref<2x400x32xf32, #tpu.memory_space<vmem>> -> memref<1x400x32xf32, #tpu.memory_space<vmem>>
      %dma_start3A_279 = tpu.memref_squeeze %dma_start3A_278 : memref<1x400x32xf32, #tpu.memory_space<vmem>> -> memref<400x32xf32, #tpu.memory_space<vmem>>
      %dma_start3A_280 = arith.constant 0 : i32
      %dma_start3A_281 = tpu.memref_slice %arg8[%dma_start3A_274, %dma_start3A_275, %dma_start3A_280] : memref<4x2x400xi32, #tpu.memory_space<vmem>> -> memref<1x1x400xi32, #tpu.memory_space<vmem>>
      %dma_start3A_282 = tpu.memref_squeeze %dma_start3A_281 : memref<1x1x400xi32, #tpu.memory_space<vmem>> -> memref<400xi32, #tpu.memory_space<vmem>>
      %dma_start3A_283 = arith.constant 0 : i32
      %dma_start3A_284 = arith.constant 0 : i32
      %dma_start3A_285 = tpu.memref_slice %arg7[%dma_start3A_283, %dma_start3A_284] : memref<50000x32xf32, #tpu.memory_space<vmem_shared>> -> memref<50000x32xf32, #tpu.memory_space<vmem_shared>>
      tpu.enqueue_indirect_dma source(%dma_start3A_279 : memref<400x32xf32, #tpu.memory_space<vmem>>) target(%dma_start3A_285 : memref<50000x32xf32, #tpu.memory_space<vmem_shared>>) offsets(%dma_start3A_282 : memref<400xi32, #tpu.memory_space<vmem>>) semaphore(%arg12 : memref<!tpu.dma_semaphore, #tpu.memory_space<semaphore_mem>>) {add = true}
      %mul3A_286 = arith.constant 4 : i32
      %mul3A_287 = arith.muli %mul3A_286, %scan3A_205 : i32
      %add3A_288 = arith.constant 1 : i32
      %add3A_289 = arith.addi %mul3A_287, %add3A_288 : i32
      %dma_wait3A_290 = arith.constant 0 : i32
      %dma_wait3A_291 = arith.constant 0 : i32
      %dma_wait3A_292 = arith.constant 1 : i32
      %dma_wait3A_293 = arith.constant 0 : i32
      %dma_wait3A_294 = arith.constant 0 : i32
      %dma_wait3A_295 = tpu.memref_slice %arg9[%dma_wait3A_290, %dma_wait3A_293, %dma_wait3A_294] : memref<2x400x32xf32, #tpu.memory_space<vmem>> -> memref<1x400x32xf32, #tpu.memory_space<vmem>>
      %dma_wait3A_296 = tpu.memref_squeeze %dma_wait3A_295 : memref<1x400x32xf32, #tpu.memory_space<vmem>> -> memref<400x32xf32, #tpu.memory_space<vmem>>
      %dma_wait3A_297 = arith.constant 0 : i32
      %dma_wait3A_298 = tpu.memref_slice %arg8[%dma_wait3A_291, %dma_wait3A_292, %dma_wait3A_297] : memref<4x2x400xi32, #tpu.memory_space<vmem>> -> memref<1x1x400xi32, #tpu.memory_space<vmem>>
      %dma_wait3A_299 = tpu.memref_squeeze %dma_wait3A_298 : memref<1x1x400xi32, #tpu.memory_space<vmem>> -> memref<400xi32, #tpu.memory_space<vmem>>
      %dma_wait3A_300 = arith.constant 0 : i32
      %dma_wait3A_301 = arith.constant 0 : i32
      %dma_wait3A_302 = tpu.memref_slice %arg7[%dma_wait3A_300, %dma_wait3A_301] : memref<50000x32xf32, #tpu.memory_space<vmem_shared>> -> memref<50000x32xf32, #tpu.memory_space<vmem_shared>>
      tpu.wait_indirect_dma semaphore(%arg12 : memref<!tpu.dma_semaphore, #tpu.memory_space<semaphore_mem>>) src(%dma_wait3A_296 : memref<400x32xf32, #tpu.memory_space<vmem>>) dst(%dma_wait3A_302 : memref<50000x32xf32, #tpu.memory_space<vmem_shared>>)
      %add3A_303 = arith.constant 3 : i32
      %add3A_304 = arith.addi %add3A_289, %add3A_303 : i32
      %lt3A_305 = arith.constant 125 : i32
      %lt3A_306 = arith.cmpi slt, %add3A_304, %lt3A_305 : i32
      %convert_element_type3A_307 = arith.extui %lt3A_306 : i1 to i32
      %cond3A_308 = arith.constant 0 : i32
      %cond3A_309 = arith.cmpi ne, %convert_element_type3A_307, %cond3A_308 : i32
      scf.if %cond3A_309 {
        %add3A_551 = arith.constant 3 : i32
        %add3A_552 = arith.addi %add3A_289, %add3A_551 : i32
        %mul3A_553 = arith.constant 400 : i32
        %mul3A_554 = arith.muli %add3A_552, %mul3A_553 : i32
        %add3A_555 = arith.addi %mul3A_18, %mul3A_554 : i32
        %dma_start3A_556 = arith.constant 0 : i32
        %dma_start3A_557 = arith.constant 0 : i32
        %dma_start3A_558 = arith.constant 0 : i32
        %dma_start3A_559 = arith.constant 0 : i32
        %dma_start3A_560 = tpu.memref_slice %arg8[%dma_start3A_557, %dma_start3A_558, %dma_start3A_559] : memref<4x2x400xi32, #tpu.memory_space<vmem>> -> memref<1x1x400xi32, #tpu.memory_space<vmem>>
        %dma_start3A_561 = tpu.memref_squeeze %dma_start3A_560 : memref<1x1x400xi32, #tpu.memory_space<vmem>> -> memref<400xi32, #tpu.memory_space<vmem>>
        %dma_start3A_562 = tpu.memref_slice %arg4[%dma_start3A_556, %add3A_555] : memref<2x800000xi32, #tpu.memory_space<hbm>> -> memref<1x400xi32, #tpu.memory_space<hbm>>
        %dma_start3A_563 = tpu.memref_squeeze %dma_start3A_562 : memref<1x400xi32, #tpu.memory_space<hbm>> -> memref<400xi32, #tpu.memory_space<hbm>>
        %dma_start3A_564 = arith.constant 0 : i32
        %dma_start3A_565 = tpu.memref_slice %arg8[%dma_start3A_557, %dma_start3A_558, %dma_start3A_564] : memref<4x2x400xi32, #tpu.memory_space<vmem>> -> memref<1x1x400xi32, #tpu.memory_space<vmem>>
        %dma_start3A_566 = tpu.memref_squeeze %dma_start3A_565 : memref<1x1x400xi32, #tpu.memory_space<vmem>> -> memref<400xi32, #tpu.memory_space<vmem>>
        %dma_start3A_567 = tpu.memref_slice %arg4[%dma_start3A_556, %add3A_555] : memref<2x800000xi32, #tpu.memory_space<hbm>> -> memref<1x400xi32, #tpu.memory_space<hbm>>
        %dma_start3A_568 = tpu.memref_squeeze %dma_start3A_567 : memref<1x400xi32, #tpu.memory_space<hbm>> -> memref<400xi32, #tpu.memory_space<hbm>>
        tpu.enqueue_dma source(%dma_start3A_568 : memref<400xi32, #tpu.memory_space<hbm>>) target(%dma_start3A_566 : memref<400xi32, #tpu.memory_space<vmem>>) target_semaphore(%arg14 : memref<!tpu.dma_semaphore, #tpu.memory_space<semaphore_mem>>)
        %dma_start3A_569 = arith.constant 1 : i32
        %dma_start3A_570 = arith.constant 0 : i32
        %dma_start3A_571 = arith.constant 1 : i32
        %dma_start3A_572 = arith.constant 0 : i32
        %dma_start3A_573 = tpu.memref_slice %arg8[%dma_start3A_570, %dma_start3A_571, %dma_start3A_572] : memref<4x2x400xi32, #tpu.memory_space<vmem>> -> memref<1x1x400xi32, #tpu.memory_space<vmem>>
        %dma_start3A_574 = tpu.memref_squeeze %dma_start3A_573 : memref<1x1x400xi32, #tpu.memory_space<vmem>> -> memref<400xi32, #tpu.memory_space<vmem>>
        %dma_start3A_575 = tpu.memref_slice %arg4[%dma_start3A_569, %add3A_555] : memref<2x800000xi32, #tpu.memory_space<hbm>> -> memref<1x400xi32, #tpu.memory_space<hbm>>
        %dma_start3A_576 = tpu.memref_squeeze %dma_start3A_575 : memref<1x400xi32, #tpu.memory_space<hbm>> -> memref<400xi32, #tpu.memory_space<hbm>>
        %dma_start3A_577 = arith.constant 0 : i32
        %dma_start3A_578 = tpu.memref_slice %arg8[%dma_start3A_570, %dma_start3A_571, %dma_start3A_577] : memref<4x2x400xi32, #tpu.memory_space<vmem>> -> memref<1x1x400xi32, #tpu.memory_space<vmem>>
        %dma_start3A_579 = tpu.memref_squeeze %dma_start3A_578 : memref<1x1x400xi32, #tpu.memory_space<vmem>> -> memref<400xi32, #tpu.memory_space<vmem>>
        %dma_start3A_580 = tpu.memref_slice %arg4[%dma_start3A_569, %add3A_555] : memref<2x800000xi32, #tpu.memory_space<hbm>> -> memref<1x400xi32, #tpu.memory_space<hbm>>
        %dma_start3A_581 = tpu.memref_squeeze %dma_start3A_580 : memref<1x400xi32, #tpu.memory_space<hbm>> -> memref<400xi32, #tpu.memory_space<hbm>>
        tpu.enqueue_dma source(%dma_start3A_581 : memref<400xi32, #tpu.memory_space<hbm>>) target(%dma_start3A_579 : memref<400xi32, #tpu.memory_space<vmem>>) target_semaphore(%arg14 : memref<!tpu.dma_semaphore, #tpu.memory_space<semaphore_mem>>)
      } else {
      }
      %add3A_310 = arith.constant 1 : i32
      %add3A_311 = arith.addi %add3A_289, %add3A_310 : i32
      %mul3A_312 = arith.constant 400 : i32
      %mul3A_313 = arith.muli %add3A_311, %mul3A_312 : i32
      %add3A_314 = arith.addi %mul3A_18, %mul3A_313 : i32
      %dma_wait3A_315 = arith.constant 0 : i32
      %dma_wait3A_316 = arith.constant 2 : i32
      %dma_wait3A_317 = arith.constant 0 : i32
      %dma_wait3A_318 = arith.constant 0 : i32
      %dma_wait3A_319 = tpu.memref_slice %arg8[%dma_wait3A_316, %dma_wait3A_317, %dma_wait3A_318] : memref<4x2x400xi32, #tpu.memory_space<vmem>> -> memref<1x1x400xi32, #tpu.memory_space<vmem>>
      %dma_wait3A_320 = tpu.memref_squeeze %dma_wait3A_319 : memref<1x1x400xi32, #tpu.memory_space<vmem>> -> memref<400xi32, #tpu.memory_space<vmem>>
      %dma_wait3A_321 = tpu.memref_slice %arg4[%dma_wait3A_315, %add3A_314] : memref<2x800000xi32, #tpu.memory_space<hbm>> -> memref<1x400xi32, #tpu.memory_space<hbm>>
      %dma_wait3A_322 = tpu.memref_squeeze %dma_wait3A_321 : memref<1x400xi32, #tpu.memory_space<hbm>> -> memref<400xi32, #tpu.memory_space<hbm>>
      %dma_wait3A_323 = arith.constant 0 : i32
      %dma_wait3A_324 = tpu.memref_slice %arg8[%dma_wait3A_316, %dma_wait3A_317, %dma_wait3A_323] : memref<4x2x400xi32, #tpu.memory_space<vmem>> -> memref<1x1x400xi32, #tpu.memory_space<vmem>>
      %dma_wait3A_325 = tpu.memref_squeeze %dma_wait3A_324 : memref<1x1x400xi32, #tpu.memory_space<vmem>> -> memref<400xi32, #tpu.memory_space<vmem>>
      %dma_wait3A_326 = tpu.memref_slice %arg4[%dma_wait3A_315, %add3A_314] : memref<2x800000xi32, #tpu.memory_space<hbm>> -> memref<1x400xi32, #tpu.memory_space<hbm>>
      %dma_wait3A_327 = tpu.memref_squeeze %dma_wait3A_326 : memref<1x400xi32, #tpu.memory_space<hbm>> -> memref<400xi32, #tpu.memory_space<hbm>>
      tpu.wait_dma2 semaphore(%arg16 : memref<!tpu.dma_semaphore, #tpu.memory_space<semaphore_mem>>) src(%dma_wait3A_327 : memref<400xi32, #tpu.memory_space<hbm>>) dst(%dma_wait3A_325 : memref<400xi32, #tpu.memory_space<vmem>>)
      %dma_wait3A_328 = arith.constant 1 : i32
      %dma_wait3A_329 = arith.constant 2 : i32
      %dma_wait3A_330 = arith.constant 1 : i32
      %dma_wait3A_331 = arith.constant 0 : i32
      %dma_wait3A_332 = tpu.memref_slice %arg8[%dma_wait3A_329, %dma_wait3A_330, %dma_wait3A_331] : memref<4x2x400xi32, #tpu.memory_space<vmem>> -> memref<1x1x400xi32, #tpu.memory_space<vmem>>
      %dma_wait3A_333 = tpu.memref_squeeze %dma_wait3A_332 : memref<1x1x400xi32, #tpu.memory_space<vmem>> -> memref<400xi32, #tpu.memory_space<vmem>>
      %dma_wait3A_334 = tpu.memref_slice %arg4[%dma_wait3A_328, %add3A_314] : memref<2x800000xi32, #tpu.memory_space<hbm>> -> memref<1x400xi32, #tpu.memory_space<hbm>>
      %dma_wait3A_335 = tpu.memref_squeeze %dma_wait3A_334 : memref<1x400xi32, #tpu.memory_space<hbm>> -> memref<400xi32, #tpu.memory_space<hbm>>
      %dma_wait3A_336 = arith.constant 0 : i32
      %dma_wait3A_337 = tpu.memref_slice %arg8[%dma_wait3A_329, %dma_wait3A_330, %dma_wait3A_336] : memref<4x2x400xi32, #tpu.memory_space<vmem>> -> memref<1x1x400xi32, #tpu.memory_space<vmem>>
      %dma_wait3A_338 = tpu.memref_squeeze %dma_wait3A_337 : memref<1x1x400xi32, #tpu.memory_space<vmem>> -> memref<400xi32, #tpu.memory_space<vmem>>
      %dma_wait3A_339 = tpu.memref_slice %arg4[%dma_wait3A_328, %add3A_314] : memref<2x800000xi32, #tpu.memory_space<hbm>> -> memref<1x400xi32, #tpu.memory_space<hbm>>
      %dma_wait3A_340 = tpu.memref_squeeze %dma_wait3A_339 : memref<1x400xi32, #tpu.memory_space<hbm>> -> memref<400xi32, #tpu.memory_space<hbm>>
      tpu.wait_dma2 semaphore(%arg16 : memref<!tpu.dma_semaphore, #tpu.memory_space<semaphore_mem>>) src(%dma_wait3A_340 : memref<400xi32, #tpu.memory_space<hbm>>) dst(%dma_wait3A_338 : memref<400xi32, #tpu.memory_space<vmem>>)
      %eq3A_341 = arith.constant 0 : i32
      %eq3A_342 = arith.cmpi eq, %arg0, %eq3A_341 : i32
      %convert_element_type3A_343 = arith.extui %eq3A_342 : i1 to i32
      %cond3A_344 = arith.constant 0 : i32
      %cond3A_345 = arith.cmpi ne, %convert_element_type3A_343, %cond3A_344 : i32
      scf.if %cond3A_345 {
        %dma_start3A_551 = arith.constant 2 : i32
        %dma_start3A_552 = arith.constant 0 : i32
        %dma_start3A_553 = arith.constant 0 : i32
        %dma_start3A_554 = arith.constant 0 : i32
        %dma_start3A_555 = arith.constant 0 : i32
        %dma_start3A_556 = tpu.memref_slice %arg9[%dma_start3A_553, %dma_start3A_554, %dma_start3A_555] : memref<2x400x32xf32, #tpu.memory_space<vmem>> -> memref<1x400x32xf32, #tpu.memory_space<vmem>>
        %dma_start3A_557 = tpu.memref_squeeze %dma_start3A_556 : memref<1x400x32xf32, #tpu.memory_space<vmem>> -> memref<400x32xf32, #tpu.memory_space<vmem>>
        %dma_start3A_558 = arith.constant 0 : i32
        %dma_start3A_559 = tpu.memref_slice %arg8[%dma_start3A_551, %dma_start3A_552, %dma_start3A_558] : memref<4x2x400xi32, #tpu.memory_space<vmem>> -> memref<1x1x400xi32, #tpu.memory_space<vmem>>
        %dma_start3A_560 = tpu.memref_squeeze %dma_start3A_559 : memref<1x1x400xi32, #tpu.memory_space<vmem>> -> memref<400xi32, #tpu.memory_space<vmem>>
        %dma_start3A_561 = arith.constant 0 : i32
        %dma_start3A_562 = arith.constant 0 : i32
        %dma_start3A_563 = tpu.memref_slice %arg2[%dma_start3A_561, %dma_start3A_562] : memref<50000x32xf32, #tpu.memory_space<hbm>> -> memref<50000x32xf32, #tpu.memory_space<hbm>>
        tpu.enqueue_indirect_dma source(%dma_start3A_563 : memref<50000x32xf32, #tpu.memory_space<hbm>>) target(%dma_start3A_557 : memref<400x32xf32, #tpu.memory_space<vmem>>) offsets(%dma_start3A_560 : memref<400xi32, #tpu.memory_space<vmem>>) semaphore(%arg10 : memref<!tpu.dma_semaphore, #tpu.memory_space<semaphore_mem>>)
      } else {
      }
      %eq3A_346 = arith.constant 1 : i32
      %eq3A_347 = arith.cmpi eq, %arg0, %eq3A_346 : i32
      %convert_element_type3A_348 = arith.extui %eq3A_347 : i1 to i32
      %cond3A_349 = arith.constant 0 : i32
      %cond3A_350 = arith.cmpi ne, %convert_element_type3A_348, %cond3A_349 : i32
      scf.if %cond3A_350 {
        %dma_start3A_551 = arith.constant 2 : i32
        %dma_start3A_552 = arith.constant 0 : i32
        %dma_start3A_553 = arith.constant 0 : i32
        %dma_start3A_554 = arith.constant 0 : i32
        %dma_start3A_555 = arith.constant 0 : i32
        %dma_start3A_556 = tpu.memref_slice %arg9[%dma_start3A_553, %dma_start3A_554, %dma_start3A_555] : memref<2x400x32xf32, #tpu.memory_space<vmem>> -> memref<1x400x32xf32, #tpu.memory_space<vmem>>
        %dma_start3A_557 = tpu.memref_squeeze %dma_start3A_556 : memref<1x400x32xf32, #tpu.memory_space<vmem>> -> memref<400x32xf32, #tpu.memory_space<vmem>>
        %dma_start3A_558 = arith.constant 0 : i32
        %dma_start3A_559 = tpu.memref_slice %arg8[%dma_start3A_551, %dma_start3A_552, %dma_start3A_558] : memref<4x2x400xi32, #tpu.memory_space<vmem>> -> memref<1x1x400xi32, #tpu.memory_space<vmem>>
        %dma_start3A_560 = tpu.memref_squeeze %dma_start3A_559 : memref<1x1x400xi32, #tpu.memory_space<vmem>> -> memref<400xi32, #tpu.memory_space<vmem>>
        %dma_start3A_561 = arith.constant 0 : i32
        %dma_start3A_562 = arith.constant 0 : i32
        %dma_start3A_563 = tpu.memref_slice %arg3[%dma_start3A_561, %dma_start3A_562] : memref<50000x32xf32, #tpu.memory_space<hbm>> -> memref<50000x32xf32, #tpu.memory_space<hbm>>
        tpu.enqueue_indirect_dma source(%dma_start3A_563 : memref<50000x32xf32, #tpu.memory_space<hbm>>) target(%dma_start3A_557 : memref<400x32xf32, #tpu.memory_space<vmem>>) offsets(%dma_start3A_560 : memref<400xi32, #tpu.memory_space<vmem>>) semaphore(%arg10 : memref<!tpu.dma_semaphore, #tpu.memory_space<semaphore_mem>>)
      } else {
      }
      %eq3A_351 = arith.constant 0 : i32
      %eq3A_352 = arith.cmpi eq, %arg0, %eq3A_351 : i32
      %convert_element_type3A_353 = arith.extui %eq3A_352 : i1 to i32
      %cond3A_354 = arith.constant 0 : i32
      %cond3A_355 = arith.cmpi ne, %convert_element_type3A_353, %cond3A_354 : i32
      scf.if %cond3A_355 {
        %dma_wait3A_551 = arith.constant 1 : i32
        %dma_wait3A_552 = arith.constant 0 : i32
        %dma_wait3A_553 = arith.constant 1 : i32
        %dma_wait3A_554 = arith.constant 0 : i32
        %dma_wait3A_555 = arith.constant 0 : i32
        %dma_wait3A_556 = tpu.memref_slice %arg9[%dma_wait3A_553, %dma_wait3A_554, %dma_wait3A_555] : memref<2x400x32xf32, #tpu.memory_space<vmem>> -> memref<1x400x32xf32, #tpu.memory_space<vmem>>
        %dma_wait3A_557 = tpu.memref_squeeze %dma_wait3A_556 : memref<1x400x32xf32, #tpu.memory_space<vmem>> -> memref<400x32xf32, #tpu.memory_space<vmem>>
        %dma_wait3A_558 = arith.constant 0 : i32
        %dma_wait3A_559 = tpu.memref_slice %arg8[%dma_wait3A_551, %dma_wait3A_552, %dma_wait3A_558] : memref<4x2x400xi32, #tpu.memory_space<vmem>> -> memref<1x1x400xi32, #tpu.memory_space<vmem>>
        %dma_wait3A_560 = tpu.memref_squeeze %dma_wait3A_559 : memref<1x1x400xi32, #tpu.memory_space<vmem>> -> memref<400xi32, #tpu.memory_space<vmem>>
        %dma_wait3A_561 = arith.constant 0 : i32
        %dma_wait3A_562 = arith.constant 0 : i32
        %dma_wait3A_563 = tpu.memref_slice %arg2[%dma_wait3A_561, %dma_wait3A_562] : memref<50000x32xf32, #tpu.memory_space<hbm>> -> memref<50000x32xf32, #tpu.memory_space<hbm>>
        tpu.wait_indirect_dma semaphore(%arg11 : memref<!tpu.dma_semaphore, #tpu.memory_space<semaphore_mem>>) src(%dma_wait3A_563 : memref<50000x32xf32, #tpu.memory_space<hbm>>) dst(%dma_wait3A_557 : memref<400x32xf32, #tpu.memory_space<vmem>>)
      } else {
      }
      %eq3A_356 = arith.constant 1 : i32
      %eq3A_357 = arith.cmpi eq, %arg0, %eq3A_356 : i32
      %convert_element_type3A_358 = arith.extui %eq3A_357 : i1 to i32
      %cond3A_359 = arith.constant 0 : i32
      %cond3A_360 = arith.cmpi ne, %convert_element_type3A_358, %cond3A_359 : i32
      scf.if %cond3A_360 {
        %dma_wait3A_551 = arith.constant 1 : i32
        %dma_wait3A_552 = arith.constant 0 : i32
        %dma_wait3A_553 = arith.constant 1 : i32
        %dma_wait3A_554 = arith.constant 0 : i32
        %dma_wait3A_555 = arith.constant 0 : i32
        %dma_wait3A_556 = tpu.memref_slice %arg9[%dma_wait3A_553, %dma_wait3A_554, %dma_wait3A_555] : memref<2x400x32xf32, #tpu.memory_space<vmem>> -> memref<1x400x32xf32, #tpu.memory_space<vmem>>
        %dma_wait3A_557 = tpu.memref_squeeze %dma_wait3A_556 : memref<1x400x32xf32, #tpu.memory_space<vmem>> -> memref<400x32xf32, #tpu.memory_space<vmem>>
        %dma_wait3A_558 = arith.constant 0 : i32
        %dma_wait3A_559 = tpu.memref_slice %arg8[%dma_wait3A_551, %dma_wait3A_552, %dma_wait3A_558] : memref<4x2x400xi32, #tpu.memory_space<vmem>> -> memref<1x1x400xi32, #tpu.memory_space<vmem>>
        %dma_wait3A_560 = tpu.memref_squeeze %dma_wait3A_559 : memref<1x1x400xi32, #tpu.memory_space<vmem>> -> memref<400xi32, #tpu.memory_space<vmem>>
        %dma_wait3A_561 = arith.constant 0 : i32
        %dma_wait3A_562 = arith.constant 0 : i32
        %dma_wait3A_563 = tpu.memref_slice %arg3[%dma_wait3A_561, %dma_wait3A_562] : memref<50000x32xf32, #tpu.memory_space<hbm>> -> memref<50000x32xf32, #tpu.memory_space<hbm>>
        tpu.wait_indirect_dma semaphore(%arg11 : memref<!tpu.dma_semaphore, #tpu.memory_space<semaphore_mem>>) src(%dma_wait3A_563 : memref<50000x32xf32, #tpu.memory_space<hbm>>) dst(%dma_wait3A_557 : memref<400x32xf32, #tpu.memory_space<vmem>>)
      } else {
      }
      %dma_start3A_361 = arith.constant 1 : i32
      %dma_start3A_362 = arith.constant 1 : i32
      %dma_start3A_363 = arith.constant 1 : i32
      %dma_start3A_364 = arith.constant 0 : i32
      %dma_start3A_365 = arith.constant 0 : i32
      %dma_start3A_366 = tpu.memref_slice %arg9[%dma_start3A_361, %dma_start3A_364, %dma_start3A_365] : memref<2x400x32xf32, #tpu.memory_space<vmem>> -> memref<1x400x32xf32, #tpu.memory_space<vmem>>
      %dma_start3A_367 = tpu.memref_squeeze %dma_start3A_366 : memref<1x400x32xf32, #tpu.memory_space<vmem>> -> memref<400x32xf32, #tpu.memory_space<vmem>>
      %dma_start3A_368 = arith.constant 0 : i32
      %dma_start3A_369 = tpu.memref_slice %arg8[%dma_start3A_362, %dma_start3A_363, %dma_start3A_368] : memref<4x2x400xi32, #tpu.memory_space<vmem>> -> memref<1x1x400xi32, #tpu.memory_space<vmem>>
      %dma_start3A_370 = tpu.memref_squeeze %dma_start3A_369 : memref<1x1x400xi32, #tpu.memory_space<vmem>> -> memref<400xi32, #tpu.memory_space<vmem>>
      %dma_start3A_371 = arith.constant 0 : i32
      %dma_start3A_372 = arith.constant 0 : i32
      %dma_start3A_373 = tpu.memref_slice %arg7[%dma_start3A_371, %dma_start3A_372] : memref<50000x32xf32, #tpu.memory_space<vmem_shared>> -> memref<50000x32xf32, #tpu.memory_space<vmem_shared>>
      tpu.enqueue_indirect_dma source(%dma_start3A_367 : memref<400x32xf32, #tpu.memory_space<vmem>>) target(%dma_start3A_373 : memref<50000x32xf32, #tpu.memory_space<vmem_shared>>) offsets(%dma_start3A_370 : memref<400xi32, #tpu.memory_space<vmem>>) semaphore(%arg13 : memref<!tpu.dma_semaphore, #tpu.memory_space<semaphore_mem>>) {add = true}
      %mul3A_374 = arith.constant 4 : i32
      %mul3A_375 = arith.muli %mul3A_374, %scan3A_205 : i32
      %add3A_376 = arith.constant 2 : i32
      %add3A_377 = arith.addi %mul3A_375, %add3A_376 : i32
      %dma_wait3A_378 = arith.constant 1 : i32
      %dma_wait3A_379 = arith.constant 1 : i32
      %dma_wait3A_380 = arith.constant 1 : i32
      %dma_wait3A_381 = arith.constant 0 : i32
      %dma_wait3A_382 = arith.constant 0 : i32
      %dma_wait3A_383 = tpu.memref_slice %arg9[%dma_wait3A_378, %dma_wait3A_381, %dma_wait3A_382] : memref<2x400x32xf32, #tpu.memory_space<vmem>> -> memref<1x400x32xf32, #tpu.memory_space<vmem>>
      %dma_wait3A_384 = tpu.memref_squeeze %dma_wait3A_383 : memref<1x400x32xf32, #tpu.memory_space<vmem>> -> memref<400x32xf32, #tpu.memory_space<vmem>>
      %dma_wait3A_385 = arith.constant 0 : i32
      %dma_wait3A_386 = tpu.memref_slice %arg8[%dma_wait3A_379, %dma_wait3A_380, %dma_wait3A_385] : memref<4x2x400xi32, #tpu.memory_space<vmem>> -> memref<1x1x400xi32, #tpu.memory_space<vmem>>
      %dma_wait3A_387 = tpu.memref_squeeze %dma_wait3A_386 : memref<1x1x400xi32, #tpu.memory_space<vmem>> -> memref<400xi32, #tpu.memory_space<vmem>>
      %dma_wait3A_388 = arith.constant 0 : i32
      %dma_wait3A_389 = arith.constant 0 : i32
      %dma_wait3A_390 = tpu.memref_slice %arg7[%dma_wait3A_388, %dma_wait3A_389] : memref<50000x32xf32, #tpu.memory_space<vmem_shared>> -> memref<50000x32xf32, #tpu.memory_space<vmem_shared>>
      tpu.wait_indirect_dma semaphore(%arg13 : memref<!tpu.dma_semaphore, #tpu.memory_space<semaphore_mem>>) src(%dma_wait3A_384 : memref<400x32xf32, #tpu.memory_space<vmem>>) dst(%dma_wait3A_390 : memref<50000x32xf32, #tpu.memory_space<vmem_shared>>)
      %add3A_391 = arith.constant 3 : i32
      %add3A_392 = arith.addi %add3A_377, %add3A_391 : i32
      %lt3A_393 = arith.constant 125 : i32
      %lt3A_394 = arith.cmpi slt, %add3A_392, %lt3A_393 : i32
      %convert_element_type3A_395 = arith.extui %lt3A_394 : i1 to i32
      %cond3A_396 = arith.constant 0 : i32
      %cond3A_397 = arith.cmpi ne, %convert_element_type3A_395, %cond3A_396 : i32
      scf.if %cond3A_397 {
        %add3A_551 = arith.constant 3 : i32
        %add3A_552 = arith.addi %add3A_377, %add3A_551 : i32
        %mul3A_553 = arith.constant 400 : i32
        %mul3A_554 = arith.muli %add3A_552, %mul3A_553 : i32
        %add3A_555 = arith.addi %mul3A_18, %mul3A_554 : i32
        %dma_start3A_556 = arith.constant 0 : i32
        %dma_start3A_557 = arith.constant 1 : i32
        %dma_start3A_558 = arith.constant 0 : i32
        %dma_start3A_559 = arith.constant 0 : i32
        %dma_start3A_560 = tpu.memref_slice %arg8[%dma_start3A_557, %dma_start3A_558, %dma_start3A_559] : memref<4x2x400xi32, #tpu.memory_space<vmem>> -> memref<1x1x400xi32, #tpu.memory_space<vmem>>
        %dma_start3A_561 = tpu.memref_squeeze %dma_start3A_560 : memref<1x1x400xi32, #tpu.memory_space<vmem>> -> memref<400xi32, #tpu.memory_space<vmem>>
        %dma_start3A_562 = tpu.memref_slice %arg4[%dma_start3A_556, %add3A_555] : memref<2x800000xi32, #tpu.memory_space<hbm>> -> memref<1x400xi32, #tpu.memory_space<hbm>>
        %dma_start3A_563 = tpu.memref_squeeze %dma_start3A_562 : memref<1x400xi32, #tpu.memory_space<hbm>> -> memref<400xi32, #tpu.memory_space<hbm>>
        %dma_start3A_564 = arith.constant 0 : i32
        %dma_start3A_565 = tpu.memref_slice %arg8[%dma_start3A_557, %dma_start3A_558, %dma_start3A_564] : memref<4x2x400xi32, #tpu.memory_space<vmem>> -> memref<1x1x400xi32, #tpu.memory_space<vmem>>
        %dma_start3A_566 = tpu.memref_squeeze %dma_start3A_565 : memref<1x1x400xi32, #tpu.memory_space<vmem>> -> memref<400xi32, #tpu.memory_space<vmem>>
        %dma_start3A_567 = tpu.memref_slice %arg4[%dma_start3A_556, %add3A_555] : memref<2x800000xi32, #tpu.memory_space<hbm>> -> memref<1x400xi32, #tpu.memory_space<hbm>>
        %dma_start3A_568 = tpu.memref_squeeze %dma_start3A_567 : memref<1x400xi32, #tpu.memory_space<hbm>> -> memref<400xi32, #tpu.memory_space<hbm>>
        tpu.enqueue_dma source(%dma_start3A_568 : memref<400xi32, #tpu.memory_space<hbm>>) target(%dma_start3A_566 : memref<400xi32, #tpu.memory_space<vmem>>) target_semaphore(%arg15 : memref<!tpu.dma_semaphore, #tpu.memory_space<semaphore_mem>>)
        %dma_start3A_569 = arith.constant 1 : i32
        %dma_start3A_570 = arith.constant 1 : i32
        %dma_start3A_571 = arith.constant 1 : i32
        %dma_start3A_572 = arith.constant 0 : i32
        %dma_start3A_573 = tpu.memref_slice %arg8[%dma_start3A_570, %dma_start3A_571, %dma_start3A_572] : memref<4x2x400xi32, #tpu.memory_space<vmem>> -> memref<1x1x400xi32, #tpu.memory_space<vmem>>
        %dma_start3A_574 = tpu.memref_squeeze %dma_start3A_573 : memref<1x1x400xi32, #tpu.memory_space<vmem>> -> memref<400xi32, #tpu.memory_space<vmem>>
        %dma_start3A_575 = tpu.memref_slice %arg4[%dma_start3A_569, %add3A_555] : memref<2x800000xi32, #tpu.memory_space<hbm>> -> memref<1x400xi32, #tpu.memory_space<hbm>>
        %dma_start3A_576 = tpu.memref_squeeze %dma_start3A_575 : memref<1x400xi32, #tpu.memory_space<hbm>> -> memref<400xi32, #tpu.memory_space<hbm>>
        %dma_start3A_577 = arith.constant 0 : i32
        %dma_start3A_578 = tpu.memref_slice %arg8[%dma_start3A_570, %dma_start3A_571, %dma_start3A_577] : memref<4x2x400xi32, #tpu.memory_space<vmem>> -> memref<1x1x400xi32, #tpu.memory_space<vmem>>
        %dma_start3A_579 = tpu.memref_squeeze %dma_start3A_578 : memref<1x1x400xi32, #tpu.memory_space<vmem>> -> memref<400xi32, #tpu.memory_space<vmem>>
        %dma_start3A_580 = tpu.memref_slice %arg4[%dma_start3A_569, %add3A_555] : memref<2x800000xi32, #tpu.memory_space<hbm>> -> memref<1x400xi32, #tpu.memory_space<hbm>>
        %dma_start3A_581 = tpu.memref_squeeze %dma_start3A_580 : memref<1x400xi32, #tpu.memory_space<hbm>> -> memref<400xi32, #tpu.memory_space<hbm>>
        tpu.enqueue_dma source(%dma_start3A_581 : memref<400xi32, #tpu.memory_space<hbm>>) target(%dma_start3A_579 : memref<400xi32, #tpu.memory_space<vmem>>) target_semaphore(%arg15 : memref<!tpu.dma_semaphore, #tpu.memory_space<semaphore_mem>>)
      } else {
      }
      %add3A_398 = arith.constant 1 : i32
      %add3A_399 = arith.addi %add3A_377, %add3A_398 : i32
      %mul3A_400 = arith.constant 400 : i32
      %mul3A_401 = arith.muli %add3A_399, %mul3A_400 : i32
      %add3A_402 = arith.addi %mul3A_18, %mul3A_401 : i32
      %dma_wait3A_403 = arith.constant 0 : i32
      %dma_wait3A_404 = arith.constant 3 : i32
      %dma_wait3A_405 = arith.constant 0 : i32
      %dma_wait3A_406 = arith.constant 0 : i32
      %dma_wait3A_407 = tpu.memref_slice %arg8[%dma_wait3A_404, %dma_wait3A_405, %dma_wait3A_406] : memref<4x2x400xi32, #tpu.memory_space<vmem>> -> memref<1x1x400xi32, #tpu.memory_space<vmem>>
      %dma_wait3A_408 = tpu.memref_squeeze %dma_wait3A_407 : memref<1x1x400xi32, #tpu.memory_space<vmem>> -> memref<400xi32, #tpu.memory_space<vmem>>
      %dma_wait3A_409 = tpu.memref_slice %arg4[%dma_wait3A_403, %add3A_402] : memref<2x800000xi32, #tpu.memory_space<hbm>> -> memref<1x400xi32, #tpu.memory_space<hbm>>
      %dma_wait3A_410 = tpu.memref_squeeze %dma_wait3A_409 : memref<1x400xi32, #tpu.memory_space<hbm>> -> memref<400xi32, #tpu.memory_space<hbm>>
      %dma_wait3A_411 = arith.constant 0 : i32
      %dma_wait3A_412 = tpu.memref_slice %arg8[%dma_wait3A_404, %dma_wait3A_405, %dma_wait3A_411] : memref<4x2x400xi32, #tpu.memory_space<vmem>> -> memref<1x1x400xi32, #tpu.memory_space<vmem>>
      %dma_wait3A_413 = tpu.memref_squeeze %dma_wait3A_412 : memref<1x1x400xi32, #tpu.memory_space<vmem>> -> memref<400xi32, #tpu.memory_space<vmem>>
      %dma_wait3A_414 = tpu.memref_slice %arg4[%dma_wait3A_403, %add3A_402] : memref<2x800000xi32, #tpu.memory_space<hbm>> -> memref<1x400xi32, #tpu.memory_space<hbm>>
      %dma_wait3A_415 = tpu.memref_squeeze %dma_wait3A_414 : memref<1x400xi32, #tpu.memory_space<hbm>> -> memref<400xi32, #tpu.memory_space<hbm>>
      tpu.wait_dma2 semaphore(%arg17 : memref<!tpu.dma_semaphore, #tpu.memory_space<semaphore_mem>>) src(%dma_wait3A_415 : memref<400xi32, #tpu.memory_space<hbm>>) dst(%dma_wait3A_413 : memref<400xi32, #tpu.memory_space<vmem>>)
      %dma_wait3A_416 = arith.constant 1 : i32
      %dma_wait3A_417 = arith.constant 3 : i32
      %dma_wait3A_418 = arith.constant 1 : i32
      %dma_wait3A_419 = arith.constant 0 : i32
      %dma_wait3A_420 = tpu.memref_slice %arg8[%dma_wait3A_417, %dma_wait3A_418, %dma_wait3A_419] : memref<4x2x400xi32, #tpu.memory_space<vmem>> -> memref<1x1x400xi32, #tpu.memory_space<vmem>>
      %dma_wait3A_421 = tpu.memref_squeeze %dma_wait3A_420 : memref<1x1x400xi32, #tpu.memory_space<vmem>> -> memref<400xi32, #tpu.memory_space<vmem>>
      %dma_wait3A_422 = tpu.memref_slice %arg4[%dma_wait3A_416, %add3A_402] : memref<2x800000xi32, #tpu.memory_space<hbm>> -> memref<1x400xi32, #tpu.memory_space<hbm>>
      %dma_wait3A_423 = tpu.memref_squeeze %dma_wait3A_422 : memref<1x400xi32, #tpu.memory_space<hbm>> -> memref<400xi32, #tpu.memory_space<hbm>>
      %dma_wait3A_424 = arith.constant 0 : i32
      %dma_wait3A_425 = tpu.memref_slice %arg8[%dma_wait3A_417, %dma_wait3A_418, %dma_wait3A_424] : memref<4x2x400xi32, #tpu.memory_space<vmem>> -> memref<1x1x400xi32, #tpu.memory_space<vmem>>
      %dma_wait3A_426 = tpu.memref_squeeze %dma_wait3A_425 : memref<1x1x400xi32, #tpu.memory_space<vmem>> -> memref<400xi32, #tpu.memory_space<vmem>>
      %dma_wait3A_427 = tpu.memref_slice %arg4[%dma_wait3A_416, %add3A_402] : memref<2x800000xi32, #tpu.memory_space<hbm>> -> memref<1x400xi32, #tpu.memory_space<hbm>>
      %dma_wait3A_428 = tpu.memref_squeeze %dma_wait3A_427 : memref<1x400xi32, #tpu.memory_space<hbm>> -> memref<400xi32, #tpu.memory_space<hbm>>
      tpu.wait_dma2 semaphore(%arg17 : memref<!tpu.dma_semaphore, #tpu.memory_space<semaphore_mem>>) src(%dma_wait3A_428 : memref<400xi32, #tpu.memory_space<hbm>>) dst(%dma_wait3A_426 : memref<400xi32, #tpu.memory_space<vmem>>)
      %eq3A_429 = arith.constant 0 : i32
      %eq3A_430 = arith.cmpi eq, %arg0, %eq3A_429 : i32
      %convert_element_type3A_431 = arith.extui %eq3A_430 : i1 to i32
      %cond3A_432 = arith.constant 0 : i32
      %cond3A_433 = arith.cmpi ne, %convert_element_type3A_431, %cond3A_432 : i32
      scf.if %cond3A_433 {
        %dma_start3A_551 = arith.constant 3 : i32
        %dma_start3A_552 = arith.constant 0 : i32
        %dma_start3A_553 = arith.constant 1 : i32
        %dma_start3A_554 = arith.constant 0 : i32
        %dma_start3A_555 = arith.constant 0 : i32
        %dma_start3A_556 = tpu.memref_slice %arg9[%dma_start3A_553, %dma_start3A_554, %dma_start3A_555] : memref<2x400x32xf32, #tpu.memory_space<vmem>> -> memref<1x400x32xf32, #tpu.memory_space<vmem>>
        %dma_start3A_557 = tpu.memref_squeeze %dma_start3A_556 : memref<1x400x32xf32, #tpu.memory_space<vmem>> -> memref<400x32xf32, #tpu.memory_space<vmem>>
        %dma_start3A_558 = arith.constant 0 : i32
        %dma_start3A_559 = tpu.memref_slice %arg8[%dma_start3A_551, %dma_start3A_552, %dma_start3A_558] : memref<4x2x400xi32, #tpu.memory_space<vmem>> -> memref<1x1x400xi32, #tpu.memory_space<vmem>>
        %dma_start3A_560 = tpu.memref_squeeze %dma_start3A_559 : memref<1x1x400xi32, #tpu.memory_space<vmem>> -> memref<400xi32, #tpu.memory_space<vmem>>
        %dma_start3A_561 = arith.constant 0 : i32
        %dma_start3A_562 = arith.constant 0 : i32
        %dma_start3A_563 = tpu.memref_slice %arg2[%dma_start3A_561, %dma_start3A_562] : memref<50000x32xf32, #tpu.memory_space<hbm>> -> memref<50000x32xf32, #tpu.memory_space<hbm>>
        tpu.enqueue_indirect_dma source(%dma_start3A_563 : memref<50000x32xf32, #tpu.memory_space<hbm>>) target(%dma_start3A_557 : memref<400x32xf32, #tpu.memory_space<vmem>>) offsets(%dma_start3A_560 : memref<400xi32, #tpu.memory_space<vmem>>) semaphore(%arg11 : memref<!tpu.dma_semaphore, #tpu.memory_space<semaphore_mem>>)
      } else {
      }
      %eq3A_434 = arith.constant 1 : i32
      %eq3A_435 = arith.cmpi eq, %arg0, %eq3A_434 : i32
      %convert_element_type3A_436 = arith.extui %eq3A_435 : i1 to i32
      %cond3A_437 = arith.constant 0 : i32
      %cond3A_438 = arith.cmpi ne, %convert_element_type3A_436, %cond3A_437 : i32
      scf.if %cond3A_438 {
        %dma_start3A_551 = arith.constant 3 : i32
        %dma_start3A_552 = arith.constant 0 : i32
        %dma_start3A_553 = arith.constant 1 : i32
        %dma_start3A_554 = arith.constant 0 : i32
        %dma_start3A_555 = arith.constant 0 : i32
        %dma_start3A_556 = tpu.memref_slice %arg9[%dma_start3A_553, %dma_start3A_554, %dma_start3A_555] : memref<2x400x32xf32, #tpu.memory_space<vmem>> -> memref<1x400x32xf32, #tpu.memory_space<vmem>>
        %dma_start3A_557 = tpu.memref_squeeze %dma_start3A_556 : memref<1x400x32xf32, #tpu.memory_space<vmem>> -> memref<400x32xf32, #tpu.memory_space<vmem>>
        %dma_start3A_558 = arith.constant 0 : i32
        %dma_start3A_559 = tpu.memref_slice %arg8[%dma_start3A_551, %dma_start3A_552, %dma_start3A_558] : memref<4x2x400xi32, #tpu.memory_space<vmem>> -> memref<1x1x400xi32, #tpu.memory_space<vmem>>
        %dma_start3A_560 = tpu.memref_squeeze %dma_start3A_559 : memref<1x1x400xi32, #tpu.memory_space<vmem>> -> memref<400xi32, #tpu.memory_space<vmem>>
        %dma_start3A_561 = arith.constant 0 : i32
        %dma_start3A_562 = arith.constant 0 : i32
        %dma_start3A_563 = tpu.memref_slice %arg3[%dma_start3A_561, %dma_start3A_562] : memref<50000x32xf32, #tpu.memory_space<hbm>> -> memref<50000x32xf32, #tpu.memory_space<hbm>>
        tpu.enqueue_indirect_dma source(%dma_start3A_563 : memref<50000x32xf32, #tpu.memory_space<hbm>>) target(%dma_start3A_557 : memref<400x32xf32, #tpu.memory_space<vmem>>) offsets(%dma_start3A_560 : memref<400xi32, #tpu.memory_space<vmem>>) semaphore(%arg11 : memref<!tpu.dma_semaphore, #tpu.memory_space<semaphore_mem>>)
      } else {
      }
      %eq3A_439 = arith.constant 0 : i32
      %eq3A_440 = arith.cmpi eq, %arg0, %eq3A_439 : i32
      %convert_element_type3A_441 = arith.extui %eq3A_440 : i1 to i32
      %cond3A_442 = arith.constant 0 : i32
      %cond3A_443 = arith.cmpi ne, %convert_element_type3A_441, %cond3A_442 : i32
      scf.if %cond3A_443 {
        %dma_wait3A_551 = arith.constant 2 : i32
        %dma_wait3A_552 = arith.constant 0 : i32
        %dma_wait3A_553 = arith.constant 0 : i32
        %dma_wait3A_554 = arith.constant 0 : i32
        %dma_wait3A_555 = arith.constant 0 : i32
        %dma_wait3A_556 = tpu.memref_slice %arg9[%dma_wait3A_553, %dma_wait3A_554, %dma_wait3A_555] : memref<2x400x32xf32, #tpu.memory_space<vmem>> -> memref<1x400x32xf32, #tpu.memory_space<vmem>>
        %dma_wait3A_557 = tpu.memref_squeeze %dma_wait3A_556 : memref<1x400x32xf32, #tpu.memory_space<vmem>> -> memref<400x32xf32, #tpu.memory_space<vmem>>
        %dma_wait3A_558 = arith.constant 0 : i32
        %dma_wait3A_559 = tpu.memref_slice %arg8[%dma_wait3A_551, %dma_wait3A_552, %dma_wait3A_558] : memref<4x2x400xi32, #tpu.memory_space<vmem>> -> memref<1x1x400xi32, #tpu.memory_space<vmem>>
        %dma_wait3A_560 = tpu.memref_squeeze %dma_wait3A_559 : memref<1x1x400xi32, #tpu.memory_space<vmem>> -> memref<400xi32, #tpu.memory_space<vmem>>
        %dma_wait3A_561 = arith.constant 0 : i32
        %dma_wait3A_562 = arith.constant 0 : i32
        %dma_wait3A_563 = tpu.memref_slice %arg2[%dma_wait3A_561, %dma_wait3A_562] : memref<50000x32xf32, #tpu.memory_space<hbm>> -> memref<50000x32xf32, #tpu.memory_space<hbm>>
        tpu.wait_indirect_dma semaphore(%arg10 : memref<!tpu.dma_semaphore, #tpu.memory_space<semaphore_mem>>) src(%dma_wait3A_563 : memref<50000x32xf32, #tpu.memory_space<hbm>>) dst(%dma_wait3A_557 : memref<400x32xf32, #tpu.memory_space<vmem>>)
      } else {
      }
      %eq3A_444 = arith.constant 1 : i32
      %eq3A_445 = arith.cmpi eq, %arg0, %eq3A_444 : i32
      %convert_element_type3A_446 = arith.extui %eq3A_445 : i1 to i32
      %cond3A_447 = arith.constant 0 : i32
      %cond3A_448 = arith.cmpi ne, %convert_element_type3A_446, %cond3A_447 : i32
      scf.if %cond3A_448 {
        %dma_wait3A_551 = arith.constant 2 : i32
        %dma_wait3A_552 = arith.constant 0 : i32
        %dma_wait3A_553 = arith.constant 0 : i32
        %dma_wait3A_554 = arith.constant 0 : i32
        %dma_wait3A_555 = arith.constant 0 : i32
        %dma_wait3A_556 = tpu.memref_slice %arg9[%dma_wait3A_553, %dma_wait3A_554, %dma_wait3A_555] : memref<2x400x32xf32, #tpu.memory_space<vmem>> -> memref<1x400x32xf32, #tpu.memory_space<vmem>>
        %dma_wait3A_557 = tpu.memref_squeeze %dma_wait3A_556 : memref<1x400x32xf32, #tpu.memory_space<vmem>> -> memref<400x32xf32, #tpu.memory_space<vmem>>
        %dma_wait3A_558 = arith.constant 0 : i32
        %dma_wait3A_559 = tpu.memref_slice %arg8[%dma_wait3A_551, %dma_wait3A_552, %dma_wait3A_558] : memref<4x2x400xi32, #tpu.memory_space<vmem>> -> memref<1x1x400xi32, #tpu.memory_space<vmem>>
        %dma_wait3A_560 = tpu.memref_squeeze %dma_wait3A_559 : memref<1x1x400xi32, #tpu.memory_space<vmem>> -> memref<400xi32, #tpu.memory_space<vmem>>
        %dma_wait3A_561 = arith.constant 0 : i32
        %dma_wait3A_562 = arith.constant 0 : i32
        %dma_wait3A_563 = tpu.memref_slice %arg3[%dma_wait3A_561, %dma_wait3A_562] : memref<50000x32xf32, #tpu.memory_space<hbm>> -> memref<50000x32xf32, #tpu.memory_space<hbm>>
        tpu.wait_indirect_dma semaphore(%arg10 : memref<!tpu.dma_semaphore, #tpu.memory_space<semaphore_mem>>) src(%dma_wait3A_563 : memref<50000x32xf32, #tpu.memory_space<hbm>>) dst(%dma_wait3A_557 : memref<400x32xf32, #tpu.memory_space<vmem>>)
      } else {
      }
      %dma_start3A_449 = arith.constant 0 : i32
      %dma_start3A_450 = arith.constant 2 : i32
      %dma_start3A_451 = arith.constant 1 : i32
      %dma_start3A_452 = arith.constant 0 : i32
      %dma_start3A_453 = arith.constant 0 : i32
      %dma_start3A_454 = tpu.memref_slice %arg9[%dma_start3A_449, %dma_start3A_452, %dma_start3A_453] : memref<2x400x32xf32, #tpu.memory_space<vmem>> -> memref<1x400x32xf32, #tpu.memory_space<vmem>>
      %dma_start3A_455 = tpu.memref_squeeze %dma_start3A_454 : memref<1x400x32xf32, #tpu.memory_space<vmem>> -> memref<400x32xf32, #tpu.memory_space<vmem>>
      %dma_start3A_456 = arith.constant 0 : i32
      %dma_start3A_457 = tpu.memref_slice %arg8[%dma_start3A_450, %dma_start3A_451, %dma_start3A_456] : memref<4x2x400xi32, #tpu.memory_space<vmem>> -> memref<1x1x400xi32, #tpu.memory_space<vmem>>
      %dma_start3A_458 = tpu.memref_squeeze %dma_start3A_457 : memref<1x1x400xi32, #tpu.memory_space<vmem>> -> memref<400xi32, #tpu.memory_space<vmem>>
      %dma_start3A_459 = arith.constant 0 : i32
      %dma_start3A_460 = arith.constant 0 : i32
      %dma_start3A_461 = tpu.memref_slice %arg7[%dma_start3A_459, %dma_start3A_460] : memref<50000x32xf32, #tpu.memory_space<vmem_shared>> -> memref<50000x32xf32, #tpu.memory_space<vmem_shared>>
      tpu.enqueue_indirect_dma source(%dma_start3A_455 : memref<400x32xf32, #tpu.memory_space<vmem>>) target(%dma_start3A_461 : memref<50000x32xf32, #tpu.memory_space<vmem_shared>>) offsets(%dma_start3A_458 : memref<400xi32, #tpu.memory_space<vmem>>) semaphore(%arg12 : memref<!tpu.dma_semaphore, #tpu.memory_space<semaphore_mem>>) {add = true}
      %mul3A_462 = arith.constant 4 : i32
      %mul3A_463 = arith.muli %mul3A_462, %scan3A_205 : i32
      %add3A_464 = arith.constant 3 : i32
      %add3A_465 = arith.addi %mul3A_463, %add3A_464 : i32
      %dma_wait3A_466 = arith.constant 0 : i32
      %dma_wait3A_467 = arith.constant 2 : i32
      %dma_wait3A_468 = arith.constant 1 : i32
      %dma_wait3A_469 = arith.constant 0 : i32
      %dma_wait3A_470 = arith.constant 0 : i32
      %dma_wait3A_471 = tpu.memref_slice %arg9[%dma_wait3A_466, %dma_wait3A_469, %dma_wait3A_470] : memref<2x400x32xf32, #tpu.memory_space<vmem>> -> memref<1x400x32xf32, #tpu.memory_space<vmem>>
      %dma_wait3A_472 = tpu.memref_squeeze %dma_wait3A_471 : memref<1x400x32xf32, #tpu.memory_space<vmem>> -> memref<400x32xf32, #tpu.memory_space<vmem>>
      %dma_wait3A_473 = arith.constant 0 : i32
      %dma_wait3A_474 = tpu.memref_slice %arg8[%dma_wait3A_467, %dma_wait3A_468, %dma_wait3A_473] : memref<4x2x400xi32, #tpu.memory_space<vmem>> -> memref<1x1x400xi32, #tpu.memory_space<vmem>>
      %dma_wait3A_475 = tpu.memref_squeeze %dma_wait3A_474 : memref<1x1x400xi32, #tpu.memory_space<vmem>> -> memref<400xi32, #tpu.memory_space<vmem>>
      %dma_wait3A_476 = arith.constant 0 : i32
      %dma_wait3A_477 = arith.constant 0 : i32
      %dma_wait3A_478 = tpu.memref_slice %arg7[%dma_wait3A_476, %dma_wait3A_477] : memref<50000x32xf32, #tpu.memory_space<vmem_shared>> -> memref<50000x32xf32, #tpu.memory_space<vmem_shared>>
      tpu.wait_indirect_dma semaphore(%arg12 : memref<!tpu.dma_semaphore, #tpu.memory_space<semaphore_mem>>) src(%dma_wait3A_472 : memref<400x32xf32, #tpu.memory_space<vmem>>) dst(%dma_wait3A_478 : memref<50000x32xf32, #tpu.memory_space<vmem_shared>>)
      %add3A_479 = arith.constant 3 : i32
      %add3A_480 = arith.addi %add3A_465, %add3A_479 : i32
      %lt3A_481 = arith.constant 125 : i32
      %lt3A_482 = arith.cmpi slt, %add3A_480, %lt3A_481 : i32
      %convert_element_type3A_483 = arith.extui %lt3A_482 : i1 to i32
      %cond3A_484 = arith.constant 0 : i32
      %cond3A_485 = arith.cmpi ne, %convert_element_type3A_483, %cond3A_484 : i32
      scf.if %cond3A_485 {
        %add3A_551 = arith.constant 3 : i32
        %add3A_552 = arith.addi %add3A_465, %add3A_551 : i32
        %mul3A_553 = arith.constant 400 : i32
        %mul3A_554 = arith.muli %add3A_552, %mul3A_553 : i32
        %add3A_555 = arith.addi %mul3A_18, %mul3A_554 : i32
        %dma_start3A_556 = arith.constant 0 : i32
        %dma_start3A_557 = arith.constant 2 : i32
        %dma_start3A_558 = arith.constant 0 : i32
        %dma_start3A_559 = arith.constant 0 : i32
        %dma_start3A_560 = tpu.memref_slice %arg8[%dma_start3A_557, %dma_start3A_558, %dma_start3A_559] : memref<4x2x400xi32, #tpu.memory_space<vmem>> -> memref<1x1x400xi32, #tpu.memory_space<vmem>>
        %dma_start3A_561 = tpu.memref_squeeze %dma_start3A_560 : memref<1x1x400xi32, #tpu.memory_space<vmem>> -> memref<400xi32, #tpu.memory_space<vmem>>
        %dma_start3A_562 = tpu.memref_slice %arg4[%dma_start3A_556, %add3A_555] : memref<2x800000xi32, #tpu.memory_space<hbm>> -> memref<1x400xi32, #tpu.memory_space<hbm>>
        %dma_start3A_563 = tpu.memref_squeeze %dma_start3A_562 : memref<1x400xi32, #tpu.memory_space<hbm>> -> memref<400xi32, #tpu.memory_space<hbm>>
        %dma_start3A_564 = arith.constant 0 : i32
        %dma_start3A_565 = tpu.memref_slice %arg8[%dma_start3A_557, %dma_start3A_558, %dma_start3A_564] : memref<4x2x400xi32, #tpu.memory_space<vmem>> -> memref<1x1x400xi32, #tpu.memory_space<vmem>>
        %dma_start3A_566 = tpu.memref_squeeze %dma_start3A_565 : memref<1x1x400xi32, #tpu.memory_space<vmem>> -> memref<400xi32, #tpu.memory_space<vmem>>
        %dma_start3A_567 = tpu.memref_slice %arg4[%dma_start3A_556, %add3A_555] : memref<2x800000xi32, #tpu.memory_space<hbm>> -> memref<1x400xi32, #tpu.memory_space<hbm>>
        %dma_start3A_568 = tpu.memref_squeeze %dma_start3A_567 : memref<1x400xi32, #tpu.memory_space<hbm>> -> memref<400xi32, #tpu.memory_space<hbm>>
        tpu.enqueue_dma source(%dma_start3A_568 : memref<400xi32, #tpu.memory_space<hbm>>) target(%dma_start3A_566 : memref<400xi32, #tpu.memory_space<vmem>>) target_semaphore(%arg16 : memref<!tpu.dma_semaphore, #tpu.memory_space<semaphore_mem>>)
        %dma_start3A_569 = arith.constant 1 : i32
        %dma_start3A_570 = arith.constant 2 : i32
        %dma_start3A_571 = arith.constant 1 : i32
        %dma_start3A_572 = arith.constant 0 : i32
        %dma_start3A_573 = tpu.memref_slice %arg8[%dma_start3A_570, %dma_start3A_571, %dma_start3A_572] : memref<4x2x400xi32, #tpu.memory_space<vmem>> -> memref<1x1x400xi32, #tpu.memory_space<vmem>>
        %dma_start3A_574 = tpu.memref_squeeze %dma_start3A_573 : memref<1x1x400xi32, #tpu.memory_space<vmem>> -> memref<400xi32, #tpu.memory_space<vmem>>
        %dma_start3A_575 = tpu.memref_slice %arg4[%dma_start3A_569, %add3A_555] : memref<2x800000xi32, #tpu.memory_space<hbm>> -> memref<1x400xi32, #tpu.memory_space<hbm>>
        %dma_start3A_576 = tpu.memref_squeeze %dma_start3A_575 : memref<1x400xi32, #tpu.memory_space<hbm>> -> memref<400xi32, #tpu.memory_space<hbm>>
        %dma_start3A_577 = arith.constant 0 : i32
        %dma_start3A_578 = tpu.memref_slice %arg8[%dma_start3A_570, %dma_start3A_571, %dma_start3A_577] : memref<4x2x400xi32, #tpu.memory_space<vmem>> -> memref<1x1x400xi32, #tpu.memory_space<vmem>>
        %dma_start3A_579 = tpu.memref_squeeze %dma_start3A_578 : memref<1x1x400xi32, #tpu.memory_space<vmem>> -> memref<400xi32, #tpu.memory_space<vmem>>
        %dma_start3A_580 = tpu.memref_slice %arg4[%dma_start3A_569, %add3A_555] : memref<2x800000xi32, #tpu.memory_space<hbm>> -> memref<1x400xi32, #tpu.memory_space<hbm>>
        %dma_start3A_581 = tpu.memref_squeeze %dma_start3A_580 : memref<1x400xi32, #tpu.memory_space<hbm>> -> memref<400xi32, #tpu.memory_space<hbm>>
        tpu.enqueue_dma source(%dma_start3A_581 : memref<400xi32, #tpu.memory_space<hbm>>) target(%dma_start3A_579 : memref<400xi32, #tpu.memory_space<vmem>>) target_semaphore(%arg16 : memref<!tpu.dma_semaphore, #tpu.memory_space<semaphore_mem>>)
      } else {
      }
      %add3A_486 = arith.constant 1 : i32
      %add3A_487 = arith.addi %add3A_465, %add3A_486 : i32
      %mul3A_488 = arith.constant 400 : i32
      %mul3A_489 = arith.muli %add3A_487, %mul3A_488 : i32
      %add3A_490 = arith.addi %mul3A_18, %mul3A_489 : i32
      %dma_wait3A_491 = arith.constant 0 : i32
      %dma_wait3A_492 = arith.constant 0 : i32
      %dma_wait3A_493 = arith.constant 0 : i32
      %dma_wait3A_494 = arith.constant 0 : i32
      %dma_wait3A_495 = tpu.memref_slice %arg8[%dma_wait3A_492, %dma_wait3A_493, %dma_wait3A_494] : memref<4x2x400xi32, #tpu.memory_space<vmem>> -> memref<1x1x400xi32, #tpu.memory_space<vmem>>
      %dma_wait3A_496 = tpu.memref_squeeze %dma_wait3A_495 : memref<1x1x400xi32, #tpu.memory_space<vmem>> -> memref<400xi32, #tpu.memory_space<vmem>>
      %dma_wait3A_497 = tpu.memref_slice %arg4[%dma_wait3A_491, %add3A_490] : memref<2x800000xi32, #tpu.memory_space<hbm>> -> memref<1x400xi32, #tpu.memory_space<hbm>>
      %dma_wait3A_498 = tpu.memref_squeeze %dma_wait3A_497 : memref<1x400xi32, #tpu.memory_space<hbm>> -> memref<400xi32, #tpu.memory_space<hbm>>
      %dma_wait3A_499 = arith.constant 0 : i32
      %dma_wait3A_500 = tpu.memref_slice %arg8[%dma_wait3A_492, %dma_wait3A_493, %dma_wait3A_499] : memref<4x2x400xi32, #tpu.memory_space<vmem>> -> memref<1x1x400xi32, #tpu.memory_space<vmem>>
      %dma_wait3A_501 = tpu.memref_squeeze %dma_wait3A_500 : memref<1x1x400xi32, #tpu.memory_space<vmem>> -> memref<400xi32, #tpu.memory_space<vmem>>
      %dma_wait3A_502 = tpu.memref_slice %arg4[%dma_wait3A_491, %add3A_490] : memref<2x800000xi32, #tpu.memory_space<hbm>> -> memref<1x400xi32, #tpu.memory_space<hbm>>
      %dma_wait3A_503 = tpu.memref_squeeze %dma_wait3A_502 : memref<1x400xi32, #tpu.memory_space<hbm>> -> memref<400xi32, #tpu.memory_space<hbm>>
      tpu.wait_dma2 semaphore(%arg14 : memref<!tpu.dma_semaphore, #tpu.memory_space<semaphore_mem>>) src(%dma_wait3A_503 : memref<400xi32, #tpu.memory_space<hbm>>) dst(%dma_wait3A_501 : memref<400xi32, #tpu.memory_space<vmem>>)
      %dma_wait3A_504 = arith.constant 1 : i32
      %dma_wait3A_505 = arith.constant 0 : i32
      %dma_wait3A_506 = arith.constant 1 : i32
      %dma_wait3A_507 = arith.constant 0 : i32
      %dma_wait3A_508 = tpu.memref_slice %arg8[%dma_wait3A_505, %dma_wait3A_506, %dma_wait3A_507] : memref<4x2x400xi32, #tpu.memory_space<vmem>> -> memref<1x1x400xi32, #tpu.memory_space<vmem>>
      %dma_wait3A_509 = tpu.memref_squeeze %dma_wait3A_508 : memref<1x1x400xi32, #tpu.memory_space<vmem>> -> memref<400xi32, #tpu.memory_space<vmem>>
      %dma_wait3A_510 = tpu.memref_slice %arg4[%dma_wait3A_504, %add3A_490] : memref<2x800000xi32, #tpu.memory_space<hbm>> -> memref<1x400xi32, #tpu.memory_space<hbm>>
      %dma_wait3A_511 = tpu.memref_squeeze %dma_wait3A_510 : memref<1x400xi32, #tpu.memory_space<hbm>> -> memref<400xi32, #tpu.memory_space<hbm>>
      %dma_wait3A_512 = arith.constant 0 : i32
      %dma_wait3A_513 = tpu.memref_slice %arg8[%dma_wait3A_505, %dma_wait3A_506, %dma_wait3A_512] : memref<4x2x400xi32, #tpu.memory_space<vmem>> -> memref<1x1x400xi32, #tpu.memory_space<vmem>>
      %dma_wait3A_514 = tpu.memref_squeeze %dma_wait3A_513 : memref<1x1x400xi32, #tpu.memory_space<vmem>> -> memref<400xi32, #tpu.memory_space<vmem>>
      %dma_wait3A_515 = tpu.memref_slice %arg4[%dma_wait3A_504, %add3A_490] : memref<2x800000xi32, #tpu.memory_space<hbm>> -> memref<1x400xi32, #tpu.memory_space<hbm>>
      %dma_wait3A_516 = tpu.memref_squeeze %dma_wait3A_515 : memref<1x400xi32, #tpu.memory_space<hbm>> -> memref<400xi32, #tpu.memory_space<hbm>>
      tpu.wait_dma2 semaphore(%arg14 : memref<!tpu.dma_semaphore, #tpu.memory_space<semaphore_mem>>) src(%dma_wait3A_516 : memref<400xi32, #tpu.memory_space<hbm>>) dst(%dma_wait3A_514 : memref<400xi32, #tpu.memory_space<vmem>>)
      %eq3A_517 = arith.constant 0 : i32
      %eq3A_518 = arith.cmpi eq, %arg0, %eq3A_517 : i32
      %convert_element_type3A_519 = arith.extui %eq3A_518 : i1 to i32
      %cond3A_520 = arith.constant 0 : i32
      %cond3A_521 = arith.cmpi ne, %convert_element_type3A_519, %cond3A_520 : i32
      scf.if %cond3A_521 {
        %dma_start3A_551 = arith.constant 0 : i32
        %dma_start3A_552 = arith.constant 0 : i32
        %dma_start3A_553 = arith.constant 0 : i32
        %dma_start3A_554 = arith.constant 0 : i32
        %dma_start3A_555 = arith.constant 0 : i32
        %dma_start3A_556 = tpu.memref_slice %arg9[%dma_start3A_553, %dma_start3A_554, %dma_start3A_555] : memref<2x400x32xf32, #tpu.memory_space<vmem>> -> memref<1x400x32xf32, #tpu.memory_space<vmem>>
        %dma_start3A_557 = tpu.memref_squeeze %dma_start3A_556 : memref<1x400x32xf32, #tpu.memory_space<vmem>> -> memref<400x32xf32, #tpu.memory_space<vmem>>
        %dma_start3A_558 = arith.constant 0 : i32
        %dma_start3A_559 = tpu.memref_slice %arg8[%dma_start3A_551, %dma_start3A_552, %dma_start3A_558] : memref<4x2x400xi32, #tpu.memory_space<vmem>> -> memref<1x1x400xi32, #tpu.memory_space<vmem>>
        %dma_start3A_560 = tpu.memref_squeeze %dma_start3A_559 : memref<1x1x400xi32, #tpu.memory_space<vmem>> -> memref<400xi32, #tpu.memory_space<vmem>>
        %dma_start3A_561 = arith.constant 0 : i32
        %dma_start3A_562 = arith.constant 0 : i32
        %dma_start3A_563 = tpu.memref_slice %arg2[%dma_start3A_561, %dma_start3A_562] : memref<50000x32xf32, #tpu.memory_space<hbm>> -> memref<50000x32xf32, #tpu.memory_space<hbm>>
        tpu.enqueue_indirect_dma source(%dma_start3A_563 : memref<50000x32xf32, #tpu.memory_space<hbm>>) target(%dma_start3A_557 : memref<400x32xf32, #tpu.memory_space<vmem>>) offsets(%dma_start3A_560 : memref<400xi32, #tpu.memory_space<vmem>>) semaphore(%arg10 : memref<!tpu.dma_semaphore, #tpu.memory_space<semaphore_mem>>)
      } else {
      }
      %eq3A_522 = arith.constant 1 : i32
      %eq3A_523 = arith.cmpi eq, %arg0, %eq3A_522 : i32
      %convert_element_type3A_524 = arith.extui %eq3A_523 : i1 to i32
      %cond3A_525 = arith.constant 0 : i32
      %cond3A_526 = arith.cmpi ne, %convert_element_type3A_524, %cond3A_525 : i32
      scf.if %cond3A_526 {
        %dma_start3A_551 = arith.constant 0 : i32
        %dma_start3A_552 = arith.constant 0 : i32
        %dma_start3A_553 = arith.constant 0 : i32
        %dma_start3A_554 = arith.constant 0 : i32
        %dma_start3A_555 = arith.constant 0 : i32
        %dma_start3A_556 = tpu.memref_slice %arg9[%dma_start3A_553, %dma_start3A_554, %dma_start3A_555] : memref<2x400x32xf32, #tpu.memory_space<vmem>> -> memref<1x400x32xf32, #tpu.memory_space<vmem>>
        %dma_start3A_557 = tpu.memref_squeeze %dma_start3A_556 : memref<1x400x32xf32, #tpu.memory_space<vmem>> -> memref<400x32xf32, #tpu.memory_space<vmem>>
        %dma_start3A_558 = arith.constant 0 : i32
        %dma_start3A_559 = tpu.memref_slice %arg8[%dma_start3A_551, %dma_start3A_552, %dma_start3A_558] : memref<4x2x400xi32, #tpu.memory_space<vmem>> -> memref<1x1x400xi32, #tpu.memory_space<vmem>>
        %dma_start3A_560 = tpu.memref_squeeze %dma_start3A_559 : memref<1x1x400xi32, #tpu.memory_space<vmem>> -> memref<400xi32, #tpu.memory_space<vmem>>
        %dma_start3A_561 = arith.constant 0 : i32
        %dma_start3A_562 = arith.constant 0 : i32
        %dma_start3A_563 = tpu.memref_slice %arg3[%dma_start3A_561, %dma_start3A_562] : memref<50000x32xf32, #tpu.memory_space<hbm>> -> memref<50000x32xf32, #tpu.memory_space<hbm>>
        tpu.enqueue_indirect_dma source(%dma_start3A_563 : memref<50000x32xf32, #tpu.memory_space<hbm>>) target(%dma_start3A_557 : memref<400x32xf32, #tpu.memory_space<vmem>>) offsets(%dma_start3A_560 : memref<400xi32, #tpu.memory_space<vmem>>) semaphore(%arg10 : memref<!tpu.dma_semaphore, #tpu.memory_space<semaphore_mem>>)
      } else {
      }
      %eq3A_527 = arith.constant 0 : i32
      %eq3A_528 = arith.cmpi eq, %arg0, %eq3A_527 : i32
      %convert_element_type3A_529 = arith.extui %eq3A_528 : i1 to i32
      %cond3A_530 = arith.constant 0 : i32
      %cond3A_531 = arith.cmpi ne, %convert_element_type3A_529, %cond3A_530 : i32
      scf.if %cond3A_531 {
        %dma_wait3A_551 = arith.constant 3 : i32
        %dma_wait3A_552 = arith.constant 0 : i32
        %dma_wait3A_553 = arith.constant 1 : i32
        %dma_wait3A_554 = arith.constant 0 : i32
        %dma_wait3A_555 = arith.constant 0 : i32
        %dma_wait3A_556 = tpu.memref_slice %arg9[%dma_wait3A_553, %dma_wait3A_554, %dma_wait3A_555] : memref<2x400x32xf32, #tpu.memory_space<vmem>> -> memref<1x400x32xf32, #tpu.memory_space<vmem>>
        %dma_wait3A_557 = tpu.memref_squeeze %dma_wait3A_556 : memref<1x400x32xf32, #tpu.memory_space<vmem>> -> memref<400x32xf32, #tpu.memory_space<vmem>>
        %dma_wait3A_558 = arith.constant 0 : i32
        %dma_wait3A_559 = tpu.memref_slice %arg8[%dma_wait3A_551, %dma_wait3A_552, %dma_wait3A_558] : memref<4x2x400xi32, #tpu.memory_space<vmem>> -> memref<1x1x400xi32, #tpu.memory_space<vmem>>
        %dma_wait3A_560 = tpu.memref_squeeze %dma_wait3A_559 : memref<1x1x400xi32, #tpu.memory_space<vmem>> -> memref<400xi32, #tpu.memory_space<vmem>>
        %dma_wait3A_561 = arith.constant 0 : i32
        %dma_wait3A_562 = arith.constant 0 : i32
        %dma_wait3A_563 = tpu.memref_slice %arg2[%dma_wait3A_561, %dma_wait3A_562] : memref<50000x32xf32, #tpu.memory_space<hbm>> -> memref<50000x32xf32, #tpu.memory_space<hbm>>
        tpu.wait_indirect_dma semaphore(%arg11 : memref<!tpu.dma_semaphore, #tpu.memory_space<semaphore_mem>>) src(%dma_wait3A_563 : memref<50000x32xf32, #tpu.memory_space<hbm>>) dst(%dma_wait3A_557 : memref<400x32xf32, #tpu.memory_space<vmem>>)
      } else {
      }
      %eq3A_532 = arith.constant 1 : i32
      %eq3A_533 = arith.cmpi eq, %arg0, %eq3A_532 : i32
      %convert_element_type3A_534 = arith.extui %eq3A_533 : i1 to i32
      %cond3A_535 = arith.constant 0 : i32
      %cond3A_536 = arith.cmpi ne, %convert_element_type3A_534, %cond3A_535 : i32
      scf.if %cond3A_536 {
        %dma_wait3A_551 = arith.constant 3 : i32
        %dma_wait3A_552 = arith.constant 0 : i32
        %dma_wait3A_553 = arith.constant 1 : i32
        %dma_wait3A_554 = arith.constant 0 : i32
        %dma_wait3A_555 = arith.constant 0 : i32
        %dma_wait3A_556 = tpu.memref_slice %arg9[%dma_wait3A_553, %dma_wait3A_554, %dma_wait3A_555] : memref<2x400x32xf32, #tpu.memory_space<vmem>> -> memref<1x400x32xf32, #tpu.memory_space<vmem>>
        %dma_wait3A_557 = tpu.memref_squeeze %dma_wait3A_556 : memref<1x400x32xf32, #tpu.memory_space<vmem>> -> memref<400x32xf32, #tpu.memory_space<vmem>>
        %dma_wait3A_558 = arith.constant 0 : i32
        %dma_wait3A_559 = tpu.memref_slice %arg8[%dma_wait3A_551, %dma_wait3A_552, %dma_wait3A_558] : memref<4x2x400xi32, #tpu.memory_space<vmem>> -> memref<1x1x400xi32, #tpu.memory_space<vmem>>
        %dma_wait3A_560 = tpu.memref_squeeze %dma_wait3A_559 : memref<1x1x400xi32, #tpu.memory_space<vmem>> -> memref<400xi32, #tpu.memory_space<vmem>>
        %dma_wait3A_561 = arith.constant 0 : i32
        %dma_wait3A_562 = arith.constant 0 : i32
        %dma_wait3A_563 = tpu.memref_slice %arg3[%dma_wait3A_561, %dma_wait3A_562] : memref<50000x32xf32, #tpu.memory_space<hbm>> -> memref<50000x32xf32, #tpu.memory_space<hbm>>
        tpu.wait_indirect_dma semaphore(%arg11 : memref<!tpu.dma_semaphore, #tpu.memory_space<semaphore_mem>>) src(%dma_wait3A_563 : memref<50000x32xf32, #tpu.memory_space<hbm>>) dst(%dma_wait3A_557 : memref<400x32xf32, #tpu.memory_space<vmem>>)
      } else {
      }
      %dma_start3A_537 = arith.constant 1 : i32
      %dma_start3A_538 = arith.constant 3 : i32
      %dma_start3A_539 = arith.constant 1 : i32
      %dma_start3A_540 = arith.constant 0 : i32
      %dma_start3A_541 = arith.constant 0 : i32
      %dma_start3A_542 = tpu.memref_slice %arg9[%dma_start3A_537, %dma_start3A_540, %dma_start3A_541] : memref<2x400x32xf32, #tpu.memory_space<vmem>> -> memref<1x400x32xf32, #tpu.memory_space<vmem>>
      %dma_start3A_543 = tpu.memref_squeeze %dma_start3A_542 : memref<1x400x32xf32, #tpu.memory_space<vmem>> -> memref<400x32xf32, #tpu.memory_space<vmem>>
      %dma_start3A_544 = arith.constant 0 : i32
      %dma_start3A_545 = tpu.memref_slice %arg8[%dma_start3A_538, %dma_start3A_539, %dma_start3A_544] : memref<4x2x400xi32, #tpu.memory_space<vmem>> -> memref<1x1x400xi32, #tpu.memory_space<vmem>>
      %dma_start3A_546 = tpu.memref_squeeze %dma_start3A_545 : memref<1x1x400xi32, #tpu.memory_space<vmem>> -> memref<400xi32, #tpu.memory_space<vmem>>
      %dma_start3A_547 = arith.constant 0 : i32
      %dma_start3A_548 = arith.constant 0 : i32
      %dma_start3A_549 = tpu.memref_slice %arg7[%dma_start3A_547, %dma_start3A_548] : memref<50000x32xf32, #tpu.memory_space<vmem_shared>> -> memref<50000x32xf32, #tpu.memory_space<vmem_shared>>
      tpu.enqueue_indirect_dma source(%dma_start3A_543 : memref<400x32xf32, #tpu.memory_space<vmem>>) target(%dma_start3A_549 : memref<50000x32xf32, #tpu.memory_space<vmem_shared>>) offsets(%dma_start3A_546 : memref<400xi32, #tpu.memory_space<vmem>>) semaphore(%arg13 : memref<!tpu.dma_semaphore, #tpu.memory_space<semaphore_mem>>) {add = true}
      %scan3A_550 = arith.constant 0 : i32
      scf.yield %scan3A_550 : i32
    }
    %scan3A_144 = arith.constant 31 : i32
    %dma_wait3A_145 = arith.constant 1 : i32
    %dma_wait3A_146 = arith.constant 3 : i32
    %dma_wait3A_147 = arith.constant 1 : i32
    %dma_wait3A_148 = arith.constant 0 : i32
    %dma_wait3A_149 = arith.constant 0 : i32
    %dma_wait3A_150 = tpu.memref_slice %arg9[%dma_wait3A_145, %dma_wait3A_148, %dma_wait3A_149] : memref<2x400x32xf32, #tpu.memory_space<vmem>> -> memref<1x400x32xf32, #tpu.memory_space<vmem>>
    %dma_wait3A_151 = tpu.memref_squeeze %dma_wait3A_150 : memref<1x400x32xf32, #tpu.memory_space<vmem>> -> memref<400x32xf32, #tpu.memory_space<vmem>>
    %dma_wait3A_152 = arith.constant 0 : i32
    %dma_wait3A_153 = tpu.memref_slice %arg8[%dma_wait3A_146, %dma_wait3A_147, %dma_wait3A_152] : memref<4x2x400xi32, #tpu.memory_space<vmem>> -> memref<1x1x400xi32, #tpu.memory_space<vmem>>
    %dma_wait3A_154 = tpu.memref_squeeze %dma_wait3A_153 : memref<1x1x400xi32, #tpu.memory_space<vmem>> -> memref<400xi32, #tpu.memory_space<vmem>>
    %dma_wait3A_155 = arith.constant 0 : i32
    %dma_wait3A_156 = arith.constant 0 : i32
    %dma_wait3A_157 = tpu.memref_slice %arg7[%dma_wait3A_155, %dma_wait3A_156] : memref<50000x32xf32, #tpu.memory_space<vmem_shared>> -> memref<50000x32xf32, #tpu.memory_space<vmem_shared>>
    tpu.wait_indirect_dma semaphore(%arg13 : memref<!tpu.dma_semaphore, #tpu.memory_space<semaphore_mem>>) src(%dma_wait3A_151 : memref<400x32xf32, #tpu.memory_space<vmem>>) dst(%dma_wait3A_157 : memref<50000x32xf32, #tpu.memory_space<vmem_shared>>)
    %eq3A_158 = arith.constant 0 : i32
    %eq3A_159 = arith.cmpi eq, %arg0, %eq3A_158 : i32
    %convert_element_type3A_160 = arith.extui %eq3A_159 : i1 to i32
    %cond3A_161 = arith.constant 0 : i32
    %cond3A_162 = arith.cmpi ne, %convert_element_type3A_160, %cond3A_161 : i32
    scf.if %cond3A_162 {
      %dma_wait3A_205 = arith.constant 0 : i32
      %dma_wait3A_206 = arith.constant 0 : i32
      %dma_wait3A_207 = arith.constant 0 : i32
      %dma_wait3A_208 = arith.constant 0 : i32
      %dma_wait3A_209 = arith.constant 0 : i32
      %dma_wait3A_210 = tpu.memref_slice %arg9[%dma_wait3A_207, %dma_wait3A_208, %dma_wait3A_209] : memref<2x400x32xf32, #tpu.memory_space<vmem>> -> memref<1x400x32xf32, #tpu.memory_space<vmem>>
      %dma_wait3A_211 = tpu.memref_squeeze %dma_wait3A_210 : memref<1x400x32xf32, #tpu.memory_space<vmem>> -> memref<400x32xf32, #tpu.memory_space<vmem>>
      %dma_wait3A_212 = arith.constant 0 : i32
      %dma_wait3A_213 = tpu.memref_slice %arg8[%dma_wait3A_205, %dma_wait3A_206, %dma_wait3A_212] : memref<4x2x400xi32, #tpu.memory_space<vmem>> -> memref<1x1x400xi32, #tpu.memory_space<vmem>>
      %dma_wait3A_214 = tpu.memref_squeeze %dma_wait3A_213 : memref<1x1x400xi32, #tpu.memory_space<vmem>> -> memref<400xi32, #tpu.memory_space<vmem>>
      %dma_wait3A_215 = arith.constant 0 : i32
      %dma_wait3A_216 = arith.constant 0 : i32
      %dma_wait3A_217 = tpu.memref_slice %arg2[%dma_wait3A_215, %dma_wait3A_216] : memref<50000x32xf32, #tpu.memory_space<hbm>> -> memref<50000x32xf32, #tpu.memory_space<hbm>>
      tpu.wait_indirect_dma semaphore(%arg10 : memref<!tpu.dma_semaphore, #tpu.memory_space<semaphore_mem>>) src(%dma_wait3A_217 : memref<50000x32xf32, #tpu.memory_space<hbm>>) dst(%dma_wait3A_211 : memref<400x32xf32, #tpu.memory_space<vmem>>)
    } else {
    }
    %eq3A_163 = arith.constant 1 : i32
    %eq3A_164 = arith.cmpi eq, %arg0, %eq3A_163 : i32
    %convert_element_type3A_165 = arith.extui %eq3A_164 : i1 to i32
    %cond3A_166 = arith.constant 0 : i32
    %cond3A_167 = arith.cmpi ne, %convert_element_type3A_165, %cond3A_166 : i32
    scf.if %cond3A_167 {
      %dma_wait3A_205 = arith.constant 0 : i32
      %dma_wait3A_206 = arith.constant 0 : i32
      %dma_wait3A_207 = arith.constant 0 : i32
      %dma_wait3A_208 = arith.constant 0 : i32
      %dma_wait3A_209 = arith.constant 0 : i32
      %dma_wait3A_210 = tpu.memref_slice %arg9[%dma_wait3A_207, %dma_wait3A_208, %dma_wait3A_209] : memref<2x400x32xf32, #tpu.memory_space<vmem>> -> memref<1x400x32xf32, #tpu.memory_space<vmem>>
      %dma_wait3A_211 = tpu.memref_squeeze %dma_wait3A_210 : memref<1x400x32xf32, #tpu.memory_space<vmem>> -> memref<400x32xf32, #tpu.memory_space<vmem>>
      %dma_wait3A_212 = arith.constant 0 : i32
      %dma_wait3A_213 = tpu.memref_slice %arg8[%dma_wait3A_205, %dma_wait3A_206, %dma_wait3A_212] : memref<4x2x400xi32, #tpu.memory_space<vmem>> -> memref<1x1x400xi32, #tpu.memory_space<vmem>>
      %dma_wait3A_214 = tpu.memref_squeeze %dma_wait3A_213 : memref<1x1x400xi32, #tpu.memory_space<vmem>> -> memref<400xi32, #tpu.memory_space<vmem>>
      %dma_wait3A_215 = arith.constant 0 : i32
      %dma_wait3A_216 = arith.constant 0 : i32
      %dma_wait3A_217 = tpu.memref_slice %arg3[%dma_wait3A_215, %dma_wait3A_216] : memref<50000x32xf32, #tpu.memory_space<hbm>> -> memref<50000x32xf32, #tpu.memory_space<hbm>>
      tpu.wait_indirect_dma semaphore(%arg10 : memref<!tpu.dma_semaphore, #tpu.memory_space<semaphore_mem>>) src(%dma_wait3A_217 : memref<50000x32xf32, #tpu.memory_space<hbm>>) dst(%dma_wait3A_211 : memref<400x32xf32, #tpu.memory_space<vmem>>)
    } else {
    }
    %dma_start3A_168 = arith.constant 0 : i32
    %dma_start3A_169 = arith.constant 0 : i32
    %dma_start3A_170 = arith.constant 1 : i32
    %dma_start3A_171 = arith.constant 0 : i32
    %dma_start3A_172 = arith.constant 0 : i32
    %dma_start3A_173 = tpu.memref_slice %arg9[%dma_start3A_168, %dma_start3A_171, %dma_start3A_172] : memref<2x400x32xf32, #tpu.memory_space<vmem>> -> memref<1x400x32xf32, #tpu.memory_space<vmem>>
    %dma_start3A_174 = tpu.memref_squeeze %dma_start3A_173 : memref<1x400x32xf32, #tpu.memory_space<vmem>> -> memref<400x32xf32, #tpu.memory_space<vmem>>
    %dma_start3A_175 = arith.constant 0 : i32
    %dma_start3A_176 = tpu.memref_slice %arg8[%dma_start3A_169, %dma_start3A_170, %dma_start3A_175] : memref<4x2x400xi32, #tpu.memory_space<vmem>> -> memref<1x1x400xi32, #tpu.memory_space<vmem>>
    %dma_start3A_177 = tpu.memref_squeeze %dma_start3A_176 : memref<1x1x400xi32, #tpu.memory_space<vmem>> -> memref<400xi32, #tpu.memory_space<vmem>>
    %dma_start3A_178 = arith.constant 0 : i32
    %dma_start3A_179 = arith.constant 0 : i32
    %dma_start3A_180 = tpu.memref_slice %arg7[%dma_start3A_178, %dma_start3A_179] : memref<50000x32xf32, #tpu.memory_space<vmem_shared>> -> memref<50000x32xf32, #tpu.memory_space<vmem_shared>>
    tpu.enqueue_indirect_dma source(%dma_start3A_174 : memref<400x32xf32, #tpu.memory_space<vmem>>) target(%dma_start3A_180 : memref<50000x32xf32, #tpu.memory_space<vmem_shared>>) offsets(%dma_start3A_177 : memref<400xi32, #tpu.memory_space<vmem>>) semaphore(%arg12 : memref<!tpu.dma_semaphore, #tpu.memory_space<semaphore_mem>>) {add = true}
    %dma_wait3A_181 = arith.constant 0 : i32
    %dma_wait3A_182 = arith.constant 0 : i32
    %dma_wait3A_183 = arith.constant 1 : i32
    %dma_wait3A_184 = arith.constant 0 : i32
    %dma_wait3A_185 = arith.constant 0 : i32
    %dma_wait3A_186 = tpu.memref_slice %arg9[%dma_wait3A_181, %dma_wait3A_184, %dma_wait3A_185] : memref<2x400x32xf32, #tpu.memory_space<vmem>> -> memref<1x400x32xf32, #tpu.memory_space<vmem>>
    %dma_wait3A_187 = tpu.memref_squeeze %dma_wait3A_186 : memref<1x400x32xf32, #tpu.memory_space<vmem>> -> memref<400x32xf32, #tpu.memory_space<vmem>>
    %dma_wait3A_188 = arith.constant 0 : i32
    %dma_wait3A_189 = tpu.memref_slice %arg8[%dma_wait3A_182, %dma_wait3A_183, %dma_wait3A_188] : memref<4x2x400xi32, #tpu.memory_space<vmem>> -> memref<1x1x400xi32, #tpu.memory_space<vmem>>
    %dma_wait3A_190 = tpu.memref_squeeze %dma_wait3A_189 : memref<1x1x400xi32, #tpu.memory_space<vmem>> -> memref<400xi32, #tpu.memory_space<vmem>>
    %dma_wait3A_191 = arith.constant 0 : i32
    %dma_wait3A_192 = arith.constant 0 : i32
    %dma_wait3A_193 = tpu.memref_slice %arg7[%dma_wait3A_191, %dma_wait3A_192] : memref<50000x32xf32, #tpu.memory_space<vmem_shared>> -> memref<50000x32xf32, #tpu.memory_space<vmem_shared>>
    tpu.wait_indirect_dma semaphore(%arg12 : memref<!tpu.dma_semaphore, #tpu.memory_space<semaphore_mem>>) src(%dma_wait3A_187 : memref<400x32xf32, #tpu.memory_space<vmem>>) dst(%dma_wait3A_193 : memref<50000x32xf32, #tpu.memory_space<vmem_shared>>)
    %barrier3A_194 = arith.constant 0 : index
    tpu.barrier barrier_id(%barrier3A_194)
    %lt3A_195 = arith.constant 15 : i32
    %lt3A_196 = arith.cmpi slt, %arg1, %lt3A_195 : i32
    %convert_element_type3A_197 = arith.extui %lt3A_196 : i1 to i32
    %cond3A_198 = arith.constant 0 : i32
    %cond3A_199 = arith.cmpi ne, %convert_element_type3A_197, %cond3A_198 : i32
    scf.if %cond3A_199 {
      %eq3A_205 = arith.constant 0 : i32
      %eq3A_206 = arith.cmpi eq, %arg0, %eq3A_205 : i32
      %convert_element_type3A_207 = arith.extui %eq3A_206 : i1 to i32
      %cond3A_208 = arith.constant 0 : i32
      %cond3A_209 = arith.cmpi ne, %convert_element_type3A_207, %cond3A_208 : i32
      scf.if %cond3A_209 {
        "tpu.region"() ({
          %run_scoped3A = tpu.sem_alloc : memref<!tpu.dma_semaphore, #tpu.memory_space<semaphore_mem>>
          %dma_start3A_215 = arith.constant 0 : i32
          %dma_start3A_216 = tpu.memref_slice %arg5[%mul3A_8, %dma_start3A_215] : memref<50000x32xf32, #tpu.memory_space<hbm>> -> memref<3200x32xf32, #tpu.memory_space<hbm>>
          %dma_start3A_217 = arith.constant 0 : i32
          %dma_start3A_218 = tpu.memref_slice %arg7[%mul3A_8, %dma_start3A_217] : memref<50000x32xf32, #tpu.memory_space<vmem_shared>> -> memref<3200x32xf32, #tpu.memory_space<vmem_shared>>
          tpu.enqueue_dma source(%dma_start3A_218 : memref<3200x32xf32, #tpu.memory_space<vmem_shared>>) target(%dma_start3A_216 : memref<3200x32xf32, #tpu.memory_space<hbm>>) target_semaphore(%run_scoped3A : memref<!tpu.dma_semaphore, #tpu.memory_space<semaphore_mem>>)
          %dma_wait3A_219 = arith.constant 0 : i32
          %dma_wait3A_220 = tpu.memref_slice %arg5[%mul3A_8, %dma_wait3A_219] : memref<50000x32xf32, #tpu.memory_space<hbm>> -> memref<3200x32xf32, #tpu.memory_space<hbm>>
          %dma_wait3A_221 = arith.constant 0 : i32
          %dma_wait3A_222 = tpu.memref_slice %arg7[%mul3A_8, %dma_wait3A_221] : memref<50000x32xf32, #tpu.memory_space<vmem_shared>> -> memref<3200x32xf32, #tpu.memory_space<vmem_shared>>
          tpu.wait_dma2 semaphore(%run_scoped3A : memref<!tpu.dma_semaphore, #tpu.memory_space<semaphore_mem>>) src(%dma_wait3A_222 : memref<3200x32xf32, #tpu.memory_space<vmem_shared>>) dst(%dma_wait3A_220 : memref<3200x32xf32, #tpu.memory_space<hbm>>)
          tpu.yield
        }) : () -> ()
      } else {
      }
      %eq3A_210 = arith.constant 1 : i32
      %eq3A_211 = arith.cmpi eq, %arg0, %eq3A_210 : i32
      %convert_element_type3A_212 = arith.extui %eq3A_211 : i1 to i32
      %cond3A_213 = arith.constant 0 : i32
      %cond3A_214 = arith.cmpi ne, %convert_element_type3A_212, %cond3A_213 : i32
      scf.if %cond3A_214 {
        "tpu.region"() ({
          %run_scoped3A = tpu.sem_alloc : memref<!tpu.dma_semaphore, #tpu.memory_space<semaphore_mem>>
          %dma_start3A_215 = arith.constant 0 : i32
          %dma_start3A_216 = tpu.memref_slice %arg6[%mul3A_8, %dma_start3A_215] : memref<50000x32xf32, #tpu.memory_space<hbm>> -> memref<3200x32xf32, #tpu.memory_space<hbm>>
          %dma_start3A_217 = arith.constant 0 : i32
          %dma_start3A_218 = tpu.memref_slice %arg7[%mul3A_8, %dma_start3A_217] : memref<50000x32xf32, #tpu.memory_space<vmem_shared>> -> memref<3200x32xf32, #tpu.memory_space<vmem_shared>>
          tpu.enqueue_dma source(%dma_start3A_218 : memref<3200x32xf32, #tpu.memory_space<vmem_shared>>) target(%dma_start3A_216 : memref<3200x32xf32, #tpu.memory_space<hbm>>) target_semaphore(%run_scoped3A : memref<!tpu.dma_semaphore, #tpu.memory_space<semaphore_mem>>)
          %dma_wait3A_219 = arith.constant 0 : i32
          %dma_wait3A_220 = tpu.memref_slice %arg6[%mul3A_8, %dma_wait3A_219] : memref<50000x32xf32, #tpu.memory_space<hbm>> -> memref<3200x32xf32, #tpu.memory_space<hbm>>
          %dma_wait3A_221 = arith.constant 0 : i32
          %dma_wait3A_222 = tpu.memref_slice %arg7[%mul3A_8, %dma_wait3A_221] : memref<50000x32xf32, #tpu.memory_space<vmem_shared>> -> memref<3200x32xf32, #tpu.memory_space<vmem_shared>>
          tpu.wait_dma2 semaphore(%run_scoped3A : memref<!tpu.dma_semaphore, #tpu.memory_space<semaphore_mem>>) src(%dma_wait3A_222 : memref<3200x32xf32, #tpu.memory_space<vmem_shared>>) dst(%dma_wait3A_220 : memref<3200x32xf32, #tpu.memory_space<hbm>>)
          tpu.yield
        }) : () -> ()
      } else {
      }
    } else {
    }
    %eq3A_200 = arith.constant 15 : i32
    %eq3A_201 = arith.cmpi eq, %arg1, %eq3A_200 : i32
    %convert_element_type3A_202 = arith.extui %eq3A_201 : i1 to i32
    %cond3A_203 = arith.constant 0 : i32
    %cond3A_204 = arith.cmpi ne, %convert_element_type3A_202, %cond3A_203 : i32
    scf.if %cond3A_204 {
      %eq3A_205 = arith.constant 0 : i32
      %eq3A_206 = arith.cmpi eq, %arg0, %eq3A_205 : i32
      %convert_element_type3A_207 = arith.extui %eq3A_206 : i1 to i32
      %cond3A_208 = arith.constant 0 : i32
      %cond3A_209 = arith.cmpi ne, %convert_element_type3A_207, %cond3A_208 : i32
      scf.if %cond3A_209 {
        "tpu.region"() ({
          %run_scoped3A = tpu.sem_alloc : memref<!tpu.dma_semaphore, #tpu.memory_space<semaphore_mem>>
          %dma_start3A_215 = arith.constant 0 : i32
          %dma_start3A_216 = tpu.memref_slice %arg5[%mul3A_8, %dma_start3A_215] : memref<50000x32xf32, #tpu.memory_space<hbm>> -> memref<2000x32xf32, #tpu.memory_space<hbm>>
          %dma_start3A_217 = arith.constant 0 : i32
          %dma_start3A_218 = tpu.memref_slice %arg7[%mul3A_8, %dma_start3A_217] : memref<50000x32xf32, #tpu.memory_space<vmem_shared>> -> memref<2000x32xf32, #tpu.memory_space<vmem_shared>>
          tpu.enqueue_dma source(%dma_start3A_218 : memref<2000x32xf32, #tpu.memory_space<vmem_shared>>) target(%dma_start3A_216 : memref<2000x32xf32, #tpu.memory_space<hbm>>) target_semaphore(%run_scoped3A : memref<!tpu.dma_semaphore, #tpu.memory_space<semaphore_mem>>)
          %dma_wait3A_219 = arith.constant 0 : i32
          %dma_wait3A_220 = tpu.memref_slice %arg5[%mul3A_8, %dma_wait3A_219] : memref<50000x32xf32, #tpu.memory_space<hbm>> -> memref<2000x32xf32, #tpu.memory_space<hbm>>
          %dma_wait3A_221 = arith.constant 0 : i32
          %dma_wait3A_222 = tpu.memref_slice %arg7[%mul3A_8, %dma_wait3A_221] : memref<50000x32xf32, #tpu.memory_space<vmem_shared>> -> memref<2000x32xf32, #tpu.memory_space<vmem_shared>>
          tpu.wait_dma2 semaphore(%run_scoped3A : memref<!tpu.dma_semaphore, #tpu.memory_space<semaphore_mem>>) src(%dma_wait3A_222 : memref<2000x32xf32, #tpu.memory_space<vmem_shared>>) dst(%dma_wait3A_220 : memref<2000x32xf32, #tpu.memory_space<hbm>>)
          tpu.yield
        }) : () -> ()
      } else {
      }
      %eq3A_210 = arith.constant 1 : i32
      %eq3A_211 = arith.cmpi eq, %arg0, %eq3A_210 : i32
      %convert_element_type3A_212 = arith.extui %eq3A_211 : i1 to i32
      %cond3A_213 = arith.constant 0 : i32
      %cond3A_214 = arith.cmpi ne, %convert_element_type3A_212, %cond3A_213 : i32
      scf.if %cond3A_214 {
        "tpu.region"() ({
          %run_scoped3A = tpu.sem_alloc : memref<!tpu.dma_semaphore, #tpu.memory_space<semaphore_mem>>
          %dma_start3A_215 = arith.constant 0 : i32
          %dma_start3A_216 = tpu.memref_slice %arg6[%mul3A_8, %dma_start3A_215] : memref<50000x32xf32, #tpu.memory_space<hbm>> -> memref<2000x32xf32, #tpu.memory_space<hbm>>
          %dma_start3A_217 = arith.constant 0 : i32
          %dma_start3A_218 = tpu.memref_slice %arg7[%mul3A_8, %dma_start3A_217] : memref<50000x32xf32, #tpu.memory_space<vmem_shared>> -> memref<2000x32xf32, #tpu.memory_space<vmem_shared>>
          tpu.enqueue_dma source(%dma_start3A_218 : memref<2000x32xf32, #tpu.memory_space<vmem_shared>>) target(%dma_start3A_216 : memref<2000x32xf32, #tpu.memory_space<hbm>>) target_semaphore(%run_scoped3A : memref<!tpu.dma_semaphore, #tpu.memory_space<semaphore_mem>>)
          %dma_wait3A_219 = arith.constant 0 : i32
          %dma_wait3A_220 = tpu.memref_slice %arg6[%mul3A_8, %dma_wait3A_219] : memref<50000x32xf32, #tpu.memory_space<hbm>> -> memref<2000x32xf32, #tpu.memory_space<hbm>>
          %dma_wait3A_221 = arith.constant 0 : i32
          %dma_wait3A_222 = tpu.memref_slice %arg7[%mul3A_8, %dma_wait3A_221] : memref<50000x32xf32, #tpu.memory_space<vmem_shared>> -> memref<2000x32xf32, #tpu.memory_space<vmem_shared>>
          tpu.wait_dma2 semaphore(%run_scoped3A : memref<!tpu.dma_semaphore, #tpu.memory_space<semaphore_mem>>) src(%dma_wait3A_222 : memref<2000x32xf32, #tpu.memory_space<vmem_shared>>) dst(%dma_wait3A_220 : memref<2000x32xf32, #tpu.memory_space<hbm>>)
          tpu.yield
        }) : () -> ()
      } else {
      }
    } else {
    }
    return
  }
}

#map = affine_map<(d0, d1) -> (0, 0)>
#map1 = affine_map<(d0, d1) -> (0)>
module attributes {stable_mosaic.version = 14 : i64} {
  func.func @_deg_kernel(%arg0: i32, %arg1: i32, %arg2: memref<2x800000xi32, #tpu.memory_space<hbm>>, %arg3: memref<102400xf32, #tpu.memory_space<hbm>>, %arg4: memref<51200xf32, #tpu.memory_space<vmem_shared>>, %arg5: memref<10000xi32, #tpu.memory_space<vmem>>, %arg6: memref<10000xf32, #tpu.memory_space<vmem>>, %arg7: memref<3200xf32, #tpu.memory_space<vmem>>, %arg8: memref<!tpu.dma_semaphore, #tpu.memory_space<semaphore_mem>>) attributes {dimension_semantics = [#tpu.dimension_semantics<core_parallel>, #tpu.dimension_semantics<subcore_parallel>], iteration_bounds = array<i64: 2, 16>, scalar_prefetch = 0 : i64, scratch_operands = 5 : i64, tpu.core_type = #tpu.core_type<sc_vector_subcore>, window_params = [{transform_indices = #map}, {transform_indices = #map1}]} {
    %broadcast_in_dim3A = arith.constant 1.000000e+00 : f32
    %broadcast_in_dim3A_0 = vector.broadcast %broadcast_in_dim3A : f32 to vector<16xf32>
    %scan3A = arith.constant 0 : i32
    %scan3A_1 = arith.constant 0 : i32
    %scan3A_2 = arith.constant 624 : i32
    %scan3A_3 = arith.addi %scan3A_1, %scan3A_2 : i32
    %scan3A_4 = arith.constant 4 : i32
    %scan3A_5 = scf.for %scan3A_39 = %scan3A_1 to %scan3A_3 step %scan3A_4 iter_args(%scan3A_40 = %scan3A) -> (i32)  : i32 {
      %mul3A_41 = arith.constant 16 : i32
      %mul3A_42 = arith.muli %scan3A_39, %mul3A_41 : i32
      %swap3A_43 = arith.index_cast %mul3A_42 : i32 to index
      %swap3A_44 = tpu.vector_load %arg6[%swap3A_43] {strides = array<i32>} : memref<10000xf32, #tpu.memory_space<vmem>>, vector<16xf32>,
      %swap3A_45 = vector.shape_cast %swap3A_44 : vector<16xf32> to vector<16xf32>
      %swap3A_46 = vector.shape_cast %broadcast_in_dim3A_0 : vector<16xf32> to vector<16xf32>
      tpu.vector_store %arg6[%swap3A_43], %swap3A_46 {strides = array<i32>} : memref<10000xf32, #tpu.memory_space<vmem>>, vector<16xf32>,
      %scan3A_47 = arith.constant 0 : i32
      %scan3A_48 = arith.constant 1 : i32
      %scan3A_49 = arith.addi %scan3A_39, %scan3A_48 : i32
      %mul3A_50 = arith.constant 16 : i32
      %mul3A_51 = arith.muli %scan3A_49, %mul3A_50 : i32
      %swap3A_52 = arith.index_cast %mul3A_51 : i32 to index
      %swap3A_53 = tpu.vector_load %arg6[%swap3A_52] {strides = array<i32>} : memref<10000xf32, #tpu.memory_space<vmem>>, vector<16xf32>,
      %swap3A_54 = vector.shape_cast %swap3A_53 : vector<16xf32> to vector<16xf32>
      %swap3A_55 = vector.shape_cast %broadcast_in_dim3A_0 : vector<16xf32> to vector<16xf32>
      tpu.vector_store %arg6[%swap3A_52], %swap3A_55 {strides = array<i32>} : memref<10000xf32, #tpu.memory_space<vmem>>, vector<16xf32>,
      %scan3A_56 = arith.constant 0 : i32
      %scan3A_57 = arith.constant 2 : i32
      %scan3A_58 = arith.addi %scan3A_39, %scan3A_57 : i32
      %mul3A_59 = arith.constant 16 : i32
      %mul3A_60 = arith.muli %scan3A_58, %mul3A_59 : i32
      %swap3A_61 = arith.index_cast %mul3A_60 : i32 to index
      %swap3A_62 = tpu.vector_load %arg6[%swap3A_61] {strides = array<i32>} : memref<10000xf32, #tpu.memory_space<vmem>>, vector<16xf32>,
      %swap3A_63 = vector.shape_cast %swap3A_62 : vector<16xf32> to vector<16xf32>
      %swap3A_64 = vector.shape_cast %broadcast_in_dim3A_0 : vector<16xf32> to vector<16xf32>
      tpu.vector_store %arg6[%swap3A_61], %swap3A_64 {strides = array<i32>} : memref<10000xf32, #tpu.memory_space<vmem>>, vector<16xf32>,
      %scan3A_65 = arith.constant 0 : i32
      %scan3A_66 = arith.constant 3 : i32
      %scan3A_67 = arith.addi %scan3A_39, %scan3A_66 : i32
      %mul3A_68 = arith.constant 16 : i32
      %mul3A_69 = arith.muli %scan3A_67, %mul3A_68 : i32
      %swap3A_70 = arith.index_cast %mul3A_69 : i32 to index
      %swap3A_71 = tpu.vector_load %arg6[%swap3A_70] {strides = array<i32>} : memref<10000xf32, #tpu.memory_space<vmem>>, vector<16xf32>,
      %swap3A_72 = vector.shape_cast %swap3A_71 : vector<16xf32> to vector<16xf32>
      %swap3A_73 = vector.shape_cast %broadcast_in_dim3A_0 : vector<16xf32> to vector<16xf32>
      tpu.vector_store %arg6[%swap3A_70], %swap3A_73 {strides = array<i32>} : memref<10000xf32, #tpu.memory_space<vmem>>, vector<16xf32>,
      %scan3A_74 = arith.constant 0 : i32
      scf.yield %scan3A_74 : i32
    }
    %scan3A_6 = arith.constant 624 : i32
    %scan3A_7 = arith.addi %scan3A_1, %scan3A_6 : i32
    %mul3A = arith.constant 16 : i32
    %mul3A_8 = arith.muli %scan3A_7, %mul3A : i32
    %swap3A = arith.index_cast %mul3A_8 : i32 to index
    %swap3A_9 = tpu.vector_load %arg6[%swap3A] {strides = array<i32>} : memref<10000xf32, #tpu.memory_space<vmem>>, vector<16xf32>,
    %swap3A_10 = vector.shape_cast %swap3A_9 : vector<16xf32> to vector<16xf32>
    %swap3A_11 = vector.shape_cast %broadcast_in_dim3A_0 : vector<16xf32> to vector<16xf32>
    tpu.vector_store %arg6[%swap3A], %swap3A_11 {strides = array<i32>} : memref<10000xf32, #tpu.memory_space<vmem>>, vector<16xf32>,
    %scan3A_12 = arith.constant 0 : i32
    %scan3A_13 = arith.constant 625 : i32
    %broadcast_in_dim3A_14 = arith.constant 0.000000e+00 : f32
    %broadcast_in_dim3A_15 = vector.broadcast %broadcast_in_dim3A_14 : f32 to vector<16xf32>
    %scan3A_16 = arith.constant 0 : i32
    %scan3A_17 = arith.constant 0 : i32
    %scan3A_18 = arith.constant 200 : i32
    %scan3A_19 = arith.addi %scan3A_17, %scan3A_18 : i32
    %scan3A_20 = arith.constant 4 : i32
    %scan3A_21 = scf.for %scan3A_39 = %scan3A_17 to %scan3A_19 step %scan3A_20 iter_args(%scan3A_40 = %scan3A_16) -> (i32)  : i32 {
      %mul3A_41 = arith.constant 16 : i32
      %mul3A_42 = arith.muli %scan3A_39, %mul3A_41 : i32
      %swap3A_43 = arith.index_cast %mul3A_42 : i32 to index
      %swap3A_44 = tpu.vector_load %arg7[%swap3A_43] {strides = array<i32>} : memref<3200xf32, #tpu.memory_space<vmem>>, vector<16xf32>,
      %swap3A_45 = vector.shape_cast %swap3A_44 : vector<16xf32> to vector<16xf32>
      %swap3A_46 = vector.shape_cast %broadcast_in_dim3A_15 : vector<16xf32> to vector<16xf32>
      tpu.vector_store %arg7[%swap3A_43], %swap3A_46 {strides = array<i32>} : memref<3200xf32, #tpu.memory_space<vmem>>, vector<16xf32>,
      %scan3A_47 = arith.constant 0 : i32
      %scan3A_48 = arith.constant 1 : i32
      %scan3A_49 = arith.addi %scan3A_39, %scan3A_48 : i32
      %mul3A_50 = arith.constant 16 : i32
      %mul3A_51 = arith.muli %scan3A_49, %mul3A_50 : i32
      %swap3A_52 = arith.index_cast %mul3A_51 : i32 to index
      %swap3A_53 = tpu.vector_load %arg7[%swap3A_52] {strides = array<i32>} : memref<3200xf32, #tpu.memory_space<vmem>>, vector<16xf32>,
      %swap3A_54 = vector.shape_cast %swap3A_53 : vector<16xf32> to vector<16xf32>
      %swap3A_55 = vector.shape_cast %broadcast_in_dim3A_15 : vector<16xf32> to vector<16xf32>
      tpu.vector_store %arg7[%swap3A_52], %swap3A_55 {strides = array<i32>} : memref<3200xf32, #tpu.memory_space<vmem>>, vector<16xf32>,
      %scan3A_56 = arith.constant 0 : i32
      %scan3A_57 = arith.constant 2 : i32
      %scan3A_58 = arith.addi %scan3A_39, %scan3A_57 : i32
      %mul3A_59 = arith.constant 16 : i32
      %mul3A_60 = arith.muli %scan3A_58, %mul3A_59 : i32
      %swap3A_61 = arith.index_cast %mul3A_60 : i32 to index
      %swap3A_62 = tpu.vector_load %arg7[%swap3A_61] {strides = array<i32>} : memref<3200xf32, #tpu.memory_space<vmem>>, vector<16xf32>,
      %swap3A_63 = vector.shape_cast %swap3A_62 : vector<16xf32> to vector<16xf32>
      %swap3A_64 = vector.shape_cast %broadcast_in_dim3A_15 : vector<16xf32> to vector<16xf32>
      tpu.vector_store %arg7[%swap3A_61], %swap3A_64 {strides = array<i32>} : memref<3200xf32, #tpu.memory_space<vmem>>, vector<16xf32>,
      %scan3A_65 = arith.constant 0 : i32
      %scan3A_66 = arith.constant 3 : i32
      %scan3A_67 = arith.addi %scan3A_39, %scan3A_66 : i32
      %mul3A_68 = arith.constant 16 : i32
      %mul3A_69 = arith.muli %scan3A_67, %mul3A_68 : i32
      %swap3A_70 = arith.index_cast %mul3A_69 : i32 to index
      %swap3A_71 = tpu.vector_load %arg7[%swap3A_70] {strides = array<i32>} : memref<3200xf32, #tpu.memory_space<vmem>>, vector<16xf32>,
      %swap3A_72 = vector.shape_cast %swap3A_71 : vector<16xf32> to vector<16xf32>
      %swap3A_73 = vector.shape_cast %broadcast_in_dim3A_15 : vector<16xf32> to vector<16xf32>
      tpu.vector_store %arg7[%swap3A_70], %swap3A_73 {strides = array<i32>} : memref<3200xf32, #tpu.memory_space<vmem>>, vector<16xf32>,
      %scan3A_74 = arith.constant 0 : i32
      scf.yield %scan3A_74 : i32
    }
    %scan3A_22 = arith.constant 200 : i32
    %mul3A_23 = arith.constant 3200 : i32
    %mul3A_24 = arith.muli %arg1, %mul3A_23 : i32
    "tpu.region"() ({
      %run_scoped3A = tpu.sem_alloc : memref<!tpu.dma_semaphore, #tpu.memory_space<semaphore_mem>>
      %dma_start3A = tpu.memref_slice %arg4[%mul3A_24] : memref<51200xf32, #tpu.memory_space<vmem_shared>> -> memref<3200xf32, #tpu.memory_space<vmem_shared>>
      %dma_start3A_39 = tpu.memref_slice %arg4[%mul3A_24] : memref<51200xf32, #tpu.memory_space<vmem_shared>> -> memref<3200xf32, #tpu.memory_space<vmem_shared>>
      tpu.enqueue_dma source(%arg7 : memref<3200xf32, #tpu.memory_space<vmem>>) target(%dma_start3A_39 : memref<3200xf32, #tpu.memory_space<vmem_shared>>) target_semaphore(%run_scoped3A : memref<!tpu.dma_semaphore, #tpu.memory_space<semaphore_mem>>)
      %dma_wait3A = tpu.memref_slice %arg4[%mul3A_24] : memref<51200xf32, #tpu.memory_space<vmem_shared>> -> memref<3200xf32, #tpu.memory_space<vmem_shared>>
      %dma_wait3A_40 = tpu.memref_slice %arg4[%mul3A_24] : memref<51200xf32, #tpu.memory_space<vmem_shared>> -> memref<3200xf32, #tpu.memory_space<vmem_shared>>
      tpu.wait_dma2 semaphore(%run_scoped3A : memref<!tpu.dma_semaphore, #tpu.memory_space<semaphore_mem>>) src(%arg7 : memref<3200xf32, #tpu.memory_space<vmem>>) dst(%dma_wait3A_40 : memref<3200xf32, #tpu.memory_space<vmem_shared>>)
      tpu.yield
    }) : () -> ()
    %barrier3A = arith.constant 0 : index
    tpu.barrier barrier_id(%barrier3A)
    %mul3A_25 = arith.constant 50000 : i32
    %mul3A_26 = arith.muli %arg1, %mul3A_25 : i32
    %scan3A_27 = arith.constant 0 : i32
    %scan3A_28 = arith.constant 0 : i32
    %scan3A_29 = arith.constant 5 : i32
    %scan3A_30 = arith.addi %scan3A_28, %scan3A_29 : i32
    %scan3A_31 = arith.constant 1 : i32
    %scan3A_32 = scf.for %scan3A_39 = %scan3A_28 to %scan3A_30 step %scan3A_31 iter_args(%scan3A_40 = %scan3A_27) -> (i32)  : i32 {
      %mul3A_41 = arith.constant 10000 : i32
      %mul3A_42 = arith.muli %scan3A_39, %mul3A_41 : i32
      %add3A_43 = arith.addi %mul3A_26, %mul3A_42 : i32
      %eq3A = arith.constant 0 : i32
      %eq3A_44 = arith.cmpi eq, %arg0, %eq3A : i32
      %convert_element_type3A = arith.extui %eq3A_44 : i1 to i32
      %cond3A = arith.constant 0 : i32
      %cond3A_45 = arith.cmpi ne, %convert_element_type3A, %cond3A : i32
      scf.if %cond3A_45 {
        %run_scoped3A = arith.constant 0 : i32
        "tpu.region"() ({
          %run_scoped3A_52 = tpu.sem_alloc : memref<!tpu.dma_semaphore, #tpu.memory_space<semaphore_mem>>
          %dma_start3A = tpu.memref_slice %arg2[%run_scoped3A, %add3A_43] : memref<2x800000xi32, #tpu.memory_space<hbm>> -> memref<1x10000xi32, #tpu.memory_space<hbm>>
          %dma_start3A_53 = tpu.memref_squeeze %dma_start3A : memref<1x10000xi32, #tpu.memory_space<hbm>> -> memref<10000xi32, #tpu.memory_space<hbm>>
          %dma_start3A_54 = tpu.memref_slice %arg2[%run_scoped3A, %add3A_43] : memref<2x800000xi32, #tpu.memory_space<hbm>> -> memref<1x10000xi32, #tpu.memory_space<hbm>>
          %dma_start3A_55 = tpu.memref_squeeze %dma_start3A_54 : memref<1x10000xi32, #tpu.memory_space<hbm>> -> memref<10000xi32, #tpu.memory_space<hbm>>
          tpu.enqueue_dma source(%dma_start3A_55 : memref<10000xi32, #tpu.memory_space<hbm>>) target(%arg5 : memref<10000xi32, #tpu.memory_space<vmem>>) target_semaphore(%run_scoped3A_52 : memref<!tpu.dma_semaphore, #tpu.memory_space<semaphore_mem>>)
          %dma_wait3A = tpu.memref_slice %arg2[%run_scoped3A, %add3A_43] : memref<2x800000xi32, #tpu.memory_space<hbm>> -> memref<1x10000xi32, #tpu.memory_space<hbm>>
          %dma_wait3A_56 = tpu.memref_squeeze %dma_wait3A : memref<1x10000xi32, #tpu.memory_space<hbm>> -> memref<10000xi32, #tpu.memory_space<hbm>>
          %dma_wait3A_57 = tpu.memref_slice %arg2[%run_scoped3A, %add3A_43] : memref<2x800000xi32, #tpu.memory_space<hbm>> -> memref<1x10000xi32, #tpu.memory_space<hbm>>
          %dma_wait3A_58 = tpu.memref_squeeze %dma_wait3A_57 : memref<1x10000xi32, #tpu.memory_space<hbm>> -> memref<10000xi32, #tpu.memory_space<hbm>>
          tpu.wait_dma2 semaphore(%run_scoped3A_52 : memref<!tpu.dma_semaphore, #tpu.memory_space<semaphore_mem>>) src(%dma_wait3A_58 : memref<10000xi32, #tpu.memory_space<hbm>>) dst(%arg5 : memref<10000xi32, #tpu.memory_space<vmem>>)
          tpu.yield
        }) : () -> ()
      } else {
      }
      %eq3A_46 = arith.constant 1 : i32
      %eq3A_47 = arith.cmpi eq, %arg0, %eq3A_46 : i32
      %convert_element_type3A_48 = arith.extui %eq3A_47 : i1 to i32
      %cond3A_49 = arith.constant 0 : i32
      %cond3A_50 = arith.cmpi ne, %convert_element_type3A_48, %cond3A_49 : i32
      scf.if %cond3A_50 {
        %run_scoped3A = arith.constant 1 : i32
        "tpu.region"() ({
          %run_scoped3A_52 = tpu.sem_alloc : memref<!tpu.dma_semaphore, #tpu.memory_space<semaphore_mem>>
          %dma_start3A = tpu.memref_slice %arg2[%run_scoped3A, %add3A_43] : memref<2x800000xi32, #tpu.memory_space<hbm>> -> memref<1x10000xi32, #tpu.memory_space<hbm>>
          %dma_start3A_53 = tpu.memref_squeeze %dma_start3A : memref<1x10000xi32, #tpu.memory_space<hbm>> -> memref<10000xi32, #tpu.memory_space<hbm>>
          %dma_start3A_54 = tpu.memref_slice %arg2[%run_scoped3A, %add3A_43] : memref<2x800000xi32, #tpu.memory_space<hbm>> -> memref<1x10000xi32, #tpu.memory_space<hbm>>
          %dma_start3A_55 = tpu.memref_squeeze %dma_start3A_54 : memref<1x10000xi32, #tpu.memory_space<hbm>> -> memref<10000xi32, #tpu.memory_space<hbm>>
          tpu.enqueue_dma source(%dma_start3A_55 : memref<10000xi32, #tpu.memory_space<hbm>>) target(%arg5 : memref<10000xi32, #tpu.memory_space<vmem>>) target_semaphore(%run_scoped3A_52 : memref<!tpu.dma_semaphore, #tpu.memory_space<semaphore_mem>>)
          %dma_wait3A = tpu.memref_slice %arg2[%run_scoped3A, %add3A_43] : memref<2x800000xi32, #tpu.memory_space<hbm>> -> memref<1x10000xi32, #tpu.memory_space<hbm>>
          %dma_wait3A_56 = tpu.memref_squeeze %dma_wait3A : memref<1x10000xi32, #tpu.memory_space<hbm>> -> memref<10000xi32, #tpu.memory_space<hbm>>
          %dma_wait3A_57 = tpu.memref_slice %arg2[%run_scoped3A, %add3A_43] : memref<2x800000xi32, #tpu.memory_space<hbm>> -> memref<1x10000xi32, #tpu.memory_space<hbm>>
          %dma_wait3A_58 = tpu.memref_squeeze %dma_wait3A_57 : memref<1x10000xi32, #tpu.memory_space<hbm>> -> memref<10000xi32, #tpu.memory_space<hbm>>
          tpu.wait_dma2 semaphore(%run_scoped3A_52 : memref<!tpu.dma_semaphore, #tpu.memory_space<semaphore_mem>>) src(%dma_wait3A_58 : memref<10000xi32, #tpu.memory_space<hbm>>) dst(%arg5 : memref<10000xi32, #tpu.memory_space<vmem>>)
          tpu.yield
        }) : () -> ()
      } else {
      }
      "tpu.region"() ({
        %run_scoped3A = tpu.sem_alloc : memref<!tpu.dma_semaphore, #tpu.memory_space<semaphore_mem>>
        %dma_start3A = arith.constant 0 : i32
        %dma_start3A_52 = tpu.memref_slice %arg4[%dma_start3A] : memref<51200xf32, #tpu.memory_space<vmem_shared>> -> memref<51200xf32, #tpu.memory_space<vmem_shared>>
        tpu.enqueue_indirect_dma source(%arg6 : memref<10000xf32, #tpu.memory_space<vmem>>) target(%dma_start3A_52 : memref<51200xf32, #tpu.memory_space<vmem_shared>>) offsets(%arg5 : memref<10000xi32, #tpu.memory_space<vmem>>) semaphore(%run_scoped3A : memref<!tpu.dma_semaphore, #tpu.memory_space<semaphore_mem>>) {add = true}
        %dma_wait3A = arith.constant 0 : i32
        %dma_wait3A_53 = tpu.memref_slice %arg4[%dma_wait3A] : memref<51200xf32, #tpu.memory_space<vmem_shared>> -> memref<51200xf32, #tpu.memory_space<vmem_shared>>
        tpu.wait_indirect_dma semaphore(%run_scoped3A : memref<!tpu.dma_semaphore, #tpu.memory_space<semaphore_mem>>) src(%arg6 : memref<10000xf32, #tpu.memory_space<vmem>>) dst(%dma_wait3A_53 : memref<51200xf32, #tpu.memory_space<vmem_shared>>)
        tpu.yield
      }) : () -> ()
      %scan3A_51 = arith.constant 0 : i32
      scf.yield %scan3A_51 : i32
    }
    %scan3A_33 = arith.constant 5 : i32
    %barrier3A_34 = arith.constant 0 : index
    tpu.barrier barrier_id(%barrier3A_34)
    %mul3A_35 = arith.constant 3200 : i32
    %mul3A_36 = arith.muli %arg1, %mul3A_35 : i32
    %mul3A_37 = arith.constant 51200 : i32
    %mul3A_38 = arith.muli %arg0, %mul3A_37 : i32
    %add3A = arith.addi %mul3A_38, %mul3A_36 : i32
    "tpu.region"() ({
      %run_scoped3A = tpu.sem_alloc : memref<!tpu.dma_semaphore, #tpu.memory_space<semaphore_mem>>
      %dma_start3A = tpu.memref_slice %arg3[%add3A] : memref<102400xf32, #tpu.memory_space<hbm>> -> memref<3200xf32, #tpu.memory_space<hbm>>
      %dma_start3A_39 = tpu.memref_slice %arg4[%mul3A_36] : memref<51200xf32, #tpu.memory_space<vmem_shared>> -> memref<3200xf32, #tpu.memory_space<vmem_shared>>
      tpu.enqueue_dma source(%dma_start3A_39 : memref<3200xf32, #tpu.memory_space<vmem_shared>>) target(%dma_start3A : memref<3200xf32, #tpu.memory_space<hbm>>) target_semaphore(%run_scoped3A : memref<!tpu.dma_semaphore, #tpu.memory_space<semaphore_mem>>)
      %dma_wait3A = tpu.memref_slice %arg3[%add3A] : memref<102400xf32, #tpu.memory_space<hbm>> -> memref<3200xf32, #tpu.memory_space<hbm>>
      %dma_wait3A_40 = tpu.memref_slice %arg4[%mul3A_36] : memref<51200xf32, #tpu.memory_space<vmem_shared>> -> memref<3200xf32, #tpu.memory_space<vmem_shared>>
      tpu.wait_dma2 semaphore(%run_scoped3A : memref<!tpu.dma_semaphore, #tpu.memory_space<semaphore_mem>>) src(%dma_wait3A_40 : memref<3200xf32, #tpu.memory_space<vmem_shared>>) dst(%dma_wait3A : memref<3200xf32, #tpu.memory_space<hbm>>)
      tpu.yield
    }) : () -> ()
    return
  }
}

#map = affine_map<(d0, d1) -> (0, 0)>
module attributes {stable_mosaic.version = 14 : i64} {
  func.func @_agg_kernel(%arg0: i32, %arg1: i32, %arg2: memref<50000x32xf32, #tpu.memory_space<hbm>>, %arg3: memref<50000x32xf32, #tpu.memory_space<hbm>>, %arg4: memref<2x800000xi32, #tpu.memory_space<hbm>>, %arg5: memref<50000x32xf32, #tpu.memory_space<hbm>>, %arg6: memref<50000x32xf32, #tpu.memory_space<hbm>>, %arg7: memref<50000x32xf32, #tpu.memory_space<vmem_shared>>, %arg8: memref<4x2x400xi32, #tpu.memory_space<vmem>>, %arg9: memref<2x400x32xf32, #tpu.memory_space<vmem>>, %arg10: memref<!tpu.dma_semaphore, #tpu.memory_space<semaphore_mem>>, %arg11: memref<!tpu.dma_semaphore, #tpu.memory_space<semaphore_mem>>, %arg12: memref<!tpu.dma_semaphore, #tpu.memory_space<semaphore_mem>>, %arg13: memref<!tpu.dma_semaphore, #tpu.memory_space<semaphore_mem>>, %arg14: memref<!tpu.dma_semaphore, #tpu.memory_space<semaphore_mem>>, %arg15: memref<!tpu.dma_semaphore, #tpu.memory_space<semaphore_mem>>, %arg16: memref<!tpu.dma_semaphore, #tpu.memory_space<semaphore_mem>>, %arg17: memref<!tpu.dma_semaphore, #tpu.memory_space<semaphore_mem>>) attributes {dimension_semantics = [#tpu.dimension_semantics<core_parallel>, #tpu.dimension_semantics<subcore_parallel>], iteration_bounds = array<i64: 2, 16>, scalar_prefetch = 0 : i64, scratch_operands = 11 : i64, tpu.core_type = #tpu.core_type<sc_vector_subcore>, window_params = [{transform_indices = #map}, {transform_indices = #map}, {transform_indices = #map}, {transform_indices = #map}, {transform_indices = #map}]} {
    %broadcast_in_dim3A = arith.constant 0.000000e+00 : f32
    %broadcast_in_dim3A_0 = vector.broadcast %broadcast_in_dim3A : f32 to vector<16xf32>
    %scan3A = arith.constant 0 : i32
    %scan3A_1 = arith.constant 0 : i32
    %scan3A_2 = arith.constant 0 : i32
    %scan3A_3 = arith.constant 800 : i32
    %scan3A_4 = arith.addi %scan3A_2, %scan3A_3 : i32
    %scan3A_5 = arith.constant 4 : i32
    %scan3A_6 = scf.for %scan3A_205 = %scan3A_2 to %scan3A_4 step %scan3A_5 iter_args(%scan3A_206 = %scan3A_1) -> (i32)  : i32 {
      %jit3A = arith.constant 2 : i32
      %div3A = arith.divsi %scan3A_205, %jit3A : i32
      %sign3A = arith.constant 0 : i32
      %sign3A_207 = arith.cmpi sgt, %scan3A_205, %sign3A : i32
      %sign3A_208 = arith.extui %sign3A_207 : i1 to i32
      %sign3A_209 = arith.constant 0 : i32
      %sign3A_210 = arith.cmpi slt, %scan3A_205, %sign3A_209 : i32
      %sign3A_211 = arith.extui %sign3A_210 : i1 to i32
      %sign3A_212 = arith.subi %sign3A_208, %sign3A_211 : i32
      %sign3A_213 = arith.constant 0 : i32
      %sign3A_214 = arith.cmpi sgt, %jit3A, %sign3A_213 : i32
      %sign3A_215 = arith.extui %sign3A_214 : i1 to i32
      %sign3A_216 = arith.constant 0 : i32
      %sign3A_217 = arith.cmpi slt, %jit3A, %sign3A_216 : i32
      %sign3A_218 = arith.extui %sign3A_217 : i1 to i32
      %sign3A_219 = arith.subi %sign3A_215, %sign3A_218 : i32
      %ne3A = arith.cmpi ne, %sign3A_212, %sign3A_219 : i32
      %rem3A = arith.remsi %scan3A_205, %jit3A : i32
      %ne3A_220 = arith.constant 0 : i32
      %ne3A_221 = arith.cmpi ne, %rem3A, %ne3A_220 : i32
      %and3A = arith.andi %ne3A, %ne3A_221 : i1
      %sub3A = arith.constant 1 : i32
      %sub3A_222 = arith.subi %div3A, %sub3A : i32
      %select_n3A = arith.select %and3A, %sub3A_222, %div3A : i32
      %jit3A_223 = arith.constant 2 : i32
      %eq3A_224 = arith.constant 0 : i32
      %eq3A_225 = arith.cmpi eq, %jit3A_223, %eq3A_224 : i32
      %jit3A_226 = arith.constant 1 : i32
      %select_n3A_227 = arith.select %eq3A_225, %jit3A_226, %jit3A_223 : i32
      %rem3A_228 = arith.remsi %scan3A_205, %select_n3A_227 : i32
      %ne3A_229 = arith.constant 0 : i32
      %ne3A_230 = arith.cmpi ne, %rem3A_228, %ne3A_229 : i32
      %lt3A_231 = arith.constant 0 : i32
      %lt3A_232 = arith.cmpi slt, %rem3A_228, %lt3A_231 : i32
      %lt3A_233 = arith.constant 0 : i32
      %lt3A_234 = arith.cmpi slt, %select_n3A_227, %lt3A_233 : i32
      %ne3A_235 = arith.xori %lt3A_232, %lt3A_234 : i1
      %and3A_236 = arith.andi %ne3A_235, %ne3A_230 : i1
      %add3A_237 = arith.addi %rem3A_228, %select_n3A_227 : i32
      %select_n3A_238 = arith.select %and3A_236, %add3A_237, %rem3A_228 : i32
      %mul3A_239 = arith.constant 16 : i32
      %mul3A_240 = arith.muli %select_n3A_238, %mul3A_239 : i32
      %swap3A = arith.constant 0 : i32
      %swap3A_241 = arith.constant 0 : i32
      %swap3A_242 = tpu.memref_slice %arg9[%scan3A, %swap3A, %swap3A_241] : memref<2x400x32xf32, #tpu.memory_space<vmem>> -> memref<1x400x32xf32, #tpu.memory_space<vmem>>
      %swap3A_243 = tpu.memref_squeeze %swap3A_242 : memref<1x400x32xf32, #tpu.memory_space<vmem>> -> memref<400x32xf32, #tpu.memory_space<vmem>>
      %swap3A_244 = arith.index_cast %select_n3A : i32 to index
      %swap3A_245 = arith.index_cast %mul3A_240 : i32 to index
      %swap3A_246 = tpu.vector_load %swap3A_243[%swap3A_244, %swap3A_245] {strides = array<i32>} : memref<400x32xf32, #tpu.memory_space<vmem>>, vector<1x16xf32>,
      %swap3A_247 = vector.shape_cast %swap3A_246 : vector<1x16xf32> to vector<16xf32>
      %swap3A_248 = vector.shape_cast %broadcast_in_dim3A_0 : vector<16xf32> to vector<1x16xf32>
      tpu.vector_store %swap3A_243[%swap3A_244, %swap3A_245], %swap3A_248 {strides = array<i32>} : memref<400x32xf32, #tpu.memory_space<vmem>>, vector<1x16xf32>,
      %scan3A_249 = arith.constant 0 : i32
      %scan3A_250 = arith.constant 1 : i32
      %scan3A_251 = arith.addi %scan3A_205, %scan3A_250 : i32
      %jit3A_252 = arith.constant 2 : i32
      %div3A_253 = arith.divsi %scan3A_251, %jit3A_252 : i32
      %sign3A_254 = arith.constant 0 : i32
      %sign3A_255 = arith.cmpi sgt, %scan3A_251, %sign3A_254 : i32
      %sign3A_256 = arith.extui %sign3A_255 : i1 to i32
      %sign3A_257 = arith.constant 0 : i32
      %sign3A_258 = arith.cmpi slt, %scan3A_251, %sign3A_257 : i32
      %sign3A_259 = arith.extui %sign3A_258 : i1 to i32
      %sign3A_260 = arith.subi %sign3A_256, %sign3A_259 : i32
      %sign3A_261 = arith.constant 0 : i32
      %sign3A_262 = arith.cmpi sgt, %jit3A_252, %sign3A_261 : i32
      %sign3A_263 = arith.extui %sign3A_262 : i1 to i32
      %sign3A_264 = arith.constant 0 : i32
      %sign3A_265 = arith.cmpi slt, %jit3A_252, %sign3A_264 : i32
      %sign3A_266 = arith.extui %sign3A_265 : i1 to i32
      %sign3A_267 = arith.subi %sign3A_263, %sign3A_266 : i32
      %ne3A_268 = arith.cmpi ne, %sign3A_260, %sign3A_267 : i32
      %rem3A_269 = arith.remsi %scan3A_251, %jit3A_252 : i32
      %ne3A_270 = arith.constant 0 : i32
      %ne3A_271 = arith.cmpi ne, %rem3A_269, %ne3A_270 : i32
      %and3A_272 = arith.andi %ne3A_268, %ne3A_271 : i1
      %sub3A_273 = arith.constant 1 : i32
      %sub3A_274 = arith.subi %div3A_253, %sub3A_273 : i32
      %select_n3A_275 = arith.select %and3A_272, %sub3A_274, %div3A_253 : i32
      %jit3A_276 = arith.constant 2 : i32
      %eq3A_277 = arith.constant 0 : i32
      %eq3A_278 = arith.cmpi eq, %jit3A_276, %eq3A_277 : i32
      %jit3A_279 = arith.constant 1 : i32
      %select_n3A_280 = arith.select %eq3A_278, %jit3A_279, %jit3A_276 : i32
      %rem3A_281 = arith.remsi %scan3A_251, %select_n3A_280 : i32
      %ne3A_282 = arith.constant 0 : i32
      %ne3A_283 = arith.cmpi ne, %rem3A_281, %ne3A_282 : i32
      %lt3A_284 = arith.constant 0 : i32
      %lt3A_285 = arith.cmpi slt, %rem3A_281, %lt3A_284 : i32
      %lt3A_286 = arith.constant 0 : i32
      %lt3A_287 = arith.cmpi slt, %select_n3A_280, %lt3A_286 : i32
      %ne3A_288 = arith.xori %lt3A_285, %lt3A_287 : i1
      %and3A_289 = arith.andi %ne3A_288, %ne3A_283 : i1
      %add3A_290 = arith.addi %rem3A_281, %select_n3A_280 : i32
      %select_n3A_291 = arith.select %and3A_289, %add3A_290, %rem3A_281 : i32
      %mul3A_292 = arith.constant 16 : i32
      %mul3A_293 = arith.muli %select_n3A_291, %mul3A_292 : i32
      %swap3A_294 = arith.constant 0 : i32
      %swap3A_295 = arith.constant 0 : i32
      %swap3A_296 = tpu.memref_slice %arg9[%scan3A, %swap3A_294, %swap3A_295] : memref<2x400x32xf32, #tpu.memory_space<vmem>> -> memref<1x400x32xf32, #tpu.memory_space<vmem>>
      %swap3A_297 = tpu.memref_squeeze %swap3A_296 : memref<1x400x32xf32, #tpu.memory_space<vmem>> -> memref<400x32xf32, #tpu.memory_space<vmem>>
      %swap3A_298 = arith.index_cast %select_n3A_275 : i32 to index
      %swap3A_299 = arith.index_cast %mul3A_293 : i32 to index
      %swap3A_300 = tpu.vector_load %swap3A_297[%swap3A_298, %swap3A_299] {strides = array<i32>} : memref<400x32xf32, #tpu.memory_space<vmem>>, vector<1x16xf32>,
      %swap3A_301 = vector.shape_cast %swap3A_300 : vector<1x16xf32> to vector<16xf32>
      %swap3A_302 = vector.shape_cast %broadcast_in_dim3A_0 : vector<16xf32> to vector<1x16xf32>
      tpu.vector_store %swap3A_297[%swap3A_298, %swap3A_299], %swap3A_302 {strides = array<i32>} : memref<400x32xf32, #tpu.memory_space<vmem>>, vector<1x16xf32>,
      %scan3A_303 = arith.constant 0 : i32
      %scan3A_304 = arith.constant 2 : i32
      %scan3A_305 = arith.addi %scan3A_205, %scan3A_304 : i32
      %jit3A_306 = arith.constant 2 : i32
      %div3A_307 = arith.divsi %scan3A_305, %jit3A_306 : i32
      %sign3A_308 = arith.constant 0 : i32
      %sign3A_309 = arith.cmpi sgt, %scan3A_305, %sign3A_308 : i32
      %sign3A_310 = arith.extui %sign3A_309 : i1 to i32
      %sign3A_311 = arith.constant 0 : i32
      %sign3A_312 = arith.cmpi slt, %scan3A_305, %sign3A_311 : i32
      %sign3A_313 = arith.extui %sign3A_312 : i1 to i32
      %sign3A_314 = arith.subi %sign3A_310, %sign3A_313 : i32
      %sign3A_315 = arith.constant 0 : i32
      %sign3A_316 = arith.cmpi sgt, %jit3A_306, %sign3A_315 : i32
      %sign3A_317 = arith.extui %sign3A_316 : i1 to i32
      %sign3A_318 = arith.constant 0 : i32
      %sign3A_319 = arith.cmpi slt, %jit3A_306, %sign3A_318 : i32
      %sign3A_320 = arith.extui %sign3A_319 : i1 to i32
      %sign3A_321 = arith.subi %sign3A_317, %sign3A_320 : i32
      %ne3A_322 = arith.cmpi ne, %sign3A_314, %sign3A_321 : i32
      %rem3A_323 = arith.remsi %scan3A_305, %jit3A_306 : i32
      %ne3A_324 = arith.constant 0 : i32
      %ne3A_325 = arith.cmpi ne, %rem3A_323, %ne3A_324 : i32
      %and3A_326 = arith.andi %ne3A_322, %ne3A_325 : i1
      %sub3A_327 = arith.constant 1 : i32
      %sub3A_328 = arith.subi %div3A_307, %sub3A_327 : i32
      %select_n3A_329 = arith.select %and3A_326, %sub3A_328, %div3A_307 : i32
      %jit3A_330 = arith.constant 2 : i32
      %eq3A_331 = arith.constant 0 : i32
      %eq3A_332 = arith.cmpi eq, %jit3A_330, %eq3A_331 : i32
      %jit3A_333 = arith.constant 1 : i32
      %select_n3A_334 = arith.select %eq3A_332, %jit3A_333, %jit3A_330 : i32
      %rem3A_335 = arith.remsi %scan3A_305, %select_n3A_334 : i32
      %ne3A_336 = arith.constant 0 : i32
      %ne3A_337 = arith.cmpi ne, %rem3A_335, %ne3A_336 : i32
      %lt3A_338 = arith.constant 0 : i32
      %lt3A_339 = arith.cmpi slt, %rem3A_335, %lt3A_338 : i32
      %lt3A_340 = arith.constant 0 : i32
      %lt3A_341 = arith.cmpi slt, %select_n3A_334, %lt3A_340 : i32
      %ne3A_342 = arith.xori %lt3A_339, %lt3A_341 : i1
      %and3A_343 = arith.andi %ne3A_342, %ne3A_337 : i1
      %add3A_344 = arith.addi %rem3A_335, %select_n3A_334 : i32
      %select_n3A_345 = arith.select %and3A_343, %add3A_344, %rem3A_335 : i32
      %mul3A_346 = arith.constant 16 : i32
      %mul3A_347 = arith.muli %select_n3A_345, %mul3A_346 : i32
      %swap3A_348 = arith.constant 0 : i32
      %swap3A_349 = arith.constant 0 : i32
      %swap3A_350 = tpu.memref_slice %arg9[%scan3A, %swap3A_348, %swap3A_349] : memref<2x400x32xf32, #tpu.memory_space<vmem>> -> memref<1x400x32xf32, #tpu.memory_space<vmem>>
      %swap3A_351 = tpu.memref_squeeze %swap3A_350 : memref<1x400x32xf32, #tpu.memory_space<vmem>> -> memref<400x32xf32, #tpu.memory_space<vmem>>
      %swap3A_352 = arith.index_cast %select_n3A_329 : i32 to index
      %swap3A_353 = arith.index_cast %mul3A_347 : i32 to index
      %swap3A_354 = tpu.vector_load %swap3A_351[%swap3A_352, %swap3A_353] {strides = array<i32>} : memref<400x32xf32, #tpu.memory_space<vmem>>, vector<1x16xf32>,
      %swap3A_355 = vector.shape_cast %swap3A_354 : vector<1x16xf32> to vector<16xf32>
      %swap3A_356 = vector.shape_cast %broadcast_in_dim3A_0 : vector<16xf32> to vector<1x16xf32>
      tpu.vector_store %swap3A_351[%swap3A_352, %swap3A_353], %swap3A_356 {strides = array<i32>} : memref<400x32xf32, #tpu.memory_space<vmem>>, vector<1x16xf32>,
      %scan3A_357 = arith.constant 0 : i32
      %scan3A_358 = arith.constant 3 : i32
      %scan3A_359 = arith.addi %scan3A_205, %scan3A_358 : i32
      %jit3A_360 = arith.constant 2 : i32
      %div3A_361 = arith.divsi %scan3A_359, %jit3A_360 : i32
      %sign3A_362 = arith.constant 0 : i32
      %sign3A_363 = arith.cmpi sgt, %scan3A_359, %sign3A_362 : i32
      %sign3A_364 = arith.extui %sign3A_363 : i1 to i32
      %sign3A_365 = arith.constant 0 : i32
      %sign3A_366 = arith.cmpi slt, %scan3A_359, %sign3A_365 : i32
      %sign3A_367 = arith.extui %sign3A_366 : i1 to i32
      %sign3A_368 = arith.subi %sign3A_364, %sign3A_367 : i32
      %sign3A_369 = arith.constant 0 : i32
      %sign3A_370 = arith.cmpi sgt, %jit3A_360, %sign3A_369 : i32
      %sign3A_371 = arith.extui %sign3A_370 : i1 to i32
      %sign3A_372 = arith.constant 0 : i32
      %sign3A_373 = arith.cmpi slt, %jit3A_360, %sign3A_372 : i32
      %sign3A_374 = arith.extui %sign3A_373 : i1 to i32
      %sign3A_375 = arith.subi %sign3A_371, %sign3A_374 : i32
      %ne3A_376 = arith.cmpi ne, %sign3A_368, %sign3A_375 : i32
      %rem3A_377 = arith.remsi %scan3A_359, %jit3A_360 : i32
      %ne3A_378 = arith.constant 0 : i32
      %ne3A_379 = arith.cmpi ne, %rem3A_377, %ne3A_378 : i32
      %and3A_380 = arith.andi %ne3A_376, %ne3A_379 : i1
      %sub3A_381 = arith.constant 1 : i32
      %sub3A_382 = arith.subi %div3A_361, %sub3A_381 : i32
      %select_n3A_383 = arith.select %and3A_380, %sub3A_382, %div3A_361 : i32
      %jit3A_384 = arith.constant 2 : i32
      %eq3A_385 = arith.constant 0 : i32
      %eq3A_386 = arith.cmpi eq, %jit3A_384, %eq3A_385 : i32
      %jit3A_387 = arith.constant 1 : i32
      %select_n3A_388 = arith.select %eq3A_386, %jit3A_387, %jit3A_384 : i32
      %rem3A_389 = arith.remsi %scan3A_359, %select_n3A_388 : i32
      %ne3A_390 = arith.constant 0 : i32
      %ne3A_391 = arith.cmpi ne, %rem3A_389, %ne3A_390 : i32
      %lt3A_392 = arith.constant 0 : i32
      %lt3A_393 = arith.cmpi slt, %rem3A_389, %lt3A_392 : i32
      %lt3A_394 = arith.constant 0 : i32
      %lt3A_395 = arith.cmpi slt, %select_n3A_388, %lt3A_394 : i32
      %ne3A_396 = arith.xori %lt3A_393, %lt3A_395 : i1
      %and3A_397 = arith.andi %ne3A_396, %ne3A_391 : i1
      %add3A_398 = arith.addi %rem3A_389, %select_n3A_388 : i32
      %select_n3A_399 = arith.select %and3A_397, %add3A_398, %rem3A_389 : i32
      %mul3A_400 = arith.constant 16 : i32
      %mul3A_401 = arith.muli %select_n3A_399, %mul3A_400 : i32
      %swap3A_402 = arith.constant 0 : i32
      %swap3A_403 = arith.constant 0 : i32
      %swap3A_404 = tpu.memref_slice %arg9[%scan3A, %swap3A_402, %swap3A_403] : memref<2x400x32xf32, #tpu.memory_space<vmem>> -> memref<1x400x32xf32, #tpu.memory_space<vmem>>
      %swap3A_405 = tpu.memref_squeeze %swap3A_404 : memref<1x400x32xf32, #tpu.memory_space<vmem>> -> memref<400x32xf32, #tpu.memory_space<vmem>>
      %swap3A_406 = arith.index_cast %select_n3A_383 : i32 to index
      %swap3A_407 = arith.index_cast %mul3A_401 : i32 to index
      %swap3A_408 = tpu.vector_load %swap3A_405[%swap3A_406, %swap3A_407] {strides = array<i32>} : memref<400x32xf32, #tpu.memory_space<vmem>>, vector<1x16xf32>,
      %swap3A_409 = vector.shape_cast %swap3A_408 : vector<1x16xf32> to vector<16xf32>
      %swap3A_410 = vector.shape_cast %broadcast_in_dim3A_0 : vector<16xf32> to vector<1x16xf32>
      tpu.vector_store %swap3A_405[%swap3A_406, %swap3A_407], %swap3A_410 {strides = array<i32>} : memref<400x32xf32, #tpu.memory_space<vmem>>, vector<1x16xf32>,
      %scan3A_411 = arith.constant 0 : i32
      scf.yield %scan3A_411 : i32
    }
    %scan3A_7 = arith.constant 800 : i32
    %mul3A = arith.constant 3200 : i32
    %mul3A_8 = arith.muli %arg1, %mul3A : i32
    %lt3A = arith.constant 15 : i32
    %lt3A_9 = arith.cmpi slt, %arg1, %lt3A : i32
    %convert_element_type3A = arith.extui %lt3A_9 : i1 to i32
    %cond3A = arith.constant 0 : i32
    %cond3A_10 = arith.constant 0 : i32
    %cond3A_11 = arith.cmpi ne, %convert_element_type3A, %cond3A_10 : i32
    scf.if %cond3A_11 {
      %add3A_205 = arith.constant 0 : i32
      %add3A_206 = arith.addi %mul3A_8, %add3A_205 : i32
      "tpu.region"() ({
        %run_scoped3A = tpu.sem_alloc : memref<!tpu.dma_semaphore, #tpu.memory_space<semaphore_mem>>
        %dma_start3A_221 = arith.constant 0 : i32
        %dma_start3A_222 = arith.constant 0 : i32
        %dma_start3A_223 = tpu.memref_slice %arg9[%cond3A, %dma_start3A_221, %dma_start3A_222] : memref<2x400x32xf32, #tpu.memory_space<vmem>> -> memref<1x400x32xf32, #tpu.memory_space<vmem>>
        %dma_start3A_224 = tpu.memref_squeeze %dma_start3A_223 : memref<1x400x32xf32, #tpu.memory_space<vmem>> -> memref<400x32xf32, #tpu.memory_space<vmem>>
        %dma_start3A_225 = arith.constant 0 : i32
        %dma_start3A_226 = tpu.memref_slice %arg7[%add3A_206, %dma_start3A_225] : memref<50000x32xf32, #tpu.memory_space<vmem_shared>> -> memref<400x32xf32, #tpu.memory_space<vmem_shared>>
        %dma_start3A_227 = arith.constant 0 : i32
        %dma_start3A_228 = tpu.memref_slice %arg7[%add3A_206, %dma_start3A_227] : memref<50000x32xf32, #tpu.memory_space<vmem_shared>> -> memref<400x32xf32, #tpu.memory_space<vmem_shared>>
        %dma_start3A_229 = arith.constant 0 : i32
        %dma_start3A_230 = arith.constant 0 : i32
        %dma_start3A_231 = tpu.memref_slice %arg9[%cond3A, %dma_start3A_229, %dma_start3A_230] : memref<2x400x32xf32, #tpu.memory_space<vmem>> -> memref<1x400x32xf32, #tpu.memory_space<vmem>>
        %dma_start3A_232 = tpu.memref_squeeze %dma_start3A_231 : memref<1x400x32xf32, #tpu.memory_space<vmem>> -> memref<400x32xf32, #tpu.memory_space<vmem>>
        tpu.enqueue_dma source(%dma_start3A_232 : memref<400x32xf32, #tpu.memory_space<vmem>>) target(%dma_start3A_228 : memref<400x32xf32, #tpu.memory_space<vmem_shared>>) target_semaphore(%run_scoped3A : memref<!tpu.dma_semaphore, #tpu.memory_space<semaphore_mem>>)
        %dma_wait3A_233 = arith.constant 0 : i32
        %dma_wait3A_234 = arith.constant 0 : i32
        %dma_wait3A_235 = tpu.memref_slice %arg9[%cond3A, %dma_wait3A_233, %dma_wait3A_234] : memref<2x400x32xf32, #tpu.memory_space<vmem>> -> memref<1x400x32xf32, #tpu.memory_space<vmem>>
        %dma_wait3A_236 = tpu.memref_squeeze %dma_wait3A_235 : memref<1x400x32xf32, #tpu.memory_space<vmem>> -> memref<400x32xf32, #tpu.memory_space<vmem>>
        %dma_wait3A_237 = arith.constant 0 : i32
        %dma_wait3A_238 = tpu.memref_slice %arg7[%add3A_206, %dma_wait3A_237] : memref<50000x32xf32, #tpu.memory_space<vmem_shared>> -> memref<400x32xf32, #tpu.memory_space<vmem_shared>>
        %dma_wait3A_239 = arith.constant 0 : i32
        %dma_wait3A_240 = tpu.memref_slice %arg7[%add3A_206, %dma_wait3A_239] : memref<50000x32xf32, #tpu.memory_space<vmem_shared>> -> memref<400x32xf32, #tpu.memory_space<vmem_shared>>
        %dma_wait3A_241 = arith.constant 0 : i32
        %dma_wait3A_242 = arith.constant 0 : i32
        %dma_wait3A_243 = tpu.memref_slice %arg9[%cond3A, %dma_wait3A_241, %dma_wait3A_242] : memref<2x400x32xf32, #tpu.memory_space<vmem>> -> memref<1x400x32xf32, #tpu.memory_space<vmem>>
        %dma_wait3A_244 = tpu.memref_squeeze %dma_wait3A_243 : memref<1x400x32xf32, #tpu.memory_space<vmem>> -> memref<400x32xf32, #tpu.memory_space<vmem>>
        tpu.wait_dma2 semaphore(%run_scoped3A : memref<!tpu.dma_semaphore, #tpu.memory_space<semaphore_mem>>) src(%dma_wait3A_244 : memref<400x32xf32, #tpu.memory_space<vmem>>) dst(%dma_wait3A_240 : memref<400x32xf32, #tpu.memory_space<vmem_shared>>)
        tpu.yield
      }) : () -> ()
      %add3A_207 = arith.constant 400 : i32
      %add3A_208 = arith.addi %mul3A_8, %add3A_207 : i32
      "tpu.region"() ({
        %run_scoped3A = tpu.sem_alloc : memref<!tpu.dma_semaphore, #tpu.memory_space<semaphore_mem>>
        %dma_start3A_221 = arith.constant 0 : i32
        %dma_start3A_222 = arith.constant 0 : i32
        %dma_start3A_223 = tpu.memref_slice %arg9[%cond3A, %dma_start3A_221, %dma_start3A_222] : memref<2x400x32xf32, #tpu.memory_space<vmem>> -> memref<1x400x32xf32, #tpu.memory_space<vmem>>
        %dma_start3A_224 = tpu.memref_squeeze %dma_start3A_223 : memref<1x400x32xf32, #tpu.memory_space<vmem>> -> memref<400x32xf32, #tpu.memory_space<vmem>>
        %dma_start3A_225 = arith.constant 0 : i32
        %dma_start3A_226 = tpu.memref_slice %arg7[%add3A_208, %dma_start3A_225] : memref<50000x32xf32, #tpu.memory_space<vmem_shared>> -> memref<400x32xf32, #tpu.memory_space<vmem_shared>>
        %dma_start3A_227 = arith.constant 0 : i32
        %dma_start3A_228 = tpu.memref_slice %arg7[%add3A_208, %dma_start3A_227] : memref<50000x32xf32, #tpu.memory_space<vmem_shared>> -> memref<400x32xf32, #tpu.memory_space<vmem_shared>>
        %dma_start3A_229 = arith.constant 0 : i32
        %dma_start3A_230 = arith.constant 0 : i32
        %dma_start3A_231 = tpu.memref_slice %arg9[%cond3A, %dma_start3A_229, %dma_start3A_230] : memref<2x400x32xf32, #tpu.memory_space<vmem>> -> memref<1x400x32xf32, #tpu.memory_space<vmem>>
        %dma_start3A_232 = tpu.memref_squeeze %dma_start3A_231 : memref<1x400x32xf32, #tpu.memory_space<vmem>> -> memref<400x32xf32, #tpu.memory_space<vmem>>
        tpu.enqueue_dma source(%dma_start3A_232 : memref<400x32xf32, #tpu.memory_space<vmem>>) target(%dma_start3A_228 : memref<400x32xf32, #tpu.memory_space<vmem_shared>>) target_semaphore(%run_scoped3A : memref<!tpu.dma_semaphore, #tpu.memory_space<semaphore_mem>>)
        %dma_wait3A_233 = arith.constant 0 : i32
        %dma_wait3A_234 = arith.constant 0 : i32
        %dma_wait3A_235 = tpu.memref_slice %arg9[%cond3A, %dma_wait3A_233, %dma_wait3A_234] : memref<2x400x32xf32, #tpu.memory_space<vmem>> -> memref<1x400x32xf32, #tpu.memory_space<vmem>>
        %dma_wait3A_236 = tpu.memref_squeeze %dma_wait3A_235 : memref<1x400x32xf32, #tpu.memory_space<vmem>> -> memref<400x32xf32, #tpu.memory_space<vmem>>
        %dma_wait3A_237 = arith.constant 0 : i32
        %dma_wait3A_238 = tpu.memref_slice %arg7[%add3A_208, %dma_wait3A_237] : memref<50000x32xf32, #tpu.memory_space<vmem_shared>> -> memref<400x32xf32, #tpu.memory_space<vmem_shared>>
        %dma_wait3A_239 = arith.constant 0 : i32
        %dma_wait3A_240 = tpu.memref_slice %arg7[%add3A_208, %dma_wait3A_239] : memref<50000x32xf32, #tpu.memory_space<vmem_shared>> -> memref<400x32xf32, #tpu.memory_space<vmem_shared>>
        %dma_wait3A_241 = arith.constant 0 : i32
        %dma_wait3A_242 = arith.constant 0 : i32
        %dma_wait3A_243 = tpu.memref_slice %arg9[%cond3A, %dma_wait3A_241, %dma_wait3A_242] : memref<2x400x32xf32, #tpu.memory_space<vmem>> -> memref<1x400x32xf32, #tpu.memory_space<vmem>>
        %dma_wait3A_244 = tpu.memref_squeeze %dma_wait3A_243 : memref<1x400x32xf32, #tpu.memory_space<vmem>> -> memref<400x32xf32, #tpu.memory_space<vmem>>
        tpu.wait_dma2 semaphore(%run_scoped3A : memref<!tpu.dma_semaphore, #tpu.memory_space<semaphore_mem>>) src(%dma_wait3A_244 : memref<400x32xf32, #tpu.memory_space<vmem>>) dst(%dma_wait3A_240 : memref<400x32xf32, #tpu.memory_space<vmem_shared>>)
        tpu.yield
      }) : () -> ()
      %add3A_209 = arith.constant 800 : i32
      %add3A_210 = arith.addi %mul3A_8, %add3A_209 : i32
      "tpu.region"() ({
        %run_scoped3A = tpu.sem_alloc : memref<!tpu.dma_semaphore, #tpu.memory_space<semaphore_mem>>
        %dma_start3A_221 = arith.constant 0 : i32
        %dma_start3A_222 = arith.constant 0 : i32
        %dma_start3A_223 = tpu.memref_slice %arg9[%cond3A, %dma_start3A_221, %dma_start3A_222] : memref<2x400x32xf32, #tpu.memory_space<vmem>> -> memref<1x400x32xf32, #tpu.memory_space<vmem>>
        %dma_start3A_224 = tpu.memref_squeeze %dma_start3A_223 : memref<1x400x32xf32, #tpu.memory_space<vmem>> -> memref<400x32xf32, #tpu.memory_space<vmem>>
        %dma_start3A_225 = arith.constant 0 : i32
        %dma_start3A_226 = tpu.memref_slice %arg7[%add3A_210, %dma_start3A_225] : memref<50000x32xf32, #tpu.memory_space<vmem_shared>> -> memref<400x32xf32, #tpu.memory_space<vmem_shared>>
        %dma_start3A_227 = arith.constant 0 : i32
        %dma_start3A_228 = tpu.memref_slice %arg7[%add3A_210, %dma_start3A_227] : memref<50000x32xf32, #tpu.memory_space<vmem_shared>> -> memref<400x32xf32, #tpu.memory_space<vmem_shared>>
        %dma_start3A_229 = arith.constant 0 : i32
        %dma_start3A_230 = arith.constant 0 : i32
        %dma_start3A_231 = tpu.memref_slice %arg9[%cond3A, %dma_start3A_229, %dma_start3A_230] : memref<2x400x32xf32, #tpu.memory_space<vmem>> -> memref<1x400x32xf32, #tpu.memory_space<vmem>>
        %dma_start3A_232 = tpu.memref_squeeze %dma_start3A_231 : memref<1x400x32xf32, #tpu.memory_space<vmem>> -> memref<400x32xf32, #tpu.memory_space<vmem>>
        tpu.enqueue_dma source(%dma_start3A_232 : memref<400x32xf32, #tpu.memory_space<vmem>>) target(%dma_start3A_228 : memref<400x32xf32, #tpu.memory_space<vmem_shared>>) target_semaphore(%run_scoped3A : memref<!tpu.dma_semaphore, #tpu.memory_space<semaphore_mem>>)
        %dma_wait3A_233 = arith.constant 0 : i32
        %dma_wait3A_234 = arith.constant 0 : i32
        %dma_wait3A_235 = tpu.memref_slice %arg9[%cond3A, %dma_wait3A_233, %dma_wait3A_234] : memref<2x400x32xf32, #tpu.memory_space<vmem>> -> memref<1x400x32xf32, #tpu.memory_space<vmem>>
        %dma_wait3A_236 = tpu.memref_squeeze %dma_wait3A_235 : memref<1x400x32xf32, #tpu.memory_space<vmem>> -> memref<400x32xf32, #tpu.memory_space<vmem>>
        %dma_wait3A_237 = arith.constant 0 : i32
        %dma_wait3A_238 = tpu.memref_slice %arg7[%add3A_210, %dma_wait3A_237] : memref<50000x32xf32, #tpu.memory_space<vmem_shared>> -> memref<400x32xf32, #tpu.memory_space<vmem_shared>>
        %dma_wait3A_239 = arith.constant 0 : i32
        %dma_wait3A_240 = tpu.memref_slice %arg7[%add3A_210, %dma_wait3A_239] : memref<50000x32xf32, #tpu.memory_space<vmem_shared>> -> memref<400x32xf32, #tpu.memory_space<vmem_shared>>
        %dma_wait3A_241 = arith.constant 0 : i32
        %dma_wait3A_242 = arith.constant 0 : i32
        %dma_wait3A_243 = tpu.memref_slice %arg9[%cond3A, %dma_wait3A_241, %dma_wait3A_242] : memref<2x400x32xf32, #tpu.memory_space<vmem>> -> memref<1x400x32xf32, #tpu.memory_space<vmem>>
        %dma_wait3A_244 = tpu.memref_squeeze %dma_wait3A_243 : memref<1x400x32xf32, #tpu.memory_space<vmem>> -> memref<400x32xf32, #tpu.memory_space<vmem>>
        tpu.wait_dma2 semaphore(%run_scoped3A : memref<!tpu.dma_semaphore, #tpu.memory_space<semaphore_mem>>) src(%dma_wait3A_244 : memref<400x32xf32, #tpu.memory_space<vmem>>) dst(%dma_wait3A_240 : memref<400x32xf32, #tpu.memory_space<vmem_shared>>)
        tpu.yield
      }) : () -> ()
      %add3A_211 = arith.constant 1200 : i32
      %add3A_212 = arith.addi %mul3A_8, %add3A_211 : i32
      "tpu.region"() ({
        %run_scoped3A = tpu.sem_alloc : memref<!tpu.dma_semaphore, #tpu.memory_space<semaphore_mem>>
        %dma_start3A_221 = arith.constant 0 : i32
        %dma_start3A_222 = arith.constant 0 : i32
        %dma_start3A_223 = tpu.memref_slice %arg9[%cond3A, %dma_start3A_221, %dma_start3A_222] : memref<2x400x32xf32, #tpu.memory_space<vmem>> -> memref<1x400x32xf32, #tpu.memory_space<vmem>>
        %dma_start3A_224 = tpu.memref_squeeze %dma_start3A_223 : memref<1x400x32xf32, #tpu.memory_space<vmem>> -> memref<400x32xf32, #tpu.memory_space<vmem>>
        %dma_start3A_225 = arith.constant 0 : i32
        %dma_start3A_226 = tpu.memref_slice %arg7[%add3A_212, %dma_start3A_225] : memref<50000x32xf32, #tpu.memory_space<vmem_shared>> -> memref<400x32xf32, #tpu.memory_space<vmem_shared>>
        %dma_start3A_227 = arith.constant 0 : i32
        %dma_start3A_228 = tpu.memref_slice %arg7[%add3A_212, %dma_start3A_227] : memref<50000x32xf32, #tpu.memory_space<vmem_shared>> -> memref<400x32xf32, #tpu.memory_space<vmem_shared>>
        %dma_start3A_229 = arith.constant 0 : i32
        %dma_start3A_230 = arith.constant 0 : i32
        %dma_start3A_231 = tpu.memref_slice %arg9[%cond3A, %dma_start3A_229, %dma_start3A_230] : memref<2x400x32xf32, #tpu.memory_space<vmem>> -> memref<1x400x32xf32, #tpu.memory_space<vmem>>
        %dma_start3A_232 = tpu.memref_squeeze %dma_start3A_231 : memref<1x400x32xf32, #tpu.memory_space<vmem>> -> memref<400x32xf32, #tpu.memory_space<vmem>>
        tpu.enqueue_dma source(%dma_start3A_232 : memref<400x32xf32, #tpu.memory_space<vmem>>) target(%dma_start3A_228 : memref<400x32xf32, #tpu.memory_space<vmem_shared>>) target_semaphore(%run_scoped3A : memref<!tpu.dma_semaphore, #tpu.memory_space<semaphore_mem>>)
        %dma_wait3A_233 = arith.constant 0 : i32
        %dma_wait3A_234 = arith.constant 0 : i32
        %dma_wait3A_235 = tpu.memref_slice %arg9[%cond3A, %dma_wait3A_233, %dma_wait3A_234] : memref<2x400x32xf32, #tpu.memory_space<vmem>> -> memref<1x400x32xf32, #tpu.memory_space<vmem>>
        %dma_wait3A_236 = tpu.memref_squeeze %dma_wait3A_235 : memref<1x400x32xf32, #tpu.memory_space<vmem>> -> memref<400x32xf32, #tpu.memory_space<vmem>>
        %dma_wait3A_237 = arith.constant 0 : i32
        %dma_wait3A_238 = tpu.memref_slice %arg7[%add3A_212, %dma_wait3A_237] : memref<50000x32xf32, #tpu.memory_space<vmem_shared>> -> memref<400x32xf32, #tpu.memory_space<vmem_shared>>
        %dma_wait3A_239 = arith.constant 0 : i32
        %dma_wait3A_240 = tpu.memref_slice %arg7[%add3A_212, %dma_wait3A_239] : memref<50000x32xf32, #tpu.memory_space<vmem_shared>> -> memref<400x32xf32, #tpu.memory_space<vmem_shared>>
        %dma_wait3A_241 = arith.constant 0 : i32
        %dma_wait3A_242 = arith.constant 0 : i32
        %dma_wait3A_243 = tpu.memref_slice %arg9[%cond3A, %dma_wait3A_241, %dma_wait3A_242] : memref<2x400x32xf32, #tpu.memory_space<vmem>> -> memref<1x400x32xf32, #tpu.memory_space<vmem>>
        %dma_wait3A_244 = tpu.memref_squeeze %dma_wait3A_243 : memref<1x400x32xf32, #tpu.memory_space<vmem>> -> memref<400x32xf32, #tpu.memory_space<vmem>>
        tpu.wait_dma2 semaphore(%run_scoped3A : memref<!tpu.dma_semaphore, #tpu.memory_space<semaphore_mem>>) src(%dma_wait3A_244 : memref<400x32xf32, #tpu.memory_space<vmem>>) dst(%dma_wait3A_240 : memref<400x32xf32, #tpu.memory_space<vmem_shared>>)
        tpu.yield
      }) : () -> ()
      %add3A_213 = arith.constant 1600 : i32
      %add3A_214 = arith.addi %mul3A_8, %add3A_213 : i32
      "tpu.region"() ({
        %run_scoped3A = tpu.sem_alloc : memref<!tpu.dma_semaphore, #tpu.memory_space<semaphore_mem>>
        %dma_start3A_221 = arith.constant 0 : i32
        %dma_start3A_222 = arith.constant 0 : i32
        %dma_start3A_223 = tpu.memref_slice %arg9[%cond3A, %dma_start3A_221, %dma_start3A_222] : memref<2x400x32xf32, #tpu.memory_space<vmem>> -> memref<1x400x32xf32, #tpu.memory_space<vmem>>
        %dma_start3A_224 = tpu.memref_squeeze %dma_start3A_223 : memref<1x400x32xf32, #tpu.memory_space<vmem>> -> memref<400x32xf32, #tpu.memory_space<vmem>>
        %dma_start3A_225 = arith.constant 0 : i32
        %dma_start3A_226 = tpu.memref_slice %arg7[%add3A_214, %dma_start3A_225] : memref<50000x32xf32, #tpu.memory_space<vmem_shared>> -> memref<400x32xf32, #tpu.memory_space<vmem_shared>>
        %dma_start3A_227 = arith.constant 0 : i32
        %dma_start3A_228 = tpu.memref_slice %arg7[%add3A_214, %dma_start3A_227] : memref<50000x32xf32, #tpu.memory_space<vmem_shared>> -> memref<400x32xf32, #tpu.memory_space<vmem_shared>>
        %dma_start3A_229 = arith.constant 0 : i32
        %dma_start3A_230 = arith.constant 0 : i32
        %dma_start3A_231 = tpu.memref_slice %arg9[%cond3A, %dma_start3A_229, %dma_start3A_230] : memref<2x400x32xf32, #tpu.memory_space<vmem>> -> memref<1x400x32xf32, #tpu.memory_space<vmem>>
        %dma_start3A_232 = tpu.memref_squeeze %dma_start3A_231 : memref<1x400x32xf32, #tpu.memory_space<vmem>> -> memref<400x32xf32, #tpu.memory_space<vmem>>
        tpu.enqueue_dma source(%dma_start3A_232 : memref<400x32xf32, #tpu.memory_space<vmem>>) target(%dma_start3A_228 : memref<400x32xf32, #tpu.memory_space<vmem_shared>>) target_semaphore(%run_scoped3A : memref<!tpu.dma_semaphore, #tpu.memory_space<semaphore_mem>>)
        %dma_wait3A_233 = arith.constant 0 : i32
        %dma_wait3A_234 = arith.constant 0 : i32
        %dma_wait3A_235 = tpu.memref_slice %arg9[%cond3A, %dma_wait3A_233, %dma_wait3A_234] : memref<2x400x32xf32, #tpu.memory_space<vmem>> -> memref<1x400x32xf32, #tpu.memory_space<vmem>>
        %dma_wait3A_236 = tpu.memref_squeeze %dma_wait3A_235 : memref<1x400x32xf32, #tpu.memory_space<vmem>> -> memref<400x32xf32, #tpu.memory_space<vmem>>
        %dma_wait3A_237 = arith.constant 0 : i32
        %dma_wait3A_238 = tpu.memref_slice %arg7[%add3A_214, %dma_wait3A_237] : memref<50000x32xf32, #tpu.memory_space<vmem_shared>> -> memref<400x32xf32, #tpu.memory_space<vmem_shared>>
        %dma_wait3A_239 = arith.constant 0 : i32
        %dma_wait3A_240 = tpu.memref_slice %arg7[%add3A_214, %dma_wait3A_239] : memref<50000x32xf32, #tpu.memory_space<vmem_shared>> -> memref<400x32xf32, #tpu.memory_space<vmem_shared>>
        %dma_wait3A_241 = arith.constant 0 : i32
        %dma_wait3A_242 = arith.constant 0 : i32
        %dma_wait3A_243 = tpu.memref_slice %arg9[%cond3A, %dma_wait3A_241, %dma_wait3A_242] : memref<2x400x32xf32, #tpu.memory_space<vmem>> -> memref<1x400x32xf32, #tpu.memory_space<vmem>>
        %dma_wait3A_244 = tpu.memref_squeeze %dma_wait3A_243 : memref<1x400x32xf32, #tpu.memory_space<vmem>> -> memref<400x32xf32, #tpu.memory_space<vmem>>
        tpu.wait_dma2 semaphore(%run_scoped3A : memref<!tpu.dma_semaphore, #tpu.memory_space<semaphore_mem>>) src(%dma_wait3A_244 : memref<400x32xf32, #tpu.memory_space<vmem>>) dst(%dma_wait3A_240 : memref<400x32xf32, #tpu.memory_space<vmem_shared>>)
        tpu.yield
      }) : () -> ()
      %add3A_215 = arith.constant 2000 : i32
      %add3A_216 = arith.addi %mul3A_8, %add3A_215 : i32
      "tpu.region"() ({
        %run_scoped3A = tpu.sem_alloc : memref<!tpu.dma_semaphore, #tpu.memory_space<semaphore_mem>>
        %dma_start3A_221 = arith.constant 0 : i32
        %dma_start3A_222 = arith.constant 0 : i32
        %dma_start3A_223 = tpu.memref_slice %arg9[%cond3A, %dma_start3A_221, %dma_start3A_222] : memref<2x400x32xf32, #tpu.memory_space<vmem>> -> memref<1x400x32xf32, #tpu.memory_space<vmem>>
        %dma_start3A_224 = tpu.memref_squeeze %dma_start3A_223 : memref<1x400x32xf32, #tpu.memory_space<vmem>> -> memref<400x32xf32, #tpu.memory_space<vmem>>
        %dma_start3A_225 = arith.constant 0 : i32
        %dma_start3A_226 = tpu.memref_slice %arg7[%add3A_216, %dma_start3A_225] : memref<50000x32xf32, #tpu.memory_space<vmem_shared>> -> memref<400x32xf32, #tpu.memory_space<vmem_shared>>
        %dma_start3A_227 = arith.constant 0 : i32
        %dma_start3A_228 = tpu.memref_slice %arg7[%add3A_216, %dma_start3A_227] : memref<50000x32xf32, #tpu.memory_space<vmem_shared>> -> memref<400x32xf32, #tpu.memory_space<vmem_shared>>
        %dma_start3A_229 = arith.constant 0 : i32
        %dma_start3A_230 = arith.constant 0 : i32
        %dma_start3A_231 = tpu.memref_slice %arg9[%cond3A, %dma_start3A_229, %dma_start3A_230] : memref<2x400x32xf32, #tpu.memory_space<vmem>> -> memref<1x400x32xf32, #tpu.memory_space<vmem>>
        %dma_start3A_232 = tpu.memref_squeeze %dma_start3A_231 : memref<1x400x32xf32, #tpu.memory_space<vmem>> -> memref<400x32xf32, #tpu.memory_space<vmem>>
        tpu.enqueue_dma source(%dma_start3A_232 : memref<400x32xf32, #tpu.memory_space<vmem>>) target(%dma_start3A_228 : memref<400x32xf32, #tpu.memory_space<vmem_shared>>) target_semaphore(%run_scoped3A : memref<!tpu.dma_semaphore, #tpu.memory_space<semaphore_mem>>)
        %dma_wait3A_233 = arith.constant 0 : i32
        %dma_wait3A_234 = arith.constant 0 : i32
        %dma_wait3A_235 = tpu.memref_slice %arg9[%cond3A, %dma_wait3A_233, %dma_wait3A_234] : memref<2x400x32xf32, #tpu.memory_space<vmem>> -> memref<1x400x32xf32, #tpu.memory_space<vmem>>
        %dma_wait3A_236 = tpu.memref_squeeze %dma_wait3A_235 : memref<1x400x32xf32, #tpu.memory_space<vmem>> -> memref<400x32xf32, #tpu.memory_space<vmem>>
        %dma_wait3A_237 = arith.constant 0 : i32
        %dma_wait3A_238 = tpu.memref_slice %arg7[%add3A_216, %dma_wait3A_237] : memref<50000x32xf32, #tpu.memory_space<vmem_shared>> -> memref<400x32xf32, #tpu.memory_space<vmem_shared>>
        %dma_wait3A_239 = arith.constant 0 : i32
        %dma_wait3A_240 = tpu.memref_slice %arg7[%add3A_216, %dma_wait3A_239] : memref<50000x32xf32, #tpu.memory_space<vmem_shared>> -> memref<400x32xf32, #tpu.memory_space<vmem_shared>>
        %dma_wait3A_241 = arith.constant 0 : i32
        %dma_wait3A_242 = arith.constant 0 : i32
        %dma_wait3A_243 = tpu.memref_slice %arg9[%cond3A, %dma_wait3A_241, %dma_wait3A_242] : memref<2x400x32xf32, #tpu.memory_space<vmem>> -> memref<1x400x32xf32, #tpu.memory_space<vmem>>
        %dma_wait3A_244 = tpu.memref_squeeze %dma_wait3A_243 : memref<1x400x32xf32, #tpu.memory_space<vmem>> -> memref<400x32xf32, #tpu.memory_space<vmem>>
        tpu.wait_dma2 semaphore(%run_scoped3A : memref<!tpu.dma_semaphore, #tpu.memory_space<semaphore_mem>>) src(%dma_wait3A_244 : memref<400x32xf32, #tpu.memory_space<vmem>>) dst(%dma_wait3A_240 : memref<400x32xf32, #tpu.memory_space<vmem_shared>>)
        tpu.yield
      }) : () -> ()
      %add3A_217 = arith.constant 2400 : i32
      %add3A_218 = arith.addi %mul3A_8, %add3A_217 : i32
      "tpu.region"() ({
        %run_scoped3A = tpu.sem_alloc : memref<!tpu.dma_semaphore, #tpu.memory_space<semaphore_mem>>
        %dma_start3A_221 = arith.constant 0 : i32
        %dma_start3A_222 = arith.constant 0 : i32
        %dma_start3A_223 = tpu.memref_slice %arg9[%cond3A, %dma_start3A_221, %dma_start3A_222] : memref<2x400x32xf32, #tpu.memory_space<vmem>> -> memref<1x400x32xf32, #tpu.memory_space<vmem>>
        %dma_start3A_224 = tpu.memref_squeeze %dma_start3A_223 : memref<1x400x32xf32, #tpu.memory_space<vmem>> -> memref<400x32xf32, #tpu.memory_space<vmem>>
        %dma_start3A_225 = arith.constant 0 : i32
        %dma_start3A_226 = tpu.memref_slice %arg7[%add3A_218, %dma_start3A_225] : memref<50000x32xf32, #tpu.memory_space<vmem_shared>> -> memref<400x32xf32, #tpu.memory_space<vmem_shared>>
        %dma_start3A_227 = arith.constant 0 : i32
        %dma_start3A_228 = tpu.memref_slice %arg7[%add3A_218, %dma_start3A_227] : memref<50000x32xf32, #tpu.memory_space<vmem_shared>> -> memref<400x32xf32, #tpu.memory_space<vmem_shared>>
        %dma_start3A_229 = arith.constant 0 : i32
        %dma_start3A_230 = arith.constant 0 : i32
        %dma_start3A_231 = tpu.memref_slice %arg9[%cond3A, %dma_start3A_229, %dma_start3A_230] : memref<2x400x32xf32, #tpu.memory_space<vmem>> -> memref<1x400x32xf32, #tpu.memory_space<vmem>>
        %dma_start3A_232 = tpu.memref_squeeze %dma_start3A_231 : memref<1x400x32xf32, #tpu.memory_space<vmem>> -> memref<400x32xf32, #tpu.memory_space<vmem>>
        tpu.enqueue_dma source(%dma_start3A_232 : memref<400x32xf32, #tpu.memory_space<vmem>>) target(%dma_start3A_228 : memref<400x32xf32, #tpu.memory_space<vmem_shared>>) target_semaphore(%run_scoped3A : memref<!tpu.dma_semaphore, #tpu.memory_space<semaphore_mem>>)
        %dma_wait3A_233 = arith.constant 0 : i32
        %dma_wait3A_234 = arith.constant 0 : i32
        %dma_wait3A_235 = tpu.memref_slice %arg9[%cond3A, %dma_wait3A_233, %dma_wait3A_234] : memref<2x400x32xf32, #tpu.memory_space<vmem>> -> memref<1x400x32xf32, #tpu.memory_space<vmem>>
        %dma_wait3A_236 = tpu.memref_squeeze %dma_wait3A_235 : memref<1x400x32xf32, #tpu.memory_space<vmem>> -> memref<400x32xf32, #tpu.memory_space<vmem>>
        %dma_wait3A_237 = arith.constant 0 : i32
        %dma_wait3A_238 = tpu.memref_slice %arg7[%add3A_218, %dma_wait3A_237] : memref<50000x32xf32, #tpu.memory_space<vmem_shared>> -> memref<400x32xf32, #tpu.memory_space<vmem_shared>>
        %dma_wait3A_239 = arith.constant 0 : i32
        %dma_wait3A_240 = tpu.memref_slice %arg7[%add3A_218, %dma_wait3A_239] : memref<50000x32xf32, #tpu.memory_space<vmem_shared>> -> memref<400x32xf32, #tpu.memory_space<vmem_shared>>
        %dma_wait3A_241 = arith.constant 0 : i32
        %dma_wait3A_242 = arith.constant 0 : i32
        %dma_wait3A_243 = tpu.memref_slice %arg9[%cond3A, %dma_wait3A_241, %dma_wait3A_242] : memref<2x400x32xf32, #tpu.memory_space<vmem>> -> memref<1x400x32xf32, #tpu.memory_space<vmem>>
        %dma_wait3A_244 = tpu.memref_squeeze %dma_wait3A_243 : memref<1x400x32xf32, #tpu.memory_space<vmem>> -> memref<400x32xf32, #tpu.memory_space<vmem>>
        tpu.wait_dma2 semaphore(%run_scoped3A : memref<!tpu.dma_semaphore, #tpu.memory_space<semaphore_mem>>) src(%dma_wait3A_244 : memref<400x32xf32, #tpu.memory_space<vmem>>) dst(%dma_wait3A_240 : memref<400x32xf32, #tpu.memory_space<vmem_shared>>)
        tpu.yield
      }) : () -> ()
      %add3A_219 = arith.constant 2800 : i32
      %add3A_220 = arith.addi %mul3A_8, %add3A_219 : i32
      "tpu.region"() ({
        %run_scoped3A = tpu.sem_alloc : memref<!tpu.dma_semaphore, #tpu.memory_space<semaphore_mem>>
        %dma_start3A_221 = arith.constant 0 : i32
        %dma_start3A_222 = arith.constant 0 : i32
        %dma_start3A_223 = tpu.memref_slice %arg9[%cond3A, %dma_start3A_221, %dma_start3A_222] : memref<2x400x32xf32, #tpu.memory_space<vmem>> -> memref<1x400x32xf32, #tpu.memory_space<vmem>>
        %dma_start3A_224 = tpu.memref_squeeze %dma_start3A_223 : memref<1x400x32xf32, #tpu.memory_space<vmem>> -> memref<400x32xf32, #tpu.memory_space<vmem>>
        %dma_start3A_225 = arith.constant 0 : i32
        %dma_start3A_226 = tpu.memref_slice %arg7[%add3A_220, %dma_start3A_225] : memref<50000x32xf32, #tpu.memory_space<vmem_shared>> -> memref<400x32xf32, #tpu.memory_space<vmem_shared>>
        %dma_start3A_227 = arith.constant 0 : i32
        %dma_start3A_228 = tpu.memref_slice %arg7[%add3A_220, %dma_start3A_227] : memref<50000x32xf32, #tpu.memory_space<vmem_shared>> -> memref<400x32xf32, #tpu.memory_space<vmem_shared>>
        %dma_start3A_229 = arith.constant 0 : i32
        %dma_start3A_230 = arith.constant 0 : i32
        %dma_start3A_231 = tpu.memref_slice %arg9[%cond3A, %dma_start3A_229, %dma_start3A_230] : memref<2x400x32xf32, #tpu.memory_space<vmem>> -> memref<1x400x32xf32, #tpu.memory_space<vmem>>
        %dma_start3A_232 = tpu.memref_squeeze %dma_start3A_231 : memref<1x400x32xf32, #tpu.memory_space<vmem>> -> memref<400x32xf32, #tpu.memory_space<vmem>>
        tpu.enqueue_dma source(%dma_start3A_232 : memref<400x32xf32, #tpu.memory_space<vmem>>) target(%dma_start3A_228 : memref<400x32xf32, #tpu.memory_space<vmem_shared>>) target_semaphore(%run_scoped3A : memref<!tpu.dma_semaphore, #tpu.memory_space<semaphore_mem>>)
        %dma_wait3A_233 = arith.constant 0 : i32
        %dma_wait3A_234 = arith.constant 0 : i32
        %dma_wait3A_235 = tpu.memref_slice %arg9[%cond3A, %dma_wait3A_233, %dma_wait3A_234] : memref<2x400x32xf32, #tpu.memory_space<vmem>> -> memref<1x400x32xf32, #tpu.memory_space<vmem>>
        %dma_wait3A_236 = tpu.memref_squeeze %dma_wait3A_235 : memref<1x400x32xf32, #tpu.memory_space<vmem>> -> memref<400x32xf32, #tpu.memory_space<vmem>>
        %dma_wait3A_237 = arith.constant 0 : i32
        %dma_wait3A_238 = tpu.memref_slice %arg7[%add3A_220, %dma_wait3A_237] : memref<50000x32xf32, #tpu.memory_space<vmem_shared>> -> memref<400x32xf32, #tpu.memory_space<vmem_shared>>
        %dma_wait3A_239 = arith.constant 0 : i32
        %dma_wait3A_240 = tpu.memref_slice %arg7[%add3A_220, %dma_wait3A_239] : memref<50000x32xf32, #tpu.memory_space<vmem_shared>> -> memref<400x32xf32, #tpu.memory_space<vmem_shared>>
        %dma_wait3A_241 = arith.constant 0 : i32
        %dma_wait3A_242 = arith.constant 0 : i32
        %dma_wait3A_243 = tpu.memref_slice %arg9[%cond3A, %dma_wait3A_241, %dma_wait3A_242] : memref<2x400x32xf32, #tpu.memory_space<vmem>> -> memref<1x400x32xf32, #tpu.memory_space<vmem>>
        %dma_wait3A_244 = tpu.memref_squeeze %dma_wait3A_243 : memref<1x400x32xf32, #tpu.memory_space<vmem>> -> memref<400x32xf32, #tpu.memory_space<vmem>>
        tpu.wait_dma2 semaphore(%run_scoped3A : memref<!tpu.dma_semaphore, #tpu.memory_space<semaphore_mem>>) src(%dma_wait3A_244 : memref<400x32xf32, #tpu.memory_space<vmem>>) dst(%dma_wait3A_240 : memref<400x32xf32, #tpu.memory_space<vmem_shared>>)
        tpu.yield
      }) : () -> ()
    } else {
    }
    %eq3A = arith.constant 15 : i32
    %eq3A_12 = arith.cmpi eq, %arg1, %eq3A : i32
    %convert_element_type3A_13 = arith.extui %eq3A_12 : i1 to i32
    %cond3A_14 = arith.constant 0 : i32
    %cond3A_15 = arith.constant 0 : i32
    %cond3A_16 = arith.cmpi ne, %convert_element_type3A_13, %cond3A_15 : i32
    scf.if %cond3A_16 {
      %add3A_205 = arith.constant 0 : i32
      %add3A_206 = arith.addi %mul3A_8, %add3A_205 : i32
      "tpu.region"() ({
        %run_scoped3A = tpu.sem_alloc : memref<!tpu.dma_semaphore, #tpu.memory_space<semaphore_mem>>
        %dma_start3A_215 = arith.constant 0 : i32
        %dma_start3A_216 = arith.constant 0 : i32
        %dma_start3A_217 = tpu.memref_slice %arg9[%cond3A_14, %dma_start3A_215, %dma_start3A_216] : memref<2x400x32xf32, #tpu.memory_space<vmem>> -> memref<1x400x32xf32, #tpu.memory_space<vmem>>
        %dma_start3A_218 = tpu.memref_squeeze %dma_start3A_217 : memref<1x400x32xf32, #tpu.memory_space<vmem>> -> memref<400x32xf32, #tpu.memory_space<vmem>>
        %dma_start3A_219 = arith.constant 0 : i32
        %dma_start3A_220 = tpu.memref_slice %arg7[%add3A_206, %dma_start3A_219] : memref<50000x32xf32, #tpu.memory_space<vmem_shared>> -> memref<400x32xf32, #tpu.memory_space<vmem_shared>>
        %dma_start3A_221 = arith.constant 0 : i32
        %dma_start3A_222 = tpu.memref_slice %arg7[%add3A_206, %dma_start3A_221] : memref<50000x32xf32, #tpu.memory_space<vmem_shared>> -> memref<400x32xf32, #tpu.memory_space<vmem_shared>>
        %dma_start3A_223 = arith.constant 0 : i32
        %dma_start3A_224 = arith.constant 0 : i32
        %dma_start3A_225 = tpu.memref_slice %arg9[%cond3A_14, %dma_start3A_223, %dma_start3A_224] : memref<2x400x32xf32, #tpu.memory_space<vmem>> -> memref<1x400x32xf32, #tpu.memory_space<vmem>>
        %dma_start3A_226 = tpu.memref_squeeze %dma_start3A_225 : memref<1x400x32xf32, #tpu.memory_space<vmem>> -> memref<400x32xf32, #tpu.memory_space<vmem>>
        tpu.enqueue_dma source(%dma_start3A_226 : memref<400x32xf32, #tpu.memory_space<vmem>>) target(%dma_start3A_222 : memref<400x32xf32, #tpu.memory_space<vmem_shared>>) target_semaphore(%run_scoped3A : memref<!tpu.dma_semaphore, #tpu.memory_space<semaphore_mem>>)
        %dma_wait3A_227 = arith.constant 0 : i32
        %dma_wait3A_228 = arith.constant 0 : i32
        %dma_wait3A_229 = tpu.memref_slice %arg9[%cond3A_14, %dma_wait3A_227, %dma_wait3A_228] : memref<2x400x32xf32, #tpu.memory_space<vmem>> -> memref<1x400x32xf32, #tpu.memory_space<vmem>>
        %dma_wait3A_230 = tpu.memref_squeeze %dma_wait3A_229 : memref<1x400x32xf32, #tpu.memory_space<vmem>> -> memref<400x32xf32, #tpu.memory_space<vmem>>
        %dma_wait3A_231 = arith.constant 0 : i32
        %dma_wait3A_232 = tpu.memref_slice %arg7[%add3A_206, %dma_wait3A_231] : memref<50000x32xf32, #tpu.memory_space<vmem_shared>> -> memref<400x32xf32, #tpu.memory_space<vmem_shared>>
        %dma_wait3A_233 = arith.constant 0 : i32
        %dma_wait3A_234 = tpu.memref_slice %arg7[%add3A_206, %dma_wait3A_233] : memref<50000x32xf32, #tpu.memory_space<vmem_shared>> -> memref<400x32xf32, #tpu.memory_space<vmem_shared>>
        %dma_wait3A_235 = arith.constant 0 : i32
        %dma_wait3A_236 = arith.constant 0 : i32
        %dma_wait3A_237 = tpu.memref_slice %arg9[%cond3A_14, %dma_wait3A_235, %dma_wait3A_236] : memref<2x400x32xf32, #tpu.memory_space<vmem>> -> memref<1x400x32xf32, #tpu.memory_space<vmem>>
        %dma_wait3A_238 = tpu.memref_squeeze %dma_wait3A_237 : memref<1x400x32xf32, #tpu.memory_space<vmem>> -> memref<400x32xf32, #tpu.memory_space<vmem>>
        tpu.wait_dma2 semaphore(%run_scoped3A : memref<!tpu.dma_semaphore, #tpu.memory_space<semaphore_mem>>) src(%dma_wait3A_238 : memref<400x32xf32, #tpu.memory_space<vmem>>) dst(%dma_wait3A_234 : memref<400x32xf32, #tpu.memory_space<vmem_shared>>)
        tpu.yield
      }) : () -> ()
      %add3A_207 = arith.constant 400 : i32
      %add3A_208 = arith.addi %mul3A_8, %add3A_207 : i32
      "tpu.region"() ({
        %run_scoped3A = tpu.sem_alloc : memref<!tpu.dma_semaphore, #tpu.memory_space<semaphore_mem>>
        %dma_start3A_215 = arith.constant 0 : i32
        %dma_start3A_216 = arith.constant 0 : i32
        %dma_start3A_217 = tpu.memref_slice %arg9[%cond3A_14, %dma_start3A_215, %dma_start3A_216] : memref<2x400x32xf32, #tpu.memory_space<vmem>> -> memref<1x400x32xf32, #tpu.memory_space<vmem>>
        %dma_start3A_218 = tpu.memref_squeeze %dma_start3A_217 : memref<1x400x32xf32, #tpu.memory_space<vmem>> -> memref<400x32xf32, #tpu.memory_space<vmem>>
        %dma_start3A_219 = arith.constant 0 : i32
        %dma_start3A_220 = tpu.memref_slice %arg7[%add3A_208, %dma_start3A_219] : memref<50000x32xf32, #tpu.memory_space<vmem_shared>> -> memref<400x32xf32, #tpu.memory_space<vmem_shared>>
        %dma_start3A_221 = arith.constant 0 : i32
        %dma_start3A_222 = tpu.memref_slice %arg7[%add3A_208, %dma_start3A_221] : memref<50000x32xf32, #tpu.memory_space<vmem_shared>> -> memref<400x32xf32, #tpu.memory_space<vmem_shared>>
        %dma_start3A_223 = arith.constant 0 : i32
        %dma_start3A_224 = arith.constant 0 : i32
        %dma_start3A_225 = tpu.memref_slice %arg9[%cond3A_14, %dma_start3A_223, %dma_start3A_224] : memref<2x400x32xf32, #tpu.memory_space<vmem>> -> memref<1x400x32xf32, #tpu.memory_space<vmem>>
        %dma_start3A_226 = tpu.memref_squeeze %dma_start3A_225 : memref<1x400x32xf32, #tpu.memory_space<vmem>> -> memref<400x32xf32, #tpu.memory_space<vmem>>
        tpu.enqueue_dma source(%dma_start3A_226 : memref<400x32xf32, #tpu.memory_space<vmem>>) target(%dma_start3A_222 : memref<400x32xf32, #tpu.memory_space<vmem_shared>>) target_semaphore(%run_scoped3A : memref<!tpu.dma_semaphore, #tpu.memory_space<semaphore_mem>>)
        %dma_wait3A_227 = arith.constant 0 : i32
        %dma_wait3A_228 = arith.constant 0 : i32
        %dma_wait3A_229 = tpu.memref_slice %arg9[%cond3A_14, %dma_wait3A_227, %dma_wait3A_228] : memref<2x400x32xf32, #tpu.memory_space<vmem>> -> memref<1x400x32xf32, #tpu.memory_space<vmem>>
        %dma_wait3A_230 = tpu.memref_squeeze %dma_wait3A_229 : memref<1x400x32xf32, #tpu.memory_space<vmem>> -> memref<400x32xf32, #tpu.memory_space<vmem>>
        %dma_wait3A_231 = arith.constant 0 : i32
        %dma_wait3A_232 = tpu.memref_slice %arg7[%add3A_208, %dma_wait3A_231] : memref<50000x32xf32, #tpu.memory_space<vmem_shared>> -> memref<400x32xf32, #tpu.memory_space<vmem_shared>>
        %dma_wait3A_233 = arith.constant 0 : i32
        %dma_wait3A_234 = tpu.memref_slice %arg7[%add3A_208, %dma_wait3A_233] : memref<50000x32xf32, #tpu.memory_space<vmem_shared>> -> memref<400x32xf32, #tpu.memory_space<vmem_shared>>
        %dma_wait3A_235 = arith.constant 0 : i32
        %dma_wait3A_236 = arith.constant 0 : i32
        %dma_wait3A_237 = tpu.memref_slice %arg9[%cond3A_14, %dma_wait3A_235, %dma_wait3A_236] : memref<2x400x32xf32, #tpu.memory_space<vmem>> -> memref<1x400x32xf32, #tpu.memory_space<vmem>>
        %dma_wait3A_238 = tpu.memref_squeeze %dma_wait3A_237 : memref<1x400x32xf32, #tpu.memory_space<vmem>> -> memref<400x32xf32, #tpu.memory_space<vmem>>
        tpu.wait_dma2 semaphore(%run_scoped3A : memref<!tpu.dma_semaphore, #tpu.memory_space<semaphore_mem>>) src(%dma_wait3A_238 : memref<400x32xf32, #tpu.memory_space<vmem>>) dst(%dma_wait3A_234 : memref<400x32xf32, #tpu.memory_space<vmem_shared>>)
        tpu.yield
      }) : () -> ()
      %add3A_209 = arith.constant 800 : i32
      %add3A_210 = arith.addi %mul3A_8, %add3A_209 : i32
      "tpu.region"() ({
        %run_scoped3A = tpu.sem_alloc : memref<!tpu.dma_semaphore, #tpu.memory_space<semaphore_mem>>
        %dma_start3A_215 = arith.constant 0 : i32
        %dma_start3A_216 = arith.constant 0 : i32
        %dma_start3A_217 = tpu.memref_slice %arg9[%cond3A_14, %dma_start3A_215, %dma_start3A_216] : memref<2x400x32xf32, #tpu.memory_space<vmem>> -> memref<1x400x32xf32, #tpu.memory_space<vmem>>
        %dma_start3A_218 = tpu.memref_squeeze %dma_start3A_217 : memref<1x400x32xf32, #tpu.memory_space<vmem>> -> memref<400x32xf32, #tpu.memory_space<vmem>>
        %dma_start3A_219 = arith.constant 0 : i32
        %dma_start3A_220 = tpu.memref_slice %arg7[%add3A_210, %dma_start3A_219] : memref<50000x32xf32, #tpu.memory_space<vmem_shared>> -> memref<400x32xf32, #tpu.memory_space<vmem_shared>>
        %dma_start3A_221 = arith.constant 0 : i32
        %dma_start3A_222 = tpu.memref_slice %arg7[%add3A_210, %dma_start3A_221] : memref<50000x32xf32, #tpu.memory_space<vmem_shared>> -> memref<400x32xf32, #tpu.memory_space<vmem_shared>>
        %dma_start3A_223 = arith.constant 0 : i32
        %dma_start3A_224 = arith.constant 0 : i32
        %dma_start3A_225 = tpu.memref_slice %arg9[%cond3A_14, %dma_start3A_223, %dma_start3A_224] : memref<2x400x32xf32, #tpu.memory_space<vmem>> -> memref<1x400x32xf32, #tpu.memory_space<vmem>>
        %dma_start3A_226 = tpu.memref_squeeze %dma_start3A_225 : memref<1x400x32xf32, #tpu.memory_space<vmem>> -> memref<400x32xf32, #tpu.memory_space<vmem>>
        tpu.enqueue_dma source(%dma_start3A_226 : memref<400x32xf32, #tpu.memory_space<vmem>>) target(%dma_start3A_222 : memref<400x32xf32, #tpu.memory_space<vmem_shared>>) target_semaphore(%run_scoped3A : memref<!tpu.dma_semaphore, #tpu.memory_space<semaphore_mem>>)
        %dma_wait3A_227 = arith.constant 0 : i32
        %dma_wait3A_228 = arith.constant 0 : i32
        %dma_wait3A_229 = tpu.memref_slice %arg9[%cond3A_14, %dma_wait3A_227, %dma_wait3A_228] : memref<2x400x32xf32, #tpu.memory_space<vmem>> -> memref<1x400x32xf32, #tpu.memory_space<vmem>>
        %dma_wait3A_230 = tpu.memref_squeeze %dma_wait3A_229 : memref<1x400x32xf32, #tpu.memory_space<vmem>> -> memref<400x32xf32, #tpu.memory_space<vmem>>
        %dma_wait3A_231 = arith.constant 0 : i32
        %dma_wait3A_232 = tpu.memref_slice %arg7[%add3A_210, %dma_wait3A_231] : memref<50000x32xf32, #tpu.memory_space<vmem_shared>> -> memref<400x32xf32, #tpu.memory_space<vmem_shared>>
        %dma_wait3A_233 = arith.constant 0 : i32
        %dma_wait3A_234 = tpu.memref_slice %arg7[%add3A_210, %dma_wait3A_233] : memref<50000x32xf32, #tpu.memory_space<vmem_shared>> -> memref<400x32xf32, #tpu.memory_space<vmem_shared>>
        %dma_wait3A_235 = arith.constant 0 : i32
        %dma_wait3A_236 = arith.constant 0 : i32
        %dma_wait3A_237 = tpu.memref_slice %arg9[%cond3A_14, %dma_wait3A_235, %dma_wait3A_236] : memref<2x400x32xf32, #tpu.memory_space<vmem>> -> memref<1x400x32xf32, #tpu.memory_space<vmem>>
        %dma_wait3A_238 = tpu.memref_squeeze %dma_wait3A_237 : memref<1x400x32xf32, #tpu.memory_space<vmem>> -> memref<400x32xf32, #tpu.memory_space<vmem>>
        tpu.wait_dma2 semaphore(%run_scoped3A : memref<!tpu.dma_semaphore, #tpu.memory_space<semaphore_mem>>) src(%dma_wait3A_238 : memref<400x32xf32, #tpu.memory_space<vmem>>) dst(%dma_wait3A_234 : memref<400x32xf32, #tpu.memory_space<vmem_shared>>)
        tpu.yield
      }) : () -> ()
      %add3A_211 = arith.constant 1200 : i32
      %add3A_212 = arith.addi %mul3A_8, %add3A_211 : i32
      "tpu.region"() ({
        %run_scoped3A = tpu.sem_alloc : memref<!tpu.dma_semaphore, #tpu.memory_space<semaphore_mem>>
        %dma_start3A_215 = arith.constant 0 : i32
        %dma_start3A_216 = arith.constant 0 : i32
        %dma_start3A_217 = tpu.memref_slice %arg9[%cond3A_14, %dma_start3A_215, %dma_start3A_216] : memref<2x400x32xf32, #tpu.memory_space<vmem>> -> memref<1x400x32xf32, #tpu.memory_space<vmem>>
        %dma_start3A_218 = tpu.memref_squeeze %dma_start3A_217 : memref<1x400x32xf32, #tpu.memory_space<vmem>> -> memref<400x32xf32, #tpu.memory_space<vmem>>
        %dma_start3A_219 = arith.constant 0 : i32
        %dma_start3A_220 = tpu.memref_slice %arg7[%add3A_212, %dma_start3A_219] : memref<50000x32xf32, #tpu.memory_space<vmem_shared>> -> memref<400x32xf32, #tpu.memory_space<vmem_shared>>
        %dma_start3A_221 = arith.constant 0 : i32
        %dma_start3A_222 = tpu.memref_slice %arg7[%add3A_212, %dma_start3A_221] : memref<50000x32xf32, #tpu.memory_space<vmem_shared>> -> memref<400x32xf32, #tpu.memory_space<vmem_shared>>
        %dma_start3A_223 = arith.constant 0 : i32
        %dma_start3A_224 = arith.constant 0 : i32
        %dma_start3A_225 = tpu.memref_slice %arg9[%cond3A_14, %dma_start3A_223, %dma_start3A_224] : memref<2x400x32xf32, #tpu.memory_space<vmem>> -> memref<1x400x32xf32, #tpu.memory_space<vmem>>
        %dma_start3A_226 = tpu.memref_squeeze %dma_start3A_225 : memref<1x400x32xf32, #tpu.memory_space<vmem>> -> memref<400x32xf32, #tpu.memory_space<vmem>>
        tpu.enqueue_dma source(%dma_start3A_226 : memref<400x32xf32, #tpu.memory_space<vmem>>) target(%dma_start3A_222 : memref<400x32xf32, #tpu.memory_space<vmem_shared>>) target_semaphore(%run_scoped3A : memref<!tpu.dma_semaphore, #tpu.memory_space<semaphore_mem>>)
        %dma_wait3A_227 = arith.constant 0 : i32
        %dma_wait3A_228 = arith.constant 0 : i32
        %dma_wait3A_229 = tpu.memref_slice %arg9[%cond3A_14, %dma_wait3A_227, %dma_wait3A_228] : memref<2x400x32xf32, #tpu.memory_space<vmem>> -> memref<1x400x32xf32, #tpu.memory_space<vmem>>
        %dma_wait3A_230 = tpu.memref_squeeze %dma_wait3A_229 : memref<1x400x32xf32, #tpu.memory_space<vmem>> -> memref<400x32xf32, #tpu.memory_space<vmem>>
        %dma_wait3A_231 = arith.constant 0 : i32
        %dma_wait3A_232 = tpu.memref_slice %arg7[%add3A_212, %dma_wait3A_231] : memref<50000x32xf32, #tpu.memory_space<vmem_shared>> -> memref<400x32xf32, #tpu.memory_space<vmem_shared>>
        %dma_wait3A_233 = arith.constant 0 : i32
        %dma_wait3A_234 = tpu.memref_slice %arg7[%add3A_212, %dma_wait3A_233] : memref<50000x32xf32, #tpu.memory_space<vmem_shared>> -> memref<400x32xf32, #tpu.memory_space<vmem_shared>>
        %dma_wait3A_235 = arith.constant 0 : i32
        %dma_wait3A_236 = arith.constant 0 : i32
        %dma_wait3A_237 = tpu.memref_slice %arg9[%cond3A_14, %dma_wait3A_235, %dma_wait3A_236] : memref<2x400x32xf32, #tpu.memory_space<vmem>> -> memref<1x400x32xf32, #tpu.memory_space<vmem>>
        %dma_wait3A_238 = tpu.memref_squeeze %dma_wait3A_237 : memref<1x400x32xf32, #tpu.memory_space<vmem>> -> memref<400x32xf32, #tpu.memory_space<vmem>>
        tpu.wait_dma2 semaphore(%run_scoped3A : memref<!tpu.dma_semaphore, #tpu.memory_space<semaphore_mem>>) src(%dma_wait3A_238 : memref<400x32xf32, #tpu.memory_space<vmem>>) dst(%dma_wait3A_234 : memref<400x32xf32, #tpu.memory_space<vmem_shared>>)
        tpu.yield
      }) : () -> ()
      %add3A_213 = arith.constant 1600 : i32
      %add3A_214 = arith.addi %mul3A_8, %add3A_213 : i32
      "tpu.region"() ({
        %run_scoped3A = tpu.sem_alloc : memref<!tpu.dma_semaphore, #tpu.memory_space<semaphore_mem>>
        %dma_start3A_215 = arith.constant 0 : i32
        %dma_start3A_216 = arith.constant 0 : i32
        %dma_start3A_217 = tpu.memref_slice %arg9[%cond3A_14, %dma_start3A_215, %dma_start3A_216] : memref<2x400x32xf32, #tpu.memory_space<vmem>> -> memref<1x400x32xf32, #tpu.memory_space<vmem>>
        %dma_start3A_218 = tpu.memref_squeeze %dma_start3A_217 : memref<1x400x32xf32, #tpu.memory_space<vmem>> -> memref<400x32xf32, #tpu.memory_space<vmem>>
        %dma_start3A_219 = arith.constant 0 : i32
        %dma_start3A_220 = tpu.memref_slice %arg7[%add3A_214, %dma_start3A_219] : memref<50000x32xf32, #tpu.memory_space<vmem_shared>> -> memref<400x32xf32, #tpu.memory_space<vmem_shared>>
        %dma_start3A_221 = arith.constant 0 : i32
        %dma_start3A_222 = tpu.memref_slice %arg7[%add3A_214, %dma_start3A_221] : memref<50000x32xf32, #tpu.memory_space<vmem_shared>> -> memref<400x32xf32, #tpu.memory_space<vmem_shared>>
        %dma_start3A_223 = arith.constant 0 : i32
        %dma_start3A_224 = arith.constant 0 : i32
        %dma_start3A_225 = tpu.memref_slice %arg9[%cond3A_14, %dma_start3A_223, %dma_start3A_224] : memref<2x400x32xf32, #tpu.memory_space<vmem>> -> memref<1x400x32xf32, #tpu.memory_space<vmem>>
        %dma_start3A_226 = tpu.memref_squeeze %dma_start3A_225 : memref<1x400x32xf32, #tpu.memory_space<vmem>> -> memref<400x32xf32, #tpu.memory_space<vmem>>
        tpu.enqueue_dma source(%dma_start3A_226 : memref<400x32xf32, #tpu.memory_space<vmem>>) target(%dma_start3A_222 : memref<400x32xf32, #tpu.memory_space<vmem_shared>>) target_semaphore(%run_scoped3A : memref<!tpu.dma_semaphore, #tpu.memory_space<semaphore_mem>>)
        %dma_wait3A_227 = arith.constant 0 : i32
        %dma_wait3A_228 = arith.constant 0 : i32
        %dma_wait3A_229 = tpu.memref_slice %arg9[%cond3A_14, %dma_wait3A_227, %dma_wait3A_228] : memref<2x400x32xf32, #tpu.memory_space<vmem>> -> memref<1x400x32xf32, #tpu.memory_space<vmem>>
        %dma_wait3A_230 = tpu.memref_squeeze %dma_wait3A_229 : memref<1x400x32xf32, #tpu.memory_space<vmem>> -> memref<400x32xf32, #tpu.memory_space<vmem>>
        %dma_wait3A_231 = arith.constant 0 : i32
        %dma_wait3A_232 = tpu.memref_slice %arg7[%add3A_214, %dma_wait3A_231] : memref<50000x32xf32, #tpu.memory_space<vmem_shared>> -> memref<400x32xf32, #tpu.memory_space<vmem_shared>>
        %dma_wait3A_233 = arith.constant 0 : i32
        %dma_wait3A_234 = tpu.memref_slice %arg7[%add3A_214, %dma_wait3A_233] : memref<50000x32xf32, #tpu.memory_space<vmem_shared>> -> memref<400x32xf32, #tpu.memory_space<vmem_shared>>
        %dma_wait3A_235 = arith.constant 0 : i32
        %dma_wait3A_236 = arith.constant 0 : i32
        %dma_wait3A_237 = tpu.memref_slice %arg9[%cond3A_14, %dma_wait3A_235, %dma_wait3A_236] : memref<2x400x32xf32, #tpu.memory_space<vmem>> -> memref<1x400x32xf32, #tpu.memory_space<vmem>>
        %dma_wait3A_238 = tpu.memref_squeeze %dma_wait3A_237 : memref<1x400x32xf32, #tpu.memory_space<vmem>> -> memref<400x32xf32, #tpu.memory_space<vmem>>
        tpu.wait_dma2 semaphore(%run_scoped3A : memref<!tpu.dma_semaphore, #tpu.memory_space<semaphore_mem>>) src(%dma_wait3A_238 : memref<400x32xf32, #tpu.memory_space<vmem>>) dst(%dma_wait3A_234 : memref<400x32xf32, #tpu.memory_space<vmem_shared>>)
        tpu.yield
      }) : () -> ()
    } else {
    }
    %barrier3A = arith.constant 0 : index
    tpu.barrier barrier_id(%barrier3A)
    %mul3A_17 = arith.constant 50000 : i32
    %mul3A_18 = arith.muli %arg1, %mul3A_17 : i32
    %add3A = arith.constant 0 : i32
    %add3A_19 = arith.addi %mul3A_18, %add3A : i32
    %dma_start3A = arith.constant 0 : i32
    %dma_start3A_20 = arith.constant 0 : i32
    %dma_start3A_21 = arith.constant 0 : i32
    %dma_start3A_22 = arith.constant 0 : i32
    %dma_start3A_23 = tpu.memref_slice %arg8[%dma_start3A_20, %dma_start3A_21, %dma_start3A_22] : memref<4x2x400xi32, #tpu.memory_space<vmem>> -> memref<1x1x400xi32, #tpu.memory_space<vmem>>
    %dma_start3A_24 = tpu.memref_squeeze %dma_start3A_23 : memref<1x1x400xi32, #tpu.memory_space<vmem>> -> memref<400xi32, #tpu.memory_space<vmem>>
    %dma_start3A_25 = tpu.memref_slice %arg4[%dma_start3A, %add3A_19] : memref<2x800000xi32, #tpu.memory_space<hbm>> -> memref<1x400xi32, #tpu.memory_space<hbm>>
    %dma_start3A_26 = tpu.memref_squeeze %dma_start3A_25 : memref<1x400xi32, #tpu.memory_space<hbm>> -> memref<400xi32, #tpu.memory_space<hbm>>
    %dma_start3A_27 = arith.constant 0 : i32
    %dma_start3A_28 = tpu.memref_slice %arg8[%dma_start3A_20, %dma_start3A_21, %dma_start3A_27] : memref<4x2x400xi32, #tpu.memory_space<vmem>> -> memref<1x1x400xi32, #tpu.memory_space<vmem>>
    %dma_start3A_29 = tpu.memref_squeeze %dma_start3A_28 : memref<1x1x400xi32, #tpu.memory_space<vmem>> -> memref<400xi32, #tpu.memory_space<vmem>>
    %dma_start3A_30 = tpu.memref_slice %arg4[%dma_start3A, %add3A_19] : memref<2x800000xi32, #tpu.memory_space<hbm>> -> memref<1x400xi32, #tpu.memory_space<hbm>>
    %dma_start3A_31 = tpu.memref_squeeze %dma_start3A_30 : memref<1x400xi32, #tpu.memory_space<hbm>> -> memref<400xi32, #tpu.memory_space<hbm>>
    tpu.enqueue_dma source(%dma_start3A_31 : memref<400xi32, #tpu.memory_space<hbm>>) target(%dma_start3A_29 : memref<400xi32, #tpu.memory_space<vmem>>) target_semaphore(%arg14 : memref<!tpu.dma_semaphore, #tpu.memory_space<semaphore_mem>>)
    %dma_start3A_32 = arith.constant 1 : i32
    %dma_start3A_33 = arith.constant 0 : i32
    %dma_start3A_34 = arith.constant 1 : i32
    %dma_start3A_35 = arith.constant 0 : i32
    %dma_start3A_36 = tpu.memref_slice %arg8[%dma_start3A_33, %dma_start3A_34, %dma_start3A_35] : memref<4x2x400xi32, #tpu.memory_space<vmem>> -> memref<1x1x400xi32, #tpu.memory_space<vmem>>
    %dma_start3A_37 = tpu.memref_squeeze %dma_start3A_36 : memref<1x1x400xi32, #tpu.memory_space<vmem>> -> memref<400xi32, #tpu.memory_space<vmem>>
    %dma_start3A_38 = tpu.memref_slice %arg4[%dma_start3A_32, %add3A_19] : memref<2x800000xi32, #tpu.memory_space<hbm>> -> memref<1x400xi32, #tpu.memory_space<hbm>>
    %dma_start3A_39 = tpu.memref_squeeze %dma_start3A_38 : memref<1x400xi32, #tpu.memory_space<hbm>> -> memref<400xi32, #tpu.memory_space<hbm>>
    %dma_start3A_40 = arith.constant 0 : i32
    %dma_start3A_41 = tpu.memref_slice %arg8[%dma_start3A_33, %dma_start3A_34, %dma_start3A_40] : memref<4x2x400xi32, #tpu.memory_space<vmem>> -> memref<1x1x400xi32, #tpu.memory_space<vmem>>
    %dma_start3A_42 = tpu.memref_squeeze %dma_start3A_41 : memref<1x1x400xi32, #tpu.memory_space<vmem>> -> memref<400xi32, #tpu.memory_space<vmem>>
    %dma_start3A_43 = tpu.memref_slice %arg4[%dma_start3A_32, %add3A_19] : memref<2x800000xi32, #tpu.memory_space<hbm>> -> memref<1x400xi32, #tpu.memory_space<hbm>>
    %dma_start3A_44 = tpu.memref_squeeze %dma_start3A_43 : memref<1x400xi32, #tpu.memory_space<hbm>> -> memref<400xi32, #tpu.memory_space<hbm>>
    tpu.enqueue_dma source(%dma_start3A_44 : memref<400xi32, #tpu.memory_space<hbm>>) target(%dma_start3A_42 : memref<400xi32, #tpu.memory_space<vmem>>) target_semaphore(%arg14 : memref<!tpu.dma_semaphore, #tpu.memory_space<semaphore_mem>>)
    %add3A_45 = arith.constant 400 : i32
    %add3A_46 = arith.addi %mul3A_18, %add3A_45 : i32
    %dma_start3A_47 = arith.constant 0 : i32
    %dma_start3A_48 = arith.constant 1 : i32
    %dma_start3A_49 = arith.constant 0 : i32
    %dma_start3A_50 = arith.constant 0 : i32
    %dma_start3A_51 = tpu.memref_slice %arg8[%dma_start3A_48, %dma_start3A_49, %dma_start3A_50] : memref<4x2x400xi32, #tpu.memory_space<vmem>> -> memref<1x1x400xi32, #tpu.memory_space<vmem>>
    %dma_start3A_52 = tpu.memref_squeeze %dma_start3A_51 : memref<1x1x400xi32, #tpu.memory_space<vmem>> -> memref<400xi32, #tpu.memory_space<vmem>>
    %dma_start3A_53 = tpu.memref_slice %arg4[%dma_start3A_47, %add3A_46] : memref<2x800000xi32, #tpu.memory_space<hbm>> -> memref<1x400xi32, #tpu.memory_space<hbm>>
    %dma_start3A_54 = tpu.memref_squeeze %dma_start3A_53 : memref<1x400xi32, #tpu.memory_space<hbm>> -> memref<400xi32, #tpu.memory_space<hbm>>
    %dma_start3A_55 = arith.constant 0 : i32
    %dma_start3A_56 = tpu.memref_slice %arg8[%dma_start3A_48, %dma_start3A_49, %dma_start3A_55] : memref<4x2x400xi32, #tpu.memory_space<vmem>> -> memref<1x1x400xi32, #tpu.memory_space<vmem>>
    %dma_start3A_57 = tpu.memref_squeeze %dma_start3A_56 : memref<1x1x400xi32, #tpu.memory_space<vmem>> -> memref<400xi32, #tpu.memory_space<vmem>>
    %dma_start3A_58 = tpu.memref_slice %arg4[%dma_start3A_47, %add3A_46] : memref<2x800000xi32, #tpu.memory_space<hbm>> -> memref<1x400xi32, #tpu.memory_space<hbm>>
    %dma_start3A_59 = tpu.memref_squeeze %dma_start3A_58 : memref<1x400xi32, #tpu.memory_space<hbm>> -> memref<400xi32, #tpu.memory_space<hbm>>
    tpu.enqueue_dma source(%dma_start3A_59 : memref<400xi32, #tpu.memory_space<hbm>>) target(%dma_start3A_57 : memref<400xi32, #tpu.memory_space<vmem>>) target_semaphore(%arg15 : memref<!tpu.dma_semaphore, #tpu.memory_space<semaphore_mem>>)
    %dma_start3A_60 = arith.constant 1 : i32
    %dma_start3A_61 = arith.constant 1 : i32
    %dma_start3A_62 = arith.constant 1 : i32
    %dma_start3A_63 = arith.constant 0 : i32
    %dma_start3A_64 = tpu.memref_slice %arg8[%dma_start3A_61, %dma_start3A_62, %dma_start3A_63] : memref<4x2x400xi32, #tpu.memory_space<vmem>> -> memref<1x1x400xi32, #tpu.memory_space<vmem>>
    %dma_start3A_65 = tpu.memref_squeeze %dma_start3A_64 : memref<1x1x400xi32, #tpu.memory_space<vmem>> -> memref<400xi32, #tpu.memory_space<vmem>>
    %dma_start3A_66 = tpu.memref_slice %arg4[%dma_start3A_60, %add3A_46] : memref<2x800000xi32, #tpu.memory_space<hbm>> -> memref<1x400xi32, #tpu.memory_space<hbm>>
    %dma_start3A_67 = tpu.memref_squeeze %dma_start3A_66 : memref<1x400xi32, #tpu.memory_space<hbm>> -> memref<400xi32, #tpu.memory_space<hbm>>
    %dma_start3A_68 = arith.constant 0 : i32
    %dma_start3A_69 = tpu.memref_slice %arg8[%dma_start3A_61, %dma_start3A_62, %dma_start3A_68] : memref<4x2x400xi32, #tpu.memory_space<vmem>> -> memref<1x1x400xi32, #tpu.memory_space<vmem>>
    %dma_start3A_70 = tpu.memref_squeeze %dma_start3A_69 : memref<1x1x400xi32, #tpu.memory_space<vmem>> -> memref<400xi32, #tpu.memory_space<vmem>>
    %dma_start3A_71 = tpu.memref_slice %arg4[%dma_start3A_60, %add3A_46] : memref<2x800000xi32, #tpu.memory_space<hbm>> -> memref<1x400xi32, #tpu.memory_space<hbm>>
    %dma_start3A_72 = tpu.memref_squeeze %dma_start3A_71 : memref<1x400xi32, #tpu.memory_space<hbm>> -> memref<400xi32, #tpu.memory_space<hbm>>
    tpu.enqueue_dma source(%dma_start3A_72 : memref<400xi32, #tpu.memory_space<hbm>>) target(%dma_start3A_70 : memref<400xi32, #tpu.memory_space<vmem>>) target_semaphore(%arg15 : memref<!tpu.dma_semaphore, #tpu.memory_space<semaphore_mem>>)
    %add3A_73 = arith.constant 800 : i32
    %add3A_74 = arith.addi %mul3A_18, %add3A_73 : i32
    %dma_start3A_75 = arith.constant 0 : i32
    %dma_start3A_76 = arith.constant 2 : i32
    %dma_start3A_77 = arith.constant 0 : i32
    %dma_start3A_78 = arith.constant 0 : i32
    %dma_start3A_79 = tpu.memref_slice %arg8[%dma_start3A_76, %dma_start3A_77, %dma_start3A_78] : memref<4x2x400xi32, #tpu.memory_space<vmem>> -> memref<1x1x400xi32, #tpu.memory_space<vmem>>
    %dma_start3A_80 = tpu.memref_squeeze %dma_start3A_79 : memref<1x1x400xi32, #tpu.memory_space<vmem>> -> memref<400xi32, #tpu.memory_space<vmem>>
    %dma_start3A_81 = tpu.memref_slice %arg4[%dma_start3A_75, %add3A_74] : memref<2x800000xi32, #tpu.memory_space<hbm>> -> memref<1x400xi32, #tpu.memory_space<hbm>>
    %dma_start3A_82 = tpu.memref_squeeze %dma_start3A_81 : memref<1x400xi32, #tpu.memory_space<hbm>> -> memref<400xi32, #tpu.memory_space<hbm>>
    %dma_start3A_83 = arith.constant 0 : i32
    %dma_start3A_84 = tpu.memref_slice %arg8[%dma_start3A_76, %dma_start3A_77, %dma_start3A_83] : memref<4x2x400xi32, #tpu.memory_space<vmem>> -> memref<1x1x400xi32, #tpu.memory_space<vmem>>
    %dma_start3A_85 = tpu.memref_squeeze %dma_start3A_84 : memref<1x1x400xi32, #tpu.memory_space<vmem>> -> memref<400xi32, #tpu.memory_space<vmem>>
    %dma_start3A_86 = tpu.memref_slice %arg4[%dma_start3A_75, %add3A_74] : memref<2x800000xi32, #tpu.memory_space<hbm>> -> memref<1x400xi32, #tpu.memory_space<hbm>>
    %dma_start3A_87 = tpu.memref_squeeze %dma_start3A_86 : memref<1x400xi32, #tpu.memory_space<hbm>> -> memref<400xi32, #tpu.memory_space<hbm>>
    tpu.enqueue_dma source(%dma_start3A_87 : memref<400xi32, #tpu.memory_space<hbm>>) target(%dma_start3A_85 : memref<400xi32, #tpu.memory_space<vmem>>) target_semaphore(%arg16 : memref<!tpu.dma_semaphore, #tpu.memory_space<semaphore_mem>>)
    %dma_start3A_88 = arith.constant 1 : i32
    %dma_start3A_89 = arith.constant 2 : i32
    %dma_start3A_90 = arith.constant 1 : i32
    %dma_start3A_91 = arith.constant 0 : i32
    %dma_start3A_92 = tpu.memref_slice %arg8[%dma_start3A_89, %dma_start3A_90, %dma_start3A_91] : memref<4x2x400xi32, #tpu.memory_space<vmem>> -> memref<1x1x400xi32, #tpu.memory_space<vmem>>
    %dma_start3A_93 = tpu.memref_squeeze %dma_start3A_92 : memref<1x1x400xi32, #tpu.memory_space<vmem>> -> memref<400xi32, #tpu.memory_space<vmem>>
    %dma_start3A_94 = tpu.memref_slice %arg4[%dma_start3A_88, %add3A_74] : memref<2x800000xi32, #tpu.memory_space<hbm>> -> memref<1x400xi32, #tpu.memory_space<hbm>>
    %dma_start3A_95 = tpu.memref_squeeze %dma_start3A_94 : memref<1x400xi32, #tpu.memory_space<hbm>> -> memref<400xi32, #tpu.memory_space<hbm>>
    %dma_start3A_96 = arith.constant 0 : i32
    %dma_start3A_97 = tpu.memref_slice %arg8[%dma_start3A_89, %dma_start3A_90, %dma_start3A_96] : memref<4x2x400xi32, #tpu.memory_space<vmem>> -> memref<1x1x400xi32, #tpu.memory_space<vmem>>
    %dma_start3A_98 = tpu.memref_squeeze %dma_start3A_97 : memref<1x1x400xi32, #tpu.memory_space<vmem>> -> memref<400xi32, #tpu.memory_space<vmem>>
    %dma_start3A_99 = tpu.memref_slice %arg4[%dma_start3A_88, %add3A_74] : memref<2x800000xi32, #tpu.memory_space<hbm>> -> memref<1x400xi32, #tpu.memory_space<hbm>>
    %dma_start3A_100 = tpu.memref_squeeze %dma_start3A_99 : memref<1x400xi32, #tpu.memory_space<hbm>> -> memref<400xi32, #tpu.memory_space<hbm>>
    tpu.enqueue_dma source(%dma_start3A_100 : memref<400xi32, #tpu.memory_space<hbm>>) target(%dma_start3A_98 : memref<400xi32, #tpu.memory_space<vmem>>) target_semaphore(%arg16 : memref<!tpu.dma_semaphore, #tpu.memory_space<semaphore_mem>>)
    %add3A_101 = arith.constant 0 : i32
    %add3A_102 = arith.addi %mul3A_18, %add3A_101 : i32
    %dma_wait3A = arith.constant 0 : i32
    %dma_wait3A_103 = arith.constant 0 : i32
    %dma_wait3A_104 = arith.constant 0 : i32
    %dma_wait3A_105 = arith.constant 0 : i32
    %dma_wait3A_106 = tpu.memref_slice %arg8[%dma_wait3A_103, %dma_wait3A_104, %dma_wait3A_105] : memref<4x2x400xi32, #tpu.memory_space<vmem>> -> memref<1x1x400xi32, #tpu.memory_space<vmem>>
    %dma_wait3A_107 = tpu.memref_squeeze %dma_wait3A_106 : memref<1x1x400xi32, #tpu.memory_space<vmem>> -> memref<400xi32, #tpu.memory_space<vmem>>
    %dma_wait3A_108 = tpu.memref_slice %arg4[%dma_wait3A, %add3A_102] : memref<2x800000xi32, #tpu.memory_space<hbm>> -> memref<1x400xi32, #tpu.memory_space<hbm>>
    %dma_wait3A_109 = tpu.memref_squeeze %dma_wait3A_108 : memref<1x400xi32, #tpu.memory_space<hbm>> -> memref<400xi32, #tpu.memory_space<hbm>>
    %dma_wait3A_110 = arith.constant 0 : i32
    %dma_wait3A_111 = tpu.memref_slice %arg8[%dma_wait3A_103, %dma_wait3A_104, %dma_wait3A_110] : memref<4x2x400xi32, #tpu.memory_space<vmem>> -> memref<1x1x400xi32, #tpu.memory_space<vmem>>
    %dma_wait3A_112 = tpu.memref_squeeze %dma_wait3A_111 : memref<1x1x400xi32, #tpu.memory_space<vmem>> -> memref<400xi32, #tpu.memory_space<vmem>>
    %dma_wait3A_113 = tpu.memref_slice %arg4[%dma_wait3A, %add3A_102] : memref<2x800000xi32, #tpu.memory_space<hbm>> -> memref<1x400xi32, #tpu.memory_space<hbm>>
    %dma_wait3A_114 = tpu.memref_squeeze %dma_wait3A_113 : memref<1x400xi32, #tpu.memory_space<hbm>> -> memref<400xi32, #tpu.memory_space<hbm>>
    tpu.wait_dma2 semaphore(%arg14 : memref<!tpu.dma_semaphore, #tpu.memory_space<semaphore_mem>>) src(%dma_wait3A_114 : memref<400xi32, #tpu.memory_space<hbm>>) dst(%dma_wait3A_112 : memref<400xi32, #tpu.memory_space<vmem>>)
    %dma_wait3A_115 = arith.constant 1 : i32
    %dma_wait3A_116 = arith.constant 0 : i32
    %dma_wait3A_117 = arith.constant 1 : i32
    %dma_wait3A_118 = arith.constant 0 : i32
    %dma_wait3A_119 = tpu.memref_slice %arg8[%dma_wait3A_116, %dma_wait3A_117, %dma_wait3A_118] : memref<4x2x400xi32, #tpu.memory_space<vmem>> -> memref<1x1x400xi32, #tpu.memory_space<vmem>>
    %dma_wait3A_120 = tpu.memref_squeeze %dma_wait3A_119 : memref<1x1x400xi32, #tpu.memory_space<vmem>> -> memref<400xi32, #tpu.memory_space<vmem>>
    %dma_wait3A_121 = tpu.memref_slice %arg4[%dma_wait3A_115, %add3A_102] : memref<2x800000xi32, #tpu.memory_space<hbm>> -> memref<1x400xi32, #tpu.memory_space<hbm>>
    %dma_wait3A_122 = tpu.memref_squeeze %dma_wait3A_121 : memref<1x400xi32, #tpu.memory_space<hbm>> -> memref<400xi32, #tpu.memory_space<hbm>>
    %dma_wait3A_123 = arith.constant 0 : i32
    %dma_wait3A_124 = tpu.memref_slice %arg8[%dma_wait3A_116, %dma_wait3A_117, %dma_wait3A_123] : memref<4x2x400xi32, #tpu.memory_space<vmem>> -> memref<1x1x400xi32, #tpu.memory_space<vmem>>
    %dma_wait3A_125 = tpu.memref_squeeze %dma_wait3A_124 : memref<1x1x400xi32, #tpu.memory_space<vmem>> -> memref<400xi32, #tpu.memory_space<vmem>>
    %dma_wait3A_126 = tpu.memref_slice %arg4[%dma_wait3A_115, %add3A_102] : memref<2x800000xi32, #tpu.memory_space<hbm>> -> memref<1x400xi32, #tpu.memory_space<hbm>>
    %dma_wait3A_127 = tpu.memref_squeeze %dma_wait3A_126 : memref<1x400xi32, #tpu.memory_space<hbm>> -> memref<400xi32, #tpu.memory_space<hbm>>
    tpu.wait_dma2 semaphore(%arg14 : memref<!tpu.dma_semaphore, #tpu.memory_space<semaphore_mem>>) src(%dma_wait3A_127 : memref<400xi32, #tpu.memory_space<hbm>>) dst(%dma_wait3A_125 : memref<400xi32, #tpu.memory_space<vmem>>)
    %eq3A_128 = arith.constant 0 : i32
    %eq3A_129 = arith.cmpi eq, %arg0, %eq3A_128 : i32
    %convert_element_type3A_130 = arith.extui %eq3A_129 : i1 to i32
    %cond3A_131 = arith.constant 0 : i32
    %cond3A_132 = arith.cmpi ne, %convert_element_type3A_130, %cond3A_131 : i32
    scf.if %cond3A_132 {
      %dma_start3A_205 = arith.constant 0 : i32
      %dma_start3A_206 = arith.constant 0 : i32
      %dma_start3A_207 = arith.constant 0 : i32
      %dma_start3A_208 = arith.constant 0 : i32
      %dma_start3A_209 = arith.constant 0 : i32
      %dma_start3A_210 = tpu.memref_slice %arg9[%dma_start3A_207, %dma_start3A_208, %dma_start3A_209] : memref<2x400x32xf32, #tpu.memory_space<vmem>> -> memref<1x400x32xf32, #tpu.memory_space<vmem>>
      %dma_start3A_211 = tpu.memref_squeeze %dma_start3A_210 : memref<1x400x32xf32, #tpu.memory_space<vmem>> -> memref<400x32xf32, #tpu.memory_space<vmem>>
      %dma_start3A_212 = arith.constant 0 : i32
      %dma_start3A_213 = tpu.memref_slice %arg8[%dma_start3A_205, %dma_start3A_206, %dma_start3A_212] : memref<4x2x400xi32, #tpu.memory_space<vmem>> -> memref<1x1x400xi32, #tpu.memory_space<vmem>>
      %dma_start3A_214 = tpu.memref_squeeze %dma_start3A_213 : memref<1x1x400xi32, #tpu.memory_space<vmem>> -> memref<400xi32, #tpu.memory_space<vmem>>
      %dma_start3A_215 = arith.constant 0 : i32
      %dma_start3A_216 = arith.constant 0 : i32
      %dma_start3A_217 = tpu.memref_slice %arg2[%dma_start3A_215, %dma_start3A_216] : memref<50000x32xf32, #tpu.memory_space<hbm>> -> memref<50000x32xf32, #tpu.memory_space<hbm>>
      tpu.enqueue_indirect_dma source(%dma_start3A_217 : memref<50000x32xf32, #tpu.memory_space<hbm>>) target(%dma_start3A_211 : memref<400x32xf32, #tpu.memory_space<vmem>>) offsets(%dma_start3A_214 : memref<400xi32, #tpu.memory_space<vmem>>) semaphore(%arg10 : memref<!tpu.dma_semaphore, #tpu.memory_space<semaphore_mem>>)
    } else {
    }
    %eq3A_133 = arith.constant 1 : i32
    %eq3A_134 = arith.cmpi eq, %arg0, %eq3A_133 : i32
    %convert_element_type3A_135 = arith.extui %eq3A_134 : i1 to i32
    %cond3A_136 = arith.constant 0 : i32
    %cond3A_137 = arith.cmpi ne, %convert_element_type3A_135, %cond3A_136 : i32
    scf.if %cond3A_137 {
      %dma_start3A_205 = arith.constant 0 : i32
      %dma_start3A_206 = arith.constant 0 : i32
      %dma_start3A_207 = arith.constant 0 : i32
      %dma_start3A_208 = arith.constant 0 : i32
      %dma_start3A_209 = arith.constant 0 : i32
      %dma_start3A_210 = tpu.memref_slice %arg9[%dma_start3A_207, %dma_start3A_208, %dma_start3A_209] : memref<2x400x32xf32, #tpu.memory_space<vmem>> -> memref<1x400x32xf32, #tpu.memory_space<vmem>>
      %dma_start3A_211 = tpu.memref_squeeze %dma_start3A_210 : memref<1x400x32xf32, #tpu.memory_space<vmem>> -> memref<400x32xf32, #tpu.memory_space<vmem>>
      %dma_start3A_212 = arith.constant 0 : i32
      %dma_start3A_213 = tpu.memref_slice %arg8[%dma_start3A_205, %dma_start3A_206, %dma_start3A_212] : memref<4x2x400xi32, #tpu.memory_space<vmem>> -> memref<1x1x400xi32, #tpu.memory_space<vmem>>
      %dma_start3A_214 = tpu.memref_squeeze %dma_start3A_213 : memref<1x1x400xi32, #tpu.memory_space<vmem>> -> memref<400xi32, #tpu.memory_space<vmem>>
      %dma_start3A_215 = arith.constant 0 : i32
      %dma_start3A_216 = arith.constant 0 : i32
      %dma_start3A_217 = tpu.memref_slice %arg3[%dma_start3A_215, %dma_start3A_216] : memref<50000x32xf32, #tpu.memory_space<hbm>> -> memref<50000x32xf32, #tpu.memory_space<hbm>>
      tpu.enqueue_indirect_dma source(%dma_start3A_217 : memref<50000x32xf32, #tpu.memory_space<hbm>>) target(%dma_start3A_211 : memref<400x32xf32, #tpu.memory_space<vmem>>) offsets(%dma_start3A_214 : memref<400xi32, #tpu.memory_space<vmem>>) semaphore(%arg10 : memref<!tpu.dma_semaphore, #tpu.memory_space<semaphore_mem>>)
    } else {
    }
    %scan3A_138 = arith.constant 0 : i32
    %scan3A_139 = arith.constant 0 : i32
    %scan3A_140 = arith.constant 31 : i32
    %scan3A_141 = arith.addi %scan3A_139, %scan3A_140 : i32
    %scan3A_142 = arith.constant 1 : i32
    %scan3A_143 = scf.for %scan3A_205 = %scan3A_139 to %scan3A_141 step %scan3A_142 iter_args(%scan3A_206 = %scan3A_138) -> (i32)  : i32 {
      %mul3A_207 = arith.constant 4 : i32
      %mul3A_208 = arith.muli %mul3A_207, %scan3A_205 : i32
      %add3A_209 = arith.constant 0 : i32
      %add3A_210 = arith.addi %mul3A_208, %add3A_209 : i32
      %gt3A = arith.constant 0 : i32
      %gt3A_211 = arith.cmpi sgt, %scan3A_205, %gt3A : i32
      %convert_element_type3A_212 = arith.extui %gt3A_211 : i1 to i32
      %cond3A_213 = arith.constant 0 : i32
      %cond3A_214 = arith.cmpi ne, %convert_element_type3A_212, %cond3A_213 : i32
      scf.if %cond3A_214 {
        %dma_wait3A_551 = arith.constant 1 : i32
        %dma_wait3A_552 = arith.constant 3 : i32
        %dma_wait3A_553 = arith.constant 1 : i32
        %dma_wait3A_554 = arith.constant 0 : i32
        %dma_wait3A_555 = arith.constant 0 : i32
        %dma_wait3A_556 = tpu.memref_slice %arg9[%dma_wait3A_551, %dma_wait3A_554, %dma_wait3A_555] : memref<2x400x32xf32, #tpu.memory_space<vmem>> -> memref<1x400x32xf32, #tpu.memory_space<vmem>>
        %dma_wait3A_557 = tpu.memref_squeeze %dma_wait3A_556 : memref<1x400x32xf32, #tpu.memory_space<vmem>> -> memref<400x32xf32, #tpu.memory_space<vmem>>
        %dma_wait3A_558 = arith.constant 0 : i32
        %dma_wait3A_559 = tpu.memref_slice %arg8[%dma_wait3A_552, %dma_wait3A_553, %dma_wait3A_558] : memref<4x2x400xi32, #tpu.memory_space<vmem>> -> memref<1x1x400xi32, #tpu.memory_space<vmem>>
        %dma_wait3A_560 = tpu.memref_squeeze %dma_wait3A_559 : memref<1x1x400xi32, #tpu.memory_space<vmem>> -> memref<400xi32, #tpu.memory_space<vmem>>
        %dma_wait3A_561 = arith.constant 0 : i32
        %dma_wait3A_562 = arith.constant 0 : i32
        %dma_wait3A_563 = tpu.memref_slice %arg7[%dma_wait3A_561, %dma_wait3A_562] : memref<50000x32xf32, #tpu.memory_space<vmem_shared>> -> memref<50000x32xf32, #tpu.memory_space<vmem_shared>>
        tpu.wait_indirect_dma semaphore(%arg13 : memref<!tpu.dma_semaphore, #tpu.memory_space<semaphore_mem>>) src(%dma_wait3A_557 : memref<400x32xf32, #tpu.memory_space<vmem>>) dst(%dma_wait3A_563 : memref<50000x32xf32, #tpu.memory_space<vmem_shared>>)
      } else {
      }
      %add3A_215 = arith.constant 3 : i32
      %add3A_216 = arith.addi %add3A_210, %add3A_215 : i32
      %lt3A_217 = arith.constant 125 : i32
      %lt3A_218 = arith.cmpi slt, %add3A_216, %lt3A_217 : i32
      %convert_element_type3A_219 = arith.extui %lt3A_218 : i1 to i32
      %cond3A_220 = arith.constant 0 : i32
      %cond3A_221 = arith.cmpi ne, %convert_element_type3A_219, %cond3A_220 : i32
      scf.if %cond3A_221 {
        %add3A_551 = arith.constant 3 : i32
        %add3A_552 = arith.addi %add3A_210, %add3A_551 : i32
        %mul3A_553 = arith.constant 400 : i32
        %mul3A_554 = arith.muli %add3A_552, %mul3A_553 : i32
        %add3A_555 = arith.addi %mul3A_18, %mul3A_554 : i32
        %dma_start3A_556 = arith.constant 0 : i32
        %dma_start3A_557 = arith.constant 3 : i32
        %dma_start3A_558 = arith.constant 0 : i32
        %dma_start3A_559 = arith.constant 0 : i32
        %dma_start3A_560 = tpu.memref_slice %arg8[%dma_start3A_557, %dma_start3A_558, %dma_start3A_559] : memref<4x2x400xi32, #tpu.memory_space<vmem>> -> memref<1x1x400xi32, #tpu.memory_space<vmem>>
        %dma_start3A_561 = tpu.memref_squeeze %dma_start3A_560 : memref<1x1x400xi32, #tpu.memory_space<vmem>> -> memref<400xi32, #tpu.memory_space<vmem>>
        %dma_start3A_562 = tpu.memref_slice %arg4[%dma_start3A_556, %add3A_555] : memref<2x800000xi32, #tpu.memory_space<hbm>> -> memref<1x400xi32, #tpu.memory_space<hbm>>
        %dma_start3A_563 = tpu.memref_squeeze %dma_start3A_562 : memref<1x400xi32, #tpu.memory_space<hbm>> -> memref<400xi32, #tpu.memory_space<hbm>>
        %dma_start3A_564 = arith.constant 0 : i32
        %dma_start3A_565 = tpu.memref_slice %arg8[%dma_start3A_557, %dma_start3A_558, %dma_start3A_564] : memref<4x2x400xi32, #tpu.memory_space<vmem>> -> memref<1x1x400xi32, #tpu.memory_space<vmem>>
        %dma_start3A_566 = tpu.memref_squeeze %dma_start3A_565 : memref<1x1x400xi32, #tpu.memory_space<vmem>> -> memref<400xi32, #tpu.memory_space<vmem>>
        %dma_start3A_567 = tpu.memref_slice %arg4[%dma_start3A_556, %add3A_555] : memref<2x800000xi32, #tpu.memory_space<hbm>> -> memref<1x400xi32, #tpu.memory_space<hbm>>
        %dma_start3A_568 = tpu.memref_squeeze %dma_start3A_567 : memref<1x400xi32, #tpu.memory_space<hbm>> -> memref<400xi32, #tpu.memory_space<hbm>>
        tpu.enqueue_dma source(%dma_start3A_568 : memref<400xi32, #tpu.memory_space<hbm>>) target(%dma_start3A_566 : memref<400xi32, #tpu.memory_space<vmem>>) target_semaphore(%arg17 : memref<!tpu.dma_semaphore, #tpu.memory_space<semaphore_mem>>)
        %dma_start3A_569 = arith.constant 1 : i32
        %dma_start3A_570 = arith.constant 3 : i32
        %dma_start3A_571 = arith.constant 1 : i32
        %dma_start3A_572 = arith.constant 0 : i32
        %dma_start3A_573 = tpu.memref_slice %arg8[%dma_start3A_570, %dma_start3A_571, %dma_start3A_572] : memref<4x2x400xi32, #tpu.memory_space<vmem>> -> memref<1x1x400xi32, #tpu.memory_space<vmem>>
        %dma_start3A_574 = tpu.memref_squeeze %dma_start3A_573 : memref<1x1x400xi32, #tpu.memory_space<vmem>> -> memref<400xi32, #tpu.memory_space<vmem>>
        %dma_start3A_575 = tpu.memref_slice %arg4[%dma_start3A_569, %add3A_555] : memref<2x800000xi32, #tpu.memory_space<hbm>> -> memref<1x400xi32, #tpu.memory_space<hbm>>
        %dma_start3A_576 = tpu.memref_squeeze %dma_start3A_575 : memref<1x400xi32, #tpu.memory_space<hbm>> -> memref<400xi32, #tpu.memory_space<hbm>>
        %dma_start3A_577 = arith.constant 0 : i32
        %dma_start3A_578 = tpu.memref_slice %arg8[%dma_start3A_570, %dma_start3A_571, %dma_start3A_577] : memref<4x2x400xi32, #tpu.memory_space<vmem>> -> memref<1x1x400xi32, #tpu.memory_space<vmem>>
        %dma_start3A_579 = tpu.memref_squeeze %dma_start3A_578 : memref<1x1x400xi32, #tpu.memory_space<vmem>> -> memref<400xi32, #tpu.memory_space<vmem>>
        %dma_start3A_580 = tpu.memref_slice %arg4[%dma_start3A_569, %add3A_555] : memref<2x800000xi32, #tpu.memory_space<hbm>> -> memref<1x400xi32, #tpu.memory_space<hbm>>
        %dma_start3A_581 = tpu.memref_squeeze %dma_start3A_580 : memref<1x400xi32, #tpu.memory_space<hbm>> -> memref<400xi32, #tpu.memory_space<hbm>>
        tpu.enqueue_dma source(%dma_start3A_581 : memref<400xi32, #tpu.memory_space<hbm>>) target(%dma_start3A_579 : memref<400xi32, #tpu.memory_space<vmem>>) target_semaphore(%arg17 : memref<!tpu.dma_semaphore, #tpu.memory_space<semaphore_mem>>)
      } else {
      }
      %add3A_222 = arith.constant 1 : i32
      %add3A_223 = arith.addi %add3A_210, %add3A_222 : i32
      %mul3A_224 = arith.constant 400 : i32
      %mul3A_225 = arith.muli %add3A_223, %mul3A_224 : i32
      %add3A_226 = arith.addi %mul3A_18, %mul3A_225 : i32
      %dma_wait3A_227 = arith.constant 0 : i32
      %dma_wait3A_228 = arith.constant 1 : i32
      %dma_wait3A_229 = arith.constant 0 : i32
      %dma_wait3A_230 = arith.constant 0 : i32
      %dma_wait3A_231 = tpu.memref_slice %arg8[%dma_wait3A_228, %dma_wait3A_229, %dma_wait3A_230] : memref<4x2x400xi32, #tpu.memory_space<vmem>> -> memref<1x1x400xi32, #tpu.memory_space<vmem>>
      %dma_wait3A_232 = tpu.memref_squeeze %dma_wait3A_231 : memref<1x1x400xi32, #tpu.memory_space<vmem>> -> memref<400xi32, #tpu.memory_space<vmem>>
      %dma_wait3A_233 = tpu.memref_slice %arg4[%dma_wait3A_227, %add3A_226] : memref<2x800000xi32, #tpu.memory_space<hbm>> -> memref<1x400xi32, #tpu.memory_space<hbm>>
      %dma_wait3A_234 = tpu.memref_squeeze %dma_wait3A_233 : memref<1x400xi32, #tpu.memory_space<hbm>> -> memref<400xi32, #tpu.memory_space<hbm>>
      %dma_wait3A_235 = arith.constant 0 : i32
      %dma_wait3A_236 = tpu.memref_slice %arg8[%dma_wait3A_228, %dma_wait3A_229, %dma_wait3A_235] : memref<4x2x400xi32, #tpu.memory_space<vmem>> -> memref<1x1x400xi32, #tpu.memory_space<vmem>>
      %dma_wait3A_237 = tpu.memref_squeeze %dma_wait3A_236 : memref<1x1x400xi32, #tpu.memory_space<vmem>> -> memref<400xi32, #tpu.memory_space<vmem>>
      %dma_wait3A_238 = tpu.memref_slice %arg4[%dma_wait3A_227, %add3A_226] : memref<2x800000xi32, #tpu.memory_space<hbm>> -> memref<1x400xi32, #tpu.memory_space<hbm>>
      %dma_wait3A_239 = tpu.memref_squeeze %dma_wait3A_238 : memref<1x400xi32, #tpu.memory_space<hbm>> -> memref<400xi32, #tpu.memory_space<hbm>>
      tpu.wait_dma2 semaphore(%arg15 : memref<!tpu.dma_semaphore, #tpu.memory_space<semaphore_mem>>) src(%dma_wait3A_239 : memref<400xi32, #tpu.memory_space<hbm>>) dst(%dma_wait3A_237 : memref<400xi32, #tpu.memory_space<vmem>>)
      %dma_wait3A_240 = arith.constant 1 : i32
      %dma_wait3A_241 = arith.constant 1 : i32
      %dma_wait3A_242 = arith.constant 1 : i32
      %dma_wait3A_243 = arith.constant 0 : i32
      %dma_wait3A_244 = tpu.memref_slice %arg8[%dma_wait3A_241, %dma_wait3A_242, %dma_wait3A_243] : memref<4x2x400xi32, #tpu.memory_space<vmem>> -> memref<1x1x400xi32, #tpu.memory_space<vmem>>
      %dma_wait3A_245 = tpu.memref_squeeze %dma_wait3A_244 : memref<1x1x400xi32, #tpu.memory_space<vmem>> -> memref<400xi32, #tpu.memory_space<vmem>>
      %dma_wait3A_246 = tpu.memref_slice %arg4[%dma_wait3A_240, %add3A_226] : memref<2x800000xi32, #tpu.memory_space<hbm>> -> memref<1x400xi32, #tpu.memory_space<hbm>>
      %dma_wait3A_247 = tpu.memref_squeeze %dma_wait3A_246 : memref<1x400xi32, #tpu.memory_space<hbm>> -> memref<400xi32, #tpu.memory_space<hbm>>
      %dma_wait3A_248 = arith.constant 0 : i32
      %dma_wait3A_249 = tpu.memref_slice %arg8[%dma_wait3A_241, %dma_wait3A_242, %dma_wait3A_248] : memref<4x2x400xi32, #tpu.memory_space<vmem>> -> memref<1x1x400xi32, #tpu.memory_space<vmem>>
      %dma_wait3A_250 = tpu.memref_squeeze %dma_wait3A_249 : memref<1x1x400xi32, #tpu.memory_space<vmem>> -> memref<400xi32, #tpu.memory_space<vmem>>
      %dma_wait3A_251 = tpu.memref_slice %arg4[%dma_wait3A_240, %add3A_226] : memref<2x800000xi32, #tpu.memory_space<hbm>> -> memref<1x400xi32, #tpu.memory_space<hbm>>
      %dma_wait3A_252 = tpu.memref_squeeze %dma_wait3A_251 : memref<1x400xi32, #tpu.memory_space<hbm>> -> memref<400xi32, #tpu.memory_space<hbm>>
      tpu.wait_dma2 semaphore(%arg15 : memref<!tpu.dma_semaphore, #tpu.memory_space<semaphore_mem>>) src(%dma_wait3A_252 : memref<400xi32, #tpu.memory_space<hbm>>) dst(%dma_wait3A_250 : memref<400xi32, #tpu.memory_space<vmem>>)
      %eq3A_253 = arith.constant 0 : i32
      %eq3A_254 = arith.cmpi eq, %arg0, %eq3A_253 : i32
      %convert_element_type3A_255 = arith.extui %eq3A_254 : i1 to i32
      %cond3A_256 = arith.constant 0 : i32
      %cond3A_257 = arith.cmpi ne, %convert_element_type3A_255, %cond3A_256 : i32
      scf.if %cond3A_257 {
        %dma_start3A_551 = arith.constant 1 : i32
        %dma_start3A_552 = arith.constant 0 : i32
        %dma_start3A_553 = arith.constant 1 : i32
        %dma_start3A_554 = arith.constant 0 : i32
        %dma_start3A_555 = arith.constant 0 : i32
        %dma_start3A_556 = tpu.memref_slice %arg9[%dma_start3A_553, %dma_start3A_554, %dma_start3A_555] : memref<2x400x32xf32, #tpu.memory_space<vmem>> -> memref<1x400x32xf32, #tpu.memory_space<vmem>>
        %dma_start3A_557 = tpu.memref_squeeze %dma_start3A_556 : memref<1x400x32xf32, #tpu.memory_space<vmem>> -> memref<400x32xf32, #tpu.memory_space<vmem>>
        %dma_start3A_558 = arith.constant 0 : i32
        %dma_start3A_559 = tpu.memref_slice %arg8[%dma_start3A_551, %dma_start3A_552, %dma_start3A_558] : memref<4x2x400xi32, #tpu.memory_space<vmem>> -> memref<1x1x400xi32, #tpu.memory_space<vmem>>
        %dma_start3A_560 = tpu.memref_squeeze %dma_start3A_559 : memref<1x1x400xi32, #tpu.memory_space<vmem>> -> memref<400xi32, #tpu.memory_space<vmem>>
        %dma_start3A_561 = arith.constant 0 : i32
        %dma_start3A_562 = arith.constant 0 : i32
        %dma_start3A_563 = tpu.memref_slice %arg2[%dma_start3A_561, %dma_start3A_562] : memref<50000x32xf32, #tpu.memory_space<hbm>> -> memref<50000x32xf32, #tpu.memory_space<hbm>>
        tpu.enqueue_indirect_dma source(%dma_start3A_563 : memref<50000x32xf32, #tpu.memory_space<hbm>>) target(%dma_start3A_557 : memref<400x32xf32, #tpu.memory_space<vmem>>) offsets(%dma_start3A_560 : memref<400xi32, #tpu.memory_space<vmem>>) semaphore(%arg11 : memref<!tpu.dma_semaphore, #tpu.memory_space<semaphore_mem>>)
      } else {
      }
      %eq3A_258 = arith.constant 1 : i32
      %eq3A_259 = arith.cmpi eq, %arg0, %eq3A_258 : i32
      %convert_element_type3A_260 = arith.extui %eq3A_259 : i1 to i32
      %cond3A_261 = arith.constant 0 : i32
      %cond3A_262 = arith.cmpi ne, %convert_element_type3A_260, %cond3A_261 : i32
      scf.if %cond3A_262 {
        %dma_start3A_551 = arith.constant 1 : i32
        %dma_start3A_552 = arith.constant 0 : i32
        %dma_start3A_553 = arith.constant 1 : i32
        %dma_start3A_554 = arith.constant 0 : i32
        %dma_start3A_555 = arith.constant 0 : i32
        %dma_start3A_556 = tpu.memref_slice %arg9[%dma_start3A_553, %dma_start3A_554, %dma_start3A_555] : memref<2x400x32xf32, #tpu.memory_space<vmem>> -> memref<1x400x32xf32, #tpu.memory_space<vmem>>
        %dma_start3A_557 = tpu.memref_squeeze %dma_start3A_556 : memref<1x400x32xf32, #tpu.memory_space<vmem>> -> memref<400x32xf32, #tpu.memory_space<vmem>>
        %dma_start3A_558 = arith.constant 0 : i32
        %dma_start3A_559 = tpu.memref_slice %arg8[%dma_start3A_551, %dma_start3A_552, %dma_start3A_558] : memref<4x2x400xi32, #tpu.memory_space<vmem>> -> memref<1x1x400xi32, #tpu.memory_space<vmem>>
        %dma_start3A_560 = tpu.memref_squeeze %dma_start3A_559 : memref<1x1x400xi32, #tpu.memory_space<vmem>> -> memref<400xi32, #tpu.memory_space<vmem>>
        %dma_start3A_561 = arith.constant 0 : i32
        %dma_start3A_562 = arith.constant 0 : i32
        %dma_start3A_563 = tpu.memref_slice %arg3[%dma_start3A_561, %dma_start3A_562] : memref<50000x32xf32, #tpu.memory_space<hbm>> -> memref<50000x32xf32, #tpu.memory_space<hbm>>
        tpu.enqueue_indirect_dma source(%dma_start3A_563 : memref<50000x32xf32, #tpu.memory_space<hbm>>) target(%dma_start3A_557 : memref<400x32xf32, #tpu.memory_space<vmem>>) offsets(%dma_start3A_560 : memref<400xi32, #tpu.memory_space<vmem>>) semaphore(%arg11 : memref<!tpu.dma_semaphore, #tpu.memory_space<semaphore_mem>>)
      } else {
      }
      %eq3A_263 = arith.constant 0 : i32
      %eq3A_264 = arith.cmpi eq, %arg0, %eq3A_263 : i32
      %convert_element_type3A_265 = arith.extui %eq3A_264 : i1 to i32
      %cond3A_266 = arith.constant 0 : i32
      %cond3A_267 = arith.cmpi ne, %convert_element_type3A_265, %cond3A_266 : i32
      scf.if %cond3A_267 {
        %dma_wait3A_551 = arith.constant 0 : i32
        %dma_wait3A_552 = arith.constant 0 : i32
        %dma_wait3A_553 = arith.constant 0 : i32
        %dma_wait3A_554 = arith.constant 0 : i32
        %dma_wait3A_555 = arith.constant 0 : i32
        %dma_wait3A_556 = tpu.memref_slice %arg9[%dma_wait3A_553, %dma_wait3A_554, %dma_wait3A_555] : memref<2x400x32xf32, #tpu.memory_space<vmem>> -> memref<1x400x32xf32, #tpu.memory_space<vmem>>
        %dma_wait3A_557 = tpu.memref_squeeze %dma_wait3A_556 : memref<1x400x32xf32, #tpu.memory_space<vmem>> -> memref<400x32xf32, #tpu.memory_space<vmem>>
        %dma_wait3A_558 = arith.constant 0 : i32
        %dma_wait3A_559 = tpu.memref_slice %arg8[%dma_wait3A_551, %dma_wait3A_552, %dma_wait3A_558] : memref<4x2x400xi32, #tpu.memory_space<vmem>> -> memref<1x1x400xi32, #tpu.memory_space<vmem>>
        %dma_wait3A_560 = tpu.memref_squeeze %dma_wait3A_559 : memref<1x1x400xi32, #tpu.memory_space<vmem>> -> memref<400xi32, #tpu.memory_space<vmem>>
        %dma_wait3A_561 = arith.constant 0 : i32
        %dma_wait3A_562 = arith.constant 0 : i32
        %dma_wait3A_563 = tpu.memref_slice %arg2[%dma_wait3A_561, %dma_wait3A_562] : memref<50000x32xf32, #tpu.memory_space<hbm>> -> memref<50000x32xf32, #tpu.memory_space<hbm>>
        tpu.wait_indirect_dma semaphore(%arg10 : memref<!tpu.dma_semaphore, #tpu.memory_space<semaphore_mem>>) src(%dma_wait3A_563 : memref<50000x32xf32, #tpu.memory_space<hbm>>) dst(%dma_wait3A_557 : memref<400x32xf32, #tpu.memory_space<vmem>>)
      } else {
      }
      %eq3A_268 = arith.constant 1 : i32
      %eq3A_269 = arith.cmpi eq, %arg0, %eq3A_268 : i32
      %convert_element_type3A_270 = arith.extui %eq3A_269 : i1 to i32
      %cond3A_271 = arith.constant 0 : i32
      %cond3A_272 = arith.cmpi ne, %convert_element_type3A_270, %cond3A_271 : i32
      scf.if %cond3A_272 {
        %dma_wait3A_551 = arith.constant 0 : i32
        %dma_wait3A_552 = arith.constant 0 : i32
        %dma_wait3A_553 = arith.constant 0 : i32
        %dma_wait3A_554 = arith.constant 0 : i32
        %dma_wait3A_555 = arith.constant 0 : i32
        %dma_wait3A_556 = tpu.memref_slice %arg9[%dma_wait3A_553, %dma_wait3A_554, %dma_wait3A_555] : memref<2x400x32xf32, #tpu.memory_space<vmem>> -> memref<1x400x32xf32, #tpu.memory_space<vmem>>
        %dma_wait3A_557 = tpu.memref_squeeze %dma_wait3A_556 : memref<1x400x32xf32, #tpu.memory_space<vmem>> -> memref<400x32xf32, #tpu.memory_space<vmem>>
        %dma_wait3A_558 = arith.constant 0 : i32
        %dma_wait3A_559 = tpu.memref_slice %arg8[%dma_wait3A_551, %dma_wait3A_552, %dma_wait3A_558] : memref<4x2x400xi32, #tpu.memory_space<vmem>> -> memref<1x1x400xi32, #tpu.memory_space<vmem>>
        %dma_wait3A_560 = tpu.memref_squeeze %dma_wait3A_559 : memref<1x1x400xi32, #tpu.memory_space<vmem>> -> memref<400xi32, #tpu.memory_space<vmem>>
        %dma_wait3A_561 = arith.constant 0 : i32
        %dma_wait3A_562 = arith.constant 0 : i32
        %dma_wait3A_563 = tpu.memref_slice %arg3[%dma_wait3A_561, %dma_wait3A_562] : memref<50000x32xf32, #tpu.memory_space<hbm>> -> memref<50000x32xf32, #tpu.memory_space<hbm>>
        tpu.wait_indirect_dma semaphore(%arg10 : memref<!tpu.dma_semaphore, #tpu.memory_space<semaphore_mem>>) src(%dma_wait3A_563 : memref<50000x32xf32, #tpu.memory_space<hbm>>) dst(%dma_wait3A_557 : memref<400x32xf32, #tpu.memory_space<vmem>>)
      } else {
      }
      %dma_start3A_273 = arith.constant 0 : i32
      %dma_start3A_274 = arith.constant 0 : i32
      %dma_start3A_275 = arith.constant 1 : i32
      %dma_start3A_276 = arith.constant 0 : i32
      %dma_start3A_277 = arith.constant 0 : i32
      %dma_start3A_278 = tpu.memref_slice %arg9[%dma_start3A_273, %dma_start3A_276, %dma_start3A_277] : memref<2x400x32xf32, #tpu.memory_space<vmem>> -> memref<1x400x32xf32, #tpu.memory_space<vmem>>
      %dma_start3A_279 = tpu.memref_squeeze %dma_start3A_278 : memref<1x400x32xf32, #tpu.memory_space<vmem>> -> memref<400x32xf32, #tpu.memory_space<vmem>>
      %dma_start3A_280 = arith.constant 0 : i32
      %dma_start3A_281 = tpu.memref_slice %arg8[%dma_start3A_274, %dma_start3A_275, %dma_start3A_280] : memref<4x2x400xi32, #tpu.memory_space<vmem>> -> memref<1x1x400xi32, #tpu.memory_space<vmem>>
      %dma_start3A_282 = tpu.memref_squeeze %dma_start3A_281 : memref<1x1x400xi32, #tpu.memory_space<vmem>> -> memref<400xi32, #tpu.memory_space<vmem>>
      %dma_start3A_283 = arith.constant 0 : i32
      %dma_start3A_284 = arith.constant 0 : i32
      %dma_start3A_285 = tpu.memref_slice %arg7[%dma_start3A_283, %dma_start3A_284] : memref<50000x32xf32, #tpu.memory_space<vmem_shared>> -> memref<50000x32xf32, #tpu.memory_space<vmem_shared>>
      tpu.enqueue_indirect_dma source(%dma_start3A_279 : memref<400x32xf32, #tpu.memory_space<vmem>>) target(%dma_start3A_285 : memref<50000x32xf32, #tpu.memory_space<vmem_shared>>) offsets(%dma_start3A_282 : memref<400xi32, #tpu.memory_space<vmem>>) semaphore(%arg12 : memref<!tpu.dma_semaphore, #tpu.memory_space<semaphore_mem>>) {add = true}
      %mul3A_286 = arith.constant 4 : i32
      %mul3A_287 = arith.muli %mul3A_286, %scan3A_205 : i32
      %add3A_288 = arith.constant 1 : i32
      %add3A_289 = arith.addi %mul3A_287, %add3A_288 : i32
      %dma_wait3A_290 = arith.constant 0 : i32
      %dma_wait3A_291 = arith.constant 0 : i32
      %dma_wait3A_292 = arith.constant 1 : i32
      %dma_wait3A_293 = arith.constant 0 : i32
      %dma_wait3A_294 = arith.constant 0 : i32
      %dma_wait3A_295 = tpu.memref_slice %arg9[%dma_wait3A_290, %dma_wait3A_293, %dma_wait3A_294] : memref<2x400x32xf32, #tpu.memory_space<vmem>> -> memref<1x400x32xf32, #tpu.memory_space<vmem>>
      %dma_wait3A_296 = tpu.memref_squeeze %dma_wait3A_295 : memref<1x400x32xf32, #tpu.memory_space<vmem>> -> memref<400x32xf32, #tpu.memory_space<vmem>>
      %dma_wait3A_297 = arith.constant 0 : i32
      %dma_wait3A_298 = tpu.memref_slice %arg8[%dma_wait3A_291, %dma_wait3A_292, %dma_wait3A_297] : memref<4x2x400xi32, #tpu.memory_space<vmem>> -> memref<1x1x400xi32, #tpu.memory_space<vmem>>
      %dma_wait3A_299 = tpu.memref_squeeze %dma_wait3A_298 : memref<1x1x400xi32, #tpu.memory_space<vmem>> -> memref<400xi32, #tpu.memory_space<vmem>>
      %dma_wait3A_300 = arith.constant 0 : i32
      %dma_wait3A_301 = arith.constant 0 : i32
      %dma_wait3A_302 = tpu.memref_slice %arg7[%dma_wait3A_300, %dma_wait3A_301] : memref<50000x32xf32, #tpu.memory_space<vmem_shared>> -> memref<50000x32xf32, #tpu.memory_space<vmem_shared>>
      tpu.wait_indirect_dma semaphore(%arg12 : memref<!tpu.dma_semaphore, #tpu.memory_space<semaphore_mem>>) src(%dma_wait3A_296 : memref<400x32xf32, #tpu.memory_space<vmem>>) dst(%dma_wait3A_302 : memref<50000x32xf32, #tpu.memory_space<vmem_shared>>)
      %add3A_303 = arith.constant 3 : i32
      %add3A_304 = arith.addi %add3A_289, %add3A_303 : i32
      %lt3A_305 = arith.constant 125 : i32
      %lt3A_306 = arith.cmpi slt, %add3A_304, %lt3A_305 : i32
      %convert_element_type3A_307 = arith.extui %lt3A_306 : i1 to i32
      %cond3A_308 = arith.constant 0 : i32
      %cond3A_309 = arith.cmpi ne, %convert_element_type3A_307, %cond3A_308 : i32
      scf.if %cond3A_309 {
        %add3A_551 = arith.constant 3 : i32
        %add3A_552 = arith.addi %add3A_289, %add3A_551 : i32
        %mul3A_553 = arith.constant 400 : i32
        %mul3A_554 = arith.muli %add3A_552, %mul3A_553 : i32
        %add3A_555 = arith.addi %mul3A_18, %mul3A_554 : i32
        %dma_start3A_556 = arith.constant 0 : i32
        %dma_start3A_557 = arith.constant 0 : i32
        %dma_start3A_558 = arith.constant 0 : i32
        %dma_start3A_559 = arith.constant 0 : i32
        %dma_start3A_560 = tpu.memref_slice %arg8[%dma_start3A_557, %dma_start3A_558, %dma_start3A_559] : memref<4x2x400xi32, #tpu.memory_space<vmem>> -> memref<1x1x400xi32, #tpu.memory_space<vmem>>
        %dma_start3A_561 = tpu.memref_squeeze %dma_start3A_560 : memref<1x1x400xi32, #tpu.memory_space<vmem>> -> memref<400xi32, #tpu.memory_space<vmem>>
        %dma_start3A_562 = tpu.memref_slice %arg4[%dma_start3A_556, %add3A_555] : memref<2x800000xi32, #tpu.memory_space<hbm>> -> memref<1x400xi32, #tpu.memory_space<hbm>>
        %dma_start3A_563 = tpu.memref_squeeze %dma_start3A_562 : memref<1x400xi32, #tpu.memory_space<hbm>> -> memref<400xi32, #tpu.memory_space<hbm>>
        %dma_start3A_564 = arith.constant 0 : i32
        %dma_start3A_565 = tpu.memref_slice %arg8[%dma_start3A_557, %dma_start3A_558, %dma_start3A_564] : memref<4x2x400xi32, #tpu.memory_space<vmem>> -> memref<1x1x400xi32, #tpu.memory_space<vmem>>
        %dma_start3A_566 = tpu.memref_squeeze %dma_start3A_565 : memref<1x1x400xi32, #tpu.memory_space<vmem>> -> memref<400xi32, #tpu.memory_space<vmem>>
        %dma_start3A_567 = tpu.memref_slice %arg4[%dma_start3A_556, %add3A_555] : memref<2x800000xi32, #tpu.memory_space<hbm>> -> memref<1x400xi32, #tpu.memory_space<hbm>>
        %dma_start3A_568 = tpu.memref_squeeze %dma_start3A_567 : memref<1x400xi32, #tpu.memory_space<hbm>> -> memref<400xi32, #tpu.memory_space<hbm>>
        tpu.enqueue_dma source(%dma_start3A_568 : memref<400xi32, #tpu.memory_space<hbm>>) target(%dma_start3A_566 : memref<400xi32, #tpu.memory_space<vmem>>) target_semaphore(%arg14 : memref<!tpu.dma_semaphore, #tpu.memory_space<semaphore_mem>>)
        %dma_start3A_569 = arith.constant 1 : i32
        %dma_start3A_570 = arith.constant 0 : i32
        %dma_start3A_571 = arith.constant 1 : i32
        %dma_start3A_572 = arith.constant 0 : i32
        %dma_start3A_573 = tpu.memref_slice %arg8[%dma_start3A_570, %dma_start3A_571, %dma_start3A_572] : memref<4x2x400xi32, #tpu.memory_space<vmem>> -> memref<1x1x400xi32, #tpu.memory_space<vmem>>
        %dma_start3A_574 = tpu.memref_squeeze %dma_start3A_573 : memref<1x1x400xi32, #tpu.memory_space<vmem>> -> memref<400xi32, #tpu.memory_space<vmem>>
        %dma_start3A_575 = tpu.memref_slice %arg4[%dma_start3A_569, %add3A_555] : memref<2x800000xi32, #tpu.memory_space<hbm>> -> memref<1x400xi32, #tpu.memory_space<hbm>>
        %dma_start3A_576 = tpu.memref_squeeze %dma_start3A_575 : memref<1x400xi32, #tpu.memory_space<hbm>> -> memref<400xi32, #tpu.memory_space<hbm>>
        %dma_start3A_577 = arith.constant 0 : i32
        %dma_start3A_578 = tpu.memref_slice %arg8[%dma_start3A_570, %dma_start3A_571, %dma_start3A_577] : memref<4x2x400xi32, #tpu.memory_space<vmem>> -> memref<1x1x400xi32, #tpu.memory_space<vmem>>
        %dma_start3A_579 = tpu.memref_squeeze %dma_start3A_578 : memref<1x1x400xi32, #tpu.memory_space<vmem>> -> memref<400xi32, #tpu.memory_space<vmem>>
        %dma_start3A_580 = tpu.memref_slice %arg4[%dma_start3A_569, %add3A_555] : memref<2x800000xi32, #tpu.memory_space<hbm>> -> memref<1x400xi32, #tpu.memory_space<hbm>>
        %dma_start3A_581 = tpu.memref_squeeze %dma_start3A_580 : memref<1x400xi32, #tpu.memory_space<hbm>> -> memref<400xi32, #tpu.memory_space<hbm>>
        tpu.enqueue_dma source(%dma_start3A_581 : memref<400xi32, #tpu.memory_space<hbm>>) target(%dma_start3A_579 : memref<400xi32, #tpu.memory_space<vmem>>) target_semaphore(%arg14 : memref<!tpu.dma_semaphore, #tpu.memory_space<semaphore_mem>>)
      } else {
      }
      %add3A_310 = arith.constant 1 : i32
      %add3A_311 = arith.addi %add3A_289, %add3A_310 : i32
      %mul3A_312 = arith.constant 400 : i32
      %mul3A_313 = arith.muli %add3A_311, %mul3A_312 : i32
      %add3A_314 = arith.addi %mul3A_18, %mul3A_313 : i32
      %dma_wait3A_315 = arith.constant 0 : i32
      %dma_wait3A_316 = arith.constant 2 : i32
      %dma_wait3A_317 = arith.constant 0 : i32
      %dma_wait3A_318 = arith.constant 0 : i32
      %dma_wait3A_319 = tpu.memref_slice %arg8[%dma_wait3A_316, %dma_wait3A_317, %dma_wait3A_318] : memref<4x2x400xi32, #tpu.memory_space<vmem>> -> memref<1x1x400xi32, #tpu.memory_space<vmem>>
      %dma_wait3A_320 = tpu.memref_squeeze %dma_wait3A_319 : memref<1x1x400xi32, #tpu.memory_space<vmem>> -> memref<400xi32, #tpu.memory_space<vmem>>
      %dma_wait3A_321 = tpu.memref_slice %arg4[%dma_wait3A_315, %add3A_314] : memref<2x800000xi32, #tpu.memory_space<hbm>> -> memref<1x400xi32, #tpu.memory_space<hbm>>
      %dma_wait3A_322 = tpu.memref_squeeze %dma_wait3A_321 : memref<1x400xi32, #tpu.memory_space<hbm>> -> memref<400xi32, #tpu.memory_space<hbm>>
      %dma_wait3A_323 = arith.constant 0 : i32
      %dma_wait3A_324 = tpu.memref_slice %arg8[%dma_wait3A_316, %dma_wait3A_317, %dma_wait3A_323] : memref<4x2x400xi32, #tpu.memory_space<vmem>> -> memref<1x1x400xi32, #tpu.memory_space<vmem>>
      %dma_wait3A_325 = tpu.memref_squeeze %dma_wait3A_324 : memref<1x1x400xi32, #tpu.memory_space<vmem>> -> memref<400xi32, #tpu.memory_space<vmem>>
      %dma_wait3A_326 = tpu.memref_slice %arg4[%dma_wait3A_315, %add3A_314] : memref<2x800000xi32, #tpu.memory_space<hbm>> -> memref<1x400xi32, #tpu.memory_space<hbm>>
      %dma_wait3A_327 = tpu.memref_squeeze %dma_wait3A_326 : memref<1x400xi32, #tpu.memory_space<hbm>> -> memref<400xi32, #tpu.memory_space<hbm>>
      tpu.wait_dma2 semaphore(%arg16 : memref<!tpu.dma_semaphore, #tpu.memory_space<semaphore_mem>>) src(%dma_wait3A_327 : memref<400xi32, #tpu.memory_space<hbm>>) dst(%dma_wait3A_325 : memref<400xi32, #tpu.memory_space<vmem>>)
      %dma_wait3A_328 = arith.constant 1 : i32
      %dma_wait3A_329 = arith.constant 2 : i32
      %dma_wait3A_330 = arith.constant 1 : i32
      %dma_wait3A_331 = arith.constant 0 : i32
      %dma_wait3A_332 = tpu.memref_slice %arg8[%dma_wait3A_329, %dma_wait3A_330, %dma_wait3A_331] : memref<4x2x400xi32, #tpu.memory_space<vmem>> -> memref<1x1x400xi32, #tpu.memory_space<vmem>>
      %dma_wait3A_333 = tpu.memref_squeeze %dma_wait3A_332 : memref<1x1x400xi32, #tpu.memory_space<vmem>> -> memref<400xi32, #tpu.memory_space<vmem>>
      %dma_wait3A_334 = tpu.memref_slice %arg4[%dma_wait3A_328, %add3A_314] : memref<2x800000xi32, #tpu.memory_space<hbm>> -> memref<1x400xi32, #tpu.memory_space<hbm>>
      %dma_wait3A_335 = tpu.memref_squeeze %dma_wait3A_334 : memref<1x400xi32, #tpu.memory_space<hbm>> -> memref<400xi32, #tpu.memory_space<hbm>>
      %dma_wait3A_336 = arith.constant 0 : i32
      %dma_wait3A_337 = tpu.memref_slice %arg8[%dma_wait3A_329, %dma_wait3A_330, %dma_wait3A_336] : memref<4x2x400xi32, #tpu.memory_space<vmem>> -> memref<1x1x400xi32, #tpu.memory_space<vmem>>
      %dma_wait3A_338 = tpu.memref_squeeze %dma_wait3A_337 : memref<1x1x400xi32, #tpu.memory_space<vmem>> -> memref<400xi32, #tpu.memory_space<vmem>>
      %dma_wait3A_339 = tpu.memref_slice %arg4[%dma_wait3A_328, %add3A_314] : memref<2x800000xi32, #tpu.memory_space<hbm>> -> memref<1x400xi32, #tpu.memory_space<hbm>>
      %dma_wait3A_340 = tpu.memref_squeeze %dma_wait3A_339 : memref<1x400xi32, #tpu.memory_space<hbm>> -> memref<400xi32, #tpu.memory_space<hbm>>
      tpu.wait_dma2 semaphore(%arg16 : memref<!tpu.dma_semaphore, #tpu.memory_space<semaphore_mem>>) src(%dma_wait3A_340 : memref<400xi32, #tpu.memory_space<hbm>>) dst(%dma_wait3A_338 : memref<400xi32, #tpu.memory_space<vmem>>)
      %eq3A_341 = arith.constant 0 : i32
      %eq3A_342 = arith.cmpi eq, %arg0, %eq3A_341 : i32
      %convert_element_type3A_343 = arith.extui %eq3A_342 : i1 to i32
      %cond3A_344 = arith.constant 0 : i32
      %cond3A_345 = arith.cmpi ne, %convert_element_type3A_343, %cond3A_344 : i32
      scf.if %cond3A_345 {
        %dma_start3A_551 = arith.constant 2 : i32
        %dma_start3A_552 = arith.constant 0 : i32
        %dma_start3A_553 = arith.constant 0 : i32
        %dma_start3A_554 = arith.constant 0 : i32
        %dma_start3A_555 = arith.constant 0 : i32
        %dma_start3A_556 = tpu.memref_slice %arg9[%dma_start3A_553, %dma_start3A_554, %dma_start3A_555] : memref<2x400x32xf32, #tpu.memory_space<vmem>> -> memref<1x400x32xf32, #tpu.memory_space<vmem>>
        %dma_start3A_557 = tpu.memref_squeeze %dma_start3A_556 : memref<1x400x32xf32, #tpu.memory_space<vmem>> -> memref<400x32xf32, #tpu.memory_space<vmem>>
        %dma_start3A_558 = arith.constant 0 : i32
        %dma_start3A_559 = tpu.memref_slice %arg8[%dma_start3A_551, %dma_start3A_552, %dma_start3A_558] : memref<4x2x400xi32, #tpu.memory_space<vmem>> -> memref<1x1x400xi32, #tpu.memory_space<vmem>>
        %dma_start3A_560 = tpu.memref_squeeze %dma_start3A_559 : memref<1x1x400xi32, #tpu.memory_space<vmem>> -> memref<400xi32, #tpu.memory_space<vmem>>
        %dma_start3A_561 = arith.constant 0 : i32
        %dma_start3A_562 = arith.constant 0 : i32
        %dma_start3A_563 = tpu.memref_slice %arg2[%dma_start3A_561, %dma_start3A_562] : memref<50000x32xf32, #tpu.memory_space<hbm>> -> memref<50000x32xf32, #tpu.memory_space<hbm>>
        tpu.enqueue_indirect_dma source(%dma_start3A_563 : memref<50000x32xf32, #tpu.memory_space<hbm>>) target(%dma_start3A_557 : memref<400x32xf32, #tpu.memory_space<vmem>>) offsets(%dma_start3A_560 : memref<400xi32, #tpu.memory_space<vmem>>) semaphore(%arg10 : memref<!tpu.dma_semaphore, #tpu.memory_space<semaphore_mem>>)
      } else {
      }
      %eq3A_346 = arith.constant 1 : i32
      %eq3A_347 = arith.cmpi eq, %arg0, %eq3A_346 : i32
      %convert_element_type3A_348 = arith.extui %eq3A_347 : i1 to i32
      %cond3A_349 = arith.constant 0 : i32
      %cond3A_350 = arith.cmpi ne, %convert_element_type3A_348, %cond3A_349 : i32
      scf.if %cond3A_350 {
        %dma_start3A_551 = arith.constant 2 : i32
        %dma_start3A_552 = arith.constant 0 : i32
        %dma_start3A_553 = arith.constant 0 : i32
        %dma_start3A_554 = arith.constant 0 : i32
        %dma_start3A_555 = arith.constant 0 : i32
        %dma_start3A_556 = tpu.memref_slice %arg9[%dma_start3A_553, %dma_start3A_554, %dma_start3A_555] : memref<2x400x32xf32, #tpu.memory_space<vmem>> -> memref<1x400x32xf32, #tpu.memory_space<vmem>>
        %dma_start3A_557 = tpu.memref_squeeze %dma_start3A_556 : memref<1x400x32xf32, #tpu.memory_space<vmem>> -> memref<400x32xf32, #tpu.memory_space<vmem>>
        %dma_start3A_558 = arith.constant 0 : i32
        %dma_start3A_559 = tpu.memref_slice %arg8[%dma_start3A_551, %dma_start3A_552, %dma_start3A_558] : memref<4x2x400xi32, #tpu.memory_space<vmem>> -> memref<1x1x400xi32, #tpu.memory_space<vmem>>
        %dma_start3A_560 = tpu.memref_squeeze %dma_start3A_559 : memref<1x1x400xi32, #tpu.memory_space<vmem>> -> memref<400xi32, #tpu.memory_space<vmem>>
        %dma_start3A_561 = arith.constant 0 : i32
        %dma_start3A_562 = arith.constant 0 : i32
        %dma_start3A_563 = tpu.memref_slice %arg3[%dma_start3A_561, %dma_start3A_562] : memref<50000x32xf32, #tpu.memory_space<hbm>> -> memref<50000x32xf32, #tpu.memory_space<hbm>>
        tpu.enqueue_indirect_dma source(%dma_start3A_563 : memref<50000x32xf32, #tpu.memory_space<hbm>>) target(%dma_start3A_557 : memref<400x32xf32, #tpu.memory_space<vmem>>) offsets(%dma_start3A_560 : memref<400xi32, #tpu.memory_space<vmem>>) semaphore(%arg10 : memref<!tpu.dma_semaphore, #tpu.memory_space<semaphore_mem>>)
      } else {
      }
      %eq3A_351 = arith.constant 0 : i32
      %eq3A_352 = arith.cmpi eq, %arg0, %eq3A_351 : i32
      %convert_element_type3A_353 = arith.extui %eq3A_352 : i1 to i32
      %cond3A_354 = arith.constant 0 : i32
      %cond3A_355 = arith.cmpi ne, %convert_element_type3A_353, %cond3A_354 : i32
      scf.if %cond3A_355 {
        %dma_wait3A_551 = arith.constant 1 : i32
        %dma_wait3A_552 = arith.constant 0 : i32
        %dma_wait3A_553 = arith.constant 1 : i32
        %dma_wait3A_554 = arith.constant 0 : i32
        %dma_wait3A_555 = arith.constant 0 : i32
        %dma_wait3A_556 = tpu.memref_slice %arg9[%dma_wait3A_553, %dma_wait3A_554, %dma_wait3A_555] : memref<2x400x32xf32, #tpu.memory_space<vmem>> -> memref<1x400x32xf32, #tpu.memory_space<vmem>>
        %dma_wait3A_557 = tpu.memref_squeeze %dma_wait3A_556 : memref<1x400x32xf32, #tpu.memory_space<vmem>> -> memref<400x32xf32, #tpu.memory_space<vmem>>
        %dma_wait3A_558 = arith.constant 0 : i32
        %dma_wait3A_559 = tpu.memref_slice %arg8[%dma_wait3A_551, %dma_wait3A_552, %dma_wait3A_558] : memref<4x2x400xi32, #tpu.memory_space<vmem>> -> memref<1x1x400xi32, #tpu.memory_space<vmem>>
        %dma_wait3A_560 = tpu.memref_squeeze %dma_wait3A_559 : memref<1x1x400xi32, #tpu.memory_space<vmem>> -> memref<400xi32, #tpu.memory_space<vmem>>
        %dma_wait3A_561 = arith.constant 0 : i32
        %dma_wait3A_562 = arith.constant 0 : i32
        %dma_wait3A_563 = tpu.memref_slice %arg2[%dma_wait3A_561, %dma_wait3A_562] : memref<50000x32xf32, #tpu.memory_space<hbm>> -> memref<50000x32xf32, #tpu.memory_space<hbm>>
        tpu.wait_indirect_dma semaphore(%arg11 : memref<!tpu.dma_semaphore, #tpu.memory_space<semaphore_mem>>) src(%dma_wait3A_563 : memref<50000x32xf32, #tpu.memory_space<hbm>>) dst(%dma_wait3A_557 : memref<400x32xf32, #tpu.memory_space<vmem>>)
      } else {
      }
      %eq3A_356 = arith.constant 1 : i32
      %eq3A_357 = arith.cmpi eq, %arg0, %eq3A_356 : i32
      %convert_element_type3A_358 = arith.extui %eq3A_357 : i1 to i32
      %cond3A_359 = arith.constant 0 : i32
      %cond3A_360 = arith.cmpi ne, %convert_element_type3A_358, %cond3A_359 : i32
      scf.if %cond3A_360 {
        %dma_wait3A_551 = arith.constant 1 : i32
        %dma_wait3A_552 = arith.constant 0 : i32
        %dma_wait3A_553 = arith.constant 1 : i32
        %dma_wait3A_554 = arith.constant 0 : i32
        %dma_wait3A_555 = arith.constant 0 : i32
        %dma_wait3A_556 = tpu.memref_slice %arg9[%dma_wait3A_553, %dma_wait3A_554, %dma_wait3A_555] : memref<2x400x32xf32, #tpu.memory_space<vmem>> -> memref<1x400x32xf32, #tpu.memory_space<vmem>>
        %dma_wait3A_557 = tpu.memref_squeeze %dma_wait3A_556 : memref<1x400x32xf32, #tpu.memory_space<vmem>> -> memref<400x32xf32, #tpu.memory_space<vmem>>
        %dma_wait3A_558 = arith.constant 0 : i32
        %dma_wait3A_559 = tpu.memref_slice %arg8[%dma_wait3A_551, %dma_wait3A_552, %dma_wait3A_558] : memref<4x2x400xi32, #tpu.memory_space<vmem>> -> memref<1x1x400xi32, #tpu.memory_space<vmem>>
        %dma_wait3A_560 = tpu.memref_squeeze %dma_wait3A_559 : memref<1x1x400xi32, #tpu.memory_space<vmem>> -> memref<400xi32, #tpu.memory_space<vmem>>
        %dma_wait3A_561 = arith.constant 0 : i32
        %dma_wait3A_562 = arith.constant 0 : i32
        %dma_wait3A_563 = tpu.memref_slice %arg3[%dma_wait3A_561, %dma_wait3A_562] : memref<50000x32xf32, #tpu.memory_space<hbm>> -> memref<50000x32xf32, #tpu.memory_space<hbm>>
        tpu.wait_indirect_dma semaphore(%arg11 : memref<!tpu.dma_semaphore, #tpu.memory_space<semaphore_mem>>) src(%dma_wait3A_563 : memref<50000x32xf32, #tpu.memory_space<hbm>>) dst(%dma_wait3A_557 : memref<400x32xf32, #tpu.memory_space<vmem>>)
      } else {
      }
      %dma_start3A_361 = arith.constant 1 : i32
      %dma_start3A_362 = arith.constant 1 : i32
      %dma_start3A_363 = arith.constant 1 : i32
      %dma_start3A_364 = arith.constant 0 : i32
      %dma_start3A_365 = arith.constant 0 : i32
      %dma_start3A_366 = tpu.memref_slice %arg9[%dma_start3A_361, %dma_start3A_364, %dma_start3A_365] : memref<2x400x32xf32, #tpu.memory_space<vmem>> -> memref<1x400x32xf32, #tpu.memory_space<vmem>>
      %dma_start3A_367 = tpu.memref_squeeze %dma_start3A_366 : memref<1x400x32xf32, #tpu.memory_space<vmem>> -> memref<400x32xf32, #tpu.memory_space<vmem>>
      %dma_start3A_368 = arith.constant 0 : i32
      %dma_start3A_369 = tpu.memref_slice %arg8[%dma_start3A_362, %dma_start3A_363, %dma_start3A_368] : memref<4x2x400xi32, #tpu.memory_space<vmem>> -> memref<1x1x400xi32, #tpu.memory_space<vmem>>
      %dma_start3A_370 = tpu.memref_squeeze %dma_start3A_369 : memref<1x1x400xi32, #tpu.memory_space<vmem>> -> memref<400xi32, #tpu.memory_space<vmem>>
      %dma_start3A_371 = arith.constant 0 : i32
      %dma_start3A_372 = arith.constant 0 : i32
      %dma_start3A_373 = tpu.memref_slice %arg7[%dma_start3A_371, %dma_start3A_372] : memref<50000x32xf32, #tpu.memory_space<vmem_shared>> -> memref<50000x32xf32, #tpu.memory_space<vmem_shared>>
      tpu.enqueue_indirect_dma source(%dma_start3A_367 : memref<400x32xf32, #tpu.memory_space<vmem>>) target(%dma_start3A_373 : memref<50000x32xf32, #tpu.memory_space<vmem_shared>>) offsets(%dma_start3A_370 : memref<400xi32, #tpu.memory_space<vmem>>) semaphore(%arg13 : memref<!tpu.dma_semaphore, #tpu.memory_space<semaphore_mem>>) {add = true}
      %mul3A_374 = arith.constant 4 : i32
      %mul3A_375 = arith.muli %mul3A_374, %scan3A_205 : i32
      %add3A_376 = arith.constant 2 : i32
      %add3A_377 = arith.addi %mul3A_375, %add3A_376 : i32
      %dma_wait3A_378 = arith.constant 1 : i32
      %dma_wait3A_379 = arith.constant 1 : i32
      %dma_wait3A_380 = arith.constant 1 : i32
      %dma_wait3A_381 = arith.constant 0 : i32
      %dma_wait3A_382 = arith.constant 0 : i32
      %dma_wait3A_383 = tpu.memref_slice %arg9[%dma_wait3A_378, %dma_wait3A_381, %dma_wait3A_382] : memref<2x400x32xf32, #tpu.memory_space<vmem>> -> memref<1x400x32xf32, #tpu.memory_space<vmem>>
      %dma_wait3A_384 = tpu.memref_squeeze %dma_wait3A_383 : memref<1x400x32xf32, #tpu.memory_space<vmem>> -> memref<400x32xf32, #tpu.memory_space<vmem>>
      %dma_wait3A_385 = arith.constant 0 : i32
      %dma_wait3A_386 = tpu.memref_slice %arg8[%dma_wait3A_379, %dma_wait3A_380, %dma_wait3A_385] : memref<4x2x400xi32, #tpu.memory_space<vmem>> -> memref<1x1x400xi32, #tpu.memory_space<vmem>>
      %dma_wait3A_387 = tpu.memref_squeeze %dma_wait3A_386 : memref<1x1x400xi32, #tpu.memory_space<vmem>> -> memref<400xi32, #tpu.memory_space<vmem>>
      %dma_wait3A_388 = arith.constant 0 : i32
      %dma_wait3A_389 = arith.constant 0 : i32
      %dma_wait3A_390 = tpu.memref_slice %arg7[%dma_wait3A_388, %dma_wait3A_389] : memref<50000x32xf32, #tpu.memory_space<vmem_shared>> -> memref<50000x32xf32, #tpu.memory_space<vmem_shared>>
      tpu.wait_indirect_dma semaphore(%arg13 : memref<!tpu.dma_semaphore, #tpu.memory_space<semaphore_mem>>) src(%dma_wait3A_384 : memref<400x32xf32, #tpu.memory_space<vmem>>) dst(%dma_wait3A_390 : memref<50000x32xf32, #tpu.memory_space<vmem_shared>>)
      %add3A_391 = arith.constant 3 : i32
      %add3A_392 = arith.addi %add3A_377, %add3A_391 : i32
      %lt3A_393 = arith.constant 125 : i32
      %lt3A_394 = arith.cmpi slt, %add3A_392, %lt3A_393 : i32
      %convert_element_type3A_395 = arith.extui %lt3A_394 : i1 to i32
      %cond3A_396 = arith.constant 0 : i32
      %cond3A_397 = arith.cmpi ne, %convert_element_type3A_395, %cond3A_396 : i32
      scf.if %cond3A_397 {
        %add3A_551 = arith.constant 3 : i32
        %add3A_552 = arith.addi %add3A_377, %add3A_551 : i32
        %mul3A_553 = arith.constant 400 : i32
        %mul3A_554 = arith.muli %add3A_552, %mul3A_553 : i32
        %add3A_555 = arith.addi %mul3A_18, %mul3A_554 : i32
        %dma_start3A_556 = arith.constant 0 : i32
        %dma_start3A_557 = arith.constant 1 : i32
        %dma_start3A_558 = arith.constant 0 : i32
        %dma_start3A_559 = arith.constant 0 : i32
        %dma_start3A_560 = tpu.memref_slice %arg8[%dma_start3A_557, %dma_start3A_558, %dma_start3A_559] : memref<4x2x400xi32, #tpu.memory_space<vmem>> -> memref<1x1x400xi32, #tpu.memory_space<vmem>>
        %dma_start3A_561 = tpu.memref_squeeze %dma_start3A_560 : memref<1x1x400xi32, #tpu.memory_space<vmem>> -> memref<400xi32, #tpu.memory_space<vmem>>
        %dma_start3A_562 = tpu.memref_slice %arg4[%dma_start3A_556, %add3A_555] : memref<2x800000xi32, #tpu.memory_space<hbm>> -> memref<1x400xi32, #tpu.memory_space<hbm>>
        %dma_start3A_563 = tpu.memref_squeeze %dma_start3A_562 : memref<1x400xi32, #tpu.memory_space<hbm>> -> memref<400xi32, #tpu.memory_space<hbm>>
        %dma_start3A_564 = arith.constant 0 : i32
        %dma_start3A_565 = tpu.memref_slice %arg8[%dma_start3A_557, %dma_start3A_558, %dma_start3A_564] : memref<4x2x400xi32, #tpu.memory_space<vmem>> -> memref<1x1x400xi32, #tpu.memory_space<vmem>>
        %dma_start3A_566 = tpu.memref_squeeze %dma_start3A_565 : memref<1x1x400xi32, #tpu.memory_space<vmem>> -> memref<400xi32, #tpu.memory_space<vmem>>
        %dma_start3A_567 = tpu.memref_slice %arg4[%dma_start3A_556, %add3A_555] : memref<2x800000xi32, #tpu.memory_space<hbm>> -> memref<1x400xi32, #tpu.memory_space<hbm>>
        %dma_start3A_568 = tpu.memref_squeeze %dma_start3A_567 : memref<1x400xi32, #tpu.memory_space<hbm>> -> memref<400xi32, #tpu.memory_space<hbm>>
        tpu.enqueue_dma source(%dma_start3A_568 : memref<400xi32, #tpu.memory_space<hbm>>) target(%dma_start3A_566 : memref<400xi32, #tpu.memory_space<vmem>>) target_semaphore(%arg15 : memref<!tpu.dma_semaphore, #tpu.memory_space<semaphore_mem>>)
        %dma_start3A_569 = arith.constant 1 : i32
        %dma_start3A_570 = arith.constant 1 : i32
        %dma_start3A_571 = arith.constant 1 : i32
        %dma_start3A_572 = arith.constant 0 : i32
        %dma_start3A_573 = tpu.memref_slice %arg8[%dma_start3A_570, %dma_start3A_571, %dma_start3A_572] : memref<4x2x400xi32, #tpu.memory_space<vmem>> -> memref<1x1x400xi32, #tpu.memory_space<vmem>>
        %dma_start3A_574 = tpu.memref_squeeze %dma_start3A_573 : memref<1x1x400xi32, #tpu.memory_space<vmem>> -> memref<400xi32, #tpu.memory_space<vmem>>
        %dma_start3A_575 = tpu.memref_slice %arg4[%dma_start3A_569, %add3A_555] : memref<2x800000xi32, #tpu.memory_space<hbm>> -> memref<1x400xi32, #tpu.memory_space<hbm>>
        %dma_start3A_576 = tpu.memref_squeeze %dma_start3A_575 : memref<1x400xi32, #tpu.memory_space<hbm>> -> memref<400xi32, #tpu.memory_space<hbm>>
        %dma_start3A_577 = arith.constant 0 : i32
        %dma_start3A_578 = tpu.memref_slice %arg8[%dma_start3A_570, %dma_start3A_571, %dma_start3A_577] : memref<4x2x400xi32, #tpu.memory_space<vmem>> -> memref<1x1x400xi32, #tpu.memory_space<vmem>>
        %dma_start3A_579 = tpu.memref_squeeze %dma_start3A_578 : memref<1x1x400xi32, #tpu.memory_space<vmem>> -> memref<400xi32, #tpu.memory_space<vmem>>
        %dma_start3A_580 = tpu.memref_slice %arg4[%dma_start3A_569, %add3A_555] : memref<2x800000xi32, #tpu.memory_space<hbm>> -> memref<1x400xi32, #tpu.memory_space<hbm>>
        %dma_start3A_581 = tpu.memref_squeeze %dma_start3A_580 : memref<1x400xi32, #tpu.memory_space<hbm>> -> memref<400xi32, #tpu.memory_space<hbm>>
        tpu.enqueue_dma source(%dma_start3A_581 : memref<400xi32, #tpu.memory_space<hbm>>) target(%dma_start3A_579 : memref<400xi32, #tpu.memory_space<vmem>>) target_semaphore(%arg15 : memref<!tpu.dma_semaphore, #tpu.memory_space<semaphore_mem>>)
      } else {
      }
      %add3A_398 = arith.constant 1 : i32
      %add3A_399 = arith.addi %add3A_377, %add3A_398 : i32
      %mul3A_400 = arith.constant 400 : i32
      %mul3A_401 = arith.muli %add3A_399, %mul3A_400 : i32
      %add3A_402 = arith.addi %mul3A_18, %mul3A_401 : i32
      %dma_wait3A_403 = arith.constant 0 : i32
      %dma_wait3A_404 = arith.constant 3 : i32
      %dma_wait3A_405 = arith.constant 0 : i32
      %dma_wait3A_406 = arith.constant 0 : i32
      %dma_wait3A_407 = tpu.memref_slice %arg8[%dma_wait3A_404, %dma_wait3A_405, %dma_wait3A_406] : memref<4x2x400xi32, #tpu.memory_space<vmem>> -> memref<1x1x400xi32, #tpu.memory_space<vmem>>
      %dma_wait3A_408 = tpu.memref_squeeze %dma_wait3A_407 : memref<1x1x400xi32, #tpu.memory_space<vmem>> -> memref<400xi32, #tpu.memory_space<vmem>>
      %dma_wait3A_409 = tpu.memref_slice %arg4[%dma_wait3A_403, %add3A_402] : memref<2x800000xi32, #tpu.memory_space<hbm>> -> memref<1x400xi32, #tpu.memory_space<hbm>>
      %dma_wait3A_410 = tpu.memref_squeeze %dma_wait3A_409 : memref<1x400xi32, #tpu.memory_space<hbm>> -> memref<400xi32, #tpu.memory_space<hbm>>
      %dma_wait3A_411 = arith.constant 0 : i32
      %dma_wait3A_412 = tpu.memref_slice %arg8[%dma_wait3A_404, %dma_wait3A_405, %dma_wait3A_411] : memref<4x2x400xi32, #tpu.memory_space<vmem>> -> memref<1x1x400xi32, #tpu.memory_space<vmem>>
      %dma_wait3A_413 = tpu.memref_squeeze %dma_wait3A_412 : memref<1x1x400xi32, #tpu.memory_space<vmem>> -> memref<400xi32, #tpu.memory_space<vmem>>
      %dma_wait3A_414 = tpu.memref_slice %arg4[%dma_wait3A_403, %add3A_402] : memref<2x800000xi32, #tpu.memory_space<hbm>> -> memref<1x400xi32, #tpu.memory_space<hbm>>
      %dma_wait3A_415 = tpu.memref_squeeze %dma_wait3A_414 : memref<1x400xi32, #tpu.memory_space<hbm>> -> memref<400xi32, #tpu.memory_space<hbm>>
      tpu.wait_dma2 semaphore(%arg17 : memref<!tpu.dma_semaphore, #tpu.memory_space<semaphore_mem>>) src(%dma_wait3A_415 : memref<400xi32, #tpu.memory_space<hbm>>) dst(%dma_wait3A_413 : memref<400xi32, #tpu.memory_space<vmem>>)
      %dma_wait3A_416 = arith.constant 1 : i32
      %dma_wait3A_417 = arith.constant 3 : i32
      %dma_wait3A_418 = arith.constant 1 : i32
      %dma_wait3A_419 = arith.constant 0 : i32
      %dma_wait3A_420 = tpu.memref_slice %arg8[%dma_wait3A_417, %dma_wait3A_418, %dma_wait3A_419] : memref<4x2x400xi32, #tpu.memory_space<vmem>> -> memref<1x1x400xi32, #tpu.memory_space<vmem>>
      %dma_wait3A_421 = tpu.memref_squeeze %dma_wait3A_420 : memref<1x1x400xi32, #tpu.memory_space<vmem>> -> memref<400xi32, #tpu.memory_space<vmem>>
      %dma_wait3A_422 = tpu.memref_slice %arg4[%dma_wait3A_416, %add3A_402] : memref<2x800000xi32, #tpu.memory_space<hbm>> -> memref<1x400xi32, #tpu.memory_space<hbm>>
      %dma_wait3A_423 = tpu.memref_squeeze %dma_wait3A_422 : memref<1x400xi32, #tpu.memory_space<hbm>> -> memref<400xi32, #tpu.memory_space<hbm>>
      %dma_wait3A_424 = arith.constant 0 : i32
      %dma_wait3A_425 = tpu.memref_slice %arg8[%dma_wait3A_417, %dma_wait3A_418, %dma_wait3A_424] : memref<4x2x400xi32, #tpu.memory_space<vmem>> -> memref<1x1x400xi32, #tpu.memory_space<vmem>>
      %dma_wait3A_426 = tpu.memref_squeeze %dma_wait3A_425 : memref<1x1x400xi32, #tpu.memory_space<vmem>> -> memref<400xi32, #tpu.memory_space<vmem>>
      %dma_wait3A_427 = tpu.memref_slice %arg4[%dma_wait3A_416, %add3A_402] : memref<2x800000xi32, #tpu.memory_space<hbm>> -> memref<1x400xi32, #tpu.memory_space<hbm>>
      %dma_wait3A_428 = tpu.memref_squeeze %dma_wait3A_427 : memref<1x400xi32, #tpu.memory_space<hbm>> -> memref<400xi32, #tpu.memory_space<hbm>>
      tpu.wait_dma2 semaphore(%arg17 : memref<!tpu.dma_semaphore, #tpu.memory_space<semaphore_mem>>) src(%dma_wait3A_428 : memref<400xi32, #tpu.memory_space<hbm>>) dst(%dma_wait3A_426 : memref<400xi32, #tpu.memory_space<vmem>>)
      %eq3A_429 = arith.constant 0 : i32
      %eq3A_430 = arith.cmpi eq, %arg0, %eq3A_429 : i32
      %convert_element_type3A_431 = arith.extui %eq3A_430 : i1 to i32
      %cond3A_432 = arith.constant 0 : i32
      %cond3A_433 = arith.cmpi ne, %convert_element_type3A_431, %cond3A_432 : i32
      scf.if %cond3A_433 {
        %dma_start3A_551 = arith.constant 3 : i32
        %dma_start3A_552 = arith.constant 0 : i32
        %dma_start3A_553 = arith.constant 1 : i32
        %dma_start3A_554 = arith.constant 0 : i32
        %dma_start3A_555 = arith.constant 0 : i32
        %dma_start3A_556 = tpu.memref_slice %arg9[%dma_start3A_553, %dma_start3A_554, %dma_start3A_555] : memref<2x400x32xf32, #tpu.memory_space<vmem>> -> memref<1x400x32xf32, #tpu.memory_space<vmem>>
        %dma_start3A_557 = tpu.memref_squeeze %dma_start3A_556 : memref<1x400x32xf32, #tpu.memory_space<vmem>> -> memref<400x32xf32, #tpu.memory_space<vmem>>
        %dma_start3A_558 = arith.constant 0 : i32
        %dma_start3A_559 = tpu.memref_slice %arg8[%dma_start3A_551, %dma_start3A_552, %dma_start3A_558] : memref<4x2x400xi32, #tpu.memory_space<vmem>> -> memref<1x1x400xi32, #tpu.memory_space<vmem>>
        %dma_start3A_560 = tpu.memref_squeeze %dma_start3A_559 : memref<1x1x400xi32, #tpu.memory_space<vmem>> -> memref<400xi32, #tpu.memory_space<vmem>>
        %dma_start3A_561 = arith.constant 0 : i32
        %dma_start3A_562 = arith.constant 0 : i32
        %dma_start3A_563 = tpu.memref_slice %arg2[%dma_start3A_561, %dma_start3A_562] : memref<50000x32xf32, #tpu.memory_space<hbm>> -> memref<50000x32xf32, #tpu.memory_space<hbm>>
        tpu.enqueue_indirect_dma source(%dma_start3A_563 : memref<50000x32xf32, #tpu.memory_space<hbm>>) target(%dma_start3A_557 : memref<400x32xf32, #tpu.memory_space<vmem>>) offsets(%dma_start3A_560 : memref<400xi32, #tpu.memory_space<vmem>>) semaphore(%arg11 : memref<!tpu.dma_semaphore, #tpu.memory_space<semaphore_mem>>)
      } else {
      }
      %eq3A_434 = arith.constant 1 : i32
      %eq3A_435 = arith.cmpi eq, %arg0, %eq3A_434 : i32
      %convert_element_type3A_436 = arith.extui %eq3A_435 : i1 to i32
      %cond3A_437 = arith.constant 0 : i32
      %cond3A_438 = arith.cmpi ne, %convert_element_type3A_436, %cond3A_437 : i32
      scf.if %cond3A_438 {
        %dma_start3A_551 = arith.constant 3 : i32
        %dma_start3A_552 = arith.constant 0 : i32
        %dma_start3A_553 = arith.constant 1 : i32
        %dma_start3A_554 = arith.constant 0 : i32
        %dma_start3A_555 = arith.constant 0 : i32
        %dma_start3A_556 = tpu.memref_slice %arg9[%dma_start3A_553, %dma_start3A_554, %dma_start3A_555] : memref<2x400x32xf32, #tpu.memory_space<vmem>> -> memref<1x400x32xf32, #tpu.memory_space<vmem>>
        %dma_start3A_557 = tpu.memref_squeeze %dma_start3A_556 : memref<1x400x32xf32, #tpu.memory_space<vmem>> -> memref<400x32xf32, #tpu.memory_space<vmem>>
        %dma_start3A_558 = arith.constant 0 : i32
        %dma_start3A_559 = tpu.memref_slice %arg8[%dma_start3A_551, %dma_start3A_552, %dma_start3A_558] : memref<4x2x400xi32, #tpu.memory_space<vmem>> -> memref<1x1x400xi32, #tpu.memory_space<vmem>>
        %dma_start3A_560 = tpu.memref_squeeze %dma_start3A_559 : memref<1x1x400xi32, #tpu.memory_space<vmem>> -> memref<400xi32, #tpu.memory_space<vmem>>
        %dma_start3A_561 = arith.constant 0 : i32
        %dma_start3A_562 = arith.constant 0 : i32
        %dma_start3A_563 = tpu.memref_slice %arg3[%dma_start3A_561, %dma_start3A_562] : memref<50000x32xf32, #tpu.memory_space<hbm>> -> memref<50000x32xf32, #tpu.memory_space<hbm>>
        tpu.enqueue_indirect_dma source(%dma_start3A_563 : memref<50000x32xf32, #tpu.memory_space<hbm>>) target(%dma_start3A_557 : memref<400x32xf32, #tpu.memory_space<vmem>>) offsets(%dma_start3A_560 : memref<400xi32, #tpu.memory_space<vmem>>) semaphore(%arg11 : memref<!tpu.dma_semaphore, #tpu.memory_space<semaphore_mem>>)
      } else {
      }
      %eq3A_439 = arith.constant 0 : i32
      %eq3A_440 = arith.cmpi eq, %arg0, %eq3A_439 : i32
      %convert_element_type3A_441 = arith.extui %eq3A_440 : i1 to i32
      %cond3A_442 = arith.constant 0 : i32
      %cond3A_443 = arith.cmpi ne, %convert_element_type3A_441, %cond3A_442 : i32
      scf.if %cond3A_443 {
        %dma_wait3A_551 = arith.constant 2 : i32
        %dma_wait3A_552 = arith.constant 0 : i32
        %dma_wait3A_553 = arith.constant 0 : i32
        %dma_wait3A_554 = arith.constant 0 : i32
        %dma_wait3A_555 = arith.constant 0 : i32
        %dma_wait3A_556 = tpu.memref_slice %arg9[%dma_wait3A_553, %dma_wait3A_554, %dma_wait3A_555] : memref<2x400x32xf32, #tpu.memory_space<vmem>> -> memref<1x400x32xf32, #tpu.memory_space<vmem>>
        %dma_wait3A_557 = tpu.memref_squeeze %dma_wait3A_556 : memref<1x400x32xf32, #tpu.memory_space<vmem>> -> memref<400x32xf32, #tpu.memory_space<vmem>>
        %dma_wait3A_558 = arith.constant 0 : i32
        %dma_wait3A_559 = tpu.memref_slice %arg8[%dma_wait3A_551, %dma_wait3A_552, %dma_wait3A_558] : memref<4x2x400xi32, #tpu.memory_space<vmem>> -> memref<1x1x400xi32, #tpu.memory_space<vmem>>
        %dma_wait3A_560 = tpu.memref_squeeze %dma_wait3A_559 : memref<1x1x400xi32, #tpu.memory_space<vmem>> -> memref<400xi32, #tpu.memory_space<vmem>>
        %dma_wait3A_561 = arith.constant 0 : i32
        %dma_wait3A_562 = arith.constant 0 : i32
        %dma_wait3A_563 = tpu.memref_slice %arg2[%dma_wait3A_561, %dma_wait3A_562] : memref<50000x32xf32, #tpu.memory_space<hbm>> -> memref<50000x32xf32, #tpu.memory_space<hbm>>
        tpu.wait_indirect_dma semaphore(%arg10 : memref<!tpu.dma_semaphore, #tpu.memory_space<semaphore_mem>>) src(%dma_wait3A_563 : memref<50000x32xf32, #tpu.memory_space<hbm>>) dst(%dma_wait3A_557 : memref<400x32xf32, #tpu.memory_space<vmem>>)
      } else {
      }
      %eq3A_444 = arith.constant 1 : i32
      %eq3A_445 = arith.cmpi eq, %arg0, %eq3A_444 : i32
      %convert_element_type3A_446 = arith.extui %eq3A_445 : i1 to i32
      %cond3A_447 = arith.constant 0 : i32
      %cond3A_448 = arith.cmpi ne, %convert_element_type3A_446, %cond3A_447 : i32
      scf.if %cond3A_448 {
        %dma_wait3A_551 = arith.constant 2 : i32
        %dma_wait3A_552 = arith.constant 0 : i32
        %dma_wait3A_553 = arith.constant 0 : i32
        %dma_wait3A_554 = arith.constant 0 : i32
        %dma_wait3A_555 = arith.constant 0 : i32
        %dma_wait3A_556 = tpu.memref_slice %arg9[%dma_wait3A_553, %dma_wait3A_554, %dma_wait3A_555] : memref<2x400x32xf32, #tpu.memory_space<vmem>> -> memref<1x400x32xf32, #tpu.memory_space<vmem>>
        %dma_wait3A_557 = tpu.memref_squeeze %dma_wait3A_556 : memref<1x400x32xf32, #tpu.memory_space<vmem>> -> memref<400x32xf32, #tpu.memory_space<vmem>>
        %dma_wait3A_558 = arith.constant 0 : i32
        %dma_wait3A_559 = tpu.memref_slice %arg8[%dma_wait3A_551, %dma_wait3A_552, %dma_wait3A_558] : memref<4x2x400xi32, #tpu.memory_space<vmem>> -> memref<1x1x400xi32, #tpu.memory_space<vmem>>
        %dma_wait3A_560 = tpu.memref_squeeze %dma_wait3A_559 : memref<1x1x400xi32, #tpu.memory_space<vmem>> -> memref<400xi32, #tpu.memory_space<vmem>>
        %dma_wait3A_561 = arith.constant 0 : i32
        %dma_wait3A_562 = arith.constant 0 : i32
        %dma_wait3A_563 = tpu.memref_slice %arg3[%dma_wait3A_561, %dma_wait3A_562] : memref<50000x32xf32, #tpu.memory_space<hbm>> -> memref<50000x32xf32, #tpu.memory_space<hbm>>
        tpu.wait_indirect_dma semaphore(%arg10 : memref<!tpu.dma_semaphore, #tpu.memory_space<semaphore_mem>>) src(%dma_wait3A_563 : memref<50000x32xf32, #tpu.memory_space<hbm>>) dst(%dma_wait3A_557 : memref<400x32xf32, #tpu.memory_space<vmem>>)
      } else {
      }
      %dma_start3A_449 = arith.constant 0 : i32
      %dma_start3A_450 = arith.constant 2 : i32
      %dma_start3A_451 = arith.constant 1 : i32
      %dma_start3A_452 = arith.constant 0 : i32
      %dma_start3A_453 = arith.constant 0 : i32
      %dma_start3A_454 = tpu.memref_slice %arg9[%dma_start3A_449, %dma_start3A_452, %dma_start3A_453] : memref<2x400x32xf32, #tpu.memory_space<vmem>> -> memref<1x400x32xf32, #tpu.memory_space<vmem>>
      %dma_start3A_455 = tpu.memref_squeeze %dma_start3A_454 : memref<1x400x32xf32, #tpu.memory_space<vmem>> -> memref<400x32xf32, #tpu.memory_space<vmem>>
      %dma_start3A_456 = arith.constant 0 : i32
      %dma_start3A_457 = tpu.memref_slice %arg8[%dma_start3A_450, %dma_start3A_451, %dma_start3A_456] : memref<4x2x400xi32, #tpu.memory_space<vmem>> -> memref<1x1x400xi32, #tpu.memory_space<vmem>>
      %dma_start3A_458 = tpu.memref_squeeze %dma_start3A_457 : memref<1x1x400xi32, #tpu.memory_space<vmem>> -> memref<400xi32, #tpu.memory_space<vmem>>
      %dma_start3A_459 = arith.constant 0 : i32
      %dma_start3A_460 = arith.constant 0 : i32
      %dma_start3A_461 = tpu.memref_slice %arg7[%dma_start3A_459, %dma_start3A_460] : memref<50000x32xf32, #tpu.memory_space<vmem_shared>> -> memref<50000x32xf32, #tpu.memory_space<vmem_shared>>
      tpu.enqueue_indirect_dma source(%dma_start3A_455 : memref<400x32xf32, #tpu.memory_space<vmem>>) target(%dma_start3A_461 : memref<50000x32xf32, #tpu.memory_space<vmem_shared>>) offsets(%dma_start3A_458 : memref<400xi32, #tpu.memory_space<vmem>>) semaphore(%arg12 : memref<!tpu.dma_semaphore, #tpu.memory_space<semaphore_mem>>) {add = true}
      %mul3A_462 = arith.constant 4 : i32
      %mul3A_463 = arith.muli %mul3A_462, %scan3A_205 : i32
      %add3A_464 = arith.constant 3 : i32
      %add3A_465 = arith.addi %mul3A_463, %add3A_464 : i32
      %dma_wait3A_466 = arith.constant 0 : i32
      %dma_wait3A_467 = arith.constant 2 : i32
      %dma_wait3A_468 = arith.constant 1 : i32
      %dma_wait3A_469 = arith.constant 0 : i32
      %dma_wait3A_470 = arith.constant 0 : i32
      %dma_wait3A_471 = tpu.memref_slice %arg9[%dma_wait3A_466, %dma_wait3A_469, %dma_wait3A_470] : memref<2x400x32xf32, #tpu.memory_space<vmem>> -> memref<1x400x32xf32, #tpu.memory_space<vmem>>
      %dma_wait3A_472 = tpu.memref_squeeze %dma_wait3A_471 : memref<1x400x32xf32, #tpu.memory_space<vmem>> -> memref<400x32xf32, #tpu.memory_space<vmem>>
      %dma_wait3A_473 = arith.constant 0 : i32
      %dma_wait3A_474 = tpu.memref_slice %arg8[%dma_wait3A_467, %dma_wait3A_468, %dma_wait3A_473] : memref<4x2x400xi32, #tpu.memory_space<vmem>> -> memref<1x1x400xi32, #tpu.memory_space<vmem>>
      %dma_wait3A_475 = tpu.memref_squeeze %dma_wait3A_474 : memref<1x1x400xi32, #tpu.memory_space<vmem>> -> memref<400xi32, #tpu.memory_space<vmem>>
      %dma_wait3A_476 = arith.constant 0 : i32
      %dma_wait3A_477 = arith.constant 0 : i32
      %dma_wait3A_478 = tpu.memref_slice %arg7[%dma_wait3A_476, %dma_wait3A_477] : memref<50000x32xf32, #tpu.memory_space<vmem_shared>> -> memref<50000x32xf32, #tpu.memory_space<vmem_shared>>
      tpu.wait_indirect_dma semaphore(%arg12 : memref<!tpu.dma_semaphore, #tpu.memory_space<semaphore_mem>>) src(%dma_wait3A_472 : memref<400x32xf32, #tpu.memory_space<vmem>>) dst(%dma_wait3A_478 : memref<50000x32xf32, #tpu.memory_space<vmem_shared>>)
      %add3A_479 = arith.constant 3 : i32
      %add3A_480 = arith.addi %add3A_465, %add3A_479 : i32
      %lt3A_481 = arith.constant 125 : i32
      %lt3A_482 = arith.cmpi slt, %add3A_480, %lt3A_481 : i32
      %convert_element_type3A_483 = arith.extui %lt3A_482 : i1 to i32
      %cond3A_484 = arith.constant 0 : i32
      %cond3A_485 = arith.cmpi ne, %convert_element_type3A_483, %cond3A_484 : i32
      scf.if %cond3A_485 {
        %add3A_551 = arith.constant 3 : i32
        %add3A_552 = arith.addi %add3A_465, %add3A_551 : i32
        %mul3A_553 = arith.constant 400 : i32
        %mul3A_554 = arith.muli %add3A_552, %mul3A_553 : i32
        %add3A_555 = arith.addi %mul3A_18, %mul3A_554 : i32
        %dma_start3A_556 = arith.constant 0 : i32
        %dma_start3A_557 = arith.constant 2 : i32
        %dma_start3A_558 = arith.constant 0 : i32
        %dma_start3A_559 = arith.constant 0 : i32
        %dma_start3A_560 = tpu.memref_slice %arg8[%dma_start3A_557, %dma_start3A_558, %dma_start3A_559] : memref<4x2x400xi32, #tpu.memory_space<vmem>> -> memref<1x1x400xi32, #tpu.memory_space<vmem>>
        %dma_start3A_561 = tpu.memref_squeeze %dma_start3A_560 : memref<1x1x400xi32, #tpu.memory_space<vmem>> -> memref<400xi32, #tpu.memory_space<vmem>>
        %dma_start3A_562 = tpu.memref_slice %arg4[%dma_start3A_556, %add3A_555] : memref<2x800000xi32, #tpu.memory_space<hbm>> -> memref<1x400xi32, #tpu.memory_space<hbm>>
        %dma_start3A_563 = tpu.memref_squeeze %dma_start3A_562 : memref<1x400xi32, #tpu.memory_space<hbm>> -> memref<400xi32, #tpu.memory_space<hbm>>
        %dma_start3A_564 = arith.constant 0 : i32
        %dma_start3A_565 = tpu.memref_slice %arg8[%dma_start3A_557, %dma_start3A_558, %dma_start3A_564] : memref<4x2x400xi32, #tpu.memory_space<vmem>> -> memref<1x1x400xi32, #tpu.memory_space<vmem>>
        %dma_start3A_566 = tpu.memref_squeeze %dma_start3A_565 : memref<1x1x400xi32, #tpu.memory_space<vmem>> -> memref<400xi32, #tpu.memory_space<vmem>>
        %dma_start3A_567 = tpu.memref_slice %arg4[%dma_start3A_556, %add3A_555] : memref<2x800000xi32, #tpu.memory_space<hbm>> -> memref<1x400xi32, #tpu.memory_space<hbm>>
        %dma_start3A_568 = tpu.memref_squeeze %dma_start3A_567 : memref<1x400xi32, #tpu.memory_space<hbm>> -> memref<400xi32, #tpu.memory_space<hbm>>
        tpu.enqueue_dma source(%dma_start3A_568 : memref<400xi32, #tpu.memory_space<hbm>>) target(%dma_start3A_566 : memref<400xi32, #tpu.memory_space<vmem>>) target_semaphore(%arg16 : memref<!tpu.dma_semaphore, #tpu.memory_space<semaphore_mem>>)
        %dma_start3A_569 = arith.constant 1 : i32
        %dma_start3A_570 = arith.constant 2 : i32
        %dma_start3A_571 = arith.constant 1 : i32
        %dma_start3A_572 = arith.constant 0 : i32
        %dma_start3A_573 = tpu.memref_slice %arg8[%dma_start3A_570, %dma_start3A_571, %dma_start3A_572] : memref<4x2x400xi32, #tpu.memory_space<vmem>> -> memref<1x1x400xi32, #tpu.memory_space<vmem>>
        %dma_start3A_574 = tpu.memref_squeeze %dma_start3A_573 : memref<1x1x400xi32, #tpu.memory_space<vmem>> -> memref<400xi32, #tpu.memory_space<vmem>>
        %dma_start3A_575 = tpu.memref_slice %arg4[%dma_start3A_569, %add3A_555] : memref<2x800000xi32, #tpu.memory_space<hbm>> -> memref<1x400xi32, #tpu.memory_space<hbm>>
        %dma_start3A_576 = tpu.memref_squeeze %dma_start3A_575 : memref<1x400xi32, #tpu.memory_space<hbm>> -> memref<400xi32, #tpu.memory_space<hbm>>
        %dma_start3A_577 = arith.constant 0 : i32
        %dma_start3A_578 = tpu.memref_slice %arg8[%dma_start3A_570, %dma_start3A_571, %dma_start3A_577] : memref<4x2x400xi32, #tpu.memory_space<vmem>> -> memref<1x1x400xi32, #tpu.memory_space<vmem>>
        %dma_start3A_579 = tpu.memref_squeeze %dma_start3A_578 : memref<1x1x400xi32, #tpu.memory_space<vmem>> -> memref<400xi32, #tpu.memory_space<vmem>>
        %dma_start3A_580 = tpu.memref_slice %arg4[%dma_start3A_569, %add3A_555] : memref<2x800000xi32, #tpu.memory_space<hbm>> -> memref<1x400xi32, #tpu.memory_space<hbm>>
        %dma_start3A_581 = tpu.memref_squeeze %dma_start3A_580 : memref<1x400xi32, #tpu.memory_space<hbm>> -> memref<400xi32, #tpu.memory_space<hbm>>
        tpu.enqueue_dma source(%dma_start3A_581 : memref<400xi32, #tpu.memory_space<hbm>>) target(%dma_start3A_579 : memref<400xi32, #tpu.memory_space<vmem>>) target_semaphore(%arg16 : memref<!tpu.dma_semaphore, #tpu.memory_space<semaphore_mem>>)
      } else {
      }
      %add3A_486 = arith.constant 1 : i32
      %add3A_487 = arith.addi %add3A_465, %add3A_486 : i32
      %mul3A_488 = arith.constant 400 : i32
      %mul3A_489 = arith.muli %add3A_487, %mul3A_488 : i32
      %add3A_490 = arith.addi %mul3A_18, %mul3A_489 : i32
      %dma_wait3A_491 = arith.constant 0 : i32
      %dma_wait3A_492 = arith.constant 0 : i32
      %dma_wait3A_493 = arith.constant 0 : i32
      %dma_wait3A_494 = arith.constant 0 : i32
      %dma_wait3A_495 = tpu.memref_slice %arg8[%dma_wait3A_492, %dma_wait3A_493, %dma_wait3A_494] : memref<4x2x400xi32, #tpu.memory_space<vmem>> -> memref<1x1x400xi32, #tpu.memory_space<vmem>>
      %dma_wait3A_496 = tpu.memref_squeeze %dma_wait3A_495 : memref<1x1x400xi32, #tpu.memory_space<vmem>> -> memref<400xi32, #tpu.memory_space<vmem>>
      %dma_wait3A_497 = tpu.memref_slice %arg4[%dma_wait3A_491, %add3A_490] : memref<2x800000xi32, #tpu.memory_space<hbm>> -> memref<1x400xi32, #tpu.memory_space<hbm>>
      %dma_wait3A_498 = tpu.memref_squeeze %dma_wait3A_497 : memref<1x400xi32, #tpu.memory_space<hbm>> -> memref<400xi32, #tpu.memory_space<hbm>>
      %dma_wait3A_499 = arith.constant 0 : i32
      %dma_wait3A_500 = tpu.memref_slice %arg8[%dma_wait3A_492, %dma_wait3A_493, %dma_wait3A_499] : memref<4x2x400xi32, #tpu.memory_space<vmem>> -> memref<1x1x400xi32, #tpu.memory_space<vmem>>
      %dma_wait3A_501 = tpu.memref_squeeze %dma_wait3A_500 : memref<1x1x400xi32, #tpu.memory_space<vmem>> -> memref<400xi32, #tpu.memory_space<vmem>>
      %dma_wait3A_502 = tpu.memref_slice %arg4[%dma_wait3A_491, %add3A_490] : memref<2x800000xi32, #tpu.memory_space<hbm>> -> memref<1x400xi32, #tpu.memory_space<hbm>>
      %dma_wait3A_503 = tpu.memref_squeeze %dma_wait3A_502 : memref<1x400xi32, #tpu.memory_space<hbm>> -> memref<400xi32, #tpu.memory_space<hbm>>
      tpu.wait_dma2 semaphore(%arg14 : memref<!tpu.dma_semaphore, #tpu.memory_space<semaphore_mem>>) src(%dma_wait3A_503 : memref<400xi32, #tpu.memory_space<hbm>>) dst(%dma_wait3A_501 : memref<400xi32, #tpu.memory_space<vmem>>)
      %dma_wait3A_504 = arith.constant 1 : i32
      %dma_wait3A_505 = arith.constant 0 : i32
      %dma_wait3A_506 = arith.constant 1 : i32
      %dma_wait3A_507 = arith.constant 0 : i32
      %dma_wait3A_508 = tpu.memref_slice %arg8[%dma_wait3A_505, %dma_wait3A_506, %dma_wait3A_507] : memref<4x2x400xi32, #tpu.memory_space<vmem>> -> memref<1x1x400xi32, #tpu.memory_space<vmem>>
      %dma_wait3A_509 = tpu.memref_squeeze %dma_wait3A_508 : memref<1x1x400xi32, #tpu.memory_space<vmem>> -> memref<400xi32, #tpu.memory_space<vmem>>
      %dma_wait3A_510 = tpu.memref_slice %arg4[%dma_wait3A_504, %add3A_490] : memref<2x800000xi32, #tpu.memory_space<hbm>> -> memref<1x400xi32, #tpu.memory_space<hbm>>
      %dma_wait3A_511 = tpu.memref_squeeze %dma_wait3A_510 : memref<1x400xi32, #tpu.memory_space<hbm>> -> memref<400xi32, #tpu.memory_space<hbm>>
      %dma_wait3A_512 = arith.constant 0 : i32
      %dma_wait3A_513 = tpu.memref_slice %arg8[%dma_wait3A_505, %dma_wait3A_506, %dma_wait3A_512] : memref<4x2x400xi32, #tpu.memory_space<vmem>> -> memref<1x1x400xi32, #tpu.memory_space<vmem>>
      %dma_wait3A_514 = tpu.memref_squeeze %dma_wait3A_513 : memref<1x1x400xi32, #tpu.memory_space<vmem>> -> memref<400xi32, #tpu.memory_space<vmem>>
      %dma_wait3A_515 = tpu.memref_slice %arg4[%dma_wait3A_504, %add3A_490] : memref<2x800000xi32, #tpu.memory_space<hbm>> -> memref<1x400xi32, #tpu.memory_space<hbm>>
      %dma_wait3A_516 = tpu.memref_squeeze %dma_wait3A_515 : memref<1x400xi32, #tpu.memory_space<hbm>> -> memref<400xi32, #tpu.memory_space<hbm>>
      tpu.wait_dma2 semaphore(%arg14 : memref<!tpu.dma_semaphore, #tpu.memory_space<semaphore_mem>>) src(%dma_wait3A_516 : memref<400xi32, #tpu.memory_space<hbm>>) dst(%dma_wait3A_514 : memref<400xi32, #tpu.memory_space<vmem>>)
      %eq3A_517 = arith.constant 0 : i32
      %eq3A_518 = arith.cmpi eq, %arg0, %eq3A_517 : i32
      %convert_element_type3A_519 = arith.extui %eq3A_518 : i1 to i32
      %cond3A_520 = arith.constant 0 : i32
      %cond3A_521 = arith.cmpi ne, %convert_element_type3A_519, %cond3A_520 : i32
      scf.if %cond3A_521 {
        %dma_start3A_551 = arith.constant 0 : i32
        %dma_start3A_552 = arith.constant 0 : i32
        %dma_start3A_553 = arith.constant 0 : i32
        %dma_start3A_554 = arith.constant 0 : i32
        %dma_start3A_555 = arith.constant 0 : i32
        %dma_start3A_556 = tpu.memref_slice %arg9[%dma_start3A_553, %dma_start3A_554, %dma_start3A_555] : memref<2x400x32xf32, #tpu.memory_space<vmem>> -> memref<1x400x32xf32, #tpu.memory_space<vmem>>
        %dma_start3A_557 = tpu.memref_squeeze %dma_start3A_556 : memref<1x400x32xf32, #tpu.memory_space<vmem>> -> memref<400x32xf32, #tpu.memory_space<vmem>>
        %dma_start3A_558 = arith.constant 0 : i32
        %dma_start3A_559 = tpu.memref_slice %arg8[%dma_start3A_551, %dma_start3A_552, %dma_start3A_558] : memref<4x2x400xi32, #tpu.memory_space<vmem>> -> memref<1x1x400xi32, #tpu.memory_space<vmem>>
        %dma_start3A_560 = tpu.memref_squeeze %dma_start3A_559 : memref<1x1x400xi32, #tpu.memory_space<vmem>> -> memref<400xi32, #tpu.memory_space<vmem>>
        %dma_start3A_561 = arith.constant 0 : i32
        %dma_start3A_562 = arith.constant 0 : i32
        %dma_start3A_563 = tpu.memref_slice %arg2[%dma_start3A_561, %dma_start3A_562] : memref<50000x32xf32, #tpu.memory_space<hbm>> -> memref<50000x32xf32, #tpu.memory_space<hbm>>
        tpu.enqueue_indirect_dma source(%dma_start3A_563 : memref<50000x32xf32, #tpu.memory_space<hbm>>) target(%dma_start3A_557 : memref<400x32xf32, #tpu.memory_space<vmem>>) offsets(%dma_start3A_560 : memref<400xi32, #tpu.memory_space<vmem>>) semaphore(%arg10 : memref<!tpu.dma_semaphore, #tpu.memory_space<semaphore_mem>>)
      } else {
      }
      %eq3A_522 = arith.constant 1 : i32
      %eq3A_523 = arith.cmpi eq, %arg0, %eq3A_522 : i32
      %convert_element_type3A_524 = arith.extui %eq3A_523 : i1 to i32
      %cond3A_525 = arith.constant 0 : i32
      %cond3A_526 = arith.cmpi ne, %convert_element_type3A_524, %cond3A_525 : i32
      scf.if %cond3A_526 {
        %dma_start3A_551 = arith.constant 0 : i32
        %dma_start3A_552 = arith.constant 0 : i32
        %dma_start3A_553 = arith.constant 0 : i32
        %dma_start3A_554 = arith.constant 0 : i32
        %dma_start3A_555 = arith.constant 0 : i32
        %dma_start3A_556 = tpu.memref_slice %arg9[%dma_start3A_553, %dma_start3A_554, %dma_start3A_555] : memref<2x400x32xf32, #tpu.memory_space<vmem>> -> memref<1x400x32xf32, #tpu.memory_space<vmem>>
        %dma_start3A_557 = tpu.memref_squeeze %dma_start3A_556 : memref<1x400x32xf32, #tpu.memory_space<vmem>> -> memref<400x32xf32, #tpu.memory_space<vmem>>
        %dma_start3A_558 = arith.constant 0 : i32
        %dma_start3A_559 = tpu.memref_slice %arg8[%dma_start3A_551, %dma_start3A_552, %dma_start3A_558] : memref<4x2x400xi32, #tpu.memory_space<vmem>> -> memref<1x1x400xi32, #tpu.memory_space<vmem>>
        %dma_start3A_560 = tpu.memref_squeeze %dma_start3A_559 : memref<1x1x400xi32, #tpu.memory_space<vmem>> -> memref<400xi32, #tpu.memory_space<vmem>>
        %dma_start3A_561 = arith.constant 0 : i32
        %dma_start3A_562 = arith.constant 0 : i32
        %dma_start3A_563 = tpu.memref_slice %arg3[%dma_start3A_561, %dma_start3A_562] : memref<50000x32xf32, #tpu.memory_space<hbm>> -> memref<50000x32xf32, #tpu.memory_space<hbm>>
        tpu.enqueue_indirect_dma source(%dma_start3A_563 : memref<50000x32xf32, #tpu.memory_space<hbm>>) target(%dma_start3A_557 : memref<400x32xf32, #tpu.memory_space<vmem>>) offsets(%dma_start3A_560 : memref<400xi32, #tpu.memory_space<vmem>>) semaphore(%arg10 : memref<!tpu.dma_semaphore, #tpu.memory_space<semaphore_mem>>)
      } else {
      }
      %eq3A_527 = arith.constant 0 : i32
      %eq3A_528 = arith.cmpi eq, %arg0, %eq3A_527 : i32
      %convert_element_type3A_529 = arith.extui %eq3A_528 : i1 to i32
      %cond3A_530 = arith.constant 0 : i32
      %cond3A_531 = arith.cmpi ne, %convert_element_type3A_529, %cond3A_530 : i32
      scf.if %cond3A_531 {
        %dma_wait3A_551 = arith.constant 3 : i32
        %dma_wait3A_552 = arith.constant 0 : i32
        %dma_wait3A_553 = arith.constant 1 : i32
        %dma_wait3A_554 = arith.constant 0 : i32
        %dma_wait3A_555 = arith.constant 0 : i32
        %dma_wait3A_556 = tpu.memref_slice %arg9[%dma_wait3A_553, %dma_wait3A_554, %dma_wait3A_555] : memref<2x400x32xf32, #tpu.memory_space<vmem>> -> memref<1x400x32xf32, #tpu.memory_space<vmem>>
        %dma_wait3A_557 = tpu.memref_squeeze %dma_wait3A_556 : memref<1x400x32xf32, #tpu.memory_space<vmem>> -> memref<400x32xf32, #tpu.memory_space<vmem>>
        %dma_wait3A_558 = arith.constant 0 : i32
        %dma_wait3A_559 = tpu.memref_slice %arg8[%dma_wait3A_551, %dma_wait3A_552, %dma_wait3A_558] : memref<4x2x400xi32, #tpu.memory_space<vmem>> -> memref<1x1x400xi32, #tpu.memory_space<vmem>>
        %dma_wait3A_560 = tpu.memref_squeeze %dma_wait3A_559 : memref<1x1x400xi32, #tpu.memory_space<vmem>> -> memref<400xi32, #tpu.memory_space<vmem>>
        %dma_wait3A_561 = arith.constant 0 : i32
        %dma_wait3A_562 = arith.constant 0 : i32
        %dma_wait3A_563 = tpu.memref_slice %arg2[%dma_wait3A_561, %dma_wait3A_562] : memref<50000x32xf32, #tpu.memory_space<hbm>> -> memref<50000x32xf32, #tpu.memory_space<hbm>>
        tpu.wait_indirect_dma semaphore(%arg11 : memref<!tpu.dma_semaphore, #tpu.memory_space<semaphore_mem>>) src(%dma_wait3A_563 : memref<50000x32xf32, #tpu.memory_space<hbm>>) dst(%dma_wait3A_557 : memref<400x32xf32, #tpu.memory_space<vmem>>)
      } else {
      }
      %eq3A_532 = arith.constant 1 : i32
      %eq3A_533 = arith.cmpi eq, %arg0, %eq3A_532 : i32
      %convert_element_type3A_534 = arith.extui %eq3A_533 : i1 to i32
      %cond3A_535 = arith.constant 0 : i32
      %cond3A_536 = arith.cmpi ne, %convert_element_type3A_534, %cond3A_535 : i32
      scf.if %cond3A_536 {
        %dma_wait3A_551 = arith.constant 3 : i32
        %dma_wait3A_552 = arith.constant 0 : i32
        %dma_wait3A_553 = arith.constant 1 : i32
        %dma_wait3A_554 = arith.constant 0 : i32
        %dma_wait3A_555 = arith.constant 0 : i32
        %dma_wait3A_556 = tpu.memref_slice %arg9[%dma_wait3A_553, %dma_wait3A_554, %dma_wait3A_555] : memref<2x400x32xf32, #tpu.memory_space<vmem>> -> memref<1x400x32xf32, #tpu.memory_space<vmem>>
        %dma_wait3A_557 = tpu.memref_squeeze %dma_wait3A_556 : memref<1x400x32xf32, #tpu.memory_space<vmem>> -> memref<400x32xf32, #tpu.memory_space<vmem>>
        %dma_wait3A_558 = arith.constant 0 : i32
        %dma_wait3A_559 = tpu.memref_slice %arg8[%dma_wait3A_551, %dma_wait3A_552, %dma_wait3A_558] : memref<4x2x400xi32, #tpu.memory_space<vmem>> -> memref<1x1x400xi32, #tpu.memory_space<vmem>>
        %dma_wait3A_560 = tpu.memref_squeeze %dma_wait3A_559 : memref<1x1x400xi32, #tpu.memory_space<vmem>> -> memref<400xi32, #tpu.memory_space<vmem>>
        %dma_wait3A_561 = arith.constant 0 : i32
        %dma_wait3A_562 = arith.constant 0 : i32
        %dma_wait3A_563 = tpu.memref_slice %arg3[%dma_wait3A_561, %dma_wait3A_562] : memref<50000x32xf32, #tpu.memory_space<hbm>> -> memref<50000x32xf32, #tpu.memory_space<hbm>>
        tpu.wait_indirect_dma semaphore(%arg11 : memref<!tpu.dma_semaphore, #tpu.memory_space<semaphore_mem>>) src(%dma_wait3A_563 : memref<50000x32xf32, #tpu.memory_space<hbm>>) dst(%dma_wait3A_557 : memref<400x32xf32, #tpu.memory_space<vmem>>)
      } else {
      }
      %dma_start3A_537 = arith.constant 1 : i32
      %dma_start3A_538 = arith.constant 3 : i32
      %dma_start3A_539 = arith.constant 1 : i32
      %dma_start3A_540 = arith.constant 0 : i32
      %dma_start3A_541 = arith.constant 0 : i32
      %dma_start3A_542 = tpu.memref_slice %arg9[%dma_start3A_537, %dma_start3A_540, %dma_start3A_541] : memref<2x400x32xf32, #tpu.memory_space<vmem>> -> memref<1x400x32xf32, #tpu.memory_space<vmem>>
      %dma_start3A_543 = tpu.memref_squeeze %dma_start3A_542 : memref<1x400x32xf32, #tpu.memory_space<vmem>> -> memref<400x32xf32, #tpu.memory_space<vmem>>
      %dma_start3A_544 = arith.constant 0 : i32
      %dma_start3A_545 = tpu.memref_slice %arg8[%dma_start3A_538, %dma_start3A_539, %dma_start3A_544] : memref<4x2x400xi32, #tpu.memory_space<vmem>> -> memref<1x1x400xi32, #tpu.memory_space<vmem>>
      %dma_start3A_546 = tpu.memref_squeeze %dma_start3A_545 : memref<1x1x400xi32, #tpu.memory_space<vmem>> -> memref<400xi32, #tpu.memory_space<vmem>>
      %dma_start3A_547 = arith.constant 0 : i32
      %dma_start3A_548 = arith.constant 0 : i32
      %dma_start3A_549 = tpu.memref_slice %arg7[%dma_start3A_547, %dma_start3A_548] : memref<50000x32xf32, #tpu.memory_space<vmem_shared>> -> memref<50000x32xf32, #tpu.memory_space<vmem_shared>>
      tpu.enqueue_indirect_dma source(%dma_start3A_543 : memref<400x32xf32, #tpu.memory_space<vmem>>) target(%dma_start3A_549 : memref<50000x32xf32, #tpu.memory_space<vmem_shared>>) offsets(%dma_start3A_546 : memref<400xi32, #tpu.memory_space<vmem>>) semaphore(%arg13 : memref<!tpu.dma_semaphore, #tpu.memory_space<semaphore_mem>>) {add = true}
      %scan3A_550 = arith.constant 0 : i32
      scf.yield %scan3A_550 : i32
    }
    %scan3A_144 = arith.constant 31 : i32
    %dma_wait3A_145 = arith.constant 1 : i32
    %dma_wait3A_146 = arith.constant 3 : i32
    %dma_wait3A_147 = arith.constant 1 : i32
    %dma_wait3A_148 = arith.constant 0 : i32
    %dma_wait3A_149 = arith.constant 0 : i32
    %dma_wait3A_150 = tpu.memref_slice %arg9[%dma_wait3A_145, %dma_wait3A_148, %dma_wait3A_149] : memref<2x400x32xf32, #tpu.memory_space<vmem>> -> memref<1x400x32xf32, #tpu.memory_space<vmem>>
    %dma_wait3A_151 = tpu.memref_squeeze %dma_wait3A_150 : memref<1x400x32xf32, #tpu.memory_space<vmem>> -> memref<400x32xf32, #tpu.memory_space<vmem>>
    %dma_wait3A_152 = arith.constant 0 : i32
    %dma_wait3A_153 = tpu.memref_slice %arg8[%dma_wait3A_146, %dma_wait3A_147, %dma_wait3A_152] : memref<4x2x400xi32, #tpu.memory_space<vmem>> -> memref<1x1x400xi32, #tpu.memory_space<vmem>>
    %dma_wait3A_154 = tpu.memref_squeeze %dma_wait3A_153 : memref<1x1x400xi32, #tpu.memory_space<vmem>> -> memref<400xi32, #tpu.memory_space<vmem>>
    %dma_wait3A_155 = arith.constant 0 : i32
    %dma_wait3A_156 = arith.constant 0 : i32
    %dma_wait3A_157 = tpu.memref_slice %arg7[%dma_wait3A_155, %dma_wait3A_156] : memref<50000x32xf32, #tpu.memory_space<vmem_shared>> -> memref<50000x32xf32, #tpu.memory_space<vmem_shared>>
    tpu.wait_indirect_dma semaphore(%arg13 : memref<!tpu.dma_semaphore, #tpu.memory_space<semaphore_mem>>) src(%dma_wait3A_151 : memref<400x32xf32, #tpu.memory_space<vmem>>) dst(%dma_wait3A_157 : memref<50000x32xf32, #tpu.memory_space<vmem_shared>>)
    %eq3A_158 = arith.constant 0 : i32
    %eq3A_159 = arith.cmpi eq, %arg0, %eq3A_158 : i32
    %convert_element_type3A_160 = arith.extui %eq3A_159 : i1 to i32
    %cond3A_161 = arith.constant 0 : i32
    %cond3A_162 = arith.cmpi ne, %convert_element_type3A_160, %cond3A_161 : i32
    scf.if %cond3A_162 {
      %dma_wait3A_205 = arith.constant 0 : i32
      %dma_wait3A_206 = arith.constant 0 : i32
      %dma_wait3A_207 = arith.constant 0 : i32
      %dma_wait3A_208 = arith.constant 0 : i32
      %dma_wait3A_209 = arith.constant 0 : i32
      %dma_wait3A_210 = tpu.memref_slice %arg9[%dma_wait3A_207, %dma_wait3A_208, %dma_wait3A_209] : memref<2x400x32xf32, #tpu.memory_space<vmem>> -> memref<1x400x32xf32, #tpu.memory_space<vmem>>
      %dma_wait3A_211 = tpu.memref_squeeze %dma_wait3A_210 : memref<1x400x32xf32, #tpu.memory_space<vmem>> -> memref<400x32xf32, #tpu.memory_space<vmem>>
      %dma_wait3A_212 = arith.constant 0 : i32
      %dma_wait3A_213 = tpu.memref_slice %arg8[%dma_wait3A_205, %dma_wait3A_206, %dma_wait3A_212] : memref<4x2x400xi32, #tpu.memory_space<vmem>> -> memref<1x1x400xi32, #tpu.memory_space<vmem>>
      %dma_wait3A_214 = tpu.memref_squeeze %dma_wait3A_213 : memref<1x1x400xi32, #tpu.memory_space<vmem>> -> memref<400xi32, #tpu.memory_space<vmem>>
      %dma_wait3A_215 = arith.constant 0 : i32
      %dma_wait3A_216 = arith.constant 0 : i32
      %dma_wait3A_217 = tpu.memref_slice %arg2[%dma_wait3A_215, %dma_wait3A_216] : memref<50000x32xf32, #tpu.memory_space<hbm>> -> memref<50000x32xf32, #tpu.memory_space<hbm>>
      tpu.wait_indirect_dma semaphore(%arg10 : memref<!tpu.dma_semaphore, #tpu.memory_space<semaphore_mem>>) src(%dma_wait3A_217 : memref<50000x32xf32, #tpu.memory_space<hbm>>) dst(%dma_wait3A_211 : memref<400x32xf32, #tpu.memory_space<vmem>>)
    } else {
    }
    %eq3A_163 = arith.constant 1 : i32
    %eq3A_164 = arith.cmpi eq, %arg0, %eq3A_163 : i32
    %convert_element_type3A_165 = arith.extui %eq3A_164 : i1 to i32
    %cond3A_166 = arith.constant 0 : i32
    %cond3A_167 = arith.cmpi ne, %convert_element_type3A_165, %cond3A_166 : i32
    scf.if %cond3A_167 {
      %dma_wait3A_205 = arith.constant 0 : i32
      %dma_wait3A_206 = arith.constant 0 : i32
      %dma_wait3A_207 = arith.constant 0 : i32
      %dma_wait3A_208 = arith.constant 0 : i32
      %dma_wait3A_209 = arith.constant 0 : i32
      %dma_wait3A_210 = tpu.memref_slice %arg9[%dma_wait3A_207, %dma_wait3A_208, %dma_wait3A_209] : memref<2x400x32xf32, #tpu.memory_space<vmem>> -> memref<1x400x32xf32, #tpu.memory_space<vmem>>
      %dma_wait3A_211 = tpu.memref_squeeze %dma_wait3A_210 : memref<1x400x32xf32, #tpu.memory_space<vmem>> -> memref<400x32xf32, #tpu.memory_space<vmem>>
      %dma_wait3A_212 = arith.constant 0 : i32
      %dma_wait3A_213 = tpu.memref_slice %arg8[%dma_wait3A_205, %dma_wait3A_206, %dma_wait3A_212] : memref<4x2x400xi32, #tpu.memory_space<vmem>> -> memref<1x1x400xi32, #tpu.memory_space<vmem>>
      %dma_wait3A_214 = tpu.memref_squeeze %dma_wait3A_213 : memref<1x1x400xi32, #tpu.memory_space<vmem>> -> memref<400xi32, #tpu.memory_space<vmem>>
      %dma_wait3A_215 = arith.constant 0 : i32
      %dma_wait3A_216 = arith.constant 0 : i32
      %dma_wait3A_217 = tpu.memref_slice %arg3[%dma_wait3A_215, %dma_wait3A_216] : memref<50000x32xf32, #tpu.memory_space<hbm>> -> memref<50000x32xf32, #tpu.memory_space<hbm>>
      tpu.wait_indirect_dma semaphore(%arg10 : memref<!tpu.dma_semaphore, #tpu.memory_space<semaphore_mem>>) src(%dma_wait3A_217 : memref<50000x32xf32, #tpu.memory_space<hbm>>) dst(%dma_wait3A_211 : memref<400x32xf32, #tpu.memory_space<vmem>>)
    } else {
    }
    %dma_start3A_168 = arith.constant 0 : i32
    %dma_start3A_169 = arith.constant 0 : i32
    %dma_start3A_170 = arith.constant 1 : i32
    %dma_start3A_171 = arith.constant 0 : i32
    %dma_start3A_172 = arith.constant 0 : i32
    %dma_start3A_173 = tpu.memref_slice %arg9[%dma_start3A_168, %dma_start3A_171, %dma_start3A_172] : memref<2x400x32xf32, #tpu.memory_space<vmem>> -> memref<1x400x32xf32, #tpu.memory_space<vmem>>
    %dma_start3A_174 = tpu.memref_squeeze %dma_start3A_173 : memref<1x400x32xf32, #tpu.memory_space<vmem>> -> memref<400x32xf32, #tpu.memory_space<vmem>>
    %dma_start3A_175 = arith.constant 0 : i32
    %dma_start3A_176 = tpu.memref_slice %arg8[%dma_start3A_169, %dma_start3A_170, %dma_start3A_175] : memref<4x2x400xi32, #tpu.memory_space<vmem>> -> memref<1x1x400xi32, #tpu.memory_space<vmem>>
    %dma_start3A_177 = tpu.memref_squeeze %dma_start3A_176 : memref<1x1x400xi32, #tpu.memory_space<vmem>> -> memref<400xi32, #tpu.memory_space<vmem>>
    %dma_start3A_178 = arith.constant 0 : i32
    %dma_start3A_179 = arith.constant 0 : i32
    %dma_start3A_180 = tpu.memref_slice %arg7[%dma_start3A_178, %dma_start3A_179] : memref<50000x32xf32, #tpu.memory_space<vmem_shared>> -> memref<50000x32xf32, #tpu.memory_space<vmem_shared>>
    tpu.enqueue_indirect_dma source(%dma_start3A_174 : memref<400x32xf32, #tpu.memory_space<vmem>>) target(%dma_start3A_180 : memref<50000x32xf32, #tpu.memory_space<vmem_shared>>) offsets(%dma_start3A_177 : memref<400xi32, #tpu.memory_space<vmem>>) semaphore(%arg12 : memref<!tpu.dma_semaphore, #tpu.memory_space<semaphore_mem>>) {add = true}
    %dma_wait3A_181 = arith.constant 0 : i32
    %dma_wait3A_182 = arith.constant 0 : i32
    %dma_wait3A_183 = arith.constant 1 : i32
    %dma_wait3A_184 = arith.constant 0 : i32
    %dma_wait3A_185 = arith.constant 0 : i32
    %dma_wait3A_186 = tpu.memref_slice %arg9[%dma_wait3A_181, %dma_wait3A_184, %dma_wait3A_185] : memref<2x400x32xf32, #tpu.memory_space<vmem>> -> memref<1x400x32xf32, #tpu.memory_space<vmem>>
    %dma_wait3A_187 = tpu.memref_squeeze %dma_wait3A_186 : memref<1x400x32xf32, #tpu.memory_space<vmem>> -> memref<400x32xf32, #tpu.memory_space<vmem>>
    %dma_wait3A_188 = arith.constant 0 : i32
    %dma_wait3A_189 = tpu.memref_slice %arg8[%dma_wait3A_182, %dma_wait3A_183, %dma_wait3A_188] : memref<4x2x400xi32, #tpu.memory_space<vmem>> -> memref<1x1x400xi32, #tpu.memory_space<vmem>>
    %dma_wait3A_190 = tpu.memref_squeeze %dma_wait3A_189 : memref<1x1x400xi32, #tpu.memory_space<vmem>> -> memref<400xi32, #tpu.memory_space<vmem>>
    %dma_wait3A_191 = arith.constant 0 : i32
    %dma_wait3A_192 = arith.constant 0 : i32
    %dma_wait3A_193 = tpu.memref_slice %arg7[%dma_wait3A_191, %dma_wait3A_192] : memref<50000x32xf32, #tpu.memory_space<vmem_shared>> -> memref<50000x32xf32, #tpu.memory_space<vmem_shared>>
    tpu.wait_indirect_dma semaphore(%arg12 : memref<!tpu.dma_semaphore, #tpu.memory_space<semaphore_mem>>) src(%dma_wait3A_187 : memref<400x32xf32, #tpu.memory_space<vmem>>) dst(%dma_wait3A_193 : memref<50000x32xf32, #tpu.memory_space<vmem_shared>>)
    %barrier3A_194 = arith.constant 0 : index
    tpu.barrier barrier_id(%barrier3A_194)
    %lt3A_195 = arith.constant 15 : i32
    %lt3A_196 = arith.cmpi slt, %arg1, %lt3A_195 : i32
    %convert_element_type3A_197 = arith.extui %lt3A_196 : i1 to i32
    %cond3A_198 = arith.constant 0 : i32
    %cond3A_199 = arith.cmpi ne, %convert_element_type3A_197, %cond3A_198 : i32
    scf.if %cond3A_199 {
      %eq3A_205 = arith.constant 0 : i32
      %eq3A_206 = arith.cmpi eq, %arg0, %eq3A_205 : i32
      %convert_element_type3A_207 = arith.extui %eq3A_206 : i1 to i32
      %cond3A_208 = arith.constant 0 : i32
      %cond3A_209 = arith.cmpi ne, %convert_element_type3A_207, %cond3A_208 : i32
      scf.if %cond3A_209 {
        "tpu.region"() ({
          %run_scoped3A = tpu.sem_alloc : memref<!tpu.dma_semaphore, #tpu.memory_space<semaphore_mem>>
          %dma_start3A_215 = arith.constant 0 : i32
          %dma_start3A_216 = tpu.memref_slice %arg5[%mul3A_8, %dma_start3A_215] : memref<50000x32xf32, #tpu.memory_space<hbm>> -> memref<3200x32xf32, #tpu.memory_space<hbm>>
          %dma_start3A_217 = arith.constant 0 : i32
          %dma_start3A_218 = tpu.memref_slice %arg7[%mul3A_8, %dma_start3A_217] : memref<50000x32xf32, #tpu.memory_space<vmem_shared>> -> memref<3200x32xf32, #tpu.memory_space<vmem_shared>>
          tpu.enqueue_dma source(%dma_start3A_218 : memref<3200x32xf32, #tpu.memory_space<vmem_shared>>) target(%dma_start3A_216 : memref<3200x32xf32, #tpu.memory_space<hbm>>) target_semaphore(%run_scoped3A : memref<!tpu.dma_semaphore, #tpu.memory_space<semaphore_mem>>)
          %dma_wait3A_219 = arith.constant 0 : i32
          %dma_wait3A_220 = tpu.memref_slice %arg5[%mul3A_8, %dma_wait3A_219] : memref<50000x32xf32, #tpu.memory_space<hbm>> -> memref<3200x32xf32, #tpu.memory_space<hbm>>
          %dma_wait3A_221 = arith.constant 0 : i32
          %dma_wait3A_222 = tpu.memref_slice %arg7[%mul3A_8, %dma_wait3A_221] : memref<50000x32xf32, #tpu.memory_space<vmem_shared>> -> memref<3200x32xf32, #tpu.memory_space<vmem_shared>>
          tpu.wait_dma2 semaphore(%run_scoped3A : memref<!tpu.dma_semaphore, #tpu.memory_space<semaphore_mem>>) src(%dma_wait3A_222 : memref<3200x32xf32, #tpu.memory_space<vmem_shared>>) dst(%dma_wait3A_220 : memref<3200x32xf32, #tpu.memory_space<hbm>>)
          tpu.yield
        }) : () -> ()
      } else {
      }
      %eq3A_210 = arith.constant 1 : i32
      %eq3A_211 = arith.cmpi eq, %arg0, %eq3A_210 : i32
      %convert_element_type3A_212 = arith.extui %eq3A_211 : i1 to i32
      %cond3A_213 = arith.constant 0 : i32
      %cond3A_214 = arith.cmpi ne, %convert_element_type3A_212, %cond3A_213 : i32
      scf.if %cond3A_214 {
        "tpu.region"() ({
          %run_scoped3A = tpu.sem_alloc : memref<!tpu.dma_semaphore, #tpu.memory_space<semaphore_mem>>
          %dma_start3A_215 = arith.constant 0 : i32
          %dma_start3A_216 = tpu.memref_slice %arg6[%mul3A_8, %dma_start3A_215] : memref<50000x32xf32, #tpu.memory_space<hbm>> -> memref<3200x32xf32, #tpu.memory_space<hbm>>
          %dma_start3A_217 = arith.constant 0 : i32
          %dma_start3A_218 = tpu.memref_slice %arg7[%mul3A_8, %dma_start3A_217] : memref<50000x32xf32, #tpu.memory_space<vmem_shared>> -> memref<3200x32xf32, #tpu.memory_space<vmem_shared>>
          tpu.enqueue_dma source(%dma_start3A_218 : memref<3200x32xf32, #tpu.memory_space<vmem_shared>>) target(%dma_start3A_216 : memref<3200x32xf32, #tpu.memory_space<hbm>>) target_semaphore(%run_scoped3A : memref<!tpu.dma_semaphore, #tpu.memory_space<semaphore_mem>>)
          %dma_wait3A_219 = arith.constant 0 : i32
          %dma_wait3A_220 = tpu.memref_slice %arg6[%mul3A_8, %dma_wait3A_219] : memref<50000x32xf32, #tpu.memory_space<hbm>> -> memref<3200x32xf32, #tpu.memory_space<hbm>>
          %dma_wait3A_221 = arith.constant 0 : i32
          %dma_wait3A_222 = tpu.memref_slice %arg7[%mul3A_8, %dma_wait3A_221] : memref<50000x32xf32, #tpu.memory_space<vmem_shared>> -> memref<3200x32xf32, #tpu.memory_space<vmem_shared>>
          tpu.wait_dma2 semaphore(%run_scoped3A : memref<!tpu.dma_semaphore, #tpu.memory_space<semaphore_mem>>) src(%dma_wait3A_222 : memref<3200x32xf32, #tpu.memory_space<vmem_shared>>) dst(%dma_wait3A_220 : memref<3200x32xf32, #tpu.memory_space<hbm>>)
          tpu.yield
        }) : () -> ()
      } else {
      }
    } else {
    }
    %eq3A_200 = arith.constant 15 : i32
    %eq3A_201 = arith.cmpi eq, %arg1, %eq3A_200 : i32
    %convert_element_type3A_202 = arith.extui %eq3A_201 : i1 to i32
    %cond3A_203 = arith.constant 0 : i32
    %cond3A_204 = arith.cmpi ne, %convert_element_type3A_202, %cond3A_203 : i32
    scf.if %cond3A_204 {
      %eq3A_205 = arith.constant 0 : i32
      %eq3A_206 = arith.cmpi eq, %arg0, %eq3A_205 : i32
      %convert_element_type3A_207 = arith.extui %eq3A_206 : i1 to i32
      %cond3A_208 = arith.constant 0 : i32
      %cond3A_209 = arith.cmpi ne, %convert_element_type3A_207, %cond3A_208 : i32
      scf.if %cond3A_209 {
        "tpu.region"() ({
          %run_scoped3A = tpu.sem_alloc : memref<!tpu.dma_semaphore, #tpu.memory_space<semaphore_mem>>
          %dma_start3A_215 = arith.constant 0 : i32
          %dma_start3A_216 = tpu.memref_slice %arg5[%mul3A_8, %dma_start3A_215] : memref<50000x32xf32, #tpu.memory_space<hbm>> -> memref<2000x32xf32, #tpu.memory_space<hbm>>
          %dma_start3A_217 = arith.constant 0 : i32
          %dma_start3A_218 = tpu.memref_slice %arg7[%mul3A_8, %dma_start3A_217] : memref<50000x32xf32, #tpu.memory_space<vmem_shared>> -> memref<2000x32xf32, #tpu.memory_space<vmem_shared>>
          tpu.enqueue_dma source(%dma_start3A_218 : memref<2000x32xf32, #tpu.memory_space<vmem_shared>>) target(%dma_start3A_216 : memref<2000x32xf32, #tpu.memory_space<hbm>>) target_semaphore(%run_scoped3A : memref<!tpu.dma_semaphore, #tpu.memory_space<semaphore_mem>>)
          %dma_wait3A_219 = arith.constant 0 : i32
          %dma_wait3A_220 = tpu.memref_slice %arg5[%mul3A_8, %dma_wait3A_219] : memref<50000x32xf32, #tpu.memory_space<hbm>> -> memref<2000x32xf32, #tpu.memory_space<hbm>>
          %dma_wait3A_221 = arith.constant 0 : i32
          %dma_wait3A_222 = tpu.memref_slice %arg7[%mul3A_8, %dma_wait3A_221] : memref<50000x32xf32, #tpu.memory_space<vmem_shared>> -> memref<2000x32xf32, #tpu.memory_space<vmem_shared>>
          tpu.wait_dma2 semaphore(%run_scoped3A : memref<!tpu.dma_semaphore, #tpu.memory_space<semaphore_mem>>) src(%dma_wait3A_222 : memref<2000x32xf32, #tpu.memory_space<vmem_shared>>) dst(%dma_wait3A_220 : memref<2000x32xf32, #tpu.memory_space<hbm>>)
          tpu.yield
        }) : () -> ()
      } else {
      }
      %eq3A_210 = arith.constant 1 : i32
      %eq3A_211 = arith.cmpi eq, %arg0, %eq3A_210 : i32
      %convert_element_type3A_212 = arith.extui %eq3A_211 : i1 to i32
      %cond3A_213 = arith.constant 0 : i32
      %cond3A_214 = arith.cmpi ne, %convert_element_type3A_212, %cond3A_213 : i32
      scf.if %cond3A_214 {
        "tpu.region"() ({
          %run_scoped3A = tpu.sem_alloc : memref<!tpu.dma_semaphore, #tpu.memory_space<semaphore_mem>>
          %dma_start3A_215 = arith.constant 0 : i32
          %dma_start3A_216 = tpu.memref_slice %arg6[%mul3A_8, %dma_start3A_215] : memref<50000x32xf32, #tpu.memory_space<hbm>> -> memref<2000x32xf32, #tpu.memory_space<hbm>>
          %dma_start3A_217 = arith.constant 0 : i32
          %dma_start3A_218 = tpu.memref_slice %arg7[%mul3A_8, %dma_start3A_217] : memref<50000x32xf32, #tpu.memory_space<vmem_shared>> -> memref<2000x32xf32, #tpu.memory_space<vmem_shared>>
          tpu.enqueue_dma source(%dma_start3A_218 : memref<2000x32xf32, #tpu.memory_space<vmem_shared>>) target(%dma_start3A_216 : memref<2000x32xf32, #tpu.memory_space<hbm>>) target_semaphore(%run_scoped3A : memref<!tpu.dma_semaphore, #tpu.memory_space<semaphore_mem>>)
          %dma_wait3A_219 = arith.constant 0 : i32
          %dma_wait3A_220 = tpu.memref_slice %arg6[%mul3A_8, %dma_wait3A_219] : memref<50000x32xf32, #tpu.memory_space<hbm>> -> memref<2000x32xf32, #tpu.memory_space<hbm>>
          %dma_wait3A_221 = arith.constant 0 : i32
          %dma_wait3A_222 = tpu.memref_slice %arg7[%mul3A_8, %dma_wait3A_221] : memref<50000x32xf32, #tpu.memory_space<vmem_shared>> -> memref<2000x32xf32, #tpu.memory_space<vmem_shared>>
          tpu.wait_dma2 semaphore(%run_scoped3A : memref<!tpu.dma_semaphore, #tpu.memory_space<semaphore_mem>>) src(%dma_wait3A_222 : memref<2000x32xf32, #tpu.memory_space<vmem_shared>>) dst(%dma_wait3A_220 : memref<2000x32xf32, #tpu.memory_space<hbm>>)
          tpu.yield
        }) : () -> ()
      } else {
      }
    } else {
    }
    return
  }
}

module attributes {stable_mosaic.version = 14 : i64} {
  func.func @_scale_body(%arg0: i32, %arg1: memref<1000x32xf32, #tpu.memory_space<vmem>>, %arg2: memref<1x32xf32, #tpu.memory_space<vmem>>, %arg3: memref<1x1x1000xf32, #tpu.memory_space<vmem>>, %arg4: memref<1000x32xf32, #tpu.memory_space<vmem>>, %arg5: memref<1000x32xf32, #tpu.memory_space<vmem>>) attributes {dimension_semantics = [#tpu.dimension_semantics<arbitrary>], iteration_bounds = array<i64: 50>, scalar_prefetch = 0 : i64, scratch_operands = 0 : i64, tpu.core_type = #tpu.core_type<tc>, window_params = [{transform_indices = @transform_0, window_bounds = array<i64: 1000, 32>}, {pipeline_mode = #tpu.pipeline_mode<synchronous>, transform_indices = @transform_1, window_bounds = array<i64: 1, 32>}, {transform_indices = @transform_2, window_bounds = array<i64: 1, 1, 1000>}, {transform_indices = @transform_3, window_bounds = array<i64: 1000, 32>}, {transform_indices = @transform_4, window_bounds = array<i64: 1000, 32>}]} {
    %get3A = arith.constant 0 : index
    %get3A_0 = arith.constant 0 : index
    %get3A_1 = arith.constant 0 : index
    %get3A_2 = vector.load %arg3[%get3A, %get3A_0, %get3A_1] : memref<1x1x1000xf32, #tpu.memory_space<vmem>>, vector<1x1x1000xf32>
    %get3A_3 = vector.shape_cast %get3A_2 : vector<1x1x1000xf32> to vector<1000xf32>
    %max3A = arith.constant 1.000000e+00 : f32
    %max3A_4 = vector.broadcast %max3A : f32 to vector<1000xf32>
    %max3A_5 = arith.maximumf %get3A_3, %max3A_4 : vector<1000xf32>
    %rsqrt3A = math.rsqrt %max3A_5 : vector<1000xf32>
    %broadcast_in_dim3A = vector.shape_cast %rsqrt3A : vector<1000xf32> to vector<1000x1xf32>
    %get3A_6 = arith.constant 0 : index
    %get3A_7 = arith.constant 0 : index
    %get3A_8 = vector.load %arg1[%get3A_6, %get3A_7] : memref<1000x32xf32, #tpu.memory_space<vmem>>, vector<1000x32xf32>
    %mul3A = vector.broadcast %broadcast_in_dim3A : vector<1000x1xf32> to vector<1000x32xf32>
    %mul3A_9 = arith.mulf %get3A_8, %mul3A : vector<1000x32xf32>
    %swap3A = arith.constant 0 : index
    %swap3A_10 = arith.constant 0 : index
    %swap3A_11 = vector.load %arg4[%swap3A, %swap3A_10] : memref<1000x32xf32, #tpu.memory_space<vmem>>, vector<1000x32xf32>
    tpu.vector_store %arg4[%swap3A, %swap3A_10], %mul3A_9 {strides = array<i32>} : memref<1000x32xf32, #tpu.memory_space<vmem>>, vector<1000x32xf32>,
    %get3A_12 = arith.constant 0 : index
    %get3A_13 = arith.constant 0 : index
    %get3A_14 = vector.load %arg2[%get3A_12, %get3A_13] : memref<1x32xf32, #tpu.memory_space<vmem>>, vector<1x32xf32>
    %broadcast_in_dim3A_15 = vector.shape_cast %get3A_14 : vector<1x32xf32> to vector<1x32xf32>
    %broadcast_in_dim3A_16 = vector.broadcast %broadcast_in_dim3A_15 : vector<1x32xf32> to vector<1000x32xf32>
    %mul3A_17 = vector.broadcast %broadcast_in_dim3A : vector<1000x1xf32> to vector<1000x32xf32>
    %mul3A_18 = arith.mulf %broadcast_in_dim3A_16, %mul3A_17 : vector<1000x32xf32>
    %swap3A_19 = arith.constant 0 : index
    %swap3A_20 = arith.constant 0 : index
    %swap3A_21 = vector.load %arg5[%swap3A_19, %swap3A_20] : memref<1000x32xf32, #tpu.memory_space<vmem>>, vector<1000x32xf32>
    tpu.vector_store %arg5[%swap3A_19, %swap3A_20], %mul3A_18 {strides = array<i32>} : memref<1000x32xf32, #tpu.memory_space<vmem>>, vector<1000x32xf32>,
    return
  }
  func.func @transform_0(%arg0: i32) -> (i32, i32) {
    %c0_i32 = arith.constant 0 : i32
    %c0_i32_0 = arith.constant 0 : i32
    return %arg0, %c0_i32 : i32, i32
  }
  func.func @transform_1(%arg0: i32) -> (i32, i32) {
    %c0_i32 = arith.constant 0 : i32
    %c0_i32_0 = arith.constant 0 : i32
    %c0_i32_1 = arith.constant 0 : i32
    return %c0_i32, %c0_i32_0 : i32, i32
  }
  func.func @transform_2(%arg0: i32) -> (i32, i32, i32) {
    %c0_i32 = arith.constant 0 : i32
    %c0_i32_0 = arith.constant 0 : i32
    %c0_i32_1 = arith.constant 0 : i32
    return %arg0, %c0_i32, %c0_i32_0 : i32, i32, i32
  }
  func.func @transform_3(%arg0: i32) -> (i32, i32) {
    %c0_i32 = arith.constant 0 : i32
    %c0_i32_0 = arith.constant 0 : i32
    return %arg0, %c0_i32 : i32, i32
  }
  func.func @transform_4(%arg0: i32) -> (i32, i32) {
    %c0_i32 = arith.constant 0 : i32
    %c0_i32_0 = arith.constant 0 : i32
    return %arg0, %c0_i32 : i32, i32
  }
}

module attributes {stable_mosaic.version = 14 : i64} {
  func.func @_dense1_body(%arg0: i32, %arg1: memref<1000x32xf32, #tpu.memory_space<vmem>>, %arg2: memref<1000x32xf32, #tpu.memory_space<vmem>>, %arg3: memref<1x1x1000xf32, #tpu.memory_space<vmem>>, %arg4: memref<1x1x1000xf32, #tpu.memory_space<vmem>>, %arg5: memref<1000x32xf32, #tpu.memory_space<vmem>>, %arg6: memref<1x32xf32, #tpu.memory_space<vmem>>, %arg7: memref<64x64xf32, #tpu.memory_space<vmem>>, %arg8: memref<1x64xf32, #tpu.memory_space<vmem>>, %arg9: memref<1x64xf32, #tpu.memory_space<vmem>>, %arg10: memref<1000x64xf32, #tpu.memory_space<vmem>>, %arg11: memref<1000x32xf32, #tpu.memory_space<vmem>>, %arg12: memref<1000x32xf32, #tpu.memory_space<vmem>>) attributes {dimension_semantics = [#tpu.dimension_semantics<arbitrary>], iteration_bounds = array<i64: 50>, scalar_prefetch = 0 : i64, scratch_operands = 0 : i64, tpu.core_type = #tpu.core_type<tc>, window_params = [{transform_indices = @transform_0, window_bounds = array<i64: 1000, 32>}, {transform_indices = @transform_1, window_bounds = array<i64: 1000, 32>}, {transform_indices = @transform_2, window_bounds = array<i64: 1, 1, 1000>}, {transform_indices = @transform_3, window_bounds = array<i64: 1, 1, 1000>}, {transform_indices = @transform_4, window_bounds = array<i64: 1000, 32>}, {pipeline_mode = #tpu.pipeline_mode<synchronous>, transform_indices = @transform_5, window_bounds = array<i64: 1, 32>}, {pipeline_mode = #tpu.pipeline_mode<synchronous>, transform_indices = @transform_6, window_bounds = array<i64: 64, 64>}, {pipeline_mode = #tpu.pipeline_mode<synchronous>, transform_indices = @transform_7, window_bounds = array<i64: 1, 64>}, {pipeline_mode = #tpu.pipeline_mode<synchronous>, transform_indices = @transform_8, window_bounds = array<i64: 1, 64>}, {transform_indices = @transform_9, window_bounds = array<i64: 1000, 64>}, {transform_indices = @transform_10, window_bounds = array<i64: 1000, 32>}, {transform_indices = @transform_11, window_bounds = array<i64: 1000, 32>}]} {
    %get3A = arith.constant 0 : index
    %get3A_0 = arith.constant 0 : index
    %get3A_1 = vector.load %arg1[%get3A, %get3A_0] : memref<1000x32xf32, #tpu.memory_space<vmem>>, vector<1000x32xf32>
    %get3A_2 = arith.constant 0 : index
    %get3A_3 = arith.constant 0 : index
    %get3A_4 = vector.load %arg2[%get3A_2, %get3A_3] : memref<1000x32xf32, #tpu.memory_space<vmem>>, vector<1000x32xf32>
    %concatenate3A = tpu.concatenate %get3A_1, %get3A_4 in 1 : vector<1000x32xf32>, vector<1000x32xf32> -> vector<1000x64xf32>
    %get3A_5 = arith.constant 0 : index
    %get3A_6 = arith.constant 0 : index
    %get3A_7 = arith.constant 0 : index
    %get3A_8 = vector.load %arg4[%get3A_5, %get3A_6, %get3A_7] : memref<1x1x1000xf32, #tpu.memory_space<vmem>>, vector<1x1x1000xf32>
    %get3A_9 = vector.shape_cast %get3A_8 : vector<1x1x1000xf32> to vector<1000xf32>
    %max3A = arith.constant 1.000000e+00 : f32
    %max3A_10 = vector.broadcast %max3A : f32 to vector<1000xf32>
    %max3A_11 = arith.maximumf %get3A_9, %max3A_10 : vector<1000xf32>
    %rsqrt3A = math.rsqrt %max3A_11 : vector<1000xf32>
    %broadcast_in_dim3A = vector.shape_cast %rsqrt3A : vector<1000xf32> to vector<1000x1xf32>
    %get3A_12 = arith.constant 0 : index
    %get3A_13 = arith.constant 0 : index
    %get3A_14 = vector.load %arg5[%get3A_12, %get3A_13] : memref<1000x32xf32, #tpu.memory_space<vmem>>, vector<1000x32xf32>
    %get3A_15 = arith.constant 0 : index
    %get3A_16 = arith.constant 0 : index
    %get3A_17 = vector.load %arg6[%get3A_15, %get3A_16] : memref<1x32xf32, #tpu.memory_space<vmem>>, vector<1x32xf32>
    %broadcast_in_dim3A_18 = vector.shape_cast %get3A_17 : vector<1x32xf32> to vector<1x32xf32>
    %broadcast_in_dim3A_19 = vector.broadcast %broadcast_in_dim3A_18 : vector<1x32xf32> to vector<1000x32xf32>
    %concatenate3A_20 = tpu.concatenate %get3A_14, %broadcast_in_dim3A_19 in 1 : vector<1000x32xf32>, vector<1000x32xf32> -> vector<1000x64xf32>
    %get3A_21 = arith.constant 0 : index
    %get3A_22 = arith.constant 0 : index
    %get3A_23 = vector.load %arg7[%get3A_21, %get3A_22] : memref<64x64xf32, #tpu.memory_space<vmem>>, vector<64x64xf32>
    %get3A_24 = arith.constant 0 : index
    %get3A_25 = arith.constant 0 : index
    %get3A_26 = vector.load %arg8[%get3A_24, %get3A_25] : memref<1x64xf32, #tpu.memory_space<vmem>>, vector<1x64xf32>
    %get3A_27 = arith.constant 0 : index
    %get3A_28 = arith.constant 0 : index
    %get3A_29 = vector.load %arg9[%get3A_27, %get3A_28] : memref<1x64xf32, #tpu.memory_space<vmem>>, vector<1x64xf32>
    %mul3A = vector.broadcast %broadcast_in_dim3A : vector<1000x1xf32> to vector<1000x64xf32>
    %mul3A_30 = arith.mulf %concatenate3A, %mul3A : vector<1000x64xf32>
    %dot_general3A = arith.constant dense<0.000000e+00> : vector<1000x64xf32>
    %dot_general3A_31 = tpu.matmul %mul3A_30, %get3A_23, %dot_general3A {dimension_numbers = #tpu.dot_dimension_numbers<[1], [0], [0], [1], [0, 0, 1, 1], [], []>, transpose_lhs_hint = false} : vector<1000x64xf32>, vector<64x64xf32>, vector<1000x64xf32> -> vector<1000x64xf32>
    %add3A = vector.broadcast %get3A_26 : vector<1x64xf32> to vector<1000x64xf32>
    %add3A_32 = arith.addf %dot_general3A_31, %add3A : vector<1000x64xf32>
    %max3A_33 = arith.constant 0.000000e+00 : f32
    %max3A_34 = vector.broadcast %max3A_33 : f32 to vector<1000x64xf32>
    %max3A_35 = arith.maximumf %add3A_32, %max3A_34 : vector<1000x64xf32>
    %add3A_36 = arith.addf %concatenate3A_20, %max3A_35 : vector<1000x64xf32>
    %reduce_sum3A = arith.constant dense<0.000000e+00> : vector<1000xf32>
    %reduce_sum3A_37 = vector.multi_reduction <add>, %add3A_36, %reduce_sum3A [1] : vector<1000x64xf32> to vector<1000xf32>
    %broadcast_in_dim3A_38 = vector.shape_cast %reduce_sum3A_37 : vector<1000xf32> to vector<1000x1xf32>
    %div3A = arith.constant 6.400000e+01 : f32
    %div3A_39 = vector.broadcast %div3A : f32 to vector<1000x1xf32>
    %div3A_40 = arith.divf %broadcast_in_dim3A_38, %div3A_39 : vector<1000x1xf32>
    %sub3A = vector.broadcast %div3A_40 : vector<1000x1xf32> to vector<1000x64xf32>
    %sub3A_41 = arith.subf %add3A_36, %sub3A : vector<1000x64xf32>
    %mul3A_42 = arith.mulf %sub3A_41, %sub3A_41 : vector<1000x64xf32>
    %reduce_sum3A_43 = arith.constant dense<0.000000e+00> : vector<1000xf32>
    %reduce_sum3A_44 = vector.multi_reduction <add>, %mul3A_42, %reduce_sum3A_43 [1] : vector<1000x64xf32> to vector<1000xf32>
    %broadcast_in_dim3A_45 = vector.shape_cast %reduce_sum3A_44 : vector<1000xf32> to vector<1000x1xf32>
    %div3A_46 = arith.constant 6.400000e+01 : f32
    %div3A_47 = vector.broadcast %div3A_46 : f32 to vector<1000x1xf32>
    %div3A_48 = arith.divf %broadcast_in_dim3A_45, %div3A_47 : vector<1000x1xf32>
    %add3A_49 = arith.constant 1.000000e-03 : f32
    %add3A_50 = vector.broadcast %add3A_49 : f32 to vector<1000x1xf32>
    %add3A_51 = arith.addf %div3A_48, %add3A_50 : vector<1000x1xf32>
    %rsqrt3A_52 = math.rsqrt %add3A_51 : vector<1000x1xf32>
    %mul3A_53 = vector.broadcast %rsqrt3A_52 : vector<1000x1xf32> to vector<1000x64xf32>
    %mul3A_54 = arith.mulf %sub3A_41, %mul3A_53 : vector<1000x64xf32>
    %add3A_55 = vector.broadcast %get3A_29 : vector<1x64xf32> to vector<1000x64xf32>
    %add3A_56 = arith.addf %mul3A_54, %add3A_55 : vector<1000x64xf32>
    %swap3A = arith.constant 0 : index
    %swap3A_57 = arith.constant 0 : index
    %swap3A_58 = vector.load %arg10[%swap3A, %swap3A_57] : memref<1000x64xf32, #tpu.memory_space<vmem>>, vector<1000x64xf32>
    tpu.vector_store %arg10[%swap3A, %swap3A_57], %add3A_56 {strides = array<i32>} : memref<1000x64xf32, #tpu.memory_space<vmem>>, vector<1000x64xf32>,
    %get3A_59 = arith.constant 0 : index
    %get3A_60 = arith.constant 0 : index
    %get3A_61 = arith.constant 0 : index
    %get3A_62 = vector.load %arg3[%get3A_59, %get3A_60, %get3A_61] : memref<1x1x1000xf32, #tpu.memory_space<vmem>>, vector<1x1x1000xf32>
    %get3A_63 = vector.shape_cast %get3A_62 : vector<1x1x1000xf32> to vector<1000xf32>
    %max3A_64 = arith.constant 1.000000e+00 : f32
    %max3A_65 = vector.broadcast %max3A_64 : f32 to vector<1000xf32>
    %max3A_66 = arith.maximumf %get3A_63, %max3A_65 : vector<1000xf32>
    %rsqrt3A_67 = math.rsqrt %max3A_66 : vector<1000xf32>
    %broadcast_in_dim3A_68 = vector.shape_cast %rsqrt3A_67 : vector<1000xf32> to vector<1000x1xf32>
    %slice3A = vector.extract_strided_slice %add3A_56 {offsets = [0, 0], sizes = [1000, 32], strides = [1, 1]} : vector<1000x64xf32> to vector<1000x32xf32>
    %mul3A_69 = vector.broadcast %broadcast_in_dim3A_68 : vector<1000x1xf32> to vector<1000x32xf32>
    %mul3A_70 = arith.mulf %slice3A, %mul3A_69 : vector<1000x32xf32>
    %swap3A_71 = arith.constant 0 : index
    %swap3A_72 = arith.constant 0 : index
    %swap3A_73 = vector.load %arg11[%swap3A_71, %swap3A_72] : memref<1000x32xf32, #tpu.memory_space<vmem>>, vector<1000x32xf32>
    tpu.vector_store %arg11[%swap3A_71, %swap3A_72], %mul3A_70 {strides = array<i32>} : memref<1000x32xf32, #tpu.memory_space<vmem>>, vector<1000x32xf32>,
    %slice3A_74 = vector.extract_strided_slice %add3A_56 {offsets = [0, 32], sizes = [1000, 32], strides = [1, 1]} : vector<1000x64xf32> to vector<1000x32xf32>
    %mul3A_75 = vector.broadcast %broadcast_in_dim3A_68 : vector<1000x1xf32> to vector<1000x32xf32>
    %mul3A_76 = arith.mulf %slice3A_74, %mul3A_75 : vector<1000x32xf32>
    %swap3A_77 = arith.constant 0 : index
    %swap3A_78 = arith.constant 0 : index
    %swap3A_79 = vector.load %arg12[%swap3A_77, %swap3A_78] : memref<1000x32xf32, #tpu.memory_space<vmem>>, vector<1000x32xf32>
    tpu.vector_store %arg12[%swap3A_77, %swap3A_78], %mul3A_76 {strides = array<i32>} : memref<1000x32xf32, #tpu.memory_space<vmem>>, vector<1000x32xf32>,
    return
  }
  func.func @transform_0(%arg0: i32) -> (i32, i32) {
    %c0_i32 = arith.constant 0 : i32
    %c0_i32_0 = arith.constant 0 : i32
    return %arg0, %c0_i32 : i32, i32
  }
  func.func @transform_1(%arg0: i32) -> (i32, i32) {
    %c0_i32 = arith.constant 0 : i32
    %c0_i32_0 = arith.constant 0 : i32
    return %arg0, %c0_i32 : i32, i32
  }
  func.func @transform_2(%arg0: i32) -> (i32, i32, i32) {
    %c0_i32 = arith.constant 0 : i32
    %c0_i32_0 = arith.constant 0 : i32
    %c0_i32_1 = arith.constant 0 : i32
    return %arg0, %c0_i32, %c0_i32_0 : i32, i32, i32
  }
  func.func @transform_3(%arg0: i32) -> (i32, i32, i32) {
    %add3A = arith.constant 50 : i32
    %add3A_0 = arith.addi %add3A, %arg0 : i32
    %c0_i32 = arith.constant 0 : i32
    %c0_i32_1 = arith.constant 0 : i32
    %c0_i32_2 = arith.constant 0 : i32
    return %add3A_0, %c0_i32, %c0_i32_1 : i32, i32, i32
  }
  func.func @transform_4(%arg0: i32) -> (i32, i32) {
    %c0_i32 = arith.constant 0 : i32
    %c0_i32_0 = arith.constant 0 : i32
    return %arg0, %c0_i32 : i32, i32
  }
  func.func @transform_5(%arg0: i32) -> (i32, i32) {
    %c0_i32 = arith.constant 0 : i32
    %c0_i32_0 = arith.constant 0 : i32
    %c0_i32_1 = arith.constant 0 : i32
    return %c0_i32, %c0_i32_0 : i32, i32
  }
  func.func @transform_6(%arg0: i32) -> (i32, i32) {
    %c0_i32 = arith.constant 0 : i32
    %c0_i32_0 = arith.constant 0 : i32
    %c0_i32_1 = arith.constant 0 : i32
    return %c0_i32, %c0_i32_0 : i32, i32
  }
  func.func @transform_7(%arg0: i32) -> (i32, i32) {
    %c0_i32 = arith.constant 0 : i32
    %c0_i32_0 = arith.constant 0 : i32
    %c0_i32_1 = arith.constant 0 : i32
    return %c0_i32, %c0_i32_0 : i32, i32
  }
  func.func @transform_8(%arg0: i32) -> (i32, i32) {
    %c0_i32 = arith.constant 0 : i32
    %c0_i32_0 = arith.constant 0 : i32
    %c0_i32_1 = arith.constant 0 : i32
    return %c0_i32, %c0_i32_0 : i32, i32
  }
  func.func @transform_9(%arg0: i32) -> (i32, i32) {
    %c0_i32 = arith.constant 0 : i32
    %c0_i32_0 = arith.constant 0 : i32
    return %arg0, %c0_i32 : i32, i32
  }
  func.func @transform_10(%arg0: i32) -> (i32, i32) {
    %c0_i32 = arith.constant 0 : i32
    %c0_i32_0 = arith.constant 0 : i32
    return %arg0, %c0_i32 : i32, i32
  }
  func.func @transform_11(%arg0: i32) -> (i32, i32) {
    %c0_i32 = arith.constant 0 : i32
    %c0_i32_0 = arith.constant 0 : i32
    return %arg0, %c0_i32 : i32, i32
  }
}

module attributes {stable_mosaic.version = 14 : i64} {
  func.func @_dense2_body(%arg0: i32, %arg1: memref<1000x32xf32, #tpu.memory_space<vmem>>, %arg2: memref<1000x32xf32, #tpu.memory_space<vmem>>, %arg3: memref<1x1x1000xf32, #tpu.memory_space<vmem>>, %arg4: memref<1000x64xf32, #tpu.memory_space<vmem>>, %arg5: memref<64x64xf32, #tpu.memory_space<vmem>>, %arg6: memref<1x64xf32, #tpu.memory_space<vmem>>, %arg7: memref<1x64xf32, #tpu.memory_space<vmem>>, %arg8: memref<1000x64xf32, #tpu.memory_space<vmem>>) attributes {dimension_semantics = [#tpu.dimension_semantics<arbitrary>], iteration_bounds = array<i64: 50>, scalar_prefetch = 0 : i64, scratch_operands = 0 : i64, tpu.core_type = #tpu.core_type<tc>, window_params = [{transform_indices = @transform_0, window_bounds = array<i64: 1000, 32>}, {transform_indices = @transform_1, window_bounds = array<i64: 1000, 32>}, {transform_indices = @transform_2, window_bounds = array<i64: 1, 1, 1000>}, {transform_indices = @transform_3, window_bounds = array<i64: 1000, 64>}, {pipeline_mode = #tpu.pipeline_mode<synchronous>, transform_indices = @transform_4, window_bounds = array<i64: 64, 64>}, {pipeline_mode = #tpu.pipeline_mode<synchronous>, transform_indices = @transform_5, window_bounds = array<i64: 1, 64>}, {pipeline_mode = #tpu.pipeline_mode<synchronous>, transform_indices = @transform_6, window_bounds = array<i64: 1, 64>}, {transform_indices = @transform_7, window_bounds = array<i64: 1000, 64>}]} {
    %get3A = arith.constant 0 : index
    %get3A_0 = arith.constant 0 : index
    %get3A_1 = vector.load %arg1[%get3A, %get3A_0] : memref<1000x32xf32, #tpu.memory_space<vmem>>, vector<1000x32xf32>
    %get3A_2 = arith.constant 0 : index
    %get3A_3 = arith.constant 0 : index
    %get3A_4 = vector.load %arg2[%get3A_2, %get3A_3] : memref<1000x32xf32, #tpu.memory_space<vmem>>, vector<1000x32xf32>
    %concatenate3A = tpu.concatenate %get3A_1, %get3A_4 in 1 : vector<1000x32xf32>, vector<1000x32xf32> -> vector<1000x64xf32>
    %get3A_5 = arith.constant 0 : index
    %get3A_6 = arith.constant 0 : index
    %get3A_7 = arith.constant 0 : index
    %get3A_8 = vector.load %arg3[%get3A_5, %get3A_6, %get3A_7] : memref<1x1x1000xf32, #tpu.memory_space<vmem>>, vector<1x1x1000xf32>
    %get3A_9 = vector.shape_cast %get3A_8 : vector<1x1x1000xf32> to vector<1000xf32>
    %max3A = arith.constant 1.000000e+00 : f32
    %max3A_10 = vector.broadcast %max3A : f32 to vector<1000xf32>
    %max3A_11 = arith.maximumf %get3A_9, %max3A_10 : vector<1000xf32>
    %rsqrt3A = math.rsqrt %max3A_11 : vector<1000xf32>
    %broadcast_in_dim3A = vector.shape_cast %rsqrt3A : vector<1000xf32> to vector<1000x1xf32>
    %get3A_12 = arith.constant 0 : index
    %get3A_13 = arith.constant 0 : index
    %get3A_14 = vector.load %arg4[%get3A_12, %get3A_13] : memref<1000x64xf32, #tpu.memory_space<vmem>>, vector<1000x64xf32>
    %get3A_15 = arith.constant 0 : index
    %get3A_16 = arith.constant 0 : index
    %get3A_17 = vector.load %arg5[%get3A_15, %get3A_16] : memref<64x64xf32, #tpu.memory_space<vmem>>, vector<64x64xf32>
    %get3A_18 = arith.constant 0 : index
    %get3A_19 = arith.constant 0 : index
    %get3A_20 = vector.load %arg6[%get3A_18, %get3A_19] : memref<1x64xf32, #tpu.memory_space<vmem>>, vector<1x64xf32>
    %get3A_21 = arith.constant 0 : index
    %get3A_22 = arith.constant 0 : index
    %get3A_23 = vector.load %arg7[%get3A_21, %get3A_22] : memref<1x64xf32, #tpu.memory_space<vmem>>, vector<1x64xf32>
    %mul3A = vector.broadcast %broadcast_in_dim3A : vector<1000x1xf32> to vector<1000x64xf32>
    %mul3A_24 = arith.mulf %concatenate3A, %mul3A : vector<1000x64xf32>
    %dot_general3A = arith.constant dense<0.000000e+00> : vector<1000x64xf32>
    %dot_general3A_25 = tpu.matmul %mul3A_24, %get3A_17, %dot_general3A {dimension_numbers = #tpu.dot_dimension_numbers<[1], [0], [0], [1], [0, 0, 1, 1], [], []>, transpose_lhs_hint = false} : vector<1000x64xf32>, vector<64x64xf32>, vector<1000x64xf32> -> vector<1000x64xf32>
    %add3A = vector.broadcast %get3A_20 : vector<1x64xf32> to vector<1000x64xf32>
    %add3A_26 = arith.addf %dot_general3A_25, %add3A : vector<1000x64xf32>
    %max3A_27 = arith.constant 0.000000e+00 : f32
    %max3A_28 = vector.broadcast %max3A_27 : f32 to vector<1000x64xf32>
    %max3A_29 = arith.maximumf %add3A_26, %max3A_28 : vector<1000x64xf32>
    %add3A_30 = arith.addf %get3A_14, %max3A_29 : vector<1000x64xf32>
    %reduce_sum3A = arith.constant dense<0.000000e+00> : vector<1000xf32>
    %reduce_sum3A_31 = vector.multi_reduction <add>, %add3A_30, %reduce_sum3A [1] : vector<1000x64xf32> to vector<1000xf32>
    %broadcast_in_dim3A_32 = vector.shape_cast %reduce_sum3A_31 : vector<1000xf32> to vector<1000x1xf32>
    %div3A = arith.constant 6.400000e+01 : f32
    %div3A_33 = vector.broadcast %div3A : f32 to vector<1000x1xf32>
    %div3A_34 = arith.divf %broadcast_in_dim3A_32, %div3A_33 : vector<1000x1xf32>
    %sub3A = vector.broadcast %div3A_34 : vector<1000x1xf32> to vector<1000x64xf32>
    %sub3A_35 = arith.subf %add3A_30, %sub3A : vector<1000x64xf32>
    %mul3A_36 = arith.mulf %sub3A_35, %sub3A_35 : vector<1000x64xf32>
    %reduce_sum3A_37 = arith.constant dense<0.000000e+00> : vector<1000xf32>
    %reduce_sum3A_38 = vector.multi_reduction <add>, %mul3A_36, %reduce_sum3A_37 [1] : vector<1000x64xf32> to vector<1000xf32>
    %broadcast_in_dim3A_39 = vector.shape_cast %reduce_sum3A_38 : vector<1000xf32> to vector<1000x1xf32>
    %div3A_40 = arith.constant 6.400000e+01 : f32
    %div3A_41 = vector.broadcast %div3A_40 : f32 to vector<1000x1xf32>
    %div3A_42 = arith.divf %broadcast_in_dim3A_39, %div3A_41 : vector<1000x1xf32>
    %add3A_43 = arith.constant 1.000000e-03 : f32
    %add3A_44 = vector.broadcast %add3A_43 : f32 to vector<1000x1xf32>
    %add3A_45 = arith.addf %div3A_42, %add3A_44 : vector<1000x1xf32>
    %rsqrt3A_46 = math.rsqrt %add3A_45 : vector<1000x1xf32>
    %mul3A_47 = vector.broadcast %rsqrt3A_46 : vector<1000x1xf32> to vector<1000x64xf32>
    %mul3A_48 = arith.mulf %sub3A_35, %mul3A_47 : vector<1000x64xf32>
    %add3A_49 = vector.broadcast %get3A_23 : vector<1x64xf32> to vector<1000x64xf32>
    %add3A_50 = arith.addf %mul3A_48, %add3A_49 : vector<1000x64xf32>
    %swap3A = arith.constant 0 : index
    %swap3A_51 = arith.constant 0 : index
    %swap3A_52 = vector.load %arg8[%swap3A, %swap3A_51] : memref<1000x64xf32, #tpu.memory_space<vmem>>, vector<1000x64xf32>
    tpu.vector_store %arg8[%swap3A, %swap3A_51], %add3A_50 {strides = array<i32>} : memref<1000x64xf32, #tpu.memory_space<vmem>>, vector<1000x64xf32>,
    return
  }
  func.func @transform_0(%arg0: i32) -> (i32, i32) {
    %c0_i32 = arith.constant 0 : i32
    %c0_i32_0 = arith.constant 0 : i32
    return %arg0, %c0_i32 : i32, i32
  }
  func.func @transform_1(%arg0: i32) -> (i32, i32) {
    %c0_i32 = arith.constant 0 : i32
    %c0_i32_0 = arith.constant 0 : i32
    return %arg0, %c0_i32 : i32, i32
  }
  func.func @transform_2(%arg0: i32) -> (i32, i32, i32) {
    %add3A = arith.constant 50 : i32
    %add3A_0 = arith.addi %add3A, %arg0 : i32
    %c0_i32 = arith.constant 0 : i32
    %c0_i32_1 = arith.constant 0 : i32
    %c0_i32_2 = arith.constant 0 : i32
    return %add3A_0, %c0_i32, %c0_i32_1 : i32, i32, i32
  }
  func.func @transform_3(%arg0: i32) -> (i32, i32) {
    %c0_i32 = arith.constant 0 : i32
    %c0_i32_0 = arith.constant 0 : i32
    return %arg0, %c0_i32 : i32, i32
  }
  func.func @transform_4(%arg0: i32) -> (i32, i32) {
    %c0_i32 = arith.constant 0 : i32
    %c0_i32_0 = arith.constant 0 : i32
    %c0_i32_1 = arith.constant 0 : i32
    return %c0_i32, %c0_i32_0 : i32, i32
  }
  func.func @transform_5(%arg0: i32) -> (i32, i32) {
    %c0_i32 = arith.constant 0 : i32
    %c0_i32_0 = arith.constant 0 : i32
    %c0_i32_1 = arith.constant 0 : i32
    return %c0_i32, %c0_i32_0 : i32, i32
  }
  func.func @transform_6(%arg0: i32) -> (i32, i32) {
    %c0_i32 = arith.constant 0 : i32
    %c0_i32_0 = arith.constant 0 : i32
    %c0_i32_1 = arith.constant 0 : i32
    return %c0_i32, %c0_i32_0 : i32, i32
  }
  func.func @transform_7(%arg0: i32) -> (i32, i32) {
    %c0_i32 = arith.constant 0 : i32
    %c0_i32_0 = arith.constant 0 : i32
    return %arg0, %c0_i32 : i32, i32
  }
}

</mosaic_0001>

<sc_bundles>
// kernel: kernel.11.cloned.1.call-start
scs
__scs_entry_jumppad:
0x0: {  	(pc) =	sbr.rel $0x88, $3  }
0x1: {  	(tag) =	ssettag $0x0;
	lr =	simm.s32 $0x1  }
0x2: {  	[smem:$0x3F98] =	sst lr;
	_ =	strace $0xD0000000  }
0x3: {  	_ = 	snop  }
0x4: {  	_ = 	snop  }
0x5: {  	_ = 	snop  }
0x6: {  	_ = 	snop  }
0x7: {  	_ = 	snop  }
__scs_overlays_trampoline_lowered:
0x8: {  	[smem:$0x3FA7] =	sst s0  }
0x9: {  	[smem:$0x3FA8] =	sst s1  }
0xa: {  	[smem:$0x3FA9] =	sst s2  }
0xb: {  	[smem:$0x3FAA] =	sst s3  }
0xc: {  	[smem:$0x3FAB] =	sst s4  }
0xd: {  	[smem:$0x3FAC] =	sst s5  }
0xe: {  	[smem:$0x3FAD] =	sst s6  }
0xf: {  	[smem:$0x3FAE] =	sst s7  }
0x10: {  	[smem:$0x3FAF] =	sst s8  }
0x11: {  	[smem:$0x3FB0] =	sst s9;
	s0 =	simm.s32 @!p0 $0x0  }
0x12: {  	s1 =	sld [smem:$0x3F96];
	s0 =	simm.s32 @p0 $0x1  }
0x13: {  	[smem:$0x3FB1] =	sst s0;
	s0 =	simm.s32 @!p1 $0x0  }
0x14: {  	s2 =	sld [smem:$0x3F95];
	s0 =	simm.s32 @p1 $0x1  }
0x15: {  	[smem:$0x3FB2] =	sst s0;
	s0 =	simm.s32 @!p2 $0x0  }
0x16: {  	s3 =	sld [smem:$0x3FDB];
	s0 =	simm.s32 @p2 $0x1  }
0x17: {  	s4 =	simm.s32 $0x1BF5;
	[smem:$0x3FB4] =	sst s0  }
0x18: {  	s0 =	sld [smem:$0x3F97];
	_ =	swait.ge [sflag:s4], $0x0  }
0x19: {  	s7 =	sld [smem:$0x3F98]  }
0x1a: {  	s8 =	sadd.s32 $0xFFFFE003, lr  }
0x1b: {  	s9 =	sadd.s32 $0xFFFFFEF7, lr;
	s5 =	simm.s32 $0xFFFFFFFF;
	p2 =	slt.u32 s8, $0xFFFFF086  }
0x1c: {  	p1 =	slt.u32 s9, $0xF7A;
	s5 =	simm.s32 @!p2 $0x0  }
0x1d: {  	s5 =	simm.s32 @p1 $0x1;
	p0 =	seq.s32 s7, s2  }
0x1e: {  	s7 =	smul.u32 @!p0 $0xF7A, s2;
	p2 =	seq.s32 @!p0 s5, $0x0  }
0x1f: {  	s9 =	smul.u32 $0xF7A, s1;
	s8 =	simm.s32 @!p0 $0x1BF5;
	p2 =	por !p2, p0  }
0x20: {  	[sflag:s8] =	ssyncset.s32 @!p0 $0xFFFFF086;
	s6 =	sadd.s32 @!p0 s3, s7;
	s7 =	simm.s32 @!p0 $0x108  }
0x21: {  	s3 =	sadd.s32 s3, s9;
	s6 =	sadd.s32 @!p0 $0x88, s6;
	s7 =	simm.s32 @p2 $0x1082  }
0x22: {  	[simem:s7], [sflag:s8] =	dma.local @!p0 [hbm:s6], $0xF7A  }
0x23: {  	s9 =	sor.u32 $0xD0000000, s2;
	s6 =	simm.s32 $0x108;
	_ =	swait.ge @!p0 [sflag:s8], $0x0  }
0x24: {  	s3 =	sadd.s32 $0x88, s3;
	s6 =	simm.s32 @!p1 $0x1082;
	[sflag:s4] =	ssyncset.s32 $0xFFFFF086  }
0x25: {  	[simem:s6], [sflag:s4] =	dma.local [hbm:s3], $0xF7A  }
0x26: {  	[smem:$0x3F98] =	sst s1;
	(tag) =	ssettag s2;
	_ =	strace s9  }
0x27: {  	s1 =	sld [smem:$0x3FA8]  }
0x28: {  	s2 =	sld [smem:$0x3FA9]  }
0x29: {  	s4 =	sld [smem:$0x3FAB]  }
0x2a: {  	p0 =	seq.s32 s5, $0x0;
	s5 =	sld [smem:$0x3FAC]  }
0x2b: {  	s6 =	sld [smem:$0x3FAD]  }
0x2c: {  	s7 =	sld [smem:$0x3FAE]  }
0x2d: {  	s3 =	simm.s32 $0x108;
	s8 =	sld [smem:$0x3FAF]  }
0x2e: {  	s3 =	simm.s32 @!p0 $0x1082;
	s9 =	sld [smem:$0x3FB0]  }
0x2f: {  	lr =	sadd.s32 s0, s3;
	s0 =	sld [smem:$0x3FA7]  }
0x30: {  	s3 =	sld [smem:$0x3FAA]  }
0x31: {  	[smem:$0x3FB3] =	sst s10  }
0x32: {  	s10 =	sld [smem:$0x3FB1];
	_ =	sdelay $0x3  }
0x33: {  	p0 =	seq.s32 s10, $0x1;
	s10 =	sld [smem:$0x3FB3];
	_ =	sdelay $0x3  }
0x34: {  	[smem:$0x3FB3] =	sst s10  }
0x35: {  	s10 =	sld [smem:$0x3FB2];
	_ =	sdelay $0x3  }
0x36: {  	p1 =	seq.s32 s10, $0x1;
	s10 =	sld [smem:$0x3FB3];
	_ =	sdelay $0x3  }
0x37: {  	[smem:$0x3FB3] =	sst s10  }
0x38: {  	s10 =	sld [smem:$0x3FB4]  }
0x39: {  	_ = 	snop;
	(pc) =	sbr.ind lr, $3  }
0x3a: {  	_ = 	snop  }
0x3b: {  	_ = 	snop  }
0x3c: {  	p2 =	seq.s32 s10, $0x1;
	s10 =	sld [smem:$0x3FB3]  }
0x3d: {  	_ =	shalt  }
0x3e: {  	_ =	shalt  }
0x3f: {  	_ =	shalt  }
0x40: {  	_ =	shalt  }
0x41: {  	_ =	shalt  }
0x42: {  	_ =	shalt  }
0x43: {  	_ =	shalt  }
0x44: {  	_ =	shalt  }
0x45: {  	_ =	shalt  }
0x46: {  	_ =	shalt  }
0x47: {  	_ =	shalt  }
0x48: {  	_ =	shalt  }
0x49: {  	_ =	shalt  }
0x4a: {  	_ =	shalt  }
0x4b: {  	_ =	shalt  }
0x4c: {  	_ =	shalt  }
0x4d: {  	_ =	shalt  }
0x4e: {  	_ =	shalt  }
0x4f: {  	_ =	shalt  }
0x50: {  	_ =	shalt  }
0x51: {  	_ =	shalt  }
0x52: {  	_ =	shalt  }
0x53: {  	_ =	shalt  }
0x54: {  	_ =	shalt  }
0x55: {  	_ =	shalt  }
0x56: {  	_ =	shalt  }
0x57: {  	_ =	shalt  }
0x58: {  	_ =	shalt  }
0x59: {  	_ =	shalt  }
0x5a: {  	_ =	shalt  }
0x5b: {  	_ =	shalt  }
0x5c: {  	_ =	shalt  }
0x5d: {  	_ =	shalt  }
0x5e: {  	_ =	shalt  }
0x5f: {  	_ =	shalt  }
0x60: {  	_ =	shalt  }
0x61: {  	_ =	shalt  }
0x62: {  	_ =	shalt  }
0x63: {  	_ =	shalt  }
0x64: {  	_ =	shalt  }
0x65: {  	_ =	shalt  }
0x66: {  	_ =	shalt  }
0x67: {  	_ =	shalt  }
0x68: {  	_ =	shalt  }
0x69: {  	_ =	shalt  }
0x6a: {  	_ =	shalt  }
0x6b: {  	_ =	shalt  }
0x6c: {  	_ =	shalt  }
0x6d: {  	_ =	shalt  }
0x6e: {  	_ =	shalt  }
0x6f: {  	_ =	shalt  }
0x70: {  	_ =	shalt  }
0x71: {  	_ =	shalt  }
0x72: {  	_ =	shalt  }
0x73: {  	_ =	shalt  }
0x74: {  	_ =	shalt  }
0x75: {  	_ =	shalt  }
0x76: {  	_ =	shalt  }
0x77: {  	_ =	shalt  }
0x78: {  	_ =	shalt  }
0x79: {  	_ =	shalt  }
0x7a: {  	_ =	shalt  }
0x7b: {  	_ =	shalt  }
0x7c: {  	_ =	shalt  }
0x7d: {  	_ =	shalt  }
0x7e: {  	_ =	shalt  }
0x7f: {  	_ =	shalt  }
0x80: {  	_ =	shalt  }
0x81: {  	_ =	shalt  }
0x82: {  	_ =	shalt  }
0x83: {  	_ =	shalt  }
0x84: {  	_ =	shalt  }
0x85: {  	_ =	shalt  }
0x86: {  	_ =	shalt  }
0x87: {  	_ =	shalt  }
.Lfunc_end0:
.L_simem_size_0:
called_computation.1_lowered:
.L_overlay_start_0:
0x88: {  	s2 =	sld [smem:$0x3FD9]  }
0x89: {  	s3 =	sld [smem:$0x3FFE];
	_ =	sdelay $0x1  }
0x8a: {  	s1 =	srdreg.scid  }
0x8b: {  	s0 =	sand.u32 $0x1, s1  }
0x8c: {  	s17 =	sshll.u32 s0, $0xA;
	s2 =	sadd.s32 s3, s2  }
0x8d: {  	s2 =	sadd.s32 s2, s17  }
0x8e: {  	[smem:$0x3FBF] =	sst s2  }
0x8f: {  	_ = 	snop  }
0x90: {  	s2 =	sld [smem:$0x3FD0];
	(tm) =	ssettm $0x1  }
0x91: {  	s18 =	sld [smem:$0x3FFB];
	_ =	sdelay $0x3  }
0x92: {  	_ =	strace s18  }
0x93: {  	s3 =	sld [smem:$0x3FFC];
	_ =	sdelay $0x3  }
0x94: {  	_ =	strace s3  }
0x95: {  	s3 =	sld [smem:$0x3FFD];
	_ =	sdelay $0x3  }
0x96: {  	_ =	strace s3  }
0x97: {  	_ =	strace $0x8FFFFFFF  }
0x98: {  	s19 =	sld [smem:$0x3FDB];
	_ =	sdelay $0x1  }
0x99: {  	s4 =	simm.s32 $_scs_section_size  }
0x9a: {  	s5 =	simm.s32 $_size__tile_overlayer_lowered;
	s6 =	simm.s32 $_tile_overlayer_lowered  }
0x9b: {  	s22 =	simm.s32 $0x1BFF;
	s21 =	sshll.u32 s6, $0x1;
	s3 =	sadd.s32 s4, s19  }
0x9c: {  	s7 =	simm.s32 $0x0;
	s20 =	sshll.u32 s5, $0x1;
	s5 =	sadd.s32 s21, s3  }
0x9d: {  	[timem:s7], [sflag:s22] =	dma.local [hbm:s5], s20  }
0x9e: {  	_ =	swait.ge [sflag:s22], s20  }
0x9f: {  	s4 =	ssub.s32 $0x0, s20;
	[sflag:s22] =	ssyncset.done $0x0  }
0xa0: {  	[sflag:s22] =	ssyncadd.s32 s4;
	_ =	sdelay $0x1  }
0xa1: {  	s23 =	simm.s32 $0x1B8B  }
0xa2: {  	_ =	swait.ge [sflag:s23], $0x1  }
0xa3: {  	[sflag:s23] =	ssyncset.done $0x0  }
0xa4: {  	s25 =	simm.s32 $0x1B8E;
	s24 =	sld [smem:$0x3FFE];
	[sflag:s23] =	ssyncadd.s32 $0xFFFFFFFF  }
0xa5: {  	s26 =	simm.s32 $execute0_lowered;
	[smem:$0x3FD2] =	sst s25  }
0xa6: {  	s5 =	sshll.u32 s26, $0x1;
	_ =	strace $0x80000049;
	[dreg:$0x1] =	wrdreg $0xFFFFFFFF  }
0xa7: {  	s28 =	simm.s32 $_size_execute0_lowered;
	s3 =	sadd.s32 s3, s5;
	[dreg:$0x0] =	wrdreg $0x0  }
0xa8: {  	s5 =	sshll.u32 s28, $0x1;
	[dreg:$0x2] =	wrdreg s3  }
0xa9: {  	[dreg:$0x3] =	wrdreg s5  }
0xaa: {  	[dreg:$0x4] =	wrdreg $0xC0  }
0xab: {  	_ =	task [dreg:s7], $0x5FFFF  }
0xac: {  	[dreg:$0x1] =	wrdreg $0xFFFFFFFF  }
0xad: {  	[dreg:$0x0] =	wrdreg $0x60  }
0xae: {  	[dreg:$0x2] =	wrdreg s24  }
0xaf: {  	[dreg:$0x3] =	wrdreg s2  }
0xb0: {  	[dreg:$0x4] =	wrdreg $0x0  }
0xb1: {  	[dreg:$0x5] =	wrdreg $0x9  }
0xb2: {  	_ =	task.clear_ibuf [dreg:s7], $0x6FFFF;
	_ =	strace $0x90000049  }
0xb3: {  	s29 =	simm.s32 $0x9;
	_ =	strace $0x8000004B  }
0xb4: {  	_ =	swait.ge [sflag:s29], $0x1  }
0xb5: {  	[sflag:s29] =	ssyncadd.s32 $0xFFFFFFFF  }
0xb6: {  	_ =	strace $0x9000004B  }
0xb7: {  	_ =	sfence  }
0xb8: {  	s30 =	sld [smem:$0x0];
	_ =	sdelay $0x2  }
0xb9: {  	s31 =	sshll.u32 s1, $0xD;
	s1 =	sshrl.u32 s1, $0x2  }
0xba: {  	s3 =	sand.u32 $0x4000, s31;
	s1 =	sadd.s32 s1, s30  }
0xbb: {  	s0 =	sor.u32 s3, s0;
	s1 =	sshll.u32 s1, $0x11  }
0xbc: {  	s0 =	sor.u32 s1, s0  }
0xbd: {  	s0 =	sadd.s32 $0x8F2B, s0  }
0xbe: {  	[sflag:s0] =	ssyncadd.remote.s32 $0x1  }
0xbf: {  	_ =	sfence.sel $0xFFFF  }
0xc0: {  	[dreg:$0x0] =	wrdreg $0xFFFFFFFF;
	(pc) =	sbr.abs _section_cstart, $3  }
0xc1: {  	[dreg:$0x1] =	wrdreg $0xFFFFFFFF  }
0xc2: {  	_ =	task.clear_ibuf [dreg:s7], $0x2FFFF;
	_ =	strace $0x9FFFFFFF  }
0xc3: {  	(tm) =	ssettm $0x7FFFFFFF  }
tec
execute0_lowered:
.L_overlay_start_1:
0x0: {  	(tag) =	ssettag $0x1  }
0x1: {  	s0 =	rddreg [dreg:$0x0]  }
0x2: {  	s16 =	rddreg [dreg:$0x1]  }
0x3: {  	s3 =	rddreg [dreg:$0x2];
	s2 =	stileid.u32  }
0x4: {  	s4 =	simm.s32 $0x0;
	s5 =	srdreg.scid;
	s1 =	smul.u32 $0x19000, s2  }
0x5: {  	s30 =	simm.s32 $0x19320;
	s28 =	simm.s32 $0x8;
	s6 =	smul.u32 $0x64000, s2  }
0x6: {  	[smem:$0x7FF] =	sst s4;
	s5 =	sand.u32 $0x1, s5;
	s29 =	smul.u32 $0xC350, s2  }
0x7: {  	s19 =	sadd.s32 $0x177000, s3;
	s12 =	sadd.s32 $0x180600, s3;
	p0 =	seq.s32 s2, $0xF  }
0x8: {  	_ =	strace $0x8000004A;
	s8 =	ssub.s32 $0x2, s5;
	p1 =	seq.s32 s5, $0x0  }
0x9: {  	p2 =	sne.s32 @p0 s5, $0x0;
	p4 =	sne.s32 @!p0 s5, $0x0;
	[dreg:$0xc] =	wrdreg s19  }
0xa: {  	s7 =	sshrl.u32 s1, $0x3;
	s6 =	sshrl.u32 s6, $0x2;
	s9 =	sshrl.u32 s8, $0x1  }
0xb: {  	s31 =	sshrl.u32 s29, $0x3;
	s1 =	sadd.s32 s1, s3;
	p3 =	por !p4, p0  }
0xc: {  	p4 =	por p4, p0;
	s7 =	sadd.s32 s7, s0;
	s11 =	sadd.s32 s6, s3  }
0xd: {  	s24 =	ssub.s32 s8, s9;
	s8 =	sadd.s32 $0x17A200, s3;
	s20 =	sadd.s32 s16, s31  }
0xe: {  	s9 =	sadd.s32 $0x183800, s3;
	[dreg:$0x11] =	wrdreg s1;
	s1 =	simm.s32 $0x250A00  }
0xf: {  	s6 =	simm.s32 $0x18830;
	s25 =	sadd.s32 $0x3200, s11;
	s26 =	sadd.s32 $0x6400, s11  }
0x10: {  	s13 =	sadd.s32 $0x9600, s11;
	s14 =	sadd.s32 $0xC800, s11;
	[dreg:$0x4] =	wrdreg s11  }
0x11: {  	s15 =	sadd.s32 $0xFA00, s11;
	s17 =	sadd.s32 $0x12C00, s11;
	[dreg:$0xd] =	wrdreg s20  }
0x12: {  	s18 =	sadd.s32 $0x15E00, s11;
	s11 =	sadd.s32 $0x17D400, s3;
	[dreg:$0x5] =	wrdreg s25  }
0x13: {  	s21 =	sadd.s32 $0x186A0, s20;
	s10 =	sadd.s32 $0x32, s20;
	[dreg:$0x6] =	wrdreg s26  }
0x14: {  	s1 =	simm.s32 @!p1 $0xC9E00;
	s23 =	smax.u32 s24, $0x1;
	[dreg:$0xe] =	wrdreg s21  }
0x15: {  	p1 =	por !p2, !p0;
	p2 =	por p2, !p0;
	[dreg:$0xf] =	wrdreg s10  }
0x16: {  	s24 =	sadd.s32 $0x186D2, s20;
	s31 =	sadd.s32 $0x18704, s20;
	[dreg:$0x15] =	wrdreg s23  }
0x17: {  	s14 =	smov.u32 @p0 s8;
	s15 =	smov.u32 @p0 s11;
	[dreg:$0x16] =	wrdreg s24  }
0x18: {  	s17 =	smov.u32 @p0 s12;
	s18 =	smov.u32 @p0 s9;
	[dreg:$0x18] =	wrdreg s31  }
0x19: {  	s21 =	smul.u32 $0x186A, s2;
	s22 =	sadd.s32 s1, s0;
	[dreg:$0x8] =	wrdreg s14  }
0x1a: {  	s13 =	smov.u32 @p0 s19;
	s26 =	sadd.s32 $0x64, s20;
	[dreg:$0x9] =	wrdreg s15  }
0x1b: {  	s10 =	simm.s32 $0x18CE0;
	s1 =	simm.s32 $0x5;
	[dreg:$0xa] =	wrdreg s17  }
0x1c: {  	s20 =	simm.s32 $0x190;
	s23 =	simm.s32 $0x19190;
	[dreg:$0xb] =	wrdreg s18  }
0x1d: {  	s8 =	simm.s32 $0x6;
	s24 =	simm.s32 $0x1C520;
	[dreg:$0x7] =	wrdreg s13  }
0x1e: {  	s9 =	simm.s32 $0x1;
	s14 =	sadd.s32 $0xFAC00, s7;
	[dreg:$0x17] =	wrdreg s26  }
0x1f: {  	s11 =	simm.s32 $0x3;
	s15 =	sadd.s32 $0x12BA00, s7;
	[dreg:$0x10] =	wrdreg s14  }
0x20: {  	s12 =	simm.s32 $0x7;
	s18 =	sadd.s32 $0x129A00, s0;
	[dreg:$0x12] =	wrdreg s15  }
0x21: {  	s0 =	sadd.s32 $0x15A800, s0;
	s17 =	simm.s32 $0x18B50;
	[dreg:$0x13] =	wrdreg s18  }
0x22: {  	s13 =	simm.s32 $0x2;
	s26 =	simm.s32 $0x4;
	[dreg:$0x14] =	wrdreg s0  }
0x23: {  	s25 =	sadd.s32 s21, s16;
	s0 =	simm.s32 $0x186A0;
	s15 =	simm.s32 $0x189C0  }
0x24: {  	v0 =	vimm.f32 $0.0e+00;
	s18 =	simm.s32 $0x18E70;
	s21 =	simm.s32 $0x19000;
	s14 =	simm.s32 $0x0  }
.LBB2_1:
0x25: {  	s5 =	simm.s32 $0x19340  }
0x26: {  	[tilespmem:s5+$0xFFFFFFE0] =	vst v0  }
0x27: {  	[tilespmem:s5+$0x10] =	vst v0  }
0x28: {  	[dreg:$0x19] =	wrdreg s14;
	s14 =	simm.s32 $0x0;
	[tilespmem:s5+$0x0] =	vst v0  }
.LBB2_2:
0x29: {  	s14 =	sadd.s32 $0x4, s14  }
0x2a: {  	[tilespmem:s5+$0xFFFFFFF0] =	vst v0;
	s5 =	sadd.s32 $0x40, s5;
	p5 =	slt.u32 s14, $0x31C  }
.Ltmp0:
0x2b: {  	[tilespmem:s5+$0xFFFFFFE0] =	vst v0;
	(pc) =	sbr.rel @p5 .LBB2_2-.Ltmp0, $3  }
0x2c: {  	_ =	sdelay $0x1  }
0x2d: {  	[tilespmem:s5+$0x10] =	vst v0  }
0x2e: {  	[tilespmem:s5+$0x0] =	vst v0  }
0x2f: {  	[tilespmem:s5+$0xFFFFFFF0] =	vst v0;
	s5 =	simm.s32 @!p0 $0x19320;
	s2 =	rddreg [dreg:$0x4];
	s14 =	simm.s32 @!p0 $0x9  }
0x30: {  	[spmem:s2] =	stream.linear.scatter @!p0 [tilespmem:s5], [sflag:$0x9], $0x3200, $0x38;
	[tilespmem:$0x1F720] =	vst v63  }
0x31: {  	_ =	swait.ge @!p0 [sflag:s14], $0x3200  }
0x32: {  	[sflag:s14] =	ssyncset.done @!p0 $0x0  }
0x33: {  	s2 =	rddreg [dreg:$0x5];
	[sflag:s14] =	ssyncadd.s32 @!p0 $0xFFFFCE00  }
0x34: {  	[spmem:s2] =	stream.linear.scatter @!p0 [tilespmem:s5], [sflag:$0x9], $0x3200, $0x38;
	[tilespmem:$0x1F720] =	vst v63  }
0x35: {  	_ =	swait.ge @!p0 [sflag:s14], $0x3200  }
0x36: {  	[sflag:s14] =	ssyncset.done @!p0 $0x0  }
0x37: {  	s2 =	rddreg [dreg:$0x6];
	[sflag:s14] =	ssyncadd.s32 @!p0 $0xFFFFCE00  }
0x38: {  	[spmem:s2] =	stream.linear.scatter @!p0 [tilespmem:s5], [sflag:$0x9], $0x3200, $0x38;
	[tilespmem:$0x1F720] =	vst v63  }
0x39: {  	_ =	swait.ge @!p0 [sflag:s14], $0x3200  }
0x3a: {  	[sflag:s14] =	ssyncset.done @!p0 $0x0  }
0x3b: {  	s5 =	simm.s32 $0x9;
	s7 =	rddreg [dreg:$0x7];
	[sflag:s14] =	ssyncadd.s32 @!p0 $0xFFFFCE00  }
0x3c: {  	[spmem:s7] =	stream.linear.scatter [tilespmem:s30], [sflag:$0x9], $0x3200, $0x38;
	[tilespmem:$0x1F720] =	vst v63  }
0x3d: {  	_ =	swait.ge [sflag:s5], $0x3200  }
0x3e: {  	[sflag:s5] =	ssyncset.done $0x0  }
0x3f: {  	s14 =	rddreg [dreg:$0x8];
	[sflag:s5] =	ssyncadd.s32 $0xFFFFCE00  }
0x40: {  	[spmem:s14] =	stream.linear.scatter [tilespmem:s30], [sflag:$0x9], $0x3200, $0x38;
	[tilespmem:$0x1F720] =	vst v63  }
0x41: {  	_ =	swait.ge [sflag:s5], $0x3200  }
0x42: {  	[sflag:s5] =	ssyncset.done $0x0  }
0x43: {  	s19 =	rddreg [dreg:$0x9];
	[sflag:s5] =	ssyncadd.s32 $0xFFFFCE00  }
0x44: {  	[spmem:s19] =	stream.linear.scatter [tilespmem:s30], [sflag:$0x9], $0x3200, $0x38;
	[tilespmem:$0x1F720] =	vst v63  }
0x45: {  	_ =	swait.ge [sflag:s5], $0x3200  }
0x46: {  	[sflag:s5] =	ssyncset.done $0x0  }
0x47: {  	s7 =	rddreg [dreg:$0xa];
	[sflag:s5] =	ssyncadd.s32 $0xFFFFCE00  }
0x48: {  	[spmem:s7] =	stream.linear.scatter [tilespmem:s30], [sflag:$0x9], $0x3200, $0x38;
	[tilespmem:$0x1F720] =	vst v63  }
0x49: {  	_ =	swait.ge [sflag:s5], $0x3200  }
0x4a: {  	[sflag:s5] =	ssyncset.done $0x0  }
0x4b: {  	s14 =	rddreg [dreg:$0xb];
	[sflag:s5] =	ssyncadd.s32 $0xFFFFCE00  }
0x4c: {  	[spmem:s14] =	stream.linear.scatter [tilespmem:s30], [sflag:$0x9], $0x3200, $0x38;
	[tilespmem:$0x1F720] =	vst v63  }
0x4d: {  	_ =	swait.ge [sflag:s5], $0x3200  }
0x4e: {  	[sflag:s5] =	ssyncset.done $0x0  }
0x4f: {  	[sflag:s5] =	ssyncadd.s32 $0xFFFFCE00  }
0x50: {  	[bflag:$0x0] =	sbarrier.arrive $0xFFFF  }
0x51: {  	s5 =	simm.s32 $0x0;
	s19 =	rddreg [dreg:$0xd]  }
0x52: {  	[tilespmem:s0], [sflag:$0x5] =	stream.linear.gather [hbm4b:s19+s5], $0x190, $0x38;
	[tilespmem:$0x1F720] =	vst v63  }
0x53: {  	s7 =	rddreg [dreg:$0xe]  }
0x54: {  	[tilespmem:s6], [sflag:$0x5] =	stream.linear.gather [hbm4b:s7+s5], $0x190, $0x38;
	[tilespmem:$0x1F720] =	vst v63  }
0x55: {  	s14 =	rddreg [dreg:$0xf]  }
0x56: {  	[tilespmem:s15], [sflag:$0x6] =	stream.linear.gather [hbm4b:s14+s5], $0x190, $0x38;
	[tilespmem:$0x1F720] =	vst v63  }
0x57: {  	s19 =	rddreg [dreg:$0x16]  }
0x58: {  	[tilespmem:s17], [sflag:$0x6] =	stream.linear.gather [hbm4b:s19+s5], $0x190, $0x38;
	[tilespmem:$0x1F720] =	vst v63  }
0x59: {  	s7 =	rddreg [dreg:$0x17]  }
0x5a: {  	[tilespmem:s10], [sflag:$0x7] =	stream.linear.gather [hbm4b:s7+s5], $0x190, $0x38;
	[tilespmem:$0x1F720] =	vst v63  }
0x5b: {  	s14 =	rddreg [dreg:$0x18]  }
0x5c: {  	[tilespmem:s18], [sflag:$0x7] =	stream.linear.gather [hbm4b:s14+s5], $0x190, $0x38;
	[tilespmem:$0x1F720] =	vst v63  }
0x5d: {  	_ =	swait.ge [sflag:s1], $0x190  }
0x5e: {  	[sflag:s1] =	ssyncset.done $0x0  }
0x5f: {  	[sflag:s1] =	ssyncadd.s32 $0xFFFFFE70  }
0x60: {  	_ =	swait.ge [sflag:s1], $0x190  }
0x61: {  	p5 =	por $0x1, $0x1;
	s5 =	simm.s32 $0x4B0;
	[sflag:s1] =	ssyncset.done $0x0  }
0x62: {  	s14 =	simm.s32 @!p5 $0x4;
	s5 =	simm.s32 @p5 $0x4B0;
	[sflag:s1] =	ssyncadd.s32 $0xFFFFFE70  }
0x63: {  	[tilespmem:s30], [sflag:$0x1] =	stream.indirect.gather [hbm4b:s22+s20], $0x20, s0, s20, $0xb8;
	[tilespmem:$0x1F720] =	vst v63  }
0x64: {  	s5 =	sadd.s32 s29, s5;
	_ =	swait.ge @!p5 [sflag:s14], $0x3200  }
0x65: {  	s5 =	sshrl.u32 s5, $0x3;
	[sflag:s14] =	ssyncset.done @!p5 $0x0  }
0x66: {  	s5 =	sadd.s32 s16, s5;
	[sflag:s14] =	ssyncadd.s32 @!p5 $0xFFFFCE00  }
0x67: {  	[tilespmem:s21], [sflag:$0x8] =	stream.linear.gather [hbm4b:s5+s4], $0x190, $0x38;
	[tilespmem:$0x1F720] =	vst v63  }
0x68: {  	s5 =	sadd.s32 $0x186A0, s5  }
0x69: {  	[tilespmem:s23], [sflag:$0x8] =	stream.linear.gather [hbm4b:s5+s4], $0x190, $0x38;
	[tilespmem:$0x1F720] =	vst v63  }
0x6a: {  	_ =	swait.ge [sflag:s8], $0x190  }
0x6b: {  	[sflag:s8] =	ssyncset.done $0x0  }
0x6c: {  	[sflag:s8] =	ssyncadd.s32 $0xFFFFFE70  }
0x6d: {  	_ =	swait.ge [sflag:s8], $0x190  }
0x6e: {  	[sflag:s8] =	ssyncset.done $0x0  }
0x6f: {  	[sflag:s8] =	ssyncadd.s32 $0xFFFFFE70  }
0x70: {  	[tilespmem:s24], [sflag:$0x2] =	stream.indirect.gather [hbm4b:s22+s20], $0x20, s15, s20, $0xb8;
	[tilespmem:$0x1F720] =	vst v63  }
0x71: {  	_ =	swait.ge [sflag:s9], $0x3200  }
0x72: {  	[sflag:s9] =	ssyncset.done $0x0  }
0x73: {  	[sflag:s9] =	ssyncadd.s32 $0xFFFFCE00  }
0x74: {  	[spmem:s3] =	stream.indirect.scatter.add.f32 [tilespmem:s30], [sflag:$0x3], $0x20, s6, s20, $0xb8;
	[tilespmem:$0x1F720] =	vst v63  }
0x75: {  	_ =	swait.ge [sflag:s11], $0x3200  }
0x76: {  	s15 =	sadd.s32 $0x0, s25;
	[sflag:s11] =	ssyncset.done $0x0  }
0x77: {  	s19 =	sadd.s32 $0xC8, s15;
	[sflag:s11] =	ssyncadd.s32 $0xFFFFCE00  }
0x78: {  	[tilespmem:s0], [sflag:$0x5] =	stream.linear.gather [hbm4b:s19+s4], $0x190, $0x38;
	[tilespmem:$0x1F720] =	vst v63  }
0x79: {  	s5 =	sadd.s32 $0x18768, s15  }
0x7a: {  	[tilespmem:s6], [sflag:$0x5] =	stream.linear.gather [hbm4b:s5+s4], $0x190, $0x38;
	[tilespmem:$0x1F720] =	vst v63  }
0x7b: {  	_ =	swait.ge [sflag:s12], $0x190  }
0x7c: {  	[sflag:s12] =	ssyncset.done $0x0  }
0x7d: {  	[sflag:s12] =	ssyncadd.s32 $0xFFFFFE70  }
0x7e: {  	_ =	swait.ge [sflag:s12], $0x190  }
0x7f: {  	[sflag:s12] =	ssyncset.done $0x0  }
0x80: {  	[sflag:s12] =	ssyncadd.s32 $0xFFFFFE70  }
0x81: {  	[tilespmem:s30], [sflag:$0x1] =	stream.indirect.gather [hbm4b:s22+s20], $0x20, s10, s20, $0xb8;
	[tilespmem:$0x1F720] =	vst v63  }
0x82: {  	_ =	swait.ge [sflag:s13], $0x3200  }
0x83: {  	[sflag:s13] =	ssyncset.done $0x0  }
0x84: {  	[sflag:s13] =	ssyncadd.s32 $0xFFFFCE00  }
0x85: {  	[spmem:s3] =	stream.indirect.scatter.add.f32 [tilespmem:s24], [sflag:$0x4], $0x20, s17, s20, $0xb8;
	[tilespmem:$0x1F720] =	vst v63  }
0x86: {  	p5 =	por $0x0, $0x0;
	_ =	swait.ge [sflag:s26], $0x3200  }
0x87: {  	s14 =	simm.s32 @!p5 $0x189C0;
	s5 =	sadd.s32 @!p5 $0x0, s25;
	[sflag:s26] =	ssyncset.done $0x0  }
0x88: {  	s19 =	simm.s32 @!p5 $0x0;
	s15 =	sadd.s32 @!p5 $0xFA, s5;
	[sflag:s26] =	ssyncadd.s32 $0xFFFFCE00  }
0x89: {  	[tilespmem:s14], [sflag:$0x6] =	stream.linear.gather @!p5 [hbm4b:s15+s19], $0x190, $0x38;
	[tilespmem:$0x1F720] =	vst v63  }
0x8a: {  	s14 =	sadd.s32 @!p5 $0x1879A, s5;
	s15 =	simm.s32 @!p5 $0x18B50  }
0x8b: {  	[tilespmem:s15], [sflag:$0x6] =	stream.linear.gather @!p5 [hbm4b:s14+s19], $0x190, $0x38;
	[tilespmem:$0x1F720] =	vst v63  }
0x8c: {  	_ =	swait.ge [sflag:s28], $0x190  }
0x8d: {  	[sflag:s28] =	ssyncset.done $0x0  }
0x8e: {  	[sflag:s28] =	ssyncadd.s32 $0xFFFFFE70  }
0x8f: {  	_ =	swait.ge [sflag:s28], $0x190  }
0x90: {  	[sflag:s28] =	ssyncset.done $0x0  }
0x91: {  	[sflag:s28] =	ssyncadd.s32 $0xFFFFFE70  }
0x92: {  	[tilespmem:s24], [sflag:$0x2] =	stream.indirect.gather [hbm4b:s22+s20], $0x20, s21, s20, $0xb8;
	[tilespmem:$0x1F720] =	vst v63  }
0x93: {  	_ =	swait.ge [sflag:s9], $0x3200  }
0x94: {  	[sflag:s9] =	ssyncset.done $0x0  }
0x95: {  	[sflag:s9] =	ssyncadd.s32 $0xFFFFCE00  }
0x96: {  	[spmem:s3] =	stream.indirect.scatter.add.f32 [tilespmem:s30], [sflag:$0x3], $0x20, s18, s20, $0xb8;
	[tilespmem:$0x1F720] =	vst v63  }
0x97: {  	_ =	swait.ge [sflag:s11], $0x3200  }
0x98: {  	[sflag:s11] =	ssyncset.done $0x0  }
0x99: {  	s14 =	sadd.s32 @!p5 $0x12C, s5;
	s15 =	simm.s32 @!p5 $0x18CE0;
	[sflag:s11] =	ssyncadd.s32 $0xFFFFCE00  }
0x9a: {  	[tilespmem:s15], [sflag:$0x7] =	stream.linear.gather @!p5 [hbm4b:s14+s19], $0x190, $0x38;
	[tilespmem:$0x1F720] =	vst v63  }
0x9b: {  	s5 =	sadd.s32 @!p5 $0x187CC, s5;
	s14 =	simm.s32 @!p5 $0x18E70  }
0x9c: {  	[tilespmem:s14], [sflag:$0x7] =	stream.linear.gather @!p5 [hbm4b:s5+s19], $0x190, $0x38;
	[tilespmem:$0x1F720] =	vst v63  }
0x9d: {  	_ =	swait.ge [sflag:s1], $0x190  }
0x9e: {  	[sflag:s1] =	ssyncset.done $0x0  }
0x9f: {  	p6 =	por $0x0, $0x0;
	[sflag:s1] =	ssyncadd.s32 $0xFFFFFE70  }
0xa0: {  	s31 =	simm.s32 $0xAF0;
	s10 =	simm.s32 $0x18E70;
	_ =	swait.ge [sflag:s1], $0x190  }
0xa1: {  	s17 =	simm.s32 $0x189C0;
	s18 =	smov.u32 s29;
	[sflag:s1] =	ssyncset.done $0x0  }
0xa2: {  	s15 =	simm.s32 $0xC8;
	s14 =	simm.s32 $0x190;
	[sflag:s1] =	ssyncadd.s32 $0xFFFFFE70  }
0xa3: {  	[tilespmem:s30], [sflag:$0x1] =	stream.indirect.gather [hbm4b:s22+s20], $0x20, s0, s20, $0xb8;
	[tilespmem:$0x1F720] =	vst v63  }
.LBB2_4:
0xa4: {  	s29 =	simm.s32 @!p6 $0x4;
	s5 =	smov.u32 s31  }
0xa5: {  	_ =	swait.ge [sflag:s13], $0x3200;
	s19 =	smov.u32 s14;
	s5 =	simm.s32 @p6 $0x4B0  }
0xa6: {  	s14 =	sadd.s32 $0xC8, s14;
	s5 =	sadd.s32 s18, s5;
	[sflag:s13] =	ssyncset.done $0x0  }
0xa7: {  	p5 =	sne.s32 s14, $0x1838;
	s5 =	sshrl.u32 s5, $0x3;
	[sflag:s13] =	ssyncadd.s32 $0xFFFFCE00  }
0xa8: {  	[spmem:s3] =	stream.indirect.scatter.add.f32 [tilespmem:s24], [sflag:$0x4], $0x20, s23, s20, $0xb8;
	[tilespmem:$0x1F720] =	vst v63  }
0xa9: {  	_ =	swait.ge @!p6 [sflag:s29], $0x3200  }
0xaa: {  	[sflag:s29] =	ssyncset.done @!p6 $0x0  }
0xab: {  	s5 =	sadd.s32 s16, s5;
	[sflag:s29] =	ssyncadd.s32 @!p6 $0xFFFFCE00  }
0xac: {  	[tilespmem:s21], [sflag:$0x8] =	stream.linear.gather [hbm4b:s5+s4], $0x190, $0x38;
	[tilespmem:$0x1F720] =	vst v63  }
0xad: {  	s5 =	sadd.s32 $0x186A0, s5  }
0xae: {  	[tilespmem:s23], [sflag:$0x8] =	stream.linear.gather [hbm4b:s5+s4], $0x190, $0x38;
	[tilespmem:$0x1F720] =	vst v63  }
0xaf: {  	_ =	swait.ge [sflag:s8], $0x190  }
0xb0: {  	[sflag:s8] =	ssyncset.done $0x0  }
0xb1: {  	[sflag:s8] =	ssyncadd.s32 $0xFFFFFE70  }
0xb2: {  	_ =	swait.ge [sflag:s8], $0x190  }
0xb3: {  	[sflag:s8] =	ssyncset.done $0x0  }
0xb4: {  	[sflag:s8] =	ssyncadd.s32 $0xFFFFFE70  }
0xb5: {  	[tilespmem:s24], [sflag:$0x2] =	stream.indirect.gather [hbm4b:s22+s20], $0x20, s17, s20, $0xb8;
	[tilespmem:$0x1F720] =	vst v63  }
0xb6: {  	_ =	swait.ge [sflag:s9], $0x3200  }
0xb7: {  	[sflag:s9] =	ssyncset.done $0x0  }
0xb8: {  	[sflag:s9] =	ssyncadd.s32 $0xFFFFCE00  }
0xb9: {  	[spmem:s3] =	stream.indirect.scatter.add.f32 [tilespmem:s30], [sflag:$0x3], $0x20, s6, s20, $0xb8;
	[tilespmem:$0x1F720] =	vst v63  }
0xba: {  	_ =	swait.ge [sflag:s11], $0x3200  }
0xbb: {  	s5 =	sadd.s32 s15, s25;
	[sflag:s11] =	ssyncset.done $0x0  }
0xbc: {  	s29 =	sadd.s32 $0xC8, s5;
	[sflag:s11] =	ssyncadd.s32 $0xFFFFCE00  }
0xbd: {  	[tilespmem:s0], [sflag:$0x5] =	stream.linear.gather [hbm4b:s29+s4], $0x190, $0x38;
	[tilespmem:$0x1F720] =	vst v63  }
0xbe: {  	s5 =	sadd.s32 $0x18768, s5  }
0xbf: {  	[tilespmem:s6], [sflag:$0x5] =	stream.linear.gather [hbm4b:s5+s4], $0x190, $0x38;
	[tilespmem:$0x1F720] =	vst v63  }
0xc0: {  	_ =	swait.ge [sflag:s12], $0x190  }
0xc1: {  	[sflag:s12] =	ssyncset.done $0x0  }
0xc2: {  	[sflag:s12] =	ssyncadd.s32 $0xFFFFFE70  }
0xc3: {  	_ =	swait.ge [sflag:s12], $0x190  }
0xc4: {  	[sflag:s12] =	ssyncset.done $0x0  }
0xc5: {  	s2 =	simm.s32 $0x18CE0;
	[sflag:s12] =	ssyncadd.s32 $0xFFFFFE70  }
0xc6: {  	[tilespmem:s30], [sflag:$0x1] =	stream.indirect.gather [hbm4b:s22+s20], $0x20, s2, s20, $0xb8;
	[tilespmem:$0x1F720] =	vst v63  }
0xc7: {  	_ =	swait.ge [sflag:s13], $0x3200  }
0xc8: {  	[sflag:s13] =	ssyncset.done $0x0  }
0xc9: {  	s2 =	simm.s32 $0x18B50;
	[sflag:s13] =	ssyncadd.s32 $0xFFFFCE00  }
0xca: {  	[spmem:s3] =	stream.indirect.scatter.add.f32 [tilespmem:s24], [sflag:$0x4], $0x20, s2, s20, $0xb8;
	[tilespmem:$0x1F720] =	vst v63  }
0xcb: {  	p6 =	seq.s32 s15, $0x1770;
	_ =	swait.ge [sflag:s26], $0x3200  }
0xcc: {  	s5 =	sadd.s32 @!p6 s15, s25;
	s15 =	simm.s32 @!p6 $0x189C0;
	[sflag:s26] =	ssyncset.done $0x0  }
0xcd: {  	s29 =	sadd.s32 @!p6 $0xFA, s5;
	s2 =	simm.s32 @!p6 $0x0;
	[sflag:s26] =	ssyncadd.s32 $0xFFFFCE00  }
0xce: {  	[tilespmem:s15], [sflag:$0x6] =	stream.linear.gather @!p6 [hbm4b:s29+s2], $0x190, $0x38;
	[tilespmem:$0x1F720] =	vst v63  }
0xcf: {  	s7 =	sadd.s32 @!p6 $0x12C, s5;
	s15 =	sadd.s32 @!p6 $0x1879A, s5;
	s29 =	simm.s32 @!p6 $0x18B50  }
0xd0: {  	[tilespmem:s29], [sflag:$0x6] =	stream.linear.gather @!p6 [hbm4b:s15+s2], $0x190, $0x38;
	[tilespmem:$0x1F720] =	vst v63  }
0xd1: {  	s5 =	sadd.s32 @!p6 $0x187CC, s5;
	s15 =	smov.u32 s19;
	_ =	swait.ge [sflag:s28], $0x190  }
0xd2: {  	[sflag:s28] =	ssyncset.done $0x0  }
0xd3: {  	[sflag:s28] =	ssyncadd.s32 $0xFFFFFE70  }
0xd4: {  	_ =	swait.ge [sflag:s28], $0x190  }
0xd5: {  	[sflag:s28] =	ssyncset.done $0x0  }
0xd6: {  	[sflag:s28] =	ssyncadd.s32 $0xFFFFFE70  }
0xd7: {  	[tilespmem:s24], [sflag:$0x2] =	stream.indirect.gather [hbm4b:s22+s20], $0x20, s21, s20, $0xb8;
	[tilespmem:$0x1F720] =	vst v63  }
0xd8: {  	_ =	swait.ge [sflag:s9], $0x3200  }
0xd9: {  	[sflag:s9] =	ssyncset.done $0x0  }
0xda: {  	[sflag:s9] =	ssyncadd.s32 $0xFFFFCE00  }
0xdb: {  	[spmem:s3] =	stream.indirect.scatter.add.f32 [tilespmem:s30], [sflag:$0x3], $0x20, s10, s20, $0xb8;
	[tilespmem:$0x1F720] =	vst v63  }
0xdc: {  	_ =	swait.ge [sflag:s11], $0x3200  }
0xdd: {  	[sflag:s11] =	ssyncset.done $0x0  }
0xde: {  	s19 =	simm.s32 @!p6 $0x18CE0;
	[sflag:s11] =	ssyncadd.s32 $0xFFFFCE00  }
0xdf: {  	[tilespmem:s19], [sflag:$0x7] =	stream.linear.gather @!p6 [hbm4b:s7+s2], $0x190, $0x38;
	[tilespmem:$0x1F720] =	vst v63  }
0xe0: {  	s7 =	simm.s32 @!p6 $0x18E70  }
0xe1: {  	[tilespmem:s7], [sflag:$0x7] =	stream.linear.gather @!p6 [hbm4b:s5+s2], $0x190, $0x38;
	[tilespmem:$0x1F720] =	vst v63  }
0xe2: {  	_ =	swait.ge [sflag:s1], $0x190  }
0xe3: {  	[sflag:s1] =	ssyncset.done $0x0  }
.Ltmp1:
0xe4: {  	[sflag:s1] =	ssyncadd.s32 $0xFFFFFE70;
	(pc) =	sbr.rel @p5 .LBB2_4-.Ltmp1, $4  }
0xe5: {  	_ =	swait.ge [sflag:s1], $0x190  }
0xe6: {  	[sflag:s1] =	ssyncset.done $0x0  }
0xe7: {  	s31 =	sadd.s32 $0x640, s31;
	p6 =	seq.s32 s15, $0x0;
	[sflag:s1] =	ssyncadd.s32 $0xFFFFFE70  }
0xe8: {  	[tilespmem:s30], [sflag:$0x1] =	stream.indirect.gather [hbm4b:s22+s20], $0x20, s0, s20, $0xb8;
	[tilespmem:$0x1F720] =	vst v63  }
0xe9: {  	_ =	swait.ge [sflag:s13], $0x3200  }
0xea: {  	[sflag:s13] =	ssyncset.done $0x0  }
0xeb: {  	s2 =	simm.s32 @!p6 $0x4;
	s31 =	simm.s32 @p6 $0x4B0;
	[sflag:s13] =	ssyncadd.s32 $0xFFFFCE00  }
0xec: {  	[spmem:s3] =	stream.indirect.scatter.add.f32 [tilespmem:s24], [sflag:$0x4], $0x20, s23, s20, $0xb8;
	[tilespmem:$0x1F720] =	vst v63  }
0xed: {  	s5 =	sadd.s32 s18, s31;
	_ =	swait.ge @!p6 [sflag:s2], $0x3200  }
0xee: {  	s5 =	sshrl.u32 s5, $0x3;
	[sflag:s2] =	ssyncset.done @!p6 $0x0  }
0xef: {  	s19 =	sadd.s32 s16, s5;
	[sflag:s2] =	ssyncadd.s32 @!p6 $0xFFFFCE00  }
0xf0: {  	[tilespmem:s21], [sflag:$0x8] =	stream.linear.gather [hbm4b:s19+s4], $0x190, $0x38;
	[tilespmem:$0x1F720] =	vst v63  }
0xf1: {  	s2 =	sadd.s32 $0x186A0, s19  }
0xf2: {  	[tilespmem:s23], [sflag:$0x8] =	stream.linear.gather [hbm4b:s2+s4], $0x190, $0x38;
	[tilespmem:$0x1F720] =	vst v63  }
0xf3: {  	_ =	swait.ge [sflag:s8], $0x190  }
0xf4: {  	[sflag:s8] =	ssyncset.done $0x0  }
0xf5: {  	[sflag:s8] =	ssyncadd.s32 $0xFFFFFE70  }
0xf6: {  	_ =	swait.ge [sflag:s8], $0x190  }
0xf7: {  	[sflag:s8] =	ssyncset.done $0x0  }
0xf8: {  	[sflag:s8] =	ssyncadd.s32 $0xFFFFFE70  }
0xf9: {  	[tilespmem:s24], [sflag:$0x2] =	stream.indirect.gather [hbm4b:s22+s20], $0x20, s17, s20, $0xb8;
	[tilespmem:$0x1F720] =	vst v63  }
0xfa: {  	_ =	swait.ge [sflag:s9], $0x3200  }
0xfb: {  	[sflag:s9] =	ssyncset.done $0x0  }
0xfc: {  	[sflag:s9] =	ssyncadd.s32 $0xFFFFCE00  }
0xfd: {  	[spmem:s3] =	stream.indirect.scatter.add.f32 [tilespmem:s30], [sflag:$0x3], $0x20, s6, s20, $0xb8;
	[tilespmem:$0x1F720] =	vst v63  }
0xfe: {  	_ =	swait.ge [sflag:s11], $0x3200  }
0xff: {  	s31 =	sadd.s32 s15, s25;
	[sflag:s11] =	ssyncset.done $0x0  }
0x100: {  	s7 =	sadd.s32 $0xC8, s31;
	[sflag:s11] =	ssyncadd.s32 $0xFFFFCE00  }
0x101: {  	[tilespmem:s0], [sflag:$0x5] =	stream.linear.gather [hbm4b:s7+s4], $0x190, $0x38;
	[tilespmem:$0x1F720] =	vst v63  }
0x102: {  	s2 =	sadd.s32 $0x18768, s31  }
0x103: {  	[tilespmem:s6], [sflag:$0x5] =	stream.linear.gather [hbm4b:s2+s4], $0x190, $0x38;
	[tilespmem:$0x1F720] =	vst v63  }
0x104: {  	_ =	swait.ge [sflag:s12], $0x190  }
0x105: {  	[sflag:s12] =	ssyncset.done $0x0  }
0x106: {  	[sflag:s12] =	ssyncadd.s32 $0xFFFFFE70  }
0x107: {  	_ =	swait.ge [sflag:s12], $0x190  }
0x108: {  	[sflag:s12] =	ssyncset.done $0x0  }
0x109: {  	s14 =	simm.s32 $0x18CE0;
	[sflag:s12] =	ssyncadd.s32 $0xFFFFFE70  }
0x10a: {  	[tilespmem:s30], [sflag:$0x1] =	stream.indirect.gather [hbm4b:s22+s20], $0x20, s14, s20, $0xb8;
	[tilespmem:$0x1F720] =	vst v63  }
0x10b: {  	_ =	swait.ge [sflag:s13], $0x3200  }
0x10c: {  	[sflag:s13] =	ssyncset.done $0x0  }
0x10d: {  	s17 =	simm.s32 $0x18B50;
	[sflag:s13] =	ssyncadd.s32 $0xFFFFCE00  }
0x10e: {  	[spmem:s3] =	stream.indirect.scatter.add.f32 [tilespmem:s24], [sflag:$0x4], $0x20, s17, s20, $0xb8;
	[tilespmem:$0x1F720] =	vst v63  }
0x10f: {  	p5 =	seq.s32 s15, $0x1770;
	_ =	swait.ge [sflag:s26], $0x3200  }
0x110: {  	s5 =	simm.s32 @!p5 $0x189C0;
	s2 =	sadd.s32 @!p5 s15, s25;
	[sflag:s26] =	ssyncset.done $0x0  }
0x111: {  	s7 =	sadd.s32 @!p5 $0xFA, s2;
	s14 =	simm.s32 @!p5 $0x0;
	[sflag:s26] =	ssyncadd.s32 $0xFFFFCE00  }
0x112: {  	[tilespmem:s5], [sflag:$0x6] =	stream.linear.gather @!p5 [hbm4b:s7+s14], $0x190, $0x38;
	[tilespmem:$0x1F720] =	vst v63  }
0x113: {  	s5 =	sadd.s32 @!p5 $0x1879A, s2;
	s7 =	simm.s32 @!p5 $0x18B50  }
0x114: {  	[tilespmem:s7], [sflag:$0x6] =	stream.linear.gather @!p5 [hbm4b:s5+s14], $0x190, $0x38;
	[tilespmem:$0x1F720] =	vst v63  }
0x115: {  	_ =	swait.ge [sflag:s28], $0x190  }
0x116: {  	[sflag:s28] =	ssyncset.done $0x0  }
0x117: {  	[sflag:s28] =	ssyncadd.s32 $0xFFFFFE70  }
0x118: {  	_ =	swait.ge [sflag:s28], $0x190  }
0x119: {  	[sflag:s28] =	ssyncset.done $0x0  }
0x11a: {  	[sflag:s28] =	ssyncadd.s32 $0xFFFFFE70  }
0x11b: {  	[tilespmem:s24], [sflag:$0x2] =	stream.indirect.gather [hbm4b:s22+s20], $0x20, s21, s20, $0xb8;
	[tilespmem:$0x1F720] =	vst v63  }
0x11c: {  	_ =	swait.ge [sflag:s9], $0x3200  }
0x11d: {  	[sflag:s9] =	ssyncset.done $0x0  }
0x11e: {  	[sflag:s9] =	ssyncadd.s32 $0xFFFFCE00  }
0x11f: {  	[spmem:s3] =	stream.indirect.scatter.add.f32 [tilespmem:s30], [sflag:$0x3], $0x20, s10, s20, $0xb8;
	[tilespmem:$0x1F720] =	vst v63  }
0x120: {  	_ =	swait.ge [sflag:s11], $0x3200  }
0x121: {  	[sflag:s11] =	ssyncset.done $0x0  }
0x122: {  	s5 =	sadd.s32 @!p5 $0x12C, s2;
	s7 =	simm.s32 @!p5 $0x18CE0;
	[sflag:s11] =	ssyncadd.s32 $0xFFFFCE00  }
0x123: {  	[tilespmem:s7], [sflag:$0x7] =	stream.linear.gather @!p5 [hbm4b:s5+s14], $0x190, $0x38;
	[tilespmem:$0x1F720] =	vst v63  }
0x124: {  	s2 =	sadd.s32 @!p5 $0x187CC, s2;
	s5 =	simm.s32 @!p5 $0x18E70  }
0x125: {  	[tilespmem:s5], [sflag:$0x7] =	stream.linear.gather @!p5 [hbm4b:s2+s14], $0x190, $0x38;
	[tilespmem:$0x1F720] =	vst v63  }
0x126: {  	_ =	swait.ge [sflag:s1], $0x190  }
0x127: {  	[sflag:s1] =	ssyncset.done $0x0  }
0x128: {  	[sflag:s1] =	ssyncadd.s32 $0xFFFFFE70  }
0x129: {  	_ =	swait.ge [sflag:s1], $0x190  }
0x12a: {  	[sflag:s1] =	ssyncset.done $0x0  }
0x12b: {  	[sflag:s1] =	ssyncadd.s32 $0xFFFFFE70  }
0x12c: {  	[tilespmem:s30], [sflag:$0x1] =	stream.indirect.gather [hbm4b:s22+s20], $0x20, s0, s20, $0xb8;
	[tilespmem:$0x1F720] =	vst v63  }
0x12d: {  	_ =	swait.ge [sflag:s13], $0x3200  }
0x12e: {  	[sflag:s13] =	ssyncset.done $0x0  }
0x12f: {  	[sflag:s13] =	ssyncadd.s32 $0xFFFFCE00  }
0x130: {  	[spmem:s3] =	stream.indirect.scatter.add.f32 [tilespmem:s24], [sflag:$0x4], $0x20, s23, s20, $0xb8;
	[tilespmem:$0x1F720] =	vst v63  }
0x131: {  	_ =	swait.ge [sflag:s26], $0x3200  }
0x132: {  	[sflag:s26] =	ssyncset.done $0x0  }
0x133: {  	[sflag:s26] =	ssyncadd.s32 $0xFFFFCE00  }
0x134: {  	_ =	swait.ge [sflag:s9], $0x3200  }
0x135: {  	[sflag:s9] =	ssyncset.done $0x0  }
0x136: {  	[sflag:s9] =	ssyncadd.s32 $0xFFFFCE00  }
0x137: {  	[spmem:s3] =	stream.indirect.scatter.add.f32 [tilespmem:s30], [sflag:$0x3], $0x20, s6, s20, $0xb8;
	[tilespmem:$0x1F720] =	vst v63  }
0x138: {  	_ =	swait.ge [sflag:s11], $0x3200  }
0x139: {  	[sflag:s11] =	ssyncset.done $0x0  }
0x13a: {  	[sflag:s11] =	ssyncadd.s32 $0xFFFFCE00  }
0x13b: {  	[bflag:$0x0] =	sbarrier.arrive $0xFFFF  }
0x13c: {  	s7 =	rddreg [dreg:$0xc]  }
0x13d: {  	s5 =	simm.s32 @!p1 $0x1FC9;
	s14 =	rddreg [dreg:$0x13];
	s2 =	sshrl.u32 @!p1 s7, $0x3  }
0x13e: {  	[hbm:s14], [sflag:s5] =	dma.local @!p1 [spmem:s2], $0x1F40  }
0x13f: {  	s2 =	simm.s32 @!p1 $0x9  }
0x140: {  	_ =	swait.ge @!p1 [sflag:s2], $0x1F40  }
0x141: {  	s5 =	simm.s32 @!p2 $0x1FC9;
	[sflag:s2] =	ssyncset.done @!p1 $0x0  }
0x142: {  	[sflag:s2] =	ssyncadd.s32 @!p1 $0xFFFFE0C0;
	s2 =	sshrl.u32 @!p2 s7, $0x3;
	s7 =	rddreg [dreg:$0x14]  }
0x143: {  	[hbm:s7], [sflag:s5] =	dma.local @!p2 [spmem:s2], $0x1F40  }
0x144: {  	s2 =	simm.s32 @!p2 $0x9  }
0x145: {  	_ =	swait.ge @!p2 [sflag:s2], $0x1F40  }
0x146: {  	s14 =	stileid.u32;
	s15 =	rddreg [dreg:$0x11]  }
0x147: {  	s5 =	sshll.u32 @!p3 s14, $0x6;
	[sflag:s2] =	ssyncset.done @!p2 $0x0;
	s7 =	rddreg [dreg:$0x10]  }
0x148: {  	[sflag:s2] =	ssyncadd.s32 @!p2 $0xFFFFE0C0;
	s2 =	sor.u32 @!p3 $0x1C09, s5;
	s5 =	sshrl.u32 @!p3 s15, $0x3  }
0x149: {  	[hbm:s7], [sflag:s2] =	dma.local @!p3 [spmem:s5], $0x3200  }
0x14a: {  	s2 =	simm.s32 @!p3 $0x9  }
0x14b: {  	_ =	swait.ge @!p3 [sflag:s2], $0x3200  }
0x14c: {  	s5 =	sshll.u32 @!p4 s14, $0x6;
	[sflag:s2] =	ssyncset.done @!p3 $0x0;
	s14 =	rddreg [dreg:$0x12]  }
0x14d: {  	[sflag:s2] =	ssyncadd.s32 @!p3 $0xFFFFCE00;
	s2 =	sor.u32 @!p4 $0x1C09, s5;
	s5 =	sshrl.u32 @!p4 s15, $0x3  }
0x14e: {  	[hbm:s14], [sflag:s2] =	dma.local @!p4 [spmem:s5], $0x3200  }
0x14f: {  	s2 =	simm.s32 @!p4 $0x9  }
0x150: {  	_ =	swait.ge @!p4 [sflag:s2], $0x3200  }
0x151: {  	s19 =	rddreg [dreg:$0x19]  }
0x152: {  	s31 =	rddreg [dreg:$0x15];
	s14 =	sadd.s32 $0x1, s19  }
0x153: {  	p5 =	sne.s32 s14, s31  }
.Ltmp2:
0x154: {  	_ = 	snop;
	(pc) =	sbr.rel @p5 .LBB2_1-.Ltmp2, $4  }
0x155: {  	_ = 	snop  }
0x156: {  	s29 =	smov.u32 s18;
	s18 =	simm.s32 $0x18E70  }
0x157: {  	s17 =	simm.s32 $0x18B50;
	s10 =	simm.s32 $0x18CE0;
	[sflag:s2] =	ssyncset.done @!p4 $0x0  }
0x158: {  	s7 =	stileid.u32;
	s15 =	simm.s32 $0x189C0;
	[sflag:s2] =	ssyncadd.s32 @!p4 $0xFFFFCE00  }
0x159: {  	_ =	sfence.sel $0x180000  }
0x15a: {  	[bflag:$0x0] =	sbarrier.arrive $0xFFFF  }
0x15b: {  	_ =	strace $0x9000004A  }
0x15c: {  	[bflag:$0x2] =	sbarrier.arrive $0xFFFF  }
0x15d: {  	p0 =	sne.s32 s7, $0x0;
	s0 =	rddreg [dreg:$0x3]  }
0x15e: {  	s0 =	sadd.s32 @!p0 $0x100000, s0  }
0x15f: {  	[sflag:s0] =	ssyncadd.tile.s32 @!p0 $0x1;
	_ =	shalt  }
.Lfunc_end2:
_tile_overlayer_lowered:
.L_overlay_start_2:
0x160: {  	(tag) =	ssettag $0x2  }
0x161: {  	s0 =	rddreg [dreg:$0x0];
	s2 =	stileid.u32  }
0x162: {  	s1 =	rddreg [dreg:$0x1];
	p0 =	sne.s32 s2, $0x0  }
0x163: {  	s3 =	rddreg [dreg:$0x2];
	[bflag:$0x3] =	sbarrier.arrive $0xFFFF;
	s2 =	simm.s32 @!p0 $0x1C09  }
0x164: {  	[timem:s3], [sflag:s2] =	dma.local @!p0 [hbm:s0], s1  }
0x165: {  	s0 =	simm.s32 @!p0 $0x9  }
0x166: {  	_ =	swait.ge @!p0 [sflag:s0], s1  }
0x167: {  	s1 =	ssub.s32 @!p0 $0x0, s1;
	[sflag:s0] =	ssyncset.done @!p0 $0x0  }
0x168: {  	[sflag:s0] =	ssyncadd.s32 @!p0 s1  }
0x169: {  	[bflag:$0x3] =	sbarrier.arrive $0xFFFF  }
0x16a: {  	_ =	shalt  }

// kernel: kernel.14.cloned.1.call-start
scs
__scs_entry_jumppad:
0x0: {  	(pc) =	sbr.rel $0x88, $3  }
0x1: {  	(tag) =	ssettag $0x0;
	lr =	simm.s32 $0x1  }
0x2: {  	[smem:$0x3F98] =	sst lr;
	_ =	strace $0xD0000000  }
0x3: {  	_ = 	snop  }
0x4: {  	_ = 	snop  }
0x5: {  	_ = 	snop  }
0x6: {  	_ = 	snop  }
0x7: {  	_ = 	snop  }
__scs_overlays_trampoline_lowered:
0x8: {  	[smem:$0x3FA7] =	sst s0  }
0x9: {  	[smem:$0x3FA8] =	sst s1  }
0xa: {  	[smem:$0x3FA9] =	sst s2  }
0xb: {  	[smem:$0x3FAA] =	sst s3  }
0xc: {  	[smem:$0x3FAB] =	sst s4  }
0xd: {  	[smem:$0x3FAC] =	sst s5  }
0xe: {  	[smem:$0x3FAD] =	sst s6  }
0xf: {  	[smem:$0x3FAE] =	sst s7  }
0x10: {  	[smem:$0x3FAF] =	sst s8  }
0x11: {  	[smem:$0x3FB0] =	sst s9;
	s0 =	simm.s32 @!p0 $0x0  }
0x12: {  	s1 =	sld [smem:$0x3F96];
	s0 =	simm.s32 @p0 $0x1  }
0x13: {  	[smem:$0x3FB1] =	sst s0;
	s0 =	simm.s32 @!p1 $0x0  }
0x14: {  	s2 =	sld [smem:$0x3F95];
	s0 =	simm.s32 @p1 $0x1  }
0x15: {  	[smem:$0x3FB2] =	sst s0;
	s0 =	simm.s32 @!p2 $0x0  }
0x16: {  	s3 =	sld [smem:$0x3FDB];
	s0 =	simm.s32 @p2 $0x1  }
0x17: {  	s4 =	simm.s32 $0x1BF5;
	[smem:$0x3FB4] =	sst s0  }
0x18: {  	s0 =	sld [smem:$0x3F97];
	_ =	swait.ge [sflag:s4], $0x0  }
0x19: {  	s7 =	sld [smem:$0x3F98]  }
0x1a: {  	s8 =	sadd.s32 $0xFFFFE003, lr  }
0x1b: {  	s9 =	sadd.s32 $0xFFFFFEF7, lr;
	s5 =	simm.s32 $0xFFFFFFFF;
	p2 =	slt.u32 s8, $0xFFFFF086  }
0x1c: {  	p1 =	slt.u32 s9, $0xF7A;
	s5 =	simm.s32 @!p2 $0x0  }
0x1d: {  	s5 =	simm.s32 @p1 $0x1;
	p0 =	seq.s32 s7, s2  }
0x1e: {  	s7 =	smul.u32 @!p0 $0xF7A, s2;
	p2 =	seq.s32 @!p0 s5, $0x0  }
0x1f: {  	s9 =	smul.u32 $0xF7A, s1;
	s8 =	simm.s32 @!p0 $0x1BF5;
	p2 =	por !p2, p0  }
0x20: {  	[sflag:s8] =	ssyncset.s32 @!p0 $0xFFFFF086;
	s6 =	sadd.s32 @!p0 s3, s7;
	s7 =	simm.s32 @!p0 $0x108  }
0x21: {  	s3 =	sadd.s32 s3, s9;
	s6 =	sadd.s32 @!p0 $0x88, s6;
	s7 =	simm.s32 @p2 $0x1082  }
0x22: {  	[simem:s7], [sflag:s8] =	dma.local @!p0 [hbm:s6], $0xF7A  }
0x23: {  	s9 =	sor.u32 $0xD0000000, s2;
	s6 =	simm.s32 $0x108;
	_ =	swait.ge @!p0 [sflag:s8], $0x0  }
0x24: {  	s3 =	sadd.s32 $0x88, s3;
	s6 =	simm.s32 @!p1 $0x1082;
	[sflag:s4] =	ssyncset.s32 $0xFFFFF086  }
0x25: {  	[simem:s6], [sflag:s4] =	dma.local [hbm:s3], $0xF7A  }
0x26: {  	[smem:$0x3F98] =	sst s1;
	(tag) =	ssettag s2;
	_ =	strace s9  }
0x27: {  	s1 =	sld [smem:$0x3FA8]  }
0x28: {  	s2 =	sld [smem:$0x3FA9]  }
0x29: {  	s4 =	sld [smem:$0x3FAB]  }
0x2a: {  	p0 =	seq.s32 s5, $0x0;
	s5 =	sld [smem:$0x3FAC]  }
0x2b: {  	s6 =	sld [smem:$0x3FAD]  }
0x2c: {  	s7 =	sld [smem:$0x3FAE]  }
0x2d: {  	s3 =	simm.s32 $0x108;
	s8 =	sld [smem:$0x3FAF]  }
0x2e: {  	s3 =	simm.s32 @!p0 $0x1082;
	s9 =	sld [smem:$0x3FB0]  }
0x2f: {  	lr =	sadd.s32 s0, s3;
	s0 =	sld [smem:$0x3FA7]  }
0x30: {  	s3 =	sld [smem:$0x3FAA]  }
0x31: {  	[smem:$0x3FB3] =	sst s10  }
0x32: {  	s10 =	sld [smem:$0x3FB1];
	_ =	sdelay $0x3  }
0x33: {  	p0 =	seq.s32 s10, $0x1;
	s10 =	sld [smem:$0x3FB3];
	_ =	sdelay $0x3  }
0x34: {  	[smem:$0x3FB3] =	sst s10  }
0x35: {  	s10 =	sld [smem:$0x3FB2];
	_ =	sdelay $0x3  }
0x36: {  	p1 =	seq.s32 s10, $0x1;
	s10 =	sld [smem:$0x3FB3];
	_ =	sdelay $0x3  }
0x37: {  	[smem:$0x3FB3] =	sst s10  }
0x38: {  	s10 =	sld [smem:$0x3FB4]  }
0x39: {  	_ = 	snop;
	(pc) =	sbr.ind lr, $3  }
0x3a: {  	_ = 	snop  }
0x3b: {  	_ = 	snop  }
0x3c: {  	p2 =	seq.s32 s10, $0x1;
	s10 =	sld [smem:$0x3FB3]  }
0x3d: {  	_ =	shalt  }
0x3e: {  	_ =	shalt  }
0x3f: {  	_ =	shalt  }
0x40: {  	_ =	shalt  }
0x41: {  	_ =	shalt  }
0x42: {  	_ =	shalt  }
0x43: {  	_ =	shalt  }
0x44: {  	_ =	shalt  }
0x45: {  	_ =	shalt  }
0x46: {  	_ =	shalt  }
0x47: {  	_ =	shalt  }
0x48: {  	_ =	shalt  }
0x49: {  	_ =	shalt  }
0x4a: {  	_ =	shalt  }
0x4b: {  	_ =	shalt  }
0x4c: {  	_ =	shalt  }
0x4d: {  	_ =	shalt  }
0x4e: {  	_ =	shalt  }
0x4f: {  	_ =	shalt  }
0x50: {  	_ =	shalt  }
0x51: {  	_ =	shalt  }
0x52: {  	_ =	shalt  }
0x53: {  	_ =	shalt  }
0x54: {  	_ =	shalt  }
0x55: {  	_ =	shalt  }
0x56: {  	_ =	shalt  }
0x57: {  	_ =	shalt  }
0x58: {  	_ =	shalt  }
0x59: {  	_ =	shalt  }
0x5a: {  	_ =	shalt  }
0x5b: {  	_ =	shalt  }
0x5c: {  	_ =	shalt  }
0x5d: {  	_ =	shalt  }
0x5e: {  	_ =	shalt  }
0x5f: {  	_ =	shalt  }
0x60: {  	_ =	shalt  }
0x61: {  	_ =	shalt  }
0x62: {  	_ =	shalt  }
0x63: {  	_ =	shalt  }
0x64: {  	_ =	shalt  }
0x65: {  	_ =	shalt  }
0x66: {  	_ =	shalt  }
0x67: {  	_ =	shalt  }
0x68: {  	_ =	shalt  }
0x69: {  	_ =	shalt  }
0x6a: {  	_ =	shalt  }
0x6b: {  	_ =	shalt  }
0x6c: {  	_ =	shalt  }
0x6d: {  	_ =	shalt  }
0x6e: {  	_ =	shalt  }
0x6f: {  	_ =	shalt  }
0x70: {  	_ =	shalt  }
0x71: {  	_ =	shalt  }
0x72: {  	_ =	shalt  }
0x73: {  	_ =	shalt  }
0x74: {  	_ =	shalt  }
0x75: {  	_ =	shalt  }
0x76: {  	_ =	shalt  }
0x77: {  	_ =	shalt  }
0x78: {  	_ =	shalt  }
0x79: {  	_ =	shalt  }
0x7a: {  	_ =	shalt  }
0x7b: {  	_ =	shalt  }
0x7c: {  	_ =	shalt  }
0x7d: {  	_ =	shalt  }
0x7e: {  	_ =	shalt  }
0x7f: {  	_ =	shalt  }
0x80: {  	_ =	shalt  }
0x81: {  	_ =	shalt  }
0x82: {  	_ =	shalt  }
0x83: {  	_ =	shalt  }
0x84: {  	_ =	shalt  }
0x85: {  	_ =	shalt  }
0x86: {  	_ =	shalt  }
0x87: {  	_ =	shalt  }
.Lfunc_end0:
.L_simem_size_0:
called_computation.2_lowered:
.L_overlay_start_0:
0x88: {  	s2 =	sld [smem:$0x3FD9]  }
0x89: {  	s3 =	sld [smem:$0x3FFE];
	_ =	sdelay $0x1  }
0x8a: {  	s1 =	srdreg.scid  }
0x8b: {  	s0 =	sand.u32 $0x1, s1  }
0x8c: {  	s17 =	sshll.u32 s0, $0xA;
	s2 =	sadd.s32 s3, s2  }
0x8d: {  	s2 =	sadd.s32 s2, s17  }
0x8e: {  	[smem:$0x3FBF] =	sst s2  }
0x8f: {  	_ = 	snop  }
0x90: {  	s2 =	sld [smem:$0x3FD0];
	(tm) =	ssettm $0x1  }
0x91: {  	s18 =	sld [smem:$0x3FFB];
	_ =	sdelay $0x3  }
0x92: {  	_ =	strace s18  }
0x93: {  	s3 =	sld [smem:$0x3FFC];
	_ =	sdelay $0x3  }
0x94: {  	_ =	strace s3  }
0x95: {  	s3 =	sld [smem:$0x3FFD];
	_ =	sdelay $0x3  }
0x96: {  	_ =	strace s3  }
0x97: {  	_ =	strace $0x8FFFFFFF  }
0x98: {  	s19 =	sld [smem:$0x3FDB];
	_ =	sdelay $0x1  }
0x99: {  	s4 =	simm.s32 $_scs_section_size  }
0x9a: {  	s5 =	simm.s32 $_size__tile_overlayer_lowered;
	s6 =	simm.s32 $_tile_overlayer_lowered  }
0x9b: {  	s22 =	simm.s32 $0x1BFF;
	s21 =	sshll.u32 s6, $0x1;
	s3 =	sadd.s32 s4, s19  }
0x9c: {  	s7 =	simm.s32 $0x0;
	s20 =	sshll.u32 s5, $0x1;
	s5 =	sadd.s32 s21, s3  }
0x9d: {  	[timem:s7], [sflag:s22] =	dma.local [hbm:s5], s20  }
0x9e: {  	_ =	swait.ge [sflag:s22], s20  }
0x9f: {  	s4 =	ssub.s32 $0x0, s20;
	[sflag:s22] =	ssyncset.done $0x0  }
0xa0: {  	[sflag:s22] =	ssyncadd.s32 s4;
	_ =	sdelay $0x1  }
0xa1: {  	s23 =	simm.s32 $0x1B8B  }
0xa2: {  	_ =	swait.ge [sflag:s23], $0x1  }
0xa3: {  	[sflag:s23] =	ssyncset.done $0x0  }
0xa4: {  	s25 =	simm.s32 $0x1B8E;
	s24 =	sld [smem:$0x3FFE];
	[sflag:s23] =	ssyncadd.s32 $0xFFFFFFFF  }
0xa5: {  	s26 =	simm.s32 $execute0_lowered;
	[smem:$0x3FD2] =	sst s25  }
0xa6: {  	s5 =	sshll.u32 s26, $0x1;
	_ =	strace $0x8000004C;
	[dreg:$0x1] =	wrdreg $0xFFFFFFFF  }
0xa7: {  	s28 =	simm.s32 $_size_execute0_lowered;
	s3 =	sadd.s32 s3, s5;
	[dreg:$0x0] =	wrdreg $0x0  }
0xa8: {  	s5 =	sshll.u32 s28, $0x1;
	[dreg:$0x2] =	wrdreg s3  }
0xa9: {  	[dreg:$0x3] =	wrdreg s5  }
0xaa: {  	[dreg:$0x4] =	wrdreg $0xC0  }
0xab: {  	_ =	task [dreg:s7], $0x5FFFF  }
0xac: {  	[dreg:$0x1] =	wrdreg $0xFFFFFFFF  }
0xad: {  	[dreg:$0x0] =	wrdreg $0x60  }
0xae: {  	[dreg:$0x2] =	wrdreg s24  }
0xaf: {  	[dreg:$0x3] =	wrdreg s2  }
0xb0: {  	[dreg:$0x4] =	wrdreg $0x0  }
0xb1: {  	[dreg:$0x5] =	wrdreg $0x9  }
0xb2: {  	_ =	task.clear_ibuf [dreg:s7], $0x6FFFF;
	_ =	strace $0x9000004C  }
0xb3: {  	s29 =	simm.s32 $0x9;
	_ =	strace $0x8000004E  }
0xb4: {  	_ =	swait.ge [sflag:s29], $0x1  }
0xb5: {  	[sflag:s29] =	ssyncadd.s32 $0xFFFFFFFF  }
0xb6: {  	_ =	strace $0x9000004E  }
0xb7: {  	_ =	sfence  }
0xb8: {  	s30 =	sld [smem:$0x0];
	_ =	sdelay $0x2  }
0xb9: {  	s31 =	sshll.u32 s1, $0xD;
	s1 =	sshrl.u32 s1, $0x2  }
0xba: {  	s3 =	sand.u32 $0x4000, s31;
	s1 =	sadd.s32 s1, s30  }
0xbb: {  	s0 =	sor.u32 s3, s0;
	s1 =	sshll.u32 s1, $0x11  }
0xbc: {  	s0 =	sor.u32 s1, s0  }
0xbd: {  	s0 =	sadd.s32 $0x8F2B, s0  }
0xbe: {  	[sflag:s0] =	ssyncadd.remote.s32 $0x1  }
0xbf: {  	_ =	sfence.sel $0xFFFF  }
0xc0: {  	[dreg:$0x0] =	wrdreg $0xFFFFFFFF;
	(pc) =	sbr.abs _section_cstart, $3  }
0xc1: {  	[dreg:$0x1] =	wrdreg $0xFFFFFFFF  }
0xc2: {  	_ =	task.clear_ibuf [dreg:s7], $0x2FFFF;
	_ =	strace $0x9FFFFFFF  }
0xc3: {  	(tm) =	ssettm $0x7FFFFFFF  }
tec
execute0_lowered:
.L_overlay_start_1:
0x0: {  	(tag) =	ssettag $0x1  }
0x1: {  	s0 =	rddreg [dreg:$0x0]  }
0x2: {  	s16 =	rddreg [dreg:$0x1]  }
0x3: {  	s3 =	rddreg [dreg:$0x2];
	s2 =	stileid.u32  }
0x4: {  	s4 =	simm.s32 $0x0;
	s5 =	srdreg.scid;
	s1 =	smul.u32 $0x19000, s2  }
0x5: {  	s30 =	simm.s32 $0x19320;
	s28 =	simm.s32 $0x8;
	s6 =	smul.u32 $0x64000, s2  }
0x6: {  	[smem:$0x7FF] =	sst s4;
	s5 =	sand.u32 $0x1, s5;
	s29 =	smul.u32 $0xC350, s2  }
0x7: {  	s19 =	sadd.s32 $0x177000, s3;
	s12 =	sadd.s32 $0x180600, s3;
	p0 =	seq.s32 s2, $0xF  }
0x8: {  	_ =	strace $0x8000004D;
	s8 =	ssub.s32 $0x2, s5;
	p1 =	seq.s32 s5, $0x0  }
0x9: {  	p2 =	sne.s32 @p0 s5, $0x0;
	p4 =	sne.s32 @!p0 s5, $0x0;
	[dreg:$0xc] =	wrdreg s19  }
0xa: {  	s7 =	sshrl.u32 s1, $0x3;
	s6 =	sshrl.u32 s6, $0x2;
	s9 =	sshrl.u32 s8, $0x1  }
0xb: {  	s31 =	sshrl.u32 s29, $0x3;
	s1 =	sadd.s32 s1, s3;
	p3 =	por !p4, p0  }
0xc: {  	p4 =	por p4, p0;
	s7 =	sadd.s32 s7, s0;
	s11 =	sadd.s32 s6, s3  }
0xd: {  	s24 =	ssub.s32 s8, s9;
	s8 =	sadd.s32 $0x17A200, s3;
	s20 =	sadd.s32 s16, s31  }
0xe: {  	s9 =	sadd.s32 $0x183800, s3;
	[dreg:$0x11] =	wrdreg s1;
	s1 =	simm.s32 $0x3600  }
0xf: {  	s6 =	simm.s32 $0x18830;
	s25 =	sadd.s32 $0x3200, s11;
	s26 =	sadd.s32 $0x6400, s11  }
0x10: {  	s13 =	sadd.s32 $0x9600, s11;
	s14 =	sadd.s32 $0xC800, s11;
	[dreg:$0x4] =	wrdreg s11  }
0x11: {  	s15 =	sadd.s32 $0xFA00, s11;
	s17 =	sadd.s32 $0x12C00, s11;
	[dreg:$0xd] =	wrdreg s20  }
0x12: {  	s18 =	sadd.s32 $0x15E00, s11;
	s11 =	sadd.s32 $0x17D400, s3;
	[dreg:$0x5] =	wrdreg s25  }
0x13: {  	s21 =	sadd.s32 $0x186A0, s20;
	s10 =	sadd.s32 $0x32, s20;
	[dreg:$0x6] =	wrdreg s26  }
0x14: {  	s1 =	simm.s32 @!p1 $0x34400;
	s23 =	smax.u32 s24, $0x1;
	[dreg:$0xe] =	wrdreg s21  }
0x15: {  	p1 =	por !p2, !p0;
	p2 =	por p2, !p0;
	[dreg:$0xf] =	wrdreg s10  }
0x16: {  	s24 =	sadd.s32 $0x186D2, s20;
	s31 =	sadd.s32 $0x18704, s20;
	[dreg:$0x15] =	wrdreg s23  }
0x17: {  	s14 =	smov.u32 @p0 s8;
	s15 =	smov.u32 @p0 s11;
	[dreg:$0x16] =	wrdreg s24  }
0x18: {  	s17 =	smov.u32 @p0 s12;
	s18 =	smov.u32 @p0 s9;
	[dreg:$0x18] =	wrdreg s31  }
0x19: {  	s21 =	smul.u32 $0x186A, s2;
	s22 =	sadd.s32 s1, s0;
	[dreg:$0x8] =	wrdreg s14  }
0x1a: {  	s13 =	smov.u32 @p0 s19;
	s26 =	sadd.s32 $0x64, s20;
	[dreg:$0x9] =	wrdreg s15  }
0x1b: {  	s10 =	simm.s32 $0x18CE0;
	s1 =	simm.s32 $0x5;
	[dreg:$0xa] =	wrdreg s17  }
0x1c: {  	s20 =	simm.s32 $0x190;
	s23 =	simm.s32 $0x19190;
	[dreg:$0xb] =	wrdreg s18  }
0x1d: {  	s8 =	simm.s32 $0x6;
	s24 =	simm.s32 $0x1C520;
	[dreg:$0x7] =	wrdreg s13  }
0x1e: {  	s9 =	simm.s32 $0x1;
	s14 =	sadd.s32 $0x65200, s7;
	[dreg:$0x17] =	wrdreg s26  }
0x1f: {  	s11 =	simm.s32 $0x3;
	s15 =	sadd.s32 $0x96000, s7;
	[dreg:$0x10] =	wrdreg s14  }
0x20: {  	s12 =	simm.s32 $0x7;
	s18 =	sadd.s32 $0x94000, s0;
	[dreg:$0x12] =	wrdreg s15  }
0x21: {  	s0 =	sadd.s32 $0xC4E00, s0;
	s17 =	simm.s32 $0x18B50;
	[dreg:$0x13] =	wrdreg s18  }
0x22: {  	s13 =	simm.s32 $0x2;
	s26 =	simm.s32 $0x4;
	[dreg:$0x14] =	wrdreg s0  }
0x23: {  	s25 =	sadd.s32 s21, s16;
	s0 =	simm.s32 $0x186A0;
	s15 =	simm.s32 $0x189C0  }
0x24: {  	v0 =	vimm.f32 $0.0e+00;
	s18 =	simm.s32 $0x18E70;
	s21 =	simm.s32 $0x19000;
	s14 =	simm.s32 $0x0  }
.LBB2_1:
0x25: {  	s5 =	simm.s32 $0x19340  }
0x26: {  	[tilespmem:s5+$0xFFFFFFE0] =	vst v0  }
0x27: {  	[tilespmem:s5+$0x10] =	vst v0  }
0x28: {  	[dreg:$0x19] =	wrdreg s14;
	s14 =	simm.s32 $0x0;
	[tilespmem:s5+$0x0] =	vst v0  }
.LBB2_2:
0x29: {  	s14 =	sadd.s32 $0x4, s14  }
0x2a: {  	[tilespmem:s5+$0xFFFFFFF0] =	vst v0;
	s5 =	sadd.s32 $0x40, s5;
	p5 =	slt.u32 s14, $0x31C  }
.Ltmp0:
0x2b: {  	[tilespmem:s5+$0xFFFFFFE0] =	vst v0;
	(pc) =	sbr.rel @p5 .LBB2_2-.Ltmp0, $3  }
0x2c: {  	_ =	sdelay $0x1  }
0x2d: {  	[tilespmem:s5+$0x10] =	vst v0  }
0x2e: {  	[tilespmem:s5+$0x0] =	vst v0  }
0x2f: {  	[tilespmem:s5+$0xFFFFFFF0] =	vst v0;
	s5 =	simm.s32 @!p0 $0x19320;
	s2 =	rddreg [dreg:$0x4];
	s14 =	simm.s32 @!p0 $0x9  }
0x30: {  	[spmem:s2] =	stream.linear.scatter @!p0 [tilespmem:s5], [sflag:$0x9], $0x3200, $0x38;
	[tilespmem:$0x1F720] =	vst v63  }
0x31: {  	_ =	swait.ge @!p0 [sflag:s14], $0x3200  }
0x32: {  	[sflag:s14] =	ssyncset.done @!p0 $0x0  }
0x33: {  	s2 =	rddreg [dreg:$0x5];
	[sflag:s14] =	ssyncadd.s32 @!p0 $0xFFFFCE00  }
0x34: {  	[spmem:s2] =	stream.linear.scatter @!p0 [tilespmem:s5], [sflag:$0x9], $0x3200, $0x38;
	[tilespmem:$0x1F720] =	vst v63  }
0x35: {  	_ =	swait.ge @!p0 [sflag:s14], $0x3200  }
0x36: {  	[sflag:s14] =	ssyncset.done @!p0 $0x0  }
0x37: {  	s2 =	rddreg [dreg:$0x6];
	[sflag:s14] =	ssyncadd.s32 @!p0 $0xFFFFCE00  }
0x38: {  	[spmem:s2] =	stream.linear.scatter @!p0 [tilespmem:s5], [sflag:$0x9], $0x3200, $0x38;
	[tilespmem:$0x1F720] =	vst v63  }
0x39: {  	_ =	swait.ge @!p0 [sflag:s14], $0x3200  }
0x3a: {  	[sflag:s14] =	ssyncset.done @!p0 $0x0  }
0x3b: {  	s5 =	simm.s32 $0x9;
	s7 =	rddreg [dreg:$0x7];
	[sflag:s14] =	ssyncadd.s32 @!p0 $0xFFFFCE00  }
0x3c: {  	[spmem:s7] =	stream.linear.scatter [tilespmem:s30], [sflag:$0x9], $0x3200, $0x38;
	[tilespmem:$0x1F720] =	vst v63  }
0x3d: {  	_ =	swait.ge [sflag:s5], $0x3200  }
0x3e: {  	[sflag:s5] =	ssyncset.done $0x0  }
0x3f: {  	s14 =	rddreg [dreg:$0x8];
	[sflag:s5] =	ssyncadd.s32 $0xFFFFCE00  }
0x40: {  	[spmem:s14] =	stream.linear.scatter [tilespmem:s30], [sflag:$0x9], $0x3200, $0x38;
	[tilespmem:$0x1F720] =	vst v63  }
0x41: {  	_ =	swait.ge [sflag:s5], $0x3200  }
0x42: {  	[sflag:s5] =	ssyncset.done $0x0  }
0x43: {  	s19 =	rddreg [dreg:$0x9];
	[sflag:s5] =	ssyncadd.s32 $0xFFFFCE00  }
0x44: {  	[spmem:s19] =	stream.linear.scatter [tilespmem:s30], [sflag:$0x9], $0x3200, $0x38;
	[tilespmem:$0x1F720] =	vst v63  }
0x45: {  	_ =	swait.ge [sflag:s5], $0x3200  }
0x46: {  	[sflag:s5] =	ssyncset.done $0x0  }
0x47: {  	s7 =	rddreg [dreg:$0xa];
	[sflag:s5] =	ssyncadd.s32 $0xFFFFCE00  }
0x48: {  	[spmem:s7] =	stream.linear.scatter [tilespmem:s30], [sflag:$0x9], $0x3200, $0x38;
	[tilespmem:$0x1F720] =	vst v63  }
0x49: {  	_ =	swait.ge [sflag:s5], $0x3200  }
0x4a: {  	[sflag:s5] =	ssyncset.done $0x0  }
0x4b: {  	s14 =	rddreg [dreg:$0xb];
	[sflag:s5] =	ssyncadd.s32 $0xFFFFCE00  }
0x4c: {  	[spmem:s14] =	stream.linear.scatter [tilespmem:s30], [sflag:$0x9], $0x3200, $0x38;
	[tilespmem:$0x1F720] =	vst v63  }
0x4d: {  	_ =	swait.ge [sflag:s5], $0x3200  }
0x4e: {  	[sflag:s5] =	ssyncset.done $0x0  }
0x4f: {  	[sflag:s5] =	ssyncadd.s32 $0xFFFFCE00  }
0x50: {  	[bflag:$0x0] =	sbarrier.arrive $0xFFFF  }
0x51: {  	s5 =	simm.s32 $0x0;
	s19 =	rddreg [dreg:$0xd]  }
0x52: {  	[tilespmem:s0], [sflag:$0x5] =	stream.linear.gather [hbm4b:s19+s5], $0x190, $0x38;
	[tilespmem:$0x1F720] =	vst v63  }
0x53: {  	s7 =	rddreg [dreg:$0xe]  }
0x54: {  	[tilespmem:s6], [sflag:$0x5] =	stream.linear.gather [hbm4b:s7+s5], $0x190, $0x38;
	[tilespmem:$0x1F720] =	vst v63  }
0x55: {  	s14 =	rddreg [dreg:$0xf]  }
0x56: {  	[tilespmem:s15], [sflag:$0x6] =	stream.linear.gather [hbm4b:s14+s5], $0x190, $0x38;
	[tilespmem:$0x1F720] =	vst v63  }
0x57: {  	s19 =	rddreg [dreg:$0x16]  }
0x58: {  	[tilespmem:s17], [sflag:$0x6] =	stream.linear.gather [hbm4b:s19+s5], $0x190, $0x38;
	[tilespmem:$0x1F720] =	vst v63  }
0x59: {  	s7 =	rddreg [dreg:$0x17]  }
0x5a: {  	[tilespmem:s10], [sflag:$0x7] =	stream.linear.gather [hbm4b:s7+s5], $0x190, $0x38;
	[tilespmem:$0x1F720] =	vst v63  }
0x5b: {  	s14 =	rddreg [dreg:$0x18]  }
0x5c: {  	[tilespmem:s18], [sflag:$0x7] =	stream.linear.gather [hbm4b:s14+s5], $0x190, $0x38;
	[tilespmem:$0x1F720] =	vst v63  }
0x5d: {  	_ =	swait.ge [sflag:s1], $0x190  }
0x5e: {  	[sflag:s1] =	ssyncset.done $0x0  }
0x5f: {  	[sflag:s1] =	ssyncadd.s32 $0xFFFFFE70  }
0x60: {  	_ =	swait.ge [sflag:s1], $0x190  }
0x61: {  	p5 =	por $0x1, $0x1;
	s5 =	simm.s32 $0x4B0;
	[sflag:s1] =	ssyncset.done $0x0  }
0x62: {  	s14 =	simm.s32 @!p5 $0x4;
	s5 =	simm.s32 @p5 $0x4B0;
	[sflag:s1] =	ssyncadd.s32 $0xFFFFFE70  }
0x63: {  	[tilespmem:s30], [sflag:$0x1] =	stream.indirect.gather [hbm4b:s22+s20], $0x20, s0, s20, $0xb8;
	[tilespmem:$0x1F720] =	vst v63  }
0x64: {  	s5 =	sadd.s32 s29, s5;
	_ =	swait.ge @!p5 [sflag:s14], $0x3200  }
0x65: {  	s5 =	sshrl.u32 s5, $0x3;
	[sflag:s14] =	ssyncset.done @!p5 $0x0  }
0x66: {  	s5 =	sadd.s32 s16, s5;
	[sflag:s14] =	ssyncadd.s32 @!p5 $0xFFFFCE00  }
0x67: {  	[tilespmem:s21], [sflag:$0x8] =	stream.linear.gather [hbm4b:s5+s4], $0x190, $0x38;
	[tilespmem:$0x1F720] =	vst v63  }
0x68: {  	s5 =	sadd.s32 $0x186A0, s5  }
0x69: {  	[tilespmem:s23], [sflag:$0x8] =	stream.linear.gather [hbm4b:s5+s4], $0x190, $0x38;
	[tilespmem:$0x1F720] =	vst v63  }
0x6a: {  	_ =	swait.ge [sflag:s8], $0x190  }
0x6b: {  	[sflag:s8] =	ssyncset.done $0x0  }
0x6c: {  	[sflag:s8] =	ssyncadd.s32 $0xFFFFFE70  }
0x6d: {  	_ =	swait.ge [sflag:s8], $0x190  }
0x6e: {  	[sflag:s8] =	ssyncset.done $0x0  }
0x6f: {  	[sflag:s8] =	ssyncadd.s32 $0xFFFFFE70  }
0x70: {  	[tilespmem:s24], [sflag:$0x2] =	stream.indirect.gather [hbm4b:s22+s20], $0x20, s15, s20, $0xb8;
	[tilespmem:$0x1F720] =	vst v63  }
0x71: {  	_ =	swait.ge [sflag:s9], $0x3200  }
0x72: {  	[sflag:s9] =	ssyncset.done $0x0  }
0x73: {  	[sflag:s9] =	ssyncadd.s32 $0xFFFFCE00  }
0x74: {  	[spmem:s3] =	stream.indirect.scatter.add.f32 [tilespmem:s30], [sflag:$0x3], $0x20, s6, s20, $0xb8;
	[tilespmem:$0x1F720] =	vst v63  }
0x75: {  	_ =	swait.ge [sflag:s11], $0x3200  }
0x76: {  	s15 =	sadd.s32 $0x0, s25;
	[sflag:s11] =	ssyncset.done $0x0  }
0x77: {  	s19 =	sadd.s32 $0xC8, s15;
	[sflag:s11] =	ssyncadd.s32 $0xFFFFCE00  }
0x78: {  	[tilespmem:s0], [sflag:$0x5] =	stream.linear.gather [hbm4b:s19+s4], $0x190, $0x38;
	[tilespmem:$0x1F720] =	vst v63  }
0x79: {  	s5 =	sadd.s32 $0x18768, s15  }
0x7a: {  	[tilespmem:s6], [sflag:$0x5] =	stream.linear.gather [hbm4b:s5+s4], $0x190, $0x38;
	[tilespmem:$0x1F720] =	vst v63  }
0x7b: {  	_ =	swait.ge [sflag:s12], $0x190  }
0x7c: {  	[sflag:s12] =	ssyncset.done $0x0  }
0x7d: {  	[sflag:s12] =	ssyncadd.s32 $0xFFFFFE70  }
0x7e: {  	_ =	swait.ge [sflag:s12], $0x190  }
0x7f: {  	[sflag:s12] =	ssyncset.done $0x0  }
0x80: {  	[sflag:s12] =	ssyncadd.s32 $0xFFFFFE70  }
0x81: {  	[tilespmem:s30], [sflag:$0x1] =	stream.indirect.gather [hbm4b:s22+s20], $0x20, s10, s20, $0xb8;
	[tilespmem:$0x1F720] =	vst v63  }
0x82: {  	_ =	swait.ge [sflag:s13], $0x3200  }
0x83: {  	[sflag:s13] =	ssyncset.done $0x0  }
0x84: {  	[sflag:s13] =	ssyncadd.s32 $0xFFFFCE00  }
0x85: {  	[spmem:s3] =	stream.indirect.scatter.add.f32 [tilespmem:s24], [sflag:$0x4], $0x20, s17, s20, $0xb8;
	[tilespmem:$0x1F720] =	vst v63  }
0x86: {  	p5 =	por $0x0, $0x0;
	_ =	swait.ge [sflag:s26], $0x3200  }
0x87: {  	s14 =	simm.s32 @!p5 $0x189C0;
	s5 =	sadd.s32 @!p5 $0x0, s25;
	[sflag:s26] =	ssyncset.done $0x0  }
0x88: {  	s19 =	simm.s32 @!p5 $0x0;
	s15 =	sadd.s32 @!p5 $0xFA, s5;
	[sflag:s26] =	ssyncadd.s32 $0xFFFFCE00  }
0x89: {  	[tilespmem:s14], [sflag:$0x6] =	stream.linear.gather @!p5 [hbm4b:s15+s19], $0x190, $0x38;
	[tilespmem:$0x1F720] =	vst v63  }
0x8a: {  	s14 =	sadd.s32 @!p5 $0x1879A, s5;
	s15 =	simm.s32 @!p5 $0x18B50  }
0x8b: {  	[tilespmem:s15], [sflag:$0x6] =	stream.linear.gather @!p5 [hbm4b:s14+s19], $0x190, $0x38;
	[tilespmem:$0x1F720] =	vst v63  }
0x8c: {  	_ =	swait.ge [sflag:s28], $0x190  }
0x8d: {  	[sflag:s28] =	ssyncset.done $0x0  }
0x8e: {  	[sflag:s28] =	ssyncadd.s32 $0xFFFFFE70  }
0x8f: {  	_ =	swait.ge [sflag:s28], $0x190  }
0x90: {  	[sflag:s28] =	ssyncset.done $0x0  }
0x91: {  	[sflag:s28] =	ssyncadd.s32 $0xFFFFFE70  }
0x92: {  	[tilespmem:s24], [sflag:$0x2] =	stream.indirect.gather [hbm4b:s22+s20], $0x20, s21, s20, $0xb8;
	[tilespmem:$0x1F720] =	vst v63  }
0x93: {  	_ =	swait.ge [sflag:s9], $0x3200  }
0x94: {  	[sflag:s9] =	ssyncset.done $0x0  }
0x95: {  	[sflag:s9] =	ssyncadd.s32 $0xFFFFCE00  }
0x96: {  	[spmem:s3] =	stream.indirect.scatter.add.f32 [tilespmem:s30], [sflag:$0x3], $0x20, s18, s20, $0xb8;
	[tilespmem:$0x1F720] =	vst v63  }
0x97: {  	_ =	swait.ge [sflag:s11], $0x3200  }
0x98: {  	[sflag:s11] =	ssyncset.done $0x0  }
0x99: {  	s14 =	sadd.s32 @!p5 $0x12C, s5;
	s15 =	simm.s32 @!p5 $0x18CE0;
	[sflag:s11] =	ssyncadd.s32 $0xFFFFCE00  }
0x9a: {  	[tilespmem:s15], [sflag:$0x7] =	stream.linear.gather @!p5 [hbm4b:s14+s19], $0x190, $0x38;
	[tilespmem:$0x1F720] =	vst v63  }
0x9b: {  	s5 =	sadd.s32 @!p5 $0x187CC, s5;
	s14 =	simm.s32 @!p5 $0x18E70  }
0x9c: {  	[tilespmem:s14], [sflag:$0x7] =	stream.linear.gather @!p5 [hbm4b:s5+s19], $0x190, $0x38;
	[tilespmem:$0x1F720] =	vst v63  }
0x9d: {  	_ =	swait.ge [sflag:s1], $0x190  }
0x9e: {  	[sflag:s1] =	ssyncset.done $0x0  }
0x9f: {  	p6 =	por $0x0, $0x0;
	[sflag:s1] =	ssyncadd.s32 $0xFFFFFE70  }
0xa0: {  	s31 =	simm.s32 $0xAF0;
	s10 =	simm.s32 $0x18E70;
	_ =	swait.ge [sflag:s1], $0x190  }
0xa1: {  	s17 =	simm.s32 $0x189C0;
	s18 =	smov.u32 s29;
	[sflag:s1] =	ssyncset.done $0x0  }
0xa2: {  	s15 =	simm.s32 $0xC8;
	s14 =	simm.s32 $0x190;
	[sflag:s1] =	ssyncadd.s32 $0xFFFFFE70  }
0xa3: {  	[tilespmem:s30], [sflag:$0x1] =	stream.indirect.gather [hbm4b:s22+s20], $0x20, s0, s20, $0xb8;
	[tilespmem:$0x1F720] =	vst v63  }
.LBB2_4:
0xa4: {  	s29 =	simm.s32 @!p6 $0x4;
	s5 =	smov.u32 s31  }
0xa5: {  	_ =	swait.ge [sflag:s13], $0x3200;
	s19 =	smov.u32 s14;
	s5 =	simm.s32 @p6 $0x4B0  }
0xa6: {  	s14 =	sadd.s32 $0xC8, s14;
	s5 =	sadd.s32 s18, s5;
	[sflag:s13] =	ssyncset.done $0x0  }
0xa7: {  	p5 =	sne.s32 s14, $0x1838;
	s5 =	sshrl.u32 s5, $0x3;
	[sflag:s13] =	ssyncadd.s32 $0xFFFFCE00  }
0xa8: {  	[spmem:s3] =	stream.indirect.scatter.add.f32 [tilespmem:s24], [sflag:$0x4], $0x20, s23, s20, $0xb8;
	[tilespmem:$0x1F720] =	vst v63  }
0xa9: {  	_ =	swait.ge @!p6 [sflag:s29], $0x3200  }
0xaa: {  	[sflag:s29] =	ssyncset.done @!p6 $0x0  }
0xab: {  	s5 =	sadd.s32 s16, s5;
	[sflag:s29] =	ssyncadd.s32 @!p6 $0xFFFFCE00  }
0xac: {  	[tilespmem:s21], [sflag:$0x8] =	stream.linear.gather [hbm4b:s5+s4], $0x190, $0x38;
	[tilespmem:$0x1F720] =	vst v63  }
0xad: {  	s5 =	sadd.s32 $0x186A0, s5  }
0xae: {  	[tilespmem:s23], [sflag:$0x8] =	stream.linear.gather [hbm4b:s5+s4], $0x190, $0x38;
	[tilespmem:$0x1F720] =	vst v63  }
0xaf: {  	_ =	swait.ge [sflag:s8], $0x190  }
0xb0: {  	[sflag:s8] =	ssyncset.done $0x0  }
0xb1: {  	[sflag:s8] =	ssyncadd.s32 $0xFFFFFE70  }
0xb2: {  	_ =	swait.ge [sflag:s8], $0x190  }
0xb3: {  	[sflag:s8] =	ssyncset.done $0x0  }
0xb4: {  	[sflag:s8] =	ssyncadd.s32 $0xFFFFFE70  }
0xb5: {  	[tilespmem:s24], [sflag:$0x2] =	stream.indirect.gather [hbm4b:s22+s20], $0x20, s17, s20, $0xb8;
	[tilespmem:$0x1F720] =	vst v63  }
0xb6: {  	_ =	swait.ge [sflag:s9], $0x3200  }
0xb7: {  	[sflag:s9] =	ssyncset.done $0x0  }
0xb8: {  	[sflag:s9] =	ssyncadd.s32 $0xFFFFCE00  }
0xb9: {  	[spmem:s3] =	stream.indirect.scatter.add.f32 [tilespmem:s30], [sflag:$0x3], $0x20, s6, s20, $0xb8;
	[tilespmem:$0x1F720] =	vst v63  }
0xba: {  	_ =	swait.ge [sflag:s11], $0x3200  }
0xbb: {  	s5 =	sadd.s32 s15, s25;
	[sflag:s11] =	ssyncset.done $0x0  }
0xbc: {  	s29 =	sadd.s32 $0xC8, s5;
	[sflag:s11] =	ssyncadd.s32 $0xFFFFCE00  }
0xbd: {  	[tilespmem:s0], [sflag:$0x5] =	stream.linear.gather [hbm4b:s29+s4], $0x190, $0x38;
	[tilespmem:$0x1F720] =	vst v63  }
0xbe: {  	s5 =	sadd.s32 $0x18768, s5  }
0xbf: {  	[tilespmem:s6], [sflag:$0x5] =	stream.linear.gather [hbm4b:s5+s4], $0x190, $0x38;
	[tilespmem:$0x1F720] =	vst v63  }
0xc0: {  	_ =	swait.ge [sflag:s12], $0x190  }
0xc1: {  	[sflag:s12] =	ssyncset.done $0x0  }
0xc2: {  	[sflag:s12] =	ssyncadd.s32 $0xFFFFFE70  }
0xc3: {  	_ =	swait.ge [sflag:s12], $0x190  }
0xc4: {  	[sflag:s12] =	ssyncset.done $0x0  }
0xc5: {  	s2 =	simm.s32 $0x18CE0;
	[sflag:s12] =	ssyncadd.s32 $0xFFFFFE70  }
0xc6: {  	[tilespmem:s30], [sflag:$0x1] =	stream.indirect.gather [hbm4b:s22+s20], $0x20, s2, s20, $0xb8;
	[tilespmem:$0x1F720] =	vst v63  }
0xc7: {  	_ =	swait.ge [sflag:s13], $0x3200  }
0xc8: {  	[sflag:s13] =	ssyncset.done $0x0  }
0xc9: {  	s2 =	simm.s32 $0x18B50;
	[sflag:s13] =	ssyncadd.s32 $0xFFFFCE00  }
0xca: {  	[spmem:s3] =	stream.indirect.scatter.add.f32 [tilespmem:s24], [sflag:$0x4], $0x20, s2, s20, $0xb8;
	[tilespmem:$0x1F720] =	vst v63  }
0xcb: {  	p6 =	seq.s32 s15, $0x1770;
	_ =	swait.ge [sflag:s26], $0x3200  }
0xcc: {  	s5 =	sadd.s32 @!p6 s15, s25;
	s15 =	simm.s32 @!p6 $0x189C0;
	[sflag:s26] =	ssyncset.done $0x0  }
0xcd: {  	s29 =	sadd.s32 @!p6 $0xFA, s5;
	s2 =	simm.s32 @!p6 $0x0;
	[sflag:s26] =	ssyncadd.s32 $0xFFFFCE00  }
0xce: {  	[tilespmem:s15], [sflag:$0x6] =	stream.linear.gather @!p6 [hbm4b:s29+s2], $0x190, $0x38;
	[tilespmem:$0x1F720] =	vst v63  }
0xcf: {  	s7 =	sadd.s32 @!p6 $0x12C, s5;
	s15 =	sadd.s32 @!p6 $0x1879A, s5;
	s29 =	simm.s32 @!p6 $0x18B50  }
0xd0: {  	[tilespmem:s29], [sflag:$0x6] =	stream.linear.gather @!p6 [hbm4b:s15+s2], $0x190, $0x38;
	[tilespmem:$0x1F720] =	vst v63  }
0xd1: {  	s5 =	sadd.s32 @!p6 $0x187CC, s5;
	s15 =	smov.u32 s19;
	_ =	swait.ge [sflag:s28], $0x190  }
0xd2: {  	[sflag:s28] =	ssyncset.done $0x0  }
0xd3: {  	[sflag:s28] =	ssyncadd.s32 $0xFFFFFE70  }
0xd4: {  	_ =	swait.ge [sflag:s28], $0x190  }
0xd5: {  	[sflag:s28] =	ssyncset.done $0x0  }
0xd6: {  	[sflag:s28] =	ssyncadd.s32 $0xFFFFFE70  }
0xd7: {  	[tilespmem:s24], [sflag:$0x2] =	stream.indirect.gather [hbm4b:s22+s20], $0x20, s21, s20, $0xb8;
	[tilespmem:$0x1F720] =	vst v63  }
0xd8: {  	_ =	swait.ge [sflag:s9], $0x3200  }
0xd9: {  	[sflag:s9] =	ssyncset.done $0x0  }
0xda: {  	[sflag:s9] =	ssyncadd.s32 $0xFFFFCE00  }
0xdb: {  	[spmem:s3] =	stream.indirect.scatter.add.f32 [tilespmem:s30], [sflag:$0x3], $0x20, s10, s20, $0xb8;
	[tilespmem:$0x1F720] =	vst v63  }
0xdc: {  	_ =	swait.ge [sflag:s11], $0x3200  }
0xdd: {  	[sflag:s11] =	ssyncset.done $0x0  }
0xde: {  	s19 =	simm.s32 @!p6 $0x18CE0;
	[sflag:s11] =	ssyncadd.s32 $0xFFFFCE00  }
0xdf: {  	[tilespmem:s19], [sflag:$0x7] =	stream.linear.gather @!p6 [hbm4b:s7+s2], $0x190, $0x38;
	[tilespmem:$0x1F720] =	vst v63  }
0xe0: {  	s7 =	simm.s32 @!p6 $0x18E70  }
0xe1: {  	[tilespmem:s7], [sflag:$0x7] =	stream.linear.gather @!p6 [hbm4b:s5+s2], $0x190, $0x38;
	[tilespmem:$0x1F720] =	vst v63  }
0xe2: {  	_ =	swait.ge [sflag:s1], $0x190  }
0xe3: {  	[sflag:s1] =	ssyncset.done $0x0  }
.Ltmp1:
0xe4: {  	[sflag:s1] =	ssyncadd.s32 $0xFFFFFE70;
	(pc) =	sbr.rel @p5 .LBB2_4-.Ltmp1, $4  }
0xe5: {  	_ =	swait.ge [sflag:s1], $0x190  }
0xe6: {  	[sflag:s1] =	ssyncset.done $0x0  }
0xe7: {  	s31 =	sadd.s32 $0x640, s31;
	p6 =	seq.s32 s15, $0x0;
	[sflag:s1] =	ssyncadd.s32 $0xFFFFFE70  }
0xe8: {  	[tilespmem:s30], [sflag:$0x1] =	stream.indirect.gather [hbm4b:s22+s20], $0x20, s0, s20, $0xb8;
	[tilespmem:$0x1F720] =	vst v63  }
0xe9: {  	_ =	swait.ge [sflag:s13], $0x3200  }
0xea: {  	[sflag:s13] =	ssyncset.done $0x0  }
0xeb: {  	s2 =	simm.s32 @!p6 $0x4;
	s31 =	simm.s32 @p6 $0x4B0;
	[sflag:s13] =	ssyncadd.s32 $0xFFFFCE00  }
0xec: {  	[spmem:s3] =	stream.indirect.scatter.add.f32 [tilespmem:s24], [sflag:$0x4], $0x20, s23, s20, $0xb8;
	[tilespmem:$0x1F720] =	vst v63  }
0xed: {  	s5 =	sadd.s32 s18, s31;
	_ =	swait.ge @!p6 [sflag:s2], $0x3200  }
0xee: {  	s5 =	sshrl.u32 s5, $0x3;
	[sflag:s2] =	ssyncset.done @!p6 $0x0  }
0xef: {  	s19 =	sadd.s32 s16, s5;
	[sflag:s2] =	ssyncadd.s32 @!p6 $0xFFFFCE00  }
0xf0: {  	[tilespmem:s21], [sflag:$0x8] =	stream.linear.gather [hbm4b:s19+s4], $0x190, $0x38;
	[tilespmem:$0x1F720] =	vst v63  }
0xf1: {  	s2 =	sadd.s32 $0x186A0, s19  }
0xf2: {  	[tilespmem:s23], [sflag:$0x8] =	stream.linear.gather [hbm4b:s2+s4], $0x190, $0x38;
	[tilespmem:$0x1F720] =	vst v63  }
0xf3: {  	_ =	swait.ge [sflag:s8], $0x190  }
0xf4: {  	[sflag:s8] =	ssyncset.done $0x0  }
0xf5: {  	[sflag:s8] =	ssyncadd.s32 $0xFFFFFE70  }
0xf6: {  	_ =	swait.ge [sflag:s8], $0x190  }
0xf7: {  	[sflag:s8] =	ssyncset.done $0x0  }
0xf8: {  	[sflag:s8] =	ssyncadd.s32 $0xFFFFFE70  }
0xf9: {  	[tilespmem:s24], [sflag:$0x2] =	stream.indirect.gather [hbm4b:s22+s20], $0x20, s17, s20, $0xb8;
	[tilespmem:$0x1F720] =	vst v63  }
0xfa: {  	_ =	swait.ge [sflag:s9], $0x3200  }
0xfb: {  	[sflag:s9] =	ssyncset.done $0x0  }
0xfc: {  	[sflag:s9] =	ssyncadd.s32 $0xFFFFCE00  }
0xfd: {  	[spmem:s3] =	stream.indirect.scatter.add.f32 [tilespmem:s30], [sflag:$0x3], $0x20, s6, s20, $0xb8;
	[tilespmem:$0x1F720] =	vst v63  }
0xfe: {  	_ =	swait.ge [sflag:s11], $0x3200  }
0xff: {  	s31 =	sadd.s32 s15, s25;
	[sflag:s11] =	ssyncset.done $0x0  }
0x100: {  	s7 =	sadd.s32 $0xC8, s31;
	[sflag:s11] =	ssyncadd.s32 $0xFFFFCE00  }
0x101: {  	[tilespmem:s0], [sflag:$0x5] =	stream.linear.gather [hbm4b:s7+s4], $0x190, $0x38;
	[tilespmem:$0x1F720] =	vst v63  }
0x102: {  	s2 =	sadd.s32 $0x18768, s31  }
0x103: {  	[tilespmem:s6], [sflag:$0x5] =	stream.linear.gather [hbm4b:s2+s4], $0x190, $0x38;
	[tilespmem:$0x1F720] =	vst v63  }
0x104: {  	_ =	swait.ge [sflag:s12], $0x190  }
0x105: {  	[sflag:s12] =	ssyncset.done $0x0  }
0x106: {  	[sflag:s12] =	ssyncadd.s32 $0xFFFFFE70  }
0x107: {  	_ =	swait.ge [sflag:s12], $0x190  }
0x108: {  	[sflag:s12] =	ssyncset.done $0x0  }
0x109: {  	s14 =	simm.s32 $0x18CE0;
	[sflag:s12] =	ssyncadd.s32 $0xFFFFFE70  }
0x10a: {  	[tilespmem:s30], [sflag:$0x1] =	stream.indirect.gather [hbm4b:s22+s20], $0x20, s14, s20, $0xb8;
	[tilespmem:$0x1F720] =	vst v63  }
0x10b: {  	_ =	swait.ge [sflag:s13], $0x3200  }
0x10c: {  	[sflag:s13] =	ssyncset.done $0x0  }
0x10d: {  	s17 =	simm.s32 $0x18B50;
	[sflag:s13] =	ssyncadd.s32 $0xFFFFCE00  }
0x10e: {  	[spmem:s3] =	stream.indirect.scatter.add.f32 [tilespmem:s24], [sflag:$0x4], $0x20, s17, s20, $0xb8;
	[tilespmem:$0x1F720] =	vst v63  }
0x10f: {  	p5 =	seq.s32 s15, $0x1770;
	_ =	swait.ge [sflag:s26], $0x3200  }
0x110: {  	s5 =	simm.s32 @!p5 $0x189C0;
	s2 =	sadd.s32 @!p5 s15, s25;
	[sflag:s26] =	ssyncset.done $0x0  }
0x111: {  	s7 =	sadd.s32 @!p5 $0xFA, s2;
	s14 =	simm.s32 @!p5 $0x0;
	[sflag:s26] =	ssyncadd.s32 $0xFFFFCE00  }
0x112: {  	[tilespmem:s5], [sflag:$0x6] =	stream.linear.gather @!p5 [hbm4b:s7+s14], $0x190, $0x38;
	[tilespmem:$0x1F720] =	vst v63  }
0x113: {  	s5 =	sadd.s32 @!p5 $0x1879A, s2;
	s7 =	simm.s32 @!p5 $0x18B50  }
0x114: {  	[tilespmem:s7], [sflag:$0x6] =	stream.linear.gather @!p5 [hbm4b:s5+s14], $0x190, $0x38;
	[tilespmem:$0x1F720] =	vst v63  }
0x115: {  	_ =	swait.ge [sflag:s28], $0x190  }
0x116: {  	[sflag:s28] =	ssyncset.done $0x0  }
0x117: {  	[sflag:s28] =	ssyncadd.s32 $0xFFFFFE70  }
0x118: {  	_ =	swait.ge [sflag:s28], $0x190  }
0x119: {  	[sflag:s28] =	ssyncset.done $0x0  }
0x11a: {  	[sflag:s28] =	ssyncadd.s32 $0xFFFFFE70  }
0x11b: {  	[tilespmem:s24], [sflag:$0x2] =	stream.indirect.gather [hbm4b:s22+s20], $0x20, s21, s20, $0xb8;
	[tilespmem:$0x1F720] =	vst v63  }
0x11c: {  	_ =	swait.ge [sflag:s9], $0x3200  }
0x11d: {  	[sflag:s9] =	ssyncset.done $0x0  }
0x11e: {  	[sflag:s9] =	ssyncadd.s32 $0xFFFFCE00  }
0x11f: {  	[spmem:s3] =	stream.indirect.scatter.add.f32 [tilespmem:s30], [sflag:$0x3], $0x20, s10, s20, $0xb8;
	[tilespmem:$0x1F720] =	vst v63  }
0x120: {  	_ =	swait.ge [sflag:s11], $0x3200  }
0x121: {  	[sflag:s11] =	ssyncset.done $0x0  }
0x122: {  	s5 =	sadd.s32 @!p5 $0x12C, s2;
	s7 =	simm.s32 @!p5 $0x18CE0;
	[sflag:s11] =	ssyncadd.s32 $0xFFFFCE00  }
0x123: {  	[tilespmem:s7], [sflag:$0x7] =	stream.linear.gather @!p5 [hbm4b:s5+s14], $0x190, $0x38;
	[tilespmem:$0x1F720] =	vst v63  }
0x124: {  	s2 =	sadd.s32 @!p5 $0x187CC, s2;
	s5 =	simm.s32 @!p5 $0x18E70  }
0x125: {  	[tilespmem:s5], [sflag:$0x7] =	stream.linear.gather @!p5 [hbm4b:s2+s14], $0x190, $0x38;
	[tilespmem:$0x1F720] =	vst v63  }
0x126: {  	_ =	swait.ge [sflag:s1], $0x190  }
0x127: {  	[sflag:s1] =	ssyncset.done $0x0  }
0x128: {  	[sflag:s1] =	ssyncadd.s32 $0xFFFFFE70  }
0x129: {  	_ =	swait.ge [sflag:s1], $0x190  }
0x12a: {  	[sflag:s1] =	ssyncset.done $0x0  }
0x12b: {  	[sflag:s1] =	ssyncadd.s32 $0xFFFFFE70  }
0x12c: {  	[tilespmem:s30], [sflag:$0x1] =	stream.indirect.gather [hbm4b:s22+s20], $0x20, s0, s20, $0xb8;
	[tilespmem:$0x1F720] =	vst v63  }
0x12d: {  	_ =	swait.ge [sflag:s13], $0x3200  }
0x12e: {  	[sflag:s13] =	ssyncset.done $0x0  }
0x12f: {  	[sflag:s13] =	ssyncadd.s32 $0xFFFFCE00  }
0x130: {  	[spmem:s3] =	stream.indirect.scatter.add.f32 [tilespmem:s24], [sflag:$0x4], $0x20, s23, s20, $0xb8;
	[tilespmem:$0x1F720] =	vst v63  }
0x131: {  	_ =	swait.ge [sflag:s26], $0x3200  }
0x132: {  	[sflag:s26] =	ssyncset.done $0x0  }
0x133: {  	[sflag:s26] =	ssyncadd.s32 $0xFFFFCE00  }
0x134: {  	_ =	swait.ge [sflag:s9], $0x3200  }
0x135: {  	[sflag:s9] =	ssyncset.done $0x0  }
0x136: {  	[sflag:s9] =	ssyncadd.s32 $0xFFFFCE00  }
0x137: {  	[spmem:s3] =	stream.indirect.scatter.add.f32 [tilespmem:s30], [sflag:$0x3], $0x20, s6, s20, $0xb8;
	[tilespmem:$0x1F720] =	vst v63  }
0x138: {  	_ =	swait.ge [sflag:s11], $0x3200  }
0x139: {  	[sflag:s11] =	ssyncset.done $0x0  }
0x13a: {  	[sflag:s11] =	ssyncadd.s32 $0xFFFFCE00  }
0x13b: {  	[bflag:$0x0] =	sbarrier.arrive $0xFFFF  }
0x13c: {  	s7 =	rddreg [dreg:$0xc]  }
0x13d: {  	s5 =	simm.s32 @!p1 $0x1FC9;
	s14 =	rddreg [dreg:$0x13];
	s2 =	sshrl.u32 @!p1 s7, $0x3  }
0x13e: {  	[hbm:s14], [sflag:s5] =	dma.local @!p1 [spmem:s2], $0x1F40  }
0x13f: {  	s2 =	simm.s32 @!p1 $0x9  }
0x140: {  	_ =	swait.ge @!p1 [sflag:s2], $0x1F40  }
0x141: {  	s5 =	simm.s32 @!p2 $0x1FC9;
	[sflag:s2] =	ssyncset.done @!p1 $0x0  }
0x142: {  	[sflag:s2] =	ssyncadd.s32 @!p1 $0xFFFFE0C0;
	s2 =	sshrl.u32 @!p2 s7, $0x3;
	s7 =	rddreg [dreg:$0x14]  }
0x143: {  	[hbm:s7], [sflag:s5] =	dma.local @!p2 [spmem:s2], $0x1F40  }
0x144: {  	s2 =	simm.s32 @!p2 $0x9  }
0x145: {  	_ =	swait.ge @!p2 [sflag:s2], $0x1F40  }
0x146: {  	s14 =	stileid.u32;
	s15 =	rddreg [dreg:$0x11]  }
0x147: {  	s5 =	sshll.u32 @!p3 s14, $0x6;
	[sflag:s2] =	ssyncset.done @!p2 $0x0;
	s7 =	rddreg [dreg:$0x10]  }
0x148: {  	[sflag:s2] =	ssyncadd.s32 @!p2 $0xFFFFE0C0;
	s2 =	sor.u32 @!p3 $0x1C09, s5;
	s5 =	sshrl.u32 @!p3 s15, $0x3  }
0x149: {  	[hbm:s7], [sflag:s2] =	dma.local @!p3 [spmem:s5], $0x3200  }
0x14a: {  	s2 =	simm.s32 @!p3 $0x9  }
0x14b: {  	_ =	swait.ge @!p3 [sflag:s2], $0x3200  }
0x14c: {  	s5 =	sshll.u32 @!p4 s14, $0x6;
	[sflag:s2] =	ssyncset.done @!p3 $0x0;
	s14 =	rddreg [dreg:$0x12]  }
0x14d: {  	[sflag:s2] =	ssyncadd.s32 @!p3 $0xFFFFCE00;
	s2 =	sor.u32 @!p4 $0x1C09, s5;
	s5 =	sshrl.u32 @!p4 s15, $0x3  }
0x14e: {  	[hbm:s14], [sflag:s2] =	dma.local @!p4 [spmem:s5], $0x3200  }
0x14f: {  	s2 =	simm.s32 @!p4 $0x9  }
0x150: {  	_ =	swait.ge @!p4 [sflag:s2], $0x3200  }
0x151: {  	s19 =	rddreg [dreg:$0x19]  }
0x152: {  	s31 =	rddreg [dreg:$0x15];
	s14 =	sadd.s32 $0x1, s19  }
0x153: {  	p5 =	sne.s32 s14, s31  }
.Ltmp2:
0x154: {  	_ = 	snop;
	(pc) =	sbr.rel @p5 .LBB2_1-.Ltmp2, $4  }
0x155: {  	_ = 	snop  }
0x156: {  	s29 =	smov.u32 s18;
	s18 =	simm.s32 $0x18E70  }
0x157: {  	s17 =	simm.s32 $0x18B50;
	s10 =	simm.s32 $0x18CE0;
	[sflag:s2] =	ssyncset.done @!p4 $0x0  }
0x158: {  	s7 =	stileid.u32;
	s15 =	simm.s32 $0x189C0;
	[sflag:s2] =	ssyncadd.s32 @!p4 $0xFFFFCE00  }
0x159: {  	_ =	sfence.sel $0x180000  }
0x15a: {  	[bflag:$0x0] =	sbarrier.arrive $0xFFFF  }
0x15b: {  	_ =	strace $0x9000004D  }
0x15c: {  	[bflag:$0x2] =	sbarrier.arrive $0xFFFF  }
0x15d: {  	p0 =	sne.s32 s7, $0x0;
	s0 =	rddreg [dreg:$0x3]  }
0x15e: {  	s0 =	sadd.s32 @!p0 $0x100000, s0  }
0x15f: {  	[sflag:s0] =	ssyncadd.tile.s32 @!p0 $0x1;
	_ =	shalt  }
.Lfunc_end2:
_tile_overlayer_lowered:
.L_overlay_start_2:
0x160: {  	(tag) =	ssettag $0x2  }
0x161: {  	s0 =	rddreg [dreg:$0x0];
	s2 =	stileid.u32  }
0x162: {  	s1 =	rddreg [dreg:$0x1];
	p0 =	sne.s32 s2, $0x0  }
0x163: {  	s3 =	rddreg [dreg:$0x2];
	[bflag:$0x3] =	sbarrier.arrive $0xFFFF;
	s2 =	simm.s32 @!p0 $0x1C09  }
0x164: {  	[timem:s3], [sflag:s2] =	dma.local @!p0 [hbm:s0], s1  }
0x165: {  	s0 =	simm.s32 @!p0 $0x9  }
0x166: {  	_ =	swait.ge @!p0 [sflag:s0], s1  }
0x167: {  	s1 =	ssub.s32 @!p0 $0x0, s1;
	[sflag:s0] =	ssyncset.done @!p0 $0x0  }
0x168: {  	[sflag:s0] =	ssyncadd.s32 @!p0 s1  }
0x169: {  	[bflag:$0x3] =	sbarrier.arrive $0xFFFF  }
0x16a: {  	_ =	shalt  }

// kernel: kernel.8.cloned.1.call-start
scs
__scs_entry_jumppad:
0x0: {  	(pc) =	sbr.rel $0x88, $3  }
0x1: {  	(tag) =	ssettag $0x0;
	lr =	simm.s32 $0x1  }
0x2: {  	[smem:$0x3F98] =	sst lr;
	_ =	strace $0xD0000000  }
0x3: {  	_ = 	snop  }
0x4: {  	_ = 	snop  }
0x5: {  	_ = 	snop  }
0x6: {  	_ = 	snop  }
0x7: {  	_ = 	snop  }
__scs_overlays_trampoline_lowered:
0x8: {  	[smem:$0x3FA7] =	sst s0  }
0x9: {  	[smem:$0x3FA8] =	sst s1  }
0xa: {  	[smem:$0x3FA9] =	sst s2  }
0xb: {  	[smem:$0x3FAA] =	sst s3  }
0xc: {  	[smem:$0x3FAB] =	sst s4  }
0xd: {  	[smem:$0x3FAC] =	sst s5  }
0xe: {  	[smem:$0x3FAD] =	sst s6  }
0xf: {  	[smem:$0x3FAE] =	sst s7  }
0x10: {  	[smem:$0x3FAF] =	sst s8  }
0x11: {  	[smem:$0x3FB0] =	sst s9;
	s0 =	simm.s32 @!p0 $0x0  }
0x12: {  	s1 =	sld [smem:$0x3F96];
	s0 =	simm.s32 @p0 $0x1  }
0x13: {  	[smem:$0x3FB1] =	sst s0;
	s0 =	simm.s32 @!p1 $0x0  }
0x14: {  	s2 =	sld [smem:$0x3F95];
	s0 =	simm.s32 @p1 $0x1  }
0x15: {  	[smem:$0x3FB2] =	sst s0;
	s0 =	simm.s32 @!p2 $0x0  }
0x16: {  	s3 =	sld [smem:$0x3FDB];
	s0 =	simm.s32 @p2 $0x1  }
0x17: {  	s4 =	simm.s32 $0x1BF5;
	[smem:$0x3FB4] =	sst s0  }
0x18: {  	s0 =	sld [smem:$0x3F97];
	_ =	swait.ge [sflag:s4], $0x0  }
0x19: {  	s7 =	sld [smem:$0x3F98]  }
0x1a: {  	s8 =	sadd.s32 $0xFFFFE003, lr  }
0x1b: {  	s9 =	sadd.s32 $0xFFFFFEF7, lr;
	s5 =	simm.s32 $0xFFFFFFFF;
	p2 =	slt.u32 s8, $0xFFFFF086  }
0x1c: {  	p1 =	slt.u32 s9, $0xF7A;
	s5 =	simm.s32 @!p2 $0x0  }
0x1d: {  	s5 =	simm.s32 @p1 $0x1;
	p0 =	seq.s32 s7, s2  }
0x1e: {  	s7 =	smul.u32 @!p0 $0xF7A, s2;
	p2 =	seq.s32 @!p0 s5, $0x0  }
0x1f: {  	s9 =	smul.u32 $0xF7A, s1;
	s8 =	simm.s32 @!p0 $0x1BF5;
	p2 =	por !p2, p0  }
0x20: {  	[sflag:s8] =	ssyncset.s32 @!p0 $0xFFFFF086;
	s6 =	sadd.s32 @!p0 s3, s7;
	s7 =	simm.s32 @!p0 $0x108  }
0x21: {  	s3 =	sadd.s32 s3, s9;
	s6 =	sadd.s32 @!p0 $0x88, s6;
	s7 =	simm.s32 @p2 $0x1082  }
0x22: {  	[simem:s7], [sflag:s8] =	dma.local @!p0 [hbm:s6], $0xF7A  }
0x23: {  	s9 =	sor.u32 $0xD0000000, s2;
	s6 =	simm.s32 $0x108;
	_ =	swait.ge @!p0 [sflag:s8], $0x0  }
0x24: {  	s3 =	sadd.s32 $0x88, s3;
	s6 =	simm.s32 @!p1 $0x1082;
	[sflag:s4] =	ssyncset.s32 $0xFFFFF086  }
0x25: {  	[simem:s6], [sflag:s4] =	dma.local [hbm:s3], $0xF7A  }
0x26: {  	[smem:$0x3F98] =	sst s1;
	(tag) =	ssettag s2;
	_ =	strace s9  }
0x27: {  	s1 =	sld [smem:$0x3FA8]  }
0x28: {  	s2 =	sld [smem:$0x3FA9]  }
0x29: {  	s4 =	sld [smem:$0x3FAB]  }
0x2a: {  	p0 =	seq.s32 s5, $0x0;
	s5 =	sld [smem:$0x3FAC]  }
0x2b: {  	s6 =	sld [smem:$0x3FAD]  }
0x2c: {  	s7 =	sld [smem:$0x3FAE]  }
0x2d: {  	s3 =	simm.s32 $0x108;
	s8 =	sld [smem:$0x3FAF]  }
0x2e: {  	s3 =	simm.s32 @!p0 $0x1082;
	s9 =	sld [smem:$0x3FB0]  }
0x2f: {  	lr =	sadd.s32 s0, s3;
	s0 =	sld [smem:$0x3FA7]  }
0x30: {  	s3 =	sld [smem:$0x3FAA]  }
0x31: {  	[smem:$0x3FB3] =	sst s10  }
0x32: {  	s10 =	sld [smem:$0x3FB1];
	_ =	sdelay $0x3  }
0x33: {  	p0 =	seq.s32 s10, $0x1;
	s10 =	sld [smem:$0x3FB3];
	_ =	sdelay $0x3  }
0x34: {  	[smem:$0x3FB3] =	sst s10  }
0x35: {  	s10 =	sld [smem:$0x3FB2];
	_ =	sdelay $0x3  }
0x36: {  	p1 =	seq.s32 s10, $0x1;
	s10 =	sld [smem:$0x3FB3];
	_ =	sdelay $0x3  }
0x37: {  	[smem:$0x3FB3] =	sst s10  }
0x38: {  	s10 =	sld [smem:$0x3FB4]  }
0x39: {  	_ = 	snop;
	(pc) =	sbr.ind lr, $3  }
0x3a: {  	_ = 	snop  }
0x3b: {  	_ = 	snop  }
0x3c: {  	p2 =	seq.s32 s10, $0x1;
	s10 =	sld [smem:$0x3FB3]  }
0x3d: {  	_ =	shalt  }
0x3e: {  	_ =	shalt  }
0x3f: {  	_ =	shalt  }
0x40: {  	_ =	shalt  }
0x41: {  	_ =	shalt  }
0x42: {  	_ =	shalt  }
0x43: {  	_ =	shalt  }
0x44: {  	_ =	shalt  }
0x45: {  	_ =	shalt  }
0x46: {  	_ =	shalt  }
0x47: {  	_ =	shalt  }
0x48: {  	_ =	shalt  }
0x49: {  	_ =	shalt  }
0x4a: {  	_ =	shalt  }
0x4b: {  	_ =	shalt  }
0x4c: {  	_ =	shalt  }
0x4d: {  	_ =	shalt  }
0x4e: {  	_ =	shalt  }
0x4f: {  	_ =	shalt  }
0x50: {  	_ =	shalt  }
0x51: {  	_ =	shalt  }
0x52: {  	_ =	shalt  }
0x53: {  	_ =	shalt  }
0x54: {  	_ =	shalt  }
0x55: {  	_ =	shalt  }
0x56: {  	_ =	shalt  }
0x57: {  	_ =	shalt  }
0x58: {  	_ =	shalt  }
0x59: {  	_ =	shalt  }
0x5a: {  	_ =	shalt  }
0x5b: {  	_ =	shalt  }
0x5c: {  	_ =	shalt  }
0x5d: {  	_ =	shalt  }
0x5e: {  	_ =	shalt  }
0x5f: {  	_ =	shalt  }
0x60: {  	_ =	shalt  }
0x61: {  	_ =	shalt  }
0x62: {  	_ =	shalt  }
0x63: {  	_ =	shalt  }
0x64: {  	_ =	shalt  }
0x65: {  	_ =	shalt  }
0x66: {  	_ =	shalt  }
0x67: {  	_ =	shalt  }
0x68: {  	_ =	shalt  }
0x69: {  	_ =	shalt  }
0x6a: {  	_ =	shalt  }
0x6b: {  	_ =	shalt  }
0x6c: {  	_ =	shalt  }
0x6d: {  	_ =	shalt  }
0x6e: {  	_ =	shalt  }
0x6f: {  	_ =	shalt  }
0x70: {  	_ =	shalt  }
0x71: {  	_ =	shalt  }
0x72: {  	_ =	shalt  }
0x73: {  	_ =	shalt  }
0x74: {  	_ =	shalt  }
0x75: {  	_ =	shalt  }
0x76: {  	_ =	shalt  }
0x77: {  	_ =	shalt  }
0x78: {  	_ =	shalt  }
0x79: {  	_ =	shalt  }
0x7a: {  	_ =	shalt  }
0x7b: {  	_ =	shalt  }
0x7c: {  	_ =	shalt  }
0x7d: {  	_ =	shalt  }
0x7e: {  	_ =	shalt  }
0x7f: {  	_ =	shalt  }
0x80: {  	_ =	shalt  }
0x81: {  	_ =	shalt  }
0x82: {  	_ =	shalt  }
0x83: {  	_ =	shalt  }
0x84: {  	_ =	shalt  }
0x85: {  	_ =	shalt  }
0x86: {  	_ =	shalt  }
0x87: {  	_ =	shalt  }
.Lfunc_end0:
.L_simem_size_0:
called_computation_lowered:
.L_overlay_start_0:
0x88: {  	s2 =	sld [smem:$0x3FD9]  }
0x89: {  	s3 =	sld [smem:$0x3FFE];
	_ =	sdelay $0x1  }
0x8a: {  	s1 =	srdreg.scid  }
0x8b: {  	s0 =	sand.u32 $0x1, s1  }
0x8c: {  	s17 =	sshll.u32 s0, $0xA;
	s2 =	sadd.s32 s3, s2  }
0x8d: {  	s2 =	sadd.s32 s2, s17  }
0x8e: {  	[smem:$0x3FBF] =	sst s2  }
0x8f: {  	_ = 	snop  }
0x90: {  	s2 =	sld [smem:$0x3FD0];
	(tm) =	ssettm $0x1  }
0x91: {  	s18 =	sld [smem:$0x3FFB];
	_ =	sdelay $0x3  }
0x92: {  	_ =	strace s18  }
0x93: {  	s3 =	sld [smem:$0x3FFC];
	_ =	sdelay $0x3  }
0x94: {  	_ =	strace s3  }
0x95: {  	s3 =	sld [smem:$0x3FFD];
	_ =	sdelay $0x3  }
0x96: {  	_ =	strace s3  }
0x97: {  	_ =	strace $0x8FFFFFFF  }
0x98: {  	s19 =	sld [smem:$0x3FDB];
	_ =	sdelay $0x1  }
0x99: {  	s4 =	simm.s32 $_scs_section_size  }
0x9a: {  	s5 =	simm.s32 $_size__tile_overlayer_lowered;
	s6 =	simm.s32 $_tile_overlayer_lowered  }
0x9b: {  	s22 =	simm.s32 $0x1BFF;
	s21 =	sshll.u32 s6, $0x1;
	s3 =	sadd.s32 s4, s19  }
0x9c: {  	s7 =	simm.s32 $0x0;
	s20 =	sshll.u32 s5, $0x1;
	s5 =	sadd.s32 s21, s3  }
0x9d: {  	[timem:s7], [sflag:s22] =	dma.local [hbm:s5], s20  }
0x9e: {  	_ =	swait.ge [sflag:s22], s20  }
0x9f: {  	s4 =	ssub.s32 $0x0, s20;
	[sflag:s22] =	ssyncset.done $0x0  }
0xa0: {  	[sflag:s22] =	ssyncadd.s32 s4;
	_ =	sdelay $0x1  }
0xa1: {  	s23 =	simm.s32 $0x1B8B  }
0xa2: {  	_ =	swait.ge [sflag:s23], $0x1  }
0xa3: {  	[sflag:s23] =	ssyncset.done $0x0  }
0xa4: {  	s25 =	simm.s32 $0x1B8E;
	s24 =	sld [smem:$0x3FFE];
	[sflag:s23] =	ssyncadd.s32 $0xFFFFFFFF  }
0xa5: {  	s26 =	simm.s32 $execute0_lowered;
	[smem:$0x3FD2] =	sst s25  }
0xa6: {  	s5 =	sshll.u32 s26, $0x1;
	_ =	strace $0x80000046;
	[dreg:$0x1] =	wrdreg $0xFFFFFFFF  }
0xa7: {  	s28 =	simm.s32 $_size_execute0_lowered;
	s3 =	sadd.s32 s3, s5;
	[dreg:$0x0] =	wrdreg $0x0  }
0xa8: {  	s5 =	sshll.u32 s28, $0x1;
	[dreg:$0x2] =	wrdreg s3  }
0xa9: {  	[dreg:$0x3] =	wrdreg s5  }
0xaa: {  	[dreg:$0x4] =	wrdreg $0xC0  }
0xab: {  	_ =	task [dreg:s7], $0x5FFFF  }
0xac: {  	[dreg:$0x1] =	wrdreg $0xFFFFFFFF  }
0xad: {  	[dreg:$0x0] =	wrdreg $0x60  }
0xae: {  	[dreg:$0x2] =	wrdreg s2  }
0xaf: {  	[dreg:$0x3] =	wrdreg s24  }
0xb0: {  	[dreg:$0x4] =	wrdreg $0x0  }
0xb1: {  	[dreg:$0x5] =	wrdreg $0x9  }
0xb2: {  	_ =	task.clear_ibuf [dreg:s7], $0x6FFFF;
	_ =	strace $0x90000046  }
0xb3: {  	s29 =	simm.s32 $0x9;
	_ =	strace $0x80000048  }
0xb4: {  	_ =	swait.ge [sflag:s29], $0x1  }
0xb5: {  	[sflag:s29] =	ssyncadd.s32 $0xFFFFFFFF  }
0xb6: {  	_ =	strace $0x90000048  }
0xb7: {  	_ =	sfence  }
0xb8: {  	s30 =	sld [smem:$0x0];
	_ =	sdelay $0x2  }
0xb9: {  	s31 =	sshll.u32 s1, $0xD;
	s1 =	sshrl.u32 s1, $0x2  }
0xba: {  	s3 =	sand.u32 $0x4000, s31;
	s1 =	sadd.s32 s1, s30  }
0xbb: {  	s0 =	sor.u32 s3, s0;
	s1 =	sshll.u32 s1, $0x11  }
0xbc: {  	s0 =	sor.u32 s1, s0  }
0xbd: {  	s0 =	sadd.s32 $0x8F2B, s0  }
0xbe: {  	[sflag:s0] =	ssyncadd.remote.s32 $0x1  }
0xbf: {  	_ =	sfence.sel $0xFFFF  }
0xc0: {  	[dreg:$0x0] =	wrdreg $0xFFFFFFFF;
	(pc) =	sbr.abs _section_cstart, $3  }
0xc1: {  	[dreg:$0x1] =	wrdreg $0xFFFFFFFF  }
0xc2: {  	_ =	task.clear_ibuf [dreg:s7], $0x2FFFF;
	_ =	strace $0x9FFFFFFF  }
0xc3: {  	(tm) =	ssettm $0x7FFFFFFF  }
tec
execute0_lowered:
.L_overlay_start_1:
0x0: {  	(tag) =	ssettag $0x1  }
0x1: {  	s11 =	rddreg [dreg:$0x0]  }
0x2: {  	s4 =	rddreg [dreg:$0x1];
	s1 =	srdreg.scid  }
0x3: {  	s0 =	stileid.u32;
	s2 =	rddreg [dreg:$0x2];
	s3 =	simm.s32 $0x0  }
0x4: {  	s12 =	simm.s32 $0xC5C10;
	s13 =	simm.s32 $0xCD140;
	s14 =	simm.s32 $0xC80  }
0x5: {  	s15 =	simm.s32 $0x2710;
	s16 =	simm.s32 $0x3390;
	s6 =	smul.u32 $0xC80, s0  }
0x6: {  	s5 =	sand.u32 $0x1, s1;
	s1 =	rddreg [dreg:$0x3];
	s10 =	smul.u32 $0xC350, s0  }
0x7: {  	s17 =	simm.s32 $0x0;
	[smem:$0x7FF] =	sst s3;
	s7 =	smul.u32 $0xC800, s5  }
0x8: {  	_ =	strace $0x80000047;
	s8 =	ssub.s32 $0x2, s5;
	p0 =	seq.s32 s5, $0x1  }
0x9: {  	s9 =	sshrl.u32 s8, $0x1;
	s12 =	simm.s32 @!p0 $0x2710;
	s7 =	sadd.s32 s6, s7  }
0xa: {  	s8 =	ssub.s32 s8, s9;
	s31 =	sadd.s32 s12, s10;
	s12 =	simm.s32 $0xCAA30  }
0xb: {  	s9 =	smov.u32 s10;
	s7 =	sshrl.u32 s7, $0x3;
	s12 =	simm.s32 @!p0 $0x7530  }
0xc: {  	s7 =	sadd.s32 s7, s4;
	s4 =	sadd.s32 s6, s2;
	s6 =	sadd.s32 $0xC3500, s10  }
0xd: {  	s13 =	simm.s32 @!p0 $0x9C40;
	s12 =	sadd.s32 s12, s10;
	s9 =	smov.u32 @p0 s6  }
0xe: {  	s5 =	sadd.s32 $0x3600, s7;
	s30 =	sshrl.u32 s9, $0x3;
	s9 =	simm.s32 $0xC8320  }
0xf: {  	s6 =	smax.u32 s8, $0x1;
	s8 =	sshrl.u32 s31, $0x3;
	s9 =	simm.s32 @!p0 $0x4E20  }
0x10: {  	s12 =	sshrl.u32 s12, $0x3;
	s8 =	sadd.s32 s11, s8;
	s9 =	sadd.s32 s9, s10  }
0x11: {  	s7 =	sadd.s32 s11, s30;
	s10 =	sadd.s32 s13, s10;
	s9 =	sshrl.u32 s9, $0x3  }
0x12: {  	s13 =	sshrl.u32 s10, $0x3;
	s10 =	sadd.s32 s11, s12;
	s12 =	simm.s32 $0x5AA0  }
0x13: {  	v0 =	vimm.f32 $1.000000000e+00;
	v1 =	vimm.f32 $0.0e+00;
	s9 =	sadd.s32 s11, s9;
	s11 =	sadd.s32 s11, s13;
	s13 =	simm.s32 $0x1  }
.LBB2_1:
0x14: {  	s18 =	simm.s32 $0x33B0  }
0x15: {  	[tilespmem:s18+$0xFFFFFFE0] =	vst v0  }
0x16: {  	[tilespmem:s18+$0x10] =	vst v0  }
0x17: {  	s19 =	simm.s32 $0x0;
	[tilespmem:s18+$0x0] =	vst v0  }
.LBB2_2:
0x18: {  	s19 =	sadd.s32 $0x4, s19  }
0x19: {  	[tilespmem:s18+$0xFFFFFFF0] =	vst v0;
	s18 =	sadd.s32 $0x40, s18;
	p0 =	slt.u32 s19, $0x26C  }
.Ltmp0:
0x1a: {  	[tilespmem:s18+$0xFFFFFFE0] =	vst v0;
	(pc) =	sbr.rel @p0 .LBB2_2-.Ltmp0, $3  }
0x1b: {  	_ =	sdelay $0x1  }
0x1c: {  	[tilespmem:s18+$0x10] =	vst v0  }
0x1d: {  	[tilespmem:s18+$0x0] =	vst v0  }
0x1e: {  	[tilespmem:s18+$0xFFFFFFF0] =	vst v0  }
0x1f: {  	s18 =	simm.s32 $0x5AC0;
	[tilespmem:$0x5A90] =	vst v0  }
0x20: {  	[tilespmem:s18+$0xFFFFFFE0] =	vst v1  }
0x21: {  	[tilespmem:s18+$0x10] =	vst v1  }
0x22: {  	s19 =	simm.s32 $0x0;
	[tilespmem:s18+$0x0] =	vst v1  }
.LBB2_4:
0x23: {  	s19 =	sadd.s32 $0x4, s19  }
0x24: {  	[tilespmem:s18+$0xFFFFFFF0] =	vst v1;
	s18 =	sadd.s32 $0x40, s18;
	p0 =	slt.u32 s19, $0xC4  }
.Ltmp1:
0x25: {  	[tilespmem:s18+$0xFFFFFFE0] =	vst v1;
	(pc) =	sbr.rel @p0 .LBB2_4-.Ltmp1, $3  }
0x26: {  	_ =	sdelay $0x1  }
0x27: {  	[tilespmem:s18+$0x10] =	vst v1  }
0x28: {  	[tilespmem:s18+$0x0] =	vst v1  }
0x29: {  	[tilespmem:s18+$0xFFFFFFF0] =	vst v1  }
0x2a: {  	[spmem:s4] =	stream.linear.scatter [tilespmem:s12], [sflag:$0x1], $0xC80, $0x38;
	[tilespmem:$0x6720] =	vst v63  }
0x2b: {  	_ =	swait.ge [sflag:s13], $0xC80  }
0x2c: {  	[sflag:s13] =	ssyncset.done $0x0  }
0x2d: {  	[sflag:s13] =	ssyncadd.s32 $0xFFFFF380  }
0x2e: {  	[bflag:$0x0] =	sbarrier.arrive $0xFFFF  }
0x2f: {  	[tilespmem:s14], [sflag:$0x1] =	stream.linear.gather [hbm4b:s7+s3], $0x2710, $0x38;
	[tilespmem:$0x6720] =	vst v63  }
0x30: {  	_ =	swait.ge [sflag:s13], $0x2710  }
0x31: {  	[sflag:s13] =	ssyncset.done $0x0  }
0x32: {  	[sflag:s13] =	ssyncadd.s32 $0xFFFFD8F0  }
0x33: {  	[spmem:s2] =	stream.indirect.scatter.add.f32 [tilespmem:s16], [sflag:$0x1], $0x1, s14, s15, $0xb8;
	[tilespmem:$0x6720] =	vst v63  }
0x34: {  	_ =	swait.ge [sflag:s13], $0x2710  }
0x35: {  	[sflag:s13] =	ssyncset.done $0x0  }
0x36: {  	[sflag:s13] =	ssyncadd.s32 $0xFFFFD8F0  }
0x37: {  	[tilespmem:s14], [sflag:$0x1] =	stream.linear.gather [hbm4b:s8+s3], $0x2710, $0x38;
	[tilespmem:$0x6720] =	vst v63  }
0x38: {  	_ =	swait.ge [sflag:s13], $0x2710  }
0x39: {  	[sflag:s13] =	ssyncset.done $0x0  }
0x3a: {  	[sflag:s13] =	ssyncadd.s32 $0xFFFFD8F0  }
0x3b: {  	[spmem:s2] =	stream.indirect.scatter.add.f32 [tilespmem:s16], [sflag:$0x1], $0x1, s14, s15, $0xb8;
	[tilespmem:$0x6720] =	vst v63  }
0x3c: {  	_ =	swait.ge [sflag:s13], $0x2710  }
0x3d: {  	[sflag:s13] =	ssyncset.done $0x0  }
0x3e: {  	[sflag:s13] =	ssyncadd.s32 $0xFFFFD8F0  }
0x3f: {  	[tilespmem:s14], [sflag:$0x1] =	stream.linear.gather [hbm4b:s9+s3], $0x2710, $0x38;
	[tilespmem:$0x6720] =	vst v63  }
0x40: {  	_ =	swait.ge [sflag:s13], $0x2710  }
0x41: {  	[sflag:s13] =	ssyncset.done $0x0  }
0x42: {  	[sflag:s13] =	ssyncadd.s32 $0xFFFFD8F0  }
0x43: {  	[spmem:s2] =	stream.indirect.scatter.add.f32 [tilespmem:s16], [sflag:$0x1], $0x1, s14, s15, $0xb8;
	[tilespmem:$0x6720] =	vst v63  }
0x44: {  	_ =	swait.ge [sflag:s13], $0x2710  }
0x45: {  	[sflag:s13] =	ssyncset.done $0x0  }
0x46: {  	[sflag:s13] =	ssyncadd.s32 $0xFFFFD8F0  }
0x47: {  	[tilespmem:s14], [sflag:$0x1] =	stream.linear.gather [hbm4b:s10+s3], $0x2710, $0x38;
	[tilespmem:$0x6720] =	vst v63  }
0x48: {  	_ =	swait.ge [sflag:s13], $0x2710  }
0x49: {  	[sflag:s13] =	ssyncset.done $0x0  }
0x4a: {  	[sflag:s13] =	ssyncadd.s32 $0xFFFFD8F0  }
0x4b: {  	[spmem:s2] =	stream.indirect.scatter.add.f32 [tilespmem:s16], [sflag:$0x1], $0x1, s14, s15, $0xb8;
	[tilespmem:$0x6720] =	vst v63  }
0x4c: {  	_ =	swait.ge [sflag:s13], $0x2710  }
0x4d: {  	[sflag:s13] =	ssyncset.done $0x0  }
0x4e: {  	[sflag:s13] =	ssyncadd.s32 $0xFFFFD8F0  }
0x4f: {  	[tilespmem:s14], [sflag:$0x1] =	stream.linear.gather [hbm4b:s11+s3], $0x2710, $0x38;
	[tilespmem:$0x6720] =	vst v63  }
0x50: {  	_ =	swait.ge [sflag:s13], $0x2710  }
0x51: {  	[sflag:s13] =	ssyncset.done $0x0  }
0x52: {  	[sflag:s13] =	ssyncadd.s32 $0xFFFFD8F0  }
0x53: {  	[spmem:s2] =	stream.indirect.scatter.add.f32 [tilespmem:s16], [sflag:$0x1], $0x1, s14, s15, $0xb8;
	[tilespmem:$0x6720] =	vst v63  }
0x54: {  	_ =	swait.ge [sflag:s13], $0x2710  }
0x55: {  	s31 =	sshll.u32 s0, $0x6;
	s17 =	sadd.s32 $0x1, s17;
	[sflag:s13] =	ssyncset.done $0x0  }
0x56: {  	s19 =	sshrl.u32 s4, $0x3;
	p0 =	sne.s32 s17, s6;
	[sflag:s13] =	ssyncadd.s32 $0xFFFFD8F0  }
.Ltmp2:
0x57: {  	s18 =	sor.u32 $0x1C01, s31;
	[bflag:$0x0] =	sbarrier.arrive $0xFFFF;
	(pc) =	sbr.rel @p0 .LBB2_1-.Ltmp2, $4  }
0x58: {  	[hbm:s5], [sflag:s18] =	dma.local [spmem:s19], $0x190  }
0x59: {  	_ =	swait.ge [sflag:s13], $0x190  }
0x5a: {  	[sflag:s13] =	ssyncset.done $0x0  }
0x5b: {  	[sflag:s13] =	ssyncadd.s32 $0xFFFFFE70  }
0x5c: {  	_ =	sfence.sel $0x180000  }
0x5d: {  	[bflag:$0x0] =	sbarrier.arrive $0xFFFF  }
0x5e: {  	p0 =	sne.s32 s0, $0x0;
	_ =	strace $0x90000047  }
0x5f: {  	s0 =	sadd.s32 @!p0 $0x100000, s1;
	[bflag:$0x2] =	sbarrier.arrive $0xFFFF  }
0x60: {  	[sflag:s0] =	ssyncadd.tile.s32 @!p0 $0x1;
	_ =	shalt  }
.Lfunc_end2:
_tile_overlayer_lowered:
.L_overlay_start_2:
0x61: {  	(tag) =	ssettag $0x2  }
0x62: {  	s0 =	rddreg [dreg:$0x0];
	s2 =	stileid.u32  }
0x63: {  	s1 =	rddreg [dreg:$0x1];
	p0 =	sne.s32 s2, $0x0  }
0x64: {  	s3 =	rddreg [dreg:$0x2];
	[bflag:$0x3] =	sbarrier.arrive $0xFFFF;
	s2 =	simm.s32 @!p0 $0x1C01  }
0x65: {  	[timem:s3], [sflag:s2] =	dma.local @!p0 [hbm:s0], s1  }
0x66: {  	s0 =	simm.s32 @!p0 $0x1  }
0x67: {  	_ =	swait.ge @!p0 [sflag:s0], s1  }
0x68: {  	s1 =	ssub.s32 @!p0 $0x0, s1;
	[sflag:s0] =	ssyncset.done @!p0 $0x0  }
0x69: {  	[sflag:s0] =	ssyncadd.s32 @!p0 s1  }
0x6a: {  	[bflag:$0x3] =	sbarrier.arrive $0xFFFF  }
0x6b: {  	_ =	shalt  }

</sc_bundles>
